<compile_context>
chip_gen: v7x
topology: tpu7x:2x2x1
jax: 0.10.2.dev20260603
libtpu: 0.0.44.dev20260713+nightly
codegen_flags: <defaults>
</compile_context>

<pallas_src>
import jax
import jax.numpy as jnp
from jax import lax
from jax.experimental import pallas as pl
from jax.experimental.pallas import tpu as pltpu
from jax.experimental.pallas import tpu_sc as plsc

MIN_VAL = 1e-08
BIG = 1e10
P = 256
L = 19200
B = 8
NSUB = 16
BPQ = L // 4
NV = BPQ // 16
UNROLL = 8
SEGW = 272
NCH = SEGW // 16
SHW = 384
YSHW = 128


def _vsort(v):
    return lax.sort(v, dimension=0)


def _bitonic_merge(vs):
    n = len(vs)
    s = n // 2
    vs = list(vs)
    while s >= 1:
        for i in range(n):
            if (i % (2 * s)) < s:
                a, b = vs[i], vs[i + s]
                vs[i] = jnp.minimum(a, b)
                vs[i + s] = jnp.maximum(a, b)
        s //= 2
    return [_vsort(v) for v in vs]


def _merge_runs(x, y):
    m = len(x)
    y2 = [lax.rev(y[m - 1 - i], (0,)) for i in range(m)]
    lo = [jnp.minimum(x[i], y2[i]) for i in range(m)]
    hi = [jnp.maximum(x[i], y2[i]) for i in range(m)]
    return _bitonic_merge(lo) + _bitonic_merge(hi)


def _regsort256(vs):
    runs = [[_vsort(v)] for v in vs]
    while len(runs) > 1:
        runs = [_merge_runs(runs[i], runs[i + 1]) for i in range(0, len(runs), 2)]
    return runs[0]


def _sc_body(bins_hbm, pts_hbm, out_hbm,
             bins_v, pts_v, kidx_v, ctr_v, segmax_v, segmin_v,
             segmax2_v, segmin2_v, red_v,
             cmb_v, pscan_v, sscan_v, ybuf_v, ysh_v, shmax_v, shmin_v, out_v):
    cid = lax.axis_index("c")
    sid = lax.axis_index("s")
    batch = cid * 4 + sid // 4
    quarter = sid % 4

    lanes = lax.iota(jnp.int32, 16)
    negbig = jnp.full((16,), -BIG, jnp.float32)
    posbig = jnp.full((16,), BIG, jnp.float32)

    pltpu.sync_copy(bins_hbm.at[pl.ds(batch * 256, 264)], bins_v)
    pltpu.sync_copy(pts_hbm.at[pl.ds(batch * L + quarter * BPQ, BPQ)], pts_v)

    cvs = []
    for ch in range(16):
        a = plsc.load_gather(bins_v, [lanes + (batch + ch * 16)])
        bb = plsc.load_gather(bins_v, [lanes + (batch + ch * 16 + 1)])
        cvs.append(0.5 * (a + bb))
    svs = _regsort256(cvs)
    for ch in range(16):
        ctr_v[pl.ds(ch * 16, 16)] = svs[ch]

    def _init(ch, _):
        for l in range(16):
            segmax_v[pl.ds(l * SEGW + ch * 16, 16)] = negbig
            segmin_v[pl.ds(l * SEGW + ch * 16, 16)] = posbig
            segmax2_v[pl.ds(l * SEGW + ch * 16, 16)] = negbig
            segmin2_v[pl.ds(l * SEGW + ch * 16, 16)] = posbig
        return 0
    lax.fori_loop(0, NCH, _init, 0)

    c255 = plsc.load_gather(ctr_v, [jnp.full((16,), P - 1, jnp.int32)])

    @plsc.parallel_loop(0, NV, unroll=UNROLL,
                        carry=(jnp.zeros((16,), jnp.float32),
                               jnp.zeros((16,), jnp.float32)))
    def _pass1(i, carry):
        ysum, ycnt = carry
        t = pts_v[pl.ds(i * 16, 16)]
        valid = t >= MIN_VAL
        k = jnp.where(c255 <= t, P, 0)
        c_lo = c255
        c_hi = c255
        for step in (128, 64, 32, 16, 8, 4, 2, 1):
            cand = k + step
            idx = jnp.minimum(cand - 1, P - 1)
            cv = plsc.load_gather(ctr_v, [idx])
            ok = (cand <= P) & (cv <= t)
            k = jnp.where(ok, cand, k)
            c_lo = jnp.where(ok, cv, c_lo)
            c_hi = jnp.where(ok, c_hi, cv)
        kidx_v[pl.ds(i * 16, 16)] = k
        dd = jnp.where(k >= 1, (t - c_lo) * (t - c_lo), BIG)
        du = jnp.where(k < P, (c_hi - t) * (c_hi - t), BIG)
        dmin = jnp.minimum(dd, du)
        return (ysum + jnp.where(valid, dmin, 0.0),
                ycnt + jnp.where(valid, 1.0, 0.0))

    ysum, ycnt = _pass1

    def _seg_update(i, mx_ref, mn_ref):
        t = pts_v[pl.ds(i * 16, 16)]
        k = kidx_v[pl.ds(i * 16, 16)]
        valid = t >= MIN_VAL
        addr = lanes * SEGW + k
        tmx = jnp.where(valid, t, negbig)
        tmn = jnp.where(valid, t, posbig)
        cm = plsc.load_gather(mx_ref, [addr])
        plsc.store_scatter(mx_ref, [addr], jnp.maximum(cm, tmx))
        cn = plsc.load_gather(mn_ref, [addr])
        plsc.store_scatter(mn_ref, [addr], jnp.minimum(cn, tmn))

    def _pass2(i, _):
        _seg_update(i * 2, segmax_v, segmin_v)
        _seg_update(i * 2 + 1, segmax2_v, segmin2_v)
        return 0
    lax.fori_loop(0, NV // 2, _pass2, 0)

    def _red(ch, _):
        accx = negbig
        accn = posbig
        for l in range(16):
            accx = jnp.maximum(accx, segmax_v[pl.ds(l * SEGW + ch * 16, 16)])
            accn = jnp.minimum(accn, segmin_v[pl.ds(l * SEGW + ch * 16, 16)])
            accx = jnp.maximum(accx, segmax2_v[pl.ds(l * SEGW + ch * 16, 16)])
            accn = jnp.minimum(accn, segmin2_v[pl.ds(l * SEGW + ch * 16, 16)])
        red_v[pl.ds(ch * 16, 16)] = accx
        red_v[pl.ds(SHW + ch * 16, 16)] = accn
        return 0
    lax.fori_loop(0, NCH, _red, 0)

    pltpu.sync_copy(red_v.at[pl.ds(0, SHW)], shmax_v.at[pl.ds(sid * SHW, SHW)])
    pltpu.sync_copy(red_v.at[pl.ds(SHW, SHW)], shmin_v.at[pl.ds(sid * SHW, SHW)])
    ysh_row = jnp.where(lanes < 8,
                        jnp.full((16,), jnp.sum(ysum)),
                        jnp.full((16,), jnp.sum(ycnt)))
    ybuf_v[pl.ds(0, 16)] = ysh_row
    pltpu.sync_copy(ybuf_v, ysh_v.at[pl.ds(sid * YSHW, YSHW)])
    plsc.subcore_barrier()

    @pl.when(quarter == 0)
    def _leader():
        for q in range(4):
            pltpu.sync_copy(shmax_v.at[pl.ds((sid + q) * SHW, SHW)],
                            cmb_v.at[pl.ds(q * SHW, SHW)])
            pltpu.sync_copy(shmin_v.at[pl.ds((sid + q) * SHW, SHW)],
                            cmb_v.at[pl.ds((4 + q) * SHW, SHW)])
            pltpu.sync_copy(ysh_v.at[pl.ds((sid + q) * YSHW, YSHW)],
                            cmb_v.at[pl.ds(8 * SHW + q * YSHW, YSHW)])

        def _pscan(ch, carry):
            v = negbig
            for q in range(4):
                v = jnp.maximum(v, cmb_v[pl.ds(q * SHW + ch * 16, 16)])
            v = jnp.maximum(plsc.cummax(v), jnp.full((16,), carry))
            pscan_v[pl.ds(ch * 16, 16)] = v
            return jnp.max(v)
        lax.fori_loop(0, NCH, _pscan, jnp.float32(-BIG))

        def _sscan(j, carry):
            ch = NCH - 1 - j
            v = posbig
            for q in range(4):
                v = jnp.minimum(v, cmb_v[pl.ds((4 + q) * SHW + ch * 16, 16)])
            rv = lax.rev(v, (0,))
            sfx = lax.rev(-plsc.cummax(-rv), (0,))
            sfx = jnp.minimum(sfx, jnp.full((16,), carry))
            sscan_v[pl.ds(ch * 16, 16)] = sfx
            return jnp.min(sfx)
        lax.fori_loop(0, NCH, _sscan, jnp.float32(BIG))

        def _chx(ch, acc):
            cj = ctr_v[pl.ds(ch * 16, 16)]
            down = pscan_v[pl.ds(ch * 16, 16)]
            up = plsc.load_gather(sscan_v, [lanes + (ch * 16 + 1)])
            d1 = (cj - down) * (cj - down)
            d2 = (up - cj) * (up - cj)
            return acc + jnp.sum(jnp.minimum(jnp.minimum(d1, d2), BIG))
        chx = lax.fori_loop(0, P // 16, _chx, jnp.float32(0.0))

        ys = jnp.float32(0.0)
        yc = jnp.float32(0.0)
        for q in range(4):
            row = cmb_v[pl.ds(8 * SHW + q * YSHW, 16)]
            ys = ys + jnp.sum(jnp.where(lanes == 0, row, 0.0))
            yc = yc + jnp.sum(jnp.where(lanes == 8, row, 0.0))
        ov = jnp.where(lanes == 0, jnp.full((16,), chx), 0.0)
        ov = jnp.where(lanes == 1, jnp.full((16,), ys), ov)
        ov = jnp.where(lanes == 2, jnp.full((16,), yc), ov)
        out_v[...] = ov
        pltpu.sync_copy(out_v, out_hbm.at[pl.ds(batch * 16, 16)])


def _sc_chamfer(bins_flat, t_flat):
    mesh = plsc.VectorSubcoreMesh(core_axis_name="c", subcore_axis_name="s")
    f = pl.kernel(
        _sc_body,
        out_type=jax.ShapeDtypeStruct((B * 16,), jnp.float32),
        mesh=mesh,
        compiler_params=pltpu.CompilerParams(needs_layout_passes=False),
        scratch_types=[
            pltpu.VMEM((264,), jnp.float32),
            pltpu.VMEM((BPQ,), jnp.float32),
            pltpu.VMEM((BPQ,), jnp.int32),
            pltpu.VMEM((P,), jnp.float32),
            pltpu.VMEM((16 * SEGW,), jnp.float32),
            pltpu.VMEM((16 * SEGW,), jnp.float32),
            pltpu.VMEM((16 * SEGW,), jnp.float32),
            pltpu.VMEM((16 * SEGW,), jnp.float32),
            pltpu.VMEM((2 * SHW,), jnp.float32),
            pltpu.VMEM((8 * SHW + 4 * YSHW,), jnp.float32),
            pltpu.VMEM((SEGW,), jnp.float32),
            pltpu.VMEM((SEGW + 16,), jnp.float32),
            pltpu.VMEM((YSHW,), jnp.float32),
            pltpu.VMEM_SHARED((NSUB * YSHW,), jnp.float32),
            pltpu.VMEM_SHARED((NSUB * SHW,), jnp.float32),
            pltpu.VMEM_SHARED((NSUB * SHW,), jnp.float32),
            pltpu.VMEM((16,), jnp.float32),
        ],
    )
    return f(bins_flat, t_flat)


def kernel(bins, target_depth_maps):
    o = _sc_chamfer(bins.reshape(B * (P + 1)),
                    target_depth_maps.reshape(B * L)).reshape(B, 16)
    cham_x = o[:, 0] / jnp.float32(P)
    cham_y = o[:, 1] / jnp.maximum(o[:, 2], 1.0)
    return jnp.sum(cham_x + cham_y) / jnp.float32(B)

# --- scband reference (transcript-rebuilt; emitter-appended) ---
"""Pipeline reference for scband-bins-chamfer-loss-43894565765368 (READ-ONLY COPY).

The authoritative reference and input builder live on the scoring server;
editing this copy changes nothing except your own understanding.
"""

import jax, jax.numpy as jnp
import numpy as np

MIN_VAL = 1e-08


def setup_inputs(seed: int = 0) -> dict:
    key = jax.random.key(seed)
    k1, k2 = jax.random.split(key)
    bins = jax.random.uniform(k1, (8, 257), dtype=jnp.float32)
    target_depth_maps = jax.random.uniform(k2, (8, 120, 160), dtype=jnp.float32)
    return {"bins": bins, "target_depth_maps": target_depth_maps}


def reference(bins, target_depth_maps):
    # bin centers: midpoints of adjacent bin edges
    bin_centers = 0.5 * (bins[:, 1:] + bins[:, :-1])  # [B, P]
    B, P = bin_centers.shape
    # flatten target depth maps to ragged point sets via validity mask
    t = target_depth_maps.reshape(B, -1)  # [B, L]
    mask = t >= MIN_VAL  # [B, L]
    y_lengths = jnp.sum(mask, axis=1)  # [B]
    # squared pairwise distances between 1-D points: [B, P, L]
    d2 = (bin_centers[:, :, None] - t[:, None, :]) ** 2
    big = jnp.asarray(1e10, d2.dtype)
    # chamfer x->y: for each bin center, min squared dist to a VALID target point
    d2_x = jnp.where(mask[:, None, :], d2, big)
    cham_x = jnp.min(d2_x, axis=2)  # [B, P]
    cham_x = jnp.sum(cham_x, axis=1) / jnp.asarray(P, d2.dtype)  # x_lengths=None -> full P
    # chamfer y->x: for each valid target point, min squared dist to a bin center
    cham_y_pts = jnp.min(d2, axis=1)  # [B, L]
    cham_y = jnp.sum(jnp.where(mask, cham_y_pts, 0.0), axis=1) / jnp.maximum(y_lengths, 1).astype(d2.dtype)
    # point_reduction='mean', batch_reduction='mean' (pytorch3d defaults)
    loss = jnp.sum(cham_x + cham_y) / jnp.asarray(B, d2.dtype)
    return loss

if __name__ == "__main__":
    import jax
    _d = setup_inputs()
    print(jax.jit(kernel)(*tuple(_d.values())))

</pallas_src>

<mosaic_0001>
#map = affine_map<(d0, d1) -> (0)>
module attributes {stable_mosaic.version = 14 : i64} {
  func.func @_sc_body(%arg0: i32, %arg1: i32, %arg2: memref<2056xf32, #tpu.memory_space<hbm>>, %arg3: memref<153600xf32, #tpu.memory_space<hbm>>, %arg4: memref<128xf32, #tpu.memory_space<hbm>>, %arg5: memref<264xf32, #tpu.memory_space<vmem>>, %arg6: memref<4800xf32, #tpu.memory_space<vmem>>, %arg7: memref<4800xi32, #tpu.memory_space<vmem>>, %arg8: memref<256xf32, #tpu.memory_space<vmem>>, %arg9: memref<4352xf32, #tpu.memory_space<vmem>>, %arg10: memref<4352xf32, #tpu.memory_space<vmem>>, %arg11: memref<4352xf32, #tpu.memory_space<vmem>>, %arg12: memref<4352xf32, #tpu.memory_space<vmem>>, %arg13: memref<768xf32, #tpu.memory_space<vmem>>, %arg14: memref<3584xf32, #tpu.memory_space<vmem>>, %arg15: memref<272xf32, #tpu.memory_space<vmem>>, %arg16: memref<288xf32, #tpu.memory_space<vmem>>, %arg17: memref<128xf32, #tpu.memory_space<vmem>>, %arg18: memref<2048xf32, #tpu.memory_space<vmem_shared>>, %arg19: memref<6144xf32, #tpu.memory_space<vmem_shared>>, %arg20: memref<6144xf32, #tpu.memory_space<vmem_shared>>, %arg21: memref<16xf32, #tpu.memory_space<vmem>>) attributes {dimension_semantics = [#tpu.dimension_semantics<core_parallel>, #tpu.dimension_semantics<subcore_parallel>], iteration_bounds = array<i64: 2, 16>, scalar_prefetch = 0 : i64, scratch_operands = 17 : i64, tpu.core_type = #tpu.core_type<sc_vector_subcore>, window_params = [{transform_indices = #map}, {transform_indices = #map}, {transform_indices = #map}]} {
    %mul3A = arith.constant 4 : i32
    %mul3A_0 = arith.muli %arg0, %mul3A : i32
    %jit3A = arith.constant 4 : i32
    %div3A = arith.divsi %arg1, %jit3A : i32
    %sign3A = arith.constant 0 : i32
    %sign3A_1 = arith.cmpi sgt, %arg1, %sign3A : i32
    %sign3A_2 = arith.extui %sign3A_1 : i1 to i32
    %sign3A_3 = arith.constant 0 : i32
    %sign3A_4 = arith.cmpi slt, %arg1, %sign3A_3 : i32
    %sign3A_5 = arith.extui %sign3A_4 : i1 to i32
    %sign3A_6 = arith.subi %sign3A_2, %sign3A_5 : i32
    %sign3A_7 = arith.constant 0 : i32
    %sign3A_8 = arith.cmpi sgt, %jit3A, %sign3A_7 : i32
    %sign3A_9 = arith.extui %sign3A_8 : i1 to i32
    %sign3A_10 = arith.constant 0 : i32
    %sign3A_11 = arith.cmpi slt, %jit3A, %sign3A_10 : i32
    %sign3A_12 = arith.extui %sign3A_11 : i1 to i32
    %sign3A_13 = arith.subi %sign3A_9, %sign3A_12 : i32
    %ne3A = arith.cmpi ne, %sign3A_6, %sign3A_13 : i32
    %rem3A = arith.remsi %arg1, %jit3A : i32
    %ne3A_14 = arith.constant 0 : i32
    %ne3A_15 = arith.cmpi ne, %rem3A, %ne3A_14 : i32
    %and3A = arith.andi %ne3A, %ne3A_15 : i1
    %sub3A = arith.constant 1 : i32
    %sub3A_16 = arith.subi %div3A, %sub3A : i32
    %select_n3A = arith.select %and3A, %sub3A_16, %div3A : i32
    %add3A = arith.addi %mul3A_0, %select_n3A : i32
    %jit3A_17 = arith.constant 4 : i32
    %eq3A = arith.constant 0 : i32
    %eq3A_18 = arith.cmpi eq, %jit3A_17, %eq3A : i32
    %jit3A_19 = arith.constant 1 : i32
    %select_n3A_20 = arith.select %eq3A_18, %jit3A_19, %jit3A_17 : i32
    %rem3A_21 = arith.remsi %arg1, %select_n3A_20 : i32
    %ne3A_22 = arith.constant 0 : i32
    %ne3A_23 = arith.cmpi ne, %rem3A_21, %ne3A_22 : i32
    %lt3A = arith.constant 0 : i32
    %lt3A_24 = arith.cmpi slt, %rem3A_21, %lt3A : i32
    %lt3A_25 = arith.constant 0 : i32
    %lt3A_26 = arith.cmpi slt, %select_n3A_20, %lt3A_25 : i32
    %ne3A_27 = arith.xori %lt3A_24, %lt3A_26 : i1
    %and3A_28 = arith.andi %ne3A_27, %ne3A_23 : i1
    %add3A_29 = arith.addi %rem3A_21, %select_n3A_20 : i32
    %select_n3A_30 = arith.select %and3A_28, %add3A_29, %rem3A_21 : i32
    %iota3A = tpu.iota {dimensions = array<i32: 0>} : vector<16xi32>
    %broadcast_in_dim3A = arith.constant -1.000000e+10 : f32
    %broadcast_in_dim3A_31 = vector.broadcast %broadcast_in_dim3A : f32 to vector<16xf32>
    %broadcast_in_dim3A_32 = arith.constant 1.000000e+10 : f32
    %broadcast_in_dim3A_33 = vector.broadcast %broadcast_in_dim3A_32 : f32 to vector<16xf32>
    %mul3A_34 = arith.constant 256 : i32
    %mul3A_35 = arith.muli %add3A, %mul3A_34 : i32
    "tpu.region"() ({
      %run_scoped3A = tpu.sem_alloc : memref<!tpu.dma_semaphore, #tpu.memory_space<semaphore_mem>>
      %dma_start3A = tpu.memref_slice %arg2[%mul3A_35] : memref<2056xf32, #tpu.memory_space<hbm>> -> memref<264xf32, #tpu.memory_space<hbm>>
      %dma_start3A_1017 = tpu.memref_slice %arg2[%mul3A_35] : memref<2056xf32, #tpu.memory_space<hbm>> -> memref<264xf32, #tpu.memory_space<hbm>>
      tpu.enqueue_dma source(%dma_start3A_1017 : memref<264xf32, #tpu.memory_space<hbm>>) target(%arg5 : memref<264xf32, #tpu.memory_space<vmem>>) target_semaphore(%run_scoped3A : memref<!tpu.dma_semaphore, #tpu.memory_space<semaphore_mem>>)
      %dma_wait3A = tpu.memref_slice %arg2[%mul3A_35] : memref<2056xf32, #tpu.memory_space<hbm>> -> memref<264xf32, #tpu.memory_space<hbm>>
      %dma_wait3A_1018 = tpu.memref_slice %arg2[%mul3A_35] : memref<2056xf32, #tpu.memory_space<hbm>> -> memref<264xf32, #tpu.memory_space<hbm>>
      tpu.wait_dma2 semaphore(%run_scoped3A : memref<!tpu.dma_semaphore, #tpu.memory_space<semaphore_mem>>) src(%dma_wait3A_1018 : memref<264xf32, #tpu.memory_space<hbm>>) dst(%arg5 : memref<264xf32, #tpu.memory_space<vmem>>)
      tpu.yield
    }) : () -> ()
    %mul3A_36 = arith.constant 19200 : i32
    %mul3A_37 = arith.muli %add3A, %mul3A_36 : i32
    %mul3A_38 = arith.constant 4800 : i32
    %mul3A_39 = arith.muli %select_n3A_30, %mul3A_38 : i32
    %add3A_40 = arith.addi %mul3A_37, %mul3A_39 : i32
    "tpu.region"() ({
      %run_scoped3A = tpu.sem_alloc : memref<!tpu.dma_semaphore, #tpu.memory_space<semaphore_mem>>
      %dma_start3A = tpu.memref_slice %arg3[%add3A_40] : memref<153600xf32, #tpu.memory_space<hbm>> -> memref<4800xf32, #tpu.memory_space<hbm>>
      %dma_start3A_1017 = tpu.memref_slice %arg3[%add3A_40] : memref<153600xf32, #tpu.memory_space<hbm>> -> memref<4800xf32, #tpu.memory_space<hbm>>
      tpu.enqueue_dma source(%dma_start3A_1017 : memref<4800xf32, #tpu.memory_space<hbm>>) target(%arg6 : memref<4800xf32, #tpu.memory_space<vmem>>) target_semaphore(%run_scoped3A : memref<!tpu.dma_semaphore, #tpu.memory_space<semaphore_mem>>)
      %dma_wait3A = tpu.memref_slice %arg3[%add3A_40] : memref<153600xf32, #tpu.memory_space<hbm>> -> memref<4800xf32, #tpu.memory_space<hbm>>
      %dma_wait3A_1018 = tpu.memref_slice %arg3[%add3A_40] : memref<153600xf32, #tpu.memory_space<hbm>> -> memref<4800xf32, #tpu.memory_space<hbm>>
      tpu.wait_dma2 semaphore(%run_scoped3A : memref<!tpu.dma_semaphore, #tpu.memory_space<semaphore_mem>>) src(%dma_wait3A_1018 : memref<4800xf32, #tpu.memory_space<hbm>>) dst(%arg6 : memref<4800xf32, #tpu.memory_space<vmem>>)
      tpu.yield
    }) : () -> ()
    %add3A_41 = arith.constant 0 : i32
    %add3A_42 = arith.addi %add3A, %add3A_41 : i32
    %add3A_43 = vector.broadcast %add3A_42 : i32 to vector<16xi32>
    %add3A_44 = arith.addi %iota3A, %add3A_43 : vector<16xi32>
    %gather3A = tpu.vector_load_idx %arg5[%add3A_44] : memref<264xf32, #tpu.memory_space<vmem>>[vector<16xi32>], vector<16xf32>,
    %add3A_45 = arith.constant 0 : i32
    %add3A_46 = arith.addi %add3A, %add3A_45 : i32
    %add3A_47 = arith.constant 1 : i32
    %add3A_48 = arith.addi %add3A_46, %add3A_47 : i32
    %add3A_49 = vector.broadcast %add3A_48 : i32 to vector<16xi32>
    %add3A_50 = arith.addi %iota3A, %add3A_49 : vector<16xi32>
    %gather3A_51 = tpu.vector_load_idx %arg5[%add3A_50] : memref<264xf32, #tpu.memory_space<vmem>>[vector<16xi32>], vector<16xf32>,
    %add3A_52 = arith.addf %gather3A, %gather3A_51 : vector<16xf32>
    %mul3A_53 = arith.constant 5.000000e-01 : f32
    %mul3A_54 = vector.broadcast %mul3A_53 : f32 to vector<16xf32>
    %mul3A_55 = arith.mulf %mul3A_54, %add3A_52 : vector<16xf32>
    %add3A_56 = arith.constant 16 : i32
    %add3A_57 = arith.addi %add3A, %add3A_56 : i32
    %add3A_58 = vector.broadcast %add3A_57 : i32 to vector<16xi32>
    %add3A_59 = arith.addi %iota3A, %add3A_58 : vector<16xi32>
    %gather3A_60 = tpu.vector_load_idx %arg5[%add3A_59] : memref<264xf32, #tpu.memory_space<vmem>>[vector<16xi32>], vector<16xf32>,
    %add3A_61 = arith.constant 16 : i32
    %add3A_62 = arith.addi %add3A, %add3A_61 : i32
    %add3A_63 = arith.constant 1 : i32
    %add3A_64 = arith.addi %add3A_62, %add3A_63 : i32
    %add3A_65 = vector.broadcast %add3A_64 : i32 to vector<16xi32>
    %add3A_66 = arith.addi %iota3A, %add3A_65 : vector<16xi32>
    %gather3A_67 = tpu.vector_load_idx %arg5[%add3A_66] : memref<264xf32, #tpu.memory_space<vmem>>[vector<16xi32>], vector<16xf32>,
    %add3A_68 = arith.addf %gather3A_60, %gather3A_67 : vector<16xf32>
    %mul3A_69 = arith.constant 5.000000e-01 : f32
    %mul3A_70 = vector.broadcast %mul3A_69 : f32 to vector<16xf32>
    %mul3A_71 = arith.mulf %mul3A_70, %add3A_68 : vector<16xf32>
    %add3A_72 = arith.constant 32 : i32
    %add3A_73 = arith.addi %add3A, %add3A_72 : i32
    %add3A_74 = vector.broadcast %add3A_73 : i32 to vector<16xi32>
    %add3A_75 = arith.addi %iota3A, %add3A_74 : vector<16xi32>
    %gather3A_76 = tpu.vector_load_idx %arg5[%add3A_75] : memref<264xf32, #tpu.memory_space<vmem>>[vector<16xi32>], vector<16xf32>,
    %add3A_77 = arith.constant 32 : i32
    %add3A_78 = arith.addi %add3A, %add3A_77 : i32
    %add3A_79 = arith.constant 1 : i32
    %add3A_80 = arith.addi %add3A_78, %add3A_79 : i32
    %add3A_81 = vector.broadcast %add3A_80 : i32 to vector<16xi32>
    %add3A_82 = arith.addi %iota3A, %add3A_81 : vector<16xi32>
    %gather3A_83 = tpu.vector_load_idx %arg5[%add3A_82] : memref<264xf32, #tpu.memory_space<vmem>>[vector<16xi32>], vector<16xf32>,
    %add3A_84 = arith.addf %gather3A_76, %gather3A_83 : vector<16xf32>
    %mul3A_85 = arith.constant 5.000000e-01 : f32
    %mul3A_86 = vector.broadcast %mul3A_85 : f32 to vector<16xf32>
    %mul3A_87 = arith.mulf %mul3A_86, %add3A_84 : vector<16xf32>
    %add3A_88 = arith.constant 48 : i32
    %add3A_89 = arith.addi %add3A, %add3A_88 : i32
    %add3A_90 = vector.broadcast %add3A_89 : i32 to vector<16xi32>
    %add3A_91 = arith.addi %iota3A, %add3A_90 : vector<16xi32>
    %gather3A_92 = tpu.vector_load_idx %arg5[%add3A_91] : memref<264xf32, #tpu.memory_space<vmem>>[vector<16xi32>], vector<16xf32>,
    %add3A_93 = arith.constant 48 : i32
    %add3A_94 = arith.addi %add3A, %add3A_93 : i32
    %add3A_95 = arith.constant 1 : i32
    %add3A_96 = arith.addi %add3A_94, %add3A_95 : i32
    %add3A_97 = vector.broadcast %add3A_96 : i32 to vector<16xi32>
    %add3A_98 = arith.addi %iota3A, %add3A_97 : vector<16xi32>
    %gather3A_99 = tpu.vector_load_idx %arg5[%add3A_98] : memref<264xf32, #tpu.memory_space<vmem>>[vector<16xi32>], vector<16xf32>,
    %add3A_100 = arith.addf %gather3A_92, %gather3A_99 : vector<16xf32>
    %mul3A_101 = arith.constant 5.000000e-01 : f32
    %mul3A_102 = vector.broadcast %mul3A_101 : f32 to vector<16xf32>
    %mul3A_103 = arith.mulf %mul3A_102, %add3A_100 : vector<16xf32>
    %add3A_104 = arith.constant 64 : i32
    %add3A_105 = arith.addi %add3A, %add3A_104 : i32
    %add3A_106 = vector.broadcast %add3A_105 : i32 to vector<16xi32>
    %add3A_107 = arith.addi %iota3A, %add3A_106 : vector<16xi32>
    %gather3A_108 = tpu.vector_load_idx %arg5[%add3A_107] : memref<264xf32, #tpu.memory_space<vmem>>[vector<16xi32>], vector<16xf32>,
    %add3A_109 = arith.constant 64 : i32
    %add3A_110 = arith.addi %add3A, %add3A_109 : i32
    %add3A_111 = arith.constant 1 : i32
    %add3A_112 = arith.addi %add3A_110, %add3A_111 : i32
    %add3A_113 = vector.broadcast %add3A_112 : i32 to vector<16xi32>
    %add3A_114 = arith.addi %iota3A, %add3A_113 : vector<16xi32>
    %gather3A_115 = tpu.vector_load_idx %arg5[%add3A_114] : memref<264xf32, #tpu.memory_space<vmem>>[vector<16xi32>], vector<16xf32>,
    %add3A_116 = arith.addf %gather3A_108, %gather3A_115 : vector<16xf32>
    %mul3A_117 = arith.constant 5.000000e-01 : f32
    %mul3A_118 = vector.broadcast %mul3A_117 : f32 to vector<16xf32>
    %mul3A_119 = arith.mulf %mul3A_118, %add3A_116 : vector<16xf32>
    %add3A_120 = arith.constant 80 : i32
    %add3A_121 = arith.addi %add3A, %add3A_120 : i32
    %add3A_122 = vector.broadcast %add3A_121 : i32 to vector<16xi32>
    %add3A_123 = arith.addi %iota3A, %add3A_122 : vector<16xi32>
    %gather3A_124 = tpu.vector_load_idx %arg5[%add3A_123] : memref<264xf32, #tpu.memory_space<vmem>>[vector<16xi32>], vector<16xf32>,
    %add3A_125 = arith.constant 80 : i32
    %add3A_126 = arith.addi %add3A, %add3A_125 : i32
    %add3A_127 = arith.constant 1 : i32
    %add3A_128 = arith.addi %add3A_126, %add3A_127 : i32
    %add3A_129 = vector.broadcast %add3A_128 : i32 to vector<16xi32>
    %add3A_130 = arith.addi %iota3A, %add3A_129 : vector<16xi32>
    %gather3A_131 = tpu.vector_load_idx %arg5[%add3A_130] : memref<264xf32, #tpu.memory_space<vmem>>[vector<16xi32>], vector<16xf32>,
    %add3A_132 = arith.addf %gather3A_124, %gather3A_131 : vector<16xf32>
    %mul3A_133 = arith.constant 5.000000e-01 : f32
    %mul3A_134 = vector.broadcast %mul3A_133 : f32 to vector<16xf32>
    %mul3A_135 = arith.mulf %mul3A_134, %add3A_132 : vector<16xf32>
    %add3A_136 = arith.constant 96 : i32
    %add3A_137 = arith.addi %add3A, %add3A_136 : i32
    %add3A_138 = vector.broadcast %add3A_137 : i32 to vector<16xi32>
    %add3A_139 = arith.addi %iota3A, %add3A_138 : vector<16xi32>
    %gather3A_140 = tpu.vector_load_idx %arg5[%add3A_139] : memref<264xf32, #tpu.memory_space<vmem>>[vector<16xi32>], vector<16xf32>,
    %add3A_141 = arith.constant 96 : i32
    %add3A_142 = arith.addi %add3A, %add3A_141 : i32
    %add3A_143 = arith.constant 1 : i32
    %add3A_144 = arith.addi %add3A_142, %add3A_143 : i32
    %add3A_145 = vector.broadcast %add3A_144 : i32 to vector<16xi32>
    %add3A_146 = arith.addi %iota3A, %add3A_145 : vector<16xi32>
    %gather3A_147 = tpu.vector_load_idx %arg5[%add3A_146] : memref<264xf32, #tpu.memory_space<vmem>>[vector<16xi32>], vector<16xf32>,
    %add3A_148 = arith.addf %gather3A_140, %gather3A_147 : vector<16xf32>
    %mul3A_149 = arith.constant 5.000000e-01 : f32
    %mul3A_150 = vector.broadcast %mul3A_149 : f32 to vector<16xf32>
    %mul3A_151 = arith.mulf %mul3A_150, %add3A_148 : vector<16xf32>
    %add3A_152 = arith.constant 112 : i32
    %add3A_153 = arith.addi %add3A, %add3A_152 : i32
    %add3A_154 = vector.broadcast %add3A_153 : i32 to vector<16xi32>
    %add3A_155 = arith.addi %iota3A, %add3A_154 : vector<16xi32>
    %gather3A_156 = tpu.vector_load_idx %arg5[%add3A_155] : memref<264xf32, #tpu.memory_space<vmem>>[vector<16xi32>], vector<16xf32>,
    %add3A_157 = arith.constant 112 : i32
    %add3A_158 = arith.addi %add3A, %add3A_157 : i32
    %add3A_159 = arith.constant 1 : i32
    %add3A_160 = arith.addi %add3A_158, %add3A_159 : i32
    %add3A_161 = vector.broadcast %add3A_160 : i32 to vector<16xi32>
    %add3A_162 = arith.addi %iota3A, %add3A_161 : vector<16xi32>
    %gather3A_163 = tpu.vector_load_idx %arg5[%add3A_162] : memref<264xf32, #tpu.memory_space<vmem>>[vector<16xi32>], vector<16xf32>,
    %add3A_164 = arith.addf %gather3A_156, %gather3A_163 : vector<16xf32>
    %mul3A_165 = arith.constant 5.000000e-01 : f32
    %mul3A_166 = vector.broadcast %mul3A_165 : f32 to vector<16xf32>
    %mul3A_167 = arith.mulf %mul3A_166, %add3A_164 : vector<16xf32>
    %add3A_168 = arith.constant 128 : i32
    %add3A_169 = arith.addi %add3A, %add3A_168 : i32
    %add3A_170 = vector.broadcast %add3A_169 : i32 to vector<16xi32>
    %add3A_171 = arith.addi %iota3A, %add3A_170 : vector<16xi32>
    %gather3A_172 = tpu.vector_load_idx %arg5[%add3A_171] : memref<264xf32, #tpu.memory_space<vmem>>[vector<16xi32>], vector<16xf32>,
    %add3A_173 = arith.constant 128 : i32
    %add3A_174 = arith.addi %add3A, %add3A_173 : i32
    %add3A_175 = arith.constant 1 : i32
    %add3A_176 = arith.addi %add3A_174, %add3A_175 : i32
    %add3A_177 = vector.broadcast %add3A_176 : i32 to vector<16xi32>
    %add3A_178 = arith.addi %iota3A, %add3A_177 : vector<16xi32>
    %gather3A_179 = tpu.vector_load_idx %arg5[%add3A_178] : memref<264xf32, #tpu.memory_space<vmem>>[vector<16xi32>], vector<16xf32>,
    %add3A_180 = arith.addf %gather3A_172, %gather3A_179 : vector<16xf32>
    %mul3A_181 = arith.constant 5.000000e-01 : f32
    %mul3A_182 = vector.broadcast %mul3A_181 : f32 to vector<16xf32>
    %mul3A_183 = arith.mulf %mul3A_182, %add3A_180 : vector<16xf32>
    %add3A_184 = arith.constant 144 : i32
    %add3A_185 = arith.addi %add3A, %add3A_184 : i32
    %add3A_186 = vector.broadcast %add3A_185 : i32 to vector<16xi32>
    %add3A_187 = arith.addi %iota3A, %add3A_186 : vector<16xi32>
    %gather3A_188 = tpu.vector_load_idx %arg5[%add3A_187] : memref<264xf32, #tpu.memory_space<vmem>>[vector<16xi32>], vector<16xf32>,
    %add3A_189 = arith.constant 144 : i32
    %add3A_190 = arith.addi %add3A, %add3A_189 : i32
    %add3A_191 = arith.constant 1 : i32
    %add3A_192 = arith.addi %add3A_190, %add3A_191 : i32
    %add3A_193 = vector.broadcast %add3A_192 : i32 to vector<16xi32>
    %add3A_194 = arith.addi %iota3A, %add3A_193 : vector<16xi32>
    %gather3A_195 = tpu.vector_load_idx %arg5[%add3A_194] : memref<264xf32, #tpu.memory_space<vmem>>[vector<16xi32>], vector<16xf32>,
    %add3A_196 = arith.addf %gather3A_188, %gather3A_195 : vector<16xf32>
    %mul3A_197 = arith.constant 5.000000e-01 : f32
    %mul3A_198 = vector.broadcast %mul3A_197 : f32 to vector<16xf32>
    %mul3A_199 = arith.mulf %mul3A_198, %add3A_196 : vector<16xf32>
    %add3A_200 = arith.constant 160 : i32
    %add3A_201 = arith.addi %add3A, %add3A_200 : i32
    %add3A_202 = vector.broadcast %add3A_201 : i32 to vector<16xi32>
    %add3A_203 = arith.addi %iota3A, %add3A_202 : vector<16xi32>
    %gather3A_204 = tpu.vector_load_idx %arg5[%add3A_203] : memref<264xf32, #tpu.memory_space<vmem>>[vector<16xi32>], vector<16xf32>,
    %add3A_205 = arith.constant 160 : i32
    %add3A_206 = arith.addi %add3A, %add3A_205 : i32
    %add3A_207 = arith.constant 1 : i32
    %add3A_208 = arith.addi %add3A_206, %add3A_207 : i32
    %add3A_209 = vector.broadcast %add3A_208 : i32 to vector<16xi32>
    %add3A_210 = arith.addi %iota3A, %add3A_209 : vector<16xi32>
    %gather3A_211 = tpu.vector_load_idx %arg5[%add3A_210] : memref<264xf32, #tpu.memory_space<vmem>>[vector<16xi32>], vector<16xf32>,
    %add3A_212 = arith.addf %gather3A_204, %gather3A_211 : vector<16xf32>
    %mul3A_213 = arith.constant 5.000000e-01 : f32
    %mul3A_214 = vector.broadcast %mul3A_213 : f32 to vector<16xf32>
    %mul3A_215 = arith.mulf %mul3A_214, %add3A_212 : vector<16xf32>
    %add3A_216 = arith.constant 176 : i32
    %add3A_217 = arith.addi %add3A, %add3A_216 : i32
    %add3A_218 = vector.broadcast %add3A_217 : i32 to vector<16xi32>
    %add3A_219 = arith.addi %iota3A, %add3A_218 : vector<16xi32>
    %gather3A_220 = tpu.vector_load_idx %arg5[%add3A_219] : memref<264xf32, #tpu.memory_space<vmem>>[vector<16xi32>], vector<16xf32>,
    %add3A_221 = arith.constant 176 : i32
    %add3A_222 = arith.addi %add3A, %add3A_221 : i32
    %add3A_223 = arith.constant 1 : i32
    %add3A_224 = arith.addi %add3A_222, %add3A_223 : i32
    %add3A_225 = vector.broadcast %add3A_224 : i32 to vector<16xi32>
    %add3A_226 = arith.addi %iota3A, %add3A_225 : vector<16xi32>
    %gather3A_227 = tpu.vector_load_idx %arg5[%add3A_226] : memref<264xf32, #tpu.memory_space<vmem>>[vector<16xi32>], vector<16xf32>,
    %add3A_228 = arith.addf %gather3A_220, %gather3A_227 : vector<16xf32>
    %mul3A_229 = arith.constant 5.000000e-01 : f32
    %mul3A_230 = vector.broadcast %mul3A_229 : f32 to vector<16xf32>
    %mul3A_231 = arith.mulf %mul3A_230, %add3A_228 : vector<16xf32>
    %add3A_232 = arith.constant 192 : i32
    %add3A_233 = arith.addi %add3A, %add3A_232 : i32
    %add3A_234 = vector.broadcast %add3A_233 : i32 to vector<16xi32>
    %add3A_235 = arith.addi %iota3A, %add3A_234 : vector<16xi32>
    %gather3A_236 = tpu.vector_load_idx %arg5[%add3A_235] : memref<264xf32, #tpu.memory_space<vmem>>[vector<16xi32>], vector<16xf32>,
    %add3A_237 = arith.constant 192 : i32
    %add3A_238 = arith.addi %add3A, %add3A_237 : i32
    %add3A_239 = arith.constant 1 : i32
    %add3A_240 = arith.addi %add3A_238, %add3A_239 : i32
    %add3A_241 = vector.broadcast %add3A_240 : i32 to vector<16xi32>
    %add3A_242 = arith.addi %iota3A, %add3A_241 : vector<16xi32>
    %gather3A_243 = tpu.vector_load_idx %arg5[%add3A_242] : memref<264xf32, #tpu.memory_space<vmem>>[vector<16xi32>], vector<16xf32>,
    %add3A_244 = arith.addf %gather3A_236, %gather3A_243 : vector<16xf32>
    %mul3A_245 = arith.constant 5.000000e-01 : f32
    %mul3A_246 = vector.broadcast %mul3A_245 : f32 to vector<16xf32>
    %mul3A_247 = arith.mulf %mul3A_246, %add3A_244 : vector<16xf32>
    %add3A_248 = arith.constant 208 : i32
    %add3A_249 = arith.addi %add3A, %add3A_248 : i32
    %add3A_250 = vector.broadcast %add3A_249 : i32 to vector<16xi32>
    %add3A_251 = arith.addi %iota3A, %add3A_250 : vector<16xi32>
    %gather3A_252 = tpu.vector_load_idx %arg5[%add3A_251] : memref<264xf32, #tpu.memory_space<vmem>>[vector<16xi32>], vector<16xf32>,
    %add3A_253 = arith.constant 208 : i32
    %add3A_254 = arith.addi %add3A, %add3A_253 : i32
    %add3A_255 = arith.constant 1 : i32
    %add3A_256 = arith.addi %add3A_254, %add3A_255 : i32
    %add3A_257 = vector.broadcast %add3A_256 : i32 to vector<16xi32>
    %add3A_258 = arith.addi %iota3A, %add3A_257 : vector<16xi32>
    %gather3A_259 = tpu.vector_load_idx %arg5[%add3A_258] : memref<264xf32, #tpu.memory_space<vmem>>[vector<16xi32>], vector<16xf32>,
    %add3A_260 = arith.addf %gather3A_252, %gather3A_259 : vector<16xf32>
    %mul3A_261 = arith.constant 5.000000e-01 : f32
    %mul3A_262 = vector.broadcast %mul3A_261 : f32 to vector<16xf32>
    %mul3A_263 = arith.mulf %mul3A_262, %add3A_260 : vector<16xf32>
    %add3A_264 = arith.constant 224 : i32
    %add3A_265 = arith.addi %add3A, %add3A_264 : i32
    %add3A_266 = vector.broadcast %add3A_265 : i32 to vector<16xi32>
    %add3A_267 = arith.addi %iota3A, %add3A_266 : vector<16xi32>
    %gather3A_268 = tpu.vector_load_idx %arg5[%add3A_267] : memref<264xf32, #tpu.memory_space<vmem>>[vector<16xi32>], vector<16xf32>,
    %add3A_269 = arith.constant 224 : i32
    %add3A_270 = arith.addi %add3A, %add3A_269 : i32
    %add3A_271 = arith.constant 1 : i32
    %add3A_272 = arith.addi %add3A_270, %add3A_271 : i32
    %add3A_273 = vector.broadcast %add3A_272 : i32 to vector<16xi32>
    %add3A_274 = arith.addi %iota3A, %add3A_273 : vector<16xi32>
    %gather3A_275 = tpu.vector_load_idx %arg5[%add3A_274] : memref<264xf32, #tpu.memory_space<vmem>>[vector<16xi32>], vector<16xf32>,
    %add3A_276 = arith.addf %gather3A_268, %gather3A_275 : vector<16xf32>
    %mul3A_277 = arith.constant 5.000000e-01 : f32
    %mul3A_278 = vector.broadcast %mul3A_277 : f32 to vector<16xf32>
    %mul3A_279 = arith.mulf %mul3A_278, %add3A_276 : vector<16xf32>
    %add3A_280 = arith.constant 240 : i32
    %add3A_281 = arith.addi %add3A, %add3A_280 : i32
    %add3A_282 = vector.broadcast %add3A_281 : i32 to vector<16xi32>
    %add3A_283 = arith.addi %iota3A, %add3A_282 : vector<16xi32>
    %gather3A_284 = tpu.vector_load_idx %arg5[%add3A_283] : memref<264xf32, #tpu.memory_space<vmem>>[vector<16xi32>], vector<16xf32>,
    %add3A_285 = arith.constant 240 : i32
    %add3A_286 = arith.addi %add3A, %add3A_285 : i32
    %add3A_287 = arith.constant 1 : i32
    %add3A_288 = arith.addi %add3A_286, %add3A_287 : i32
    %add3A_289 = vector.broadcast %add3A_288 : i32 to vector<16xi32>
    %add3A_290 = arith.addi %iota3A, %add3A_289 : vector<16xi32>
    %gather3A_291 = tpu.vector_load_idx %arg5[%add3A_290] : memref<264xf32, #tpu.memory_space<vmem>>[vector<16xi32>], vector<16xf32>,
    %add3A_292 = arith.addf %gather3A_284, %gather3A_291 : vector<16xf32>
    %mul3A_293 = arith.constant 5.000000e-01 : f32
    %mul3A_294 = vector.broadcast %mul3A_293 : f32 to vector<16xf32>
    %mul3A_295 = arith.mulf %mul3A_294, %add3A_292 : vector<16xf32>
    %sort3A = arith.constant dense<true> : vector<16xi1>
    %sort3A_296, %sort3A_297, %sort3A_298 = tpu.sort %mul3A_55, %mul3A_55 masked %sort3A : (vector<16xf32>, vector<16xf32>, vector<16xi1>) -> (vector<16xi1>, vector<16xf32>, vector<16xf32>)
    %sort3A_299 = arith.constant dense<true> : vector<16xi1>
    %sort3A_300, %sort3A_301, %sort3A_302 = tpu.sort %mul3A_71, %mul3A_71 masked %sort3A_299 : (vector<16xf32>, vector<16xf32>, vector<16xi1>) -> (vector<16xi1>, vector<16xf32>, vector<16xf32>)
    %sort3A_303 = arith.constant dense<true> : vector<16xi1>
    %sort3A_304, %sort3A_305, %sort3A_306 = tpu.sort %mul3A_87, %mul3A_87 masked %sort3A_303 : (vector<16xf32>, vector<16xf32>, vector<16xi1>) -> (vector<16xi1>, vector<16xf32>, vector<16xf32>)
    %sort3A_307 = arith.constant dense<true> : vector<16xi1>
    %sort3A_308, %sort3A_309, %sort3A_310 = tpu.sort %mul3A_103, %mul3A_103 masked %sort3A_307 : (vector<16xf32>, vector<16xf32>, vector<16xi1>) -> (vector<16xi1>, vector<16xf32>, vector<16xf32>)
    %sort3A_311 = arith.constant dense<true> : vector<16xi1>
    %sort3A_312, %sort3A_313, %sort3A_314 = tpu.sort %mul3A_119, %mul3A_119 masked %sort3A_311 : (vector<16xf32>, vector<16xf32>, vector<16xi1>) -> (vector<16xi1>, vector<16xf32>, vector<16xf32>)
    %sort3A_315 = arith.constant dense<true> : vector<16xi1>
    %sort3A_316, %sort3A_317, %sort3A_318 = tpu.sort %mul3A_135, %mul3A_135 masked %sort3A_315 : (vector<16xf32>, vector<16xf32>, vector<16xi1>) -> (vector<16xi1>, vector<16xf32>, vector<16xf32>)
    %sort3A_319 = arith.constant dense<true> : vector<16xi1>
    %sort3A_320, %sort3A_321, %sort3A_322 = tpu.sort %mul3A_151, %mul3A_151 masked %sort3A_319 : (vector<16xf32>, vector<16xf32>, vector<16xi1>) -> (vector<16xi1>, vector<16xf32>, vector<16xf32>)
    %sort3A_323 = arith.constant dense<true> : vector<16xi1>
    %sort3A_324, %sort3A_325, %sort3A_326 = tpu.sort %mul3A_167, %mul3A_167 masked %sort3A_323 : (vector<16xf32>, vector<16xf32>, vector<16xi1>) -> (vector<16xi1>, vector<16xf32>, vector<16xf32>)
    %sort3A_327 = arith.constant dense<true> : vector<16xi1>
    %sort3A_328, %sort3A_329, %sort3A_330 = tpu.sort %mul3A_183, %mul3A_183 masked %sort3A_327 : (vector<16xf32>, vector<16xf32>, vector<16xi1>) -> (vector<16xi1>, vector<16xf32>, vector<16xf32>)
    %sort3A_331 = arith.constant dense<true> : vector<16xi1>
    %sort3A_332, %sort3A_333, %sort3A_334 = tpu.sort %mul3A_199, %mul3A_199 masked %sort3A_331 : (vector<16xf32>, vector<16xf32>, vector<16xi1>) -> (vector<16xi1>, vector<16xf32>, vector<16xf32>)
    %sort3A_335 = arith.constant dense<true> : vector<16xi1>
    %sort3A_336, %sort3A_337, %sort3A_338 = tpu.sort %mul3A_215, %mul3A_215 masked %sort3A_335 : (vector<16xf32>, vector<16xf32>, vector<16xi1>) -> (vector<16xi1>, vector<16xf32>, vector<16xf32>)
    %sort3A_339 = arith.constant dense<true> : vector<16xi1>
    %sort3A_340, %sort3A_341, %sort3A_342 = tpu.sort %mul3A_231, %mul3A_231 masked %sort3A_339 : (vector<16xf32>, vector<16xf32>, vector<16xi1>) -> (vector<16xi1>, vector<16xf32>, vector<16xf32>)
    %sort3A_343 = arith.constant dense<true> : vector<16xi1>
    %sort3A_344, %sort3A_345, %sort3A_346 = tpu.sort %mul3A_247, %mul3A_247 masked %sort3A_343 : (vector<16xf32>, vector<16xf32>, vector<16xi1>) -> (vector<16xi1>, vector<16xf32>, vector<16xf32>)
    %sort3A_347 = arith.constant dense<true> : vector<16xi1>
    %sort3A_348, %sort3A_349, %sort3A_350 = tpu.sort %mul3A_263, %mul3A_263 masked %sort3A_347 : (vector<16xf32>, vector<16xf32>, vector<16xi1>) -> (vector<16xi1>, vector<16xf32>, vector<16xf32>)
    %sort3A_351 = arith.constant dense<true> : vector<16xi1>
    %sort3A_352, %sort3A_353, %sort3A_354 = tpu.sort %mul3A_279, %mul3A_279 masked %sort3A_351 : (vector<16xf32>, vector<16xf32>, vector<16xi1>) -> (vector<16xi1>, vector<16xf32>, vector<16xf32>)
    %sort3A_355 = arith.constant dense<true> : vector<16xi1>
    %sort3A_356, %sort3A_357, %sort3A_358 = tpu.sort %mul3A_295, %mul3A_295 masked %sort3A_355 : (vector<16xf32>, vector<16xf32>, vector<16xi1>) -> (vector<16xi1>, vector<16xf32>, vector<16xf32>)
    %rev3A = arith.constant 15 : i32
    %rev3A_359 = vector.broadcast %rev3A : i32 to vector<16xi32>
    %rev3A_360 = tpu.iota {dimensions = array<i32: 0>} : vector<16xi32>
    %rev3A_361 = arith.subi %rev3A_359, %rev3A_360 : vector<16xi32>
    %rev3A_362 = tpu.dynamic_gather %sort3A_301[%rev3A_361] in [0] : vector<16xf32>, vector<16xi32> -> vector<16xf32>
    %min3A = arith.minimumf %sort3A_297, %rev3A_362 : vector<16xf32>
    %max3A = arith.maximumf %sort3A_297, %rev3A_362 : vector<16xf32>
    %sort3A_363 = arith.constant dense<true> : vector<16xi1>
    %sort3A_364, %sort3A_365, %sort3A_366 = tpu.sort %min3A, %min3A masked %sort3A_363 : (vector<16xf32>, vector<16xf32>, vector<16xi1>) -> (vector<16xi1>, vector<16xf32>, vector<16xf32>)
    %sort3A_367 = arith.constant dense<true> : vector<16xi1>
    %sort3A_368, %sort3A_369, %sort3A_370 = tpu.sort %max3A, %max3A masked %sort3A_367 : (vector<16xf32>, vector<16xf32>, vector<16xi1>) -> (vector<16xi1>, vector<16xf32>, vector<16xf32>)
    %rev3A_371 = arith.constant 15 : i32
    %rev3A_372 = vector.broadcast %rev3A_371 : i32 to vector<16xi32>
    %rev3A_373 = tpu.iota {dimensions = array<i32: 0>} : vector<16xi32>
    %rev3A_374 = arith.subi %rev3A_372, %rev3A_373 : vector<16xi32>
    %rev3A_375 = tpu.dynamic_gather %sort3A_309[%rev3A_374] in [0] : vector<16xf32>, vector<16xi32> -> vector<16xf32>
    %min3A_376 = arith.minimumf %sort3A_305, %rev3A_375 : vector<16xf32>
    %max3A_377 = arith.maximumf %sort3A_305, %rev3A_375 : vector<16xf32>
    %sort3A_378 = arith.constant dense<true> : vector<16xi1>
    %sort3A_379, %sort3A_380, %sort3A_381 = tpu.sort %min3A_376, %min3A_376 masked %sort3A_378 : (vector<16xf32>, vector<16xf32>, vector<16xi1>) -> (vector<16xi1>, vector<16xf32>, vector<16xf32>)
    %sort3A_382 = arith.constant dense<true> : vector<16xi1>
    %sort3A_383, %sort3A_384, %sort3A_385 = tpu.sort %max3A_377, %max3A_377 masked %sort3A_382 : (vector<16xf32>, vector<16xf32>, vector<16xi1>) -> (vector<16xi1>, vector<16xf32>, vector<16xf32>)
    %rev3A_386 = arith.constant 15 : i32
    %rev3A_387 = vector.broadcast %rev3A_386 : i32 to vector<16xi32>
    %rev3A_388 = tpu.iota {dimensions = array<i32: 0>} : vector<16xi32>
    %rev3A_389 = arith.subi %rev3A_387, %rev3A_388 : vector<16xi32>
    %rev3A_390 = tpu.dynamic_gather %sort3A_317[%rev3A_389] in [0] : vector<16xf32>, vector<16xi32> -> vector<16xf32>
    %min3A_391 = arith.minimumf %sort3A_313, %rev3A_390 : vector<16xf32>
    %max3A_392 = arith.maximumf %sort3A_313, %rev3A_390 : vector<16xf32>
    %sort3A_393 = arith.constant dense<true> : vector<16xi1>
    %sort3A_394, %sort3A_395, %sort3A_396 = tpu.sort %min3A_391, %min3A_391 masked %sort3A_393 : (vector<16xf32>, vector<16xf32>, vector<16xi1>) -> (vector<16xi1>, vector<16xf32>, vector<16xf32>)
    %sort3A_397 = arith.constant dense<true> : vector<16xi1>
    %sort3A_398, %sort3A_399, %sort3A_400 = tpu.sort %max3A_392, %max3A_392 masked %sort3A_397 : (vector<16xf32>, vector<16xf32>, vector<16xi1>) -> (vector<16xi1>, vector<16xf32>, vector<16xf32>)
    %rev3A_401 = arith.constant 15 : i32
    %rev3A_402 = vector.broadcast %rev3A_401 : i32 to vector<16xi32>
    %rev3A_403 = tpu.iota {dimensions = array<i32: 0>} : vector<16xi32>
    %rev3A_404 = arith.subi %rev3A_402, %rev3A_403 : vector<16xi32>
    %rev3A_405 = tpu.dynamic_gather %sort3A_325[%rev3A_404] in [0] : vector<16xf32>, vector<16xi32> -> vector<16xf32>
    %min3A_406 = arith.minimumf %sort3A_321, %rev3A_405 : vector<16xf32>
    %max3A_407 = arith.maximumf %sort3A_321, %rev3A_405 : vector<16xf32>
    %sort3A_408 = arith.constant dense<true> : vector<16xi1>
    %sort3A_409, %sort3A_410, %sort3A_411 = tpu.sort %min3A_406, %min3A_406 masked %sort3A_408 : (vector<16xf32>, vector<16xf32>, vector<16xi1>) -> (vector<16xi1>, vector<16xf32>, vector<16xf32>)
    %sort3A_412 = arith.constant dense<true> : vector<16xi1>
    %sort3A_413, %sort3A_414, %sort3A_415 = tpu.sort %max3A_407, %max3A_407 masked %sort3A_412 : (vector<16xf32>, vector<16xf32>, vector<16xi1>) -> (vector<16xi1>, vector<16xf32>, vector<16xf32>)
    %rev3A_416 = arith.constant 15 : i32
    %rev3A_417 = vector.broadcast %rev3A_416 : i32 to vector<16xi32>
    %rev3A_418 = tpu.iota {dimensions = array<i32: 0>} : vector<16xi32>
    %rev3A_419 = arith.subi %rev3A_417, %rev3A_418 : vector<16xi32>
    %rev3A_420 = tpu.dynamic_gather %sort3A_333[%rev3A_419] in [0] : vector<16xf32>, vector<16xi32> -> vector<16xf32>
    %min3A_421 = arith.minimumf %sort3A_329, %rev3A_420 : vector<16xf32>
    %max3A_422 = arith.maximumf %sort3A_329, %rev3A_420 : vector<16xf32>
    %sort3A_423 = arith.constant dense<true> : vector<16xi1>
    %sort3A_424, %sort3A_425, %sort3A_426 = tpu.sort %min3A_421, %min3A_421 masked %sort3A_423 : (vector<16xf32>, vector<16xf32>, vector<16xi1>) -> (vector<16xi1>, vector<16xf32>, vector<16xf32>)
    %sort3A_427 = arith.constant dense<true> : vector<16xi1>
    %sort3A_428, %sort3A_429, %sort3A_430 = tpu.sort %max3A_422, %max3A_422 masked %sort3A_427 : (vector<16xf32>, vector<16xf32>, vector<16xi1>) -> (vector<16xi1>, vector<16xf32>, vector<16xf32>)
    %rev3A_431 = arith.constant 15 : i32
    %rev3A_432 = vector.broadcast %rev3A_431 : i32 to vector<16xi32>
    %rev3A_433 = tpu.iota {dimensions = array<i32: 0>} : vector<16xi32>
    %rev3A_434 = arith.subi %rev3A_432, %rev3A_433 : vector<16xi32>
    %rev3A_435 = tpu.dynamic_gather %sort3A_341[%rev3A_434] in [0] : vector<16xf32>, vector<16xi32> -> vector<16xf32>
    %min3A_436 = arith.minimumf %sort3A_337, %rev3A_435 : vector<16xf32>
    %max3A_437 = arith.maximumf %sort3A_337, %rev3A_435 : vector<16xf32>
    %sort3A_438 = arith.constant dense<true> : vector<16xi1>
    %sort3A_439, %sort3A_440, %sort3A_441 = tpu.sort %min3A_436, %min3A_436 masked %sort3A_438 : (vector<16xf32>, vector<16xf32>, vector<16xi1>) -> (vector<16xi1>, vector<16xf32>, vector<16xf32>)
    %sort3A_442 = arith.constant dense<true> : vector<16xi1>
    %sort3A_443, %sort3A_444, %sort3A_445 = tpu.sort %max3A_437, %max3A_437 masked %sort3A_442 : (vector<16xf32>, vector<16xf32>, vector<16xi1>) -> (vector<16xi1>, vector<16xf32>, vector<16xf32>)
    %rev3A_446 = arith.constant 15 : i32
    %rev3A_447 = vector.broadcast %rev3A_446 : i32 to vector<16xi32>
    %rev3A_448 = tpu.iota {dimensions = array<i32: 0>} : vector<16xi32>
    %rev3A_449 = arith.subi %rev3A_447, %rev3A_448 : vector<16xi32>
    %rev3A_450 = tpu.dynamic_gather %sort3A_349[%rev3A_449] in [0] : vector<16xf32>, vector<16xi32> -> vector<16xf32>
    %min3A_451 = arith.minimumf %sort3A_345, %rev3A_450 : vector<16xf32>
    %max3A_452 = arith.maximumf %sort3A_345, %rev3A_450 : vector<16xf32>
    %sort3A_453 = arith.constant dense<true> : vector<16xi1>
    %sort3A_454, %sort3A_455, %sort3A_456 = tpu.sort %min3A_451, %min3A_451 masked %sort3A_453 : (vector<16xf32>, vector<16xf32>, vector<16xi1>) -> (vector<16xi1>, vector<16xf32>, vector<16xf32>)
    %sort3A_457 = arith.constant dense<true> : vector<16xi1>
    %sort3A_458, %sort3A_459, %sort3A_460 = tpu.sort %max3A_452, %max3A_452 masked %sort3A_457 : (vector<16xf32>, vector<16xf32>, vector<16xi1>) -> (vector<16xi1>, vector<16xf32>, vector<16xf32>)
    %rev3A_461 = arith.constant 15 : i32
    %rev3A_462 = vector.broadcast %rev3A_461 : i32 to vector<16xi32>
    %rev3A_463 = tpu.iota {dimensions = array<i32: 0>} : vector<16xi32>
    %rev3A_464 = arith.subi %rev3A_462, %rev3A_463 : vector<16xi32>
    %rev3A_465 = tpu.dynamic_gather %sort3A_357[%rev3A_464] in [0] : vector<16xf32>, vector<16xi32> -> vector<16xf32>
    %min3A_466 = arith.minimumf %sort3A_353, %rev3A_465 : vector<16xf32>
    %max3A_467 = arith.maximumf %sort3A_353, %rev3A_465 : vector<16xf32>
    %sort3A_468 = arith.constant dense<true> : vector<16xi1>
    %sort3A_469, %sort3A_470, %sort3A_471 = tpu.sort %min3A_466, %min3A_466 masked %sort3A_468 : (vector<16xf32>, vector<16xf32>, vector<16xi1>) -> (vector<16xi1>, vector<16xf32>, vector<16xf32>)
    %sort3A_472 = arith.constant dense<true> : vector<16xi1>
    %sort3A_473, %sort3A_474, %sort3A_475 = tpu.sort %max3A_467, %max3A_467 masked %sort3A_472 : (vector<16xf32>, vector<16xf32>, vector<16xi1>) -> (vector<16xi1>, vector<16xf32>, vector<16xf32>)
    %rev3A_476 = arith.constant 15 : i32
    %rev3A_477 = vector.broadcast %rev3A_476 : i32 to vector<16xi32>
    %rev3A_478 = tpu.iota {dimensions = array<i32: 0>} : vector<16xi32>
    %rev3A_479 = arith.subi %rev3A_477, %rev3A_478 : vector<16xi32>
    %rev3A_480 = tpu.dynamic_gather %sort3A_384[%rev3A_479] in [0] : vector<16xf32>, vector<16xi32> -> vector<16xf32>
    %rev3A_481 = arith.constant 15 : i32
    %rev3A_482 = vector.broadcast %rev3A_481 : i32 to vector<16xi32>
    %rev3A_483 = tpu.iota {dimensions = array<i32: 0>} : vector<16xi32>
    %rev3A_484 = arith.subi %rev3A_482, %rev3A_483 : vector<16xi32>
    %rev3A_485 = tpu.dynamic_gather %sort3A_380[%rev3A_484] in [0] : vector<16xf32>, vector<16xi32> -> vector<16xf32>
    %min3A_486 = arith.minimumf %sort3A_365, %rev3A_480 : vector<16xf32>
    %min3A_487 = arith.minimumf %sort3A_369, %rev3A_485 : vector<16xf32>
    %max3A_488 = arith.maximumf %sort3A_365, %rev3A_480 : vector<16xf32>
    %max3A_489 = arith.maximumf %sort3A_369, %rev3A_485 : vector<16xf32>
    %min3A_490 = arith.minimumf %min3A_486, %min3A_487 : vector<16xf32>
    %max3A_491 = arith.maximumf %min3A_486, %min3A_487 : vector<16xf32>
    %sort3A_492 = arith.constant dense<true> : vector<16xi1>
    %sort3A_493, %sort3A_494, %sort3A_495 = tpu.sort %min3A_490, %min3A_490 masked %sort3A_492 : (vector<16xf32>, vector<16xf32>, vector<16xi1>) -> (vector<16xi1>, vector<16xf32>, vector<16xf32>)
    %sort3A_496 = arith.constant dense<true> : vector<16xi1>
    %sort3A_497, %sort3A_498, %sort3A_499 = tpu.sort %max3A_491, %max3A_491 masked %sort3A_496 : (vector<16xf32>, vector<16xf32>, vector<16xi1>) -> (vector<16xi1>, vector<16xf32>, vector<16xf32>)
    %min3A_500 = arith.minimumf %max3A_488, %max3A_489 : vector<16xf32>
    %max3A_501 = arith.maximumf %max3A_488, %max3A_489 : vector<16xf32>
    %sort3A_502 = arith.constant dense<true> : vector<16xi1>
    %sort3A_503, %sort3A_504, %sort3A_505 = tpu.sort %min3A_500, %min3A_500 masked %sort3A_502 : (vector<16xf32>, vector<16xf32>, vector<16xi1>) -> (vector<16xi1>, vector<16xf32>, vector<16xf32>)
    %sort3A_506 = arith.constant dense<true> : vector<16xi1>
    %sort3A_507, %sort3A_508, %sort3A_509 = tpu.sort %max3A_501, %max3A_501 masked %sort3A_506 : (vector<16xf32>, vector<16xf32>, vector<16xi1>) -> (vector<16xi1>, vector<16xf32>, vector<16xf32>)
    %rev3A_510 = arith.constant 15 : i32
    %rev3A_511 = vector.broadcast %rev3A_510 : i32 to vector<16xi32>
    %rev3A_512 = tpu.iota {dimensions = array<i32: 0>} : vector<16xi32>
    %rev3A_513 = arith.subi %rev3A_511, %rev3A_512 : vector<16xi32>
    %rev3A_514 = tpu.dynamic_gather %sort3A_414[%rev3A_513] in [0] : vector<16xf32>, vector<16xi32> -> vector<16xf32>
    %rev3A_515 = arith.constant 15 : i32
    %rev3A_516 = vector.broadcast %rev3A_515 : i32 to vector<16xi32>
    %rev3A_517 = tpu.iota {dimensions = array<i32: 0>} : vector<16xi32>
    %rev3A_518 = arith.subi %rev3A_516, %rev3A_517 : vector<16xi32>
    %rev3A_519 = tpu.dynamic_gather %sort3A_410[%rev3A_518] in [0] : vector<16xf32>, vector<16xi32> -> vector<16xf32>
    %min3A_520 = arith.minimumf %sort3A_395, %rev3A_514 : vector<16xf32>
    %min3A_521 = arith.minimumf %sort3A_399, %rev3A_519 : vector<16xf32>
    %max3A_522 = arith.maximumf %sort3A_395, %rev3A_514 : vector<16xf32>
    %max3A_523 = arith.maximumf %sort3A_399, %rev3A_519 : vector<16xf32>
    %min3A_524 = arith.minimumf %min3A_520, %min3A_521 : vector<16xf32>
    %max3A_525 = arith.maximumf %min3A_520, %min3A_521 : vector<16xf32>
    %sort3A_526 = arith.constant dense<true> : vector<16xi1>
    %sort3A_527, %sort3A_528, %sort3A_529 = tpu.sort %min3A_524, %min3A_524 masked %sort3A_526 : (vector<16xf32>, vector<16xf32>, vector<16xi1>) -> (vector<16xi1>, vector<16xf32>, vector<16xf32>)
    %sort3A_530 = arith.constant dense<true> : vector<16xi1>
    %sort3A_531, %sort3A_532, %sort3A_533 = tpu.sort %max3A_525, %max3A_525 masked %sort3A_530 : (vector<16xf32>, vector<16xf32>, vector<16xi1>) -> (vector<16xi1>, vector<16xf32>, vector<16xf32>)
    %min3A_534 = arith.minimumf %max3A_522, %max3A_523 : vector<16xf32>
    %max3A_535 = arith.maximumf %max3A_522, %max3A_523 : vector<16xf32>
    %sort3A_536 = arith.constant dense<true> : vector<16xi1>
    %sort3A_537, %sort3A_538, %sort3A_539 = tpu.sort %min3A_534, %min3A_534 masked %sort3A_536 : (vector<16xf32>, vector<16xf32>, vector<16xi1>) -> (vector<16xi1>, vector<16xf32>, vector<16xf32>)
    %sort3A_540 = arith.constant dense<true> : vector<16xi1>
    %sort3A_541, %sort3A_542, %sort3A_543 = tpu.sort %max3A_535, %max3A_535 masked %sort3A_540 : (vector<16xf32>, vector<16xf32>, vector<16xi1>) -> (vector<16xi1>, vector<16xf32>, vector<16xf32>)
    %rev3A_544 = arith.constant 15 : i32
    %rev3A_545 = vector.broadcast %rev3A_544 : i32 to vector<16xi32>
    %rev3A_546 = tpu.iota {dimensions = array<i32: 0>} : vector<16xi32>
    %rev3A_547 = arith.subi %rev3A_545, %rev3A_546 : vector<16xi32>
    %rev3A_548 = tpu.dynamic_gather %sort3A_444[%rev3A_547] in [0] : vector<16xf32>, vector<16xi32> -> vector<16xf32>
    %rev3A_549 = arith.constant 15 : i32
    %rev3A_550 = vector.broadcast %rev3A_549 : i32 to vector<16xi32>
    %rev3A_551 = tpu.iota {dimensions = array<i32: 0>} : vector<16xi32>
    %rev3A_552 = arith.subi %rev3A_550, %rev3A_551 : vector<16xi32>
    %rev3A_553 = tpu.dynamic_gather %sort3A_440[%rev3A_552] in [0] : vector<16xf32>, vector<16xi32> -> vector<16xf32>
    %min3A_554 = arith.minimumf %sort3A_425, %rev3A_548 : vector<16xf32>
    %min3A_555 = arith.minimumf %sort3A_429, %rev3A_553 : vector<16xf32>
    %max3A_556 = arith.maximumf %sort3A_425, %rev3A_548 : vector<16xf32>
    %max3A_557 = arith.maximumf %sort3A_429, %rev3A_553 : vector<16xf32>
    %min3A_558 = arith.minimumf %min3A_554, %min3A_555 : vector<16xf32>
    %max3A_559 = arith.maximumf %min3A_554, %min3A_555 : vector<16xf32>
    %sort3A_560 = arith.constant dense<true> : vector<16xi1>
    %sort3A_561, %sort3A_562, %sort3A_563 = tpu.sort %min3A_558, %min3A_558 masked %sort3A_560 : (vector<16xf32>, vector<16xf32>, vector<16xi1>) -> (vector<16xi1>, vector<16xf32>, vector<16xf32>)
    %sort3A_564 = arith.constant dense<true> : vector<16xi1>
    %sort3A_565, %sort3A_566, %sort3A_567 = tpu.sort %max3A_559, %max3A_559 masked %sort3A_564 : (vector<16xf32>, vector<16xf32>, vector<16xi1>) -> (vector<16xi1>, vector<16xf32>, vector<16xf32>)
    %min3A_568 = arith.minimumf %max3A_556, %max3A_557 : vector<16xf32>
    %max3A_569 = arith.maximumf %max3A_556, %max3A_557 : vector<16xf32>
    %sort3A_570 = arith.constant dense<true> : vector<16xi1>
    %sort3A_571, %sort3A_572, %sort3A_573 = tpu.sort %min3A_568, %min3A_568 masked %sort3A_570 : (vector<16xf32>, vector<16xf32>, vector<16xi1>) -> (vector<16xi1>, vector<16xf32>, vector<16xf32>)
    %sort3A_574 = arith.constant dense<true> : vector<16xi1>
    %sort3A_575, %sort3A_576, %sort3A_577 = tpu.sort %max3A_569, %max3A_569 masked %sort3A_574 : (vector<16xf32>, vector<16xf32>, vector<16xi1>) -> (vector<16xi1>, vector<16xf32>, vector<16xf32>)
    %rev3A_578 = arith.constant 15 : i32
    %rev3A_579 = vector.broadcast %rev3A_578 : i32 to vector<16xi32>
    %rev3A_580 = tpu.iota {dimensions = array<i32: 0>} : vector<16xi32>
    %rev3A_581 = arith.subi %rev3A_579, %rev3A_580 : vector<16xi32>
    %rev3A_582 = tpu.dynamic_gather %sort3A_474[%rev3A_581] in [0] : vector<16xf32>, vector<16xi32> -> vector<16xf32>
    %rev3A_583 = arith.constant 15 : i32
    %rev3A_584 = vector.broadcast %rev3A_583 : i32 to vector<16xi32>
    %rev3A_585 = tpu.iota {dimensions = array<i32: 0>} : vector<16xi32>
    %rev3A_586 = arith.subi %rev3A_584, %rev3A_585 : vector<16xi32>
    %rev3A_587 = tpu.dynamic_gather %sort3A_470[%rev3A_586] in [0] : vector<16xf32>, vector<16xi32> -> vector<16xf32>
    %min3A_588 = arith.minimumf %sort3A_455, %rev3A_582 : vector<16xf32>
    %min3A_589 = arith.minimumf %sort3A_459, %rev3A_587 : vector<16xf32>
    %max3A_590 = arith.maximumf %sort3A_455, %rev3A_582 : vector<16xf32>
    %max3A_591 = arith.maximumf %sort3A_459, %rev3A_587 : vector<16xf32>
    %min3A_592 = arith.minimumf %min3A_588, %min3A_589 : vector<16xf32>
    %max3A_593 = arith.maximumf %min3A_588, %min3A_589 : vector<16xf32>
    %sort3A_594 = arith.constant dense<true> : vector<16xi1>
    %sort3A_595, %sort3A_596, %sort3A_597 = tpu.sort %min3A_592, %min3A_592 masked %sort3A_594 : (vector<16xf32>, vector<16xf32>, vector<16xi1>) -> (vector<16xi1>, vector<16xf32>, vector<16xf32>)
    %sort3A_598 = arith.constant dense<true> : vector<16xi1>
    %sort3A_599, %sort3A_600, %sort3A_601 = tpu.sort %max3A_593, %max3A_593 masked %sort3A_598 : (vector<16xf32>, vector<16xf32>, vector<16xi1>) -> (vector<16xi1>, vector<16xf32>, vector<16xf32>)
    %min3A_602 = arith.minimumf %max3A_590, %max3A_591 : vector<16xf32>
    %max3A_603 = arith.maximumf %max3A_590, %max3A_591 : vector<16xf32>
    %sort3A_604 = arith.constant dense<true> : vector<16xi1>
    %sort3A_605, %sort3A_606, %sort3A_607 = tpu.sort %min3A_602, %min3A_602 masked %sort3A_604 : (vector<16xf32>, vector<16xf32>, vector<16xi1>) -> (vector<16xi1>, vector<16xf32>, vector<16xf32>)
    %sort3A_608 = arith.constant dense<true> : vector<16xi1>
    %sort3A_609, %sort3A_610, %sort3A_611 = tpu.sort %max3A_603, %max3A_603 masked %sort3A_608 : (vector<16xf32>, vector<16xf32>, vector<16xi1>) -> (vector<16xi1>, vector<16xf32>, vector<16xf32>)
    %rev3A_612 = arith.constant 15 : i32
    %rev3A_613 = vector.broadcast %rev3A_612 : i32 to vector<16xi32>
    %rev3A_614 = tpu.iota {dimensions = array<i32: 0>} : vector<16xi32>
    %rev3A_615 = arith.subi %rev3A_613, %rev3A_614 : vector<16xi32>
    %rev3A_616 = tpu.dynamic_gather %sort3A_542[%rev3A_615] in [0] : vector<16xf32>, vector<16xi32> -> vector<16xf32>
    %rev3A_617 = arith.constant 15 : i32
    %rev3A_618 = vector.broadcast %rev3A_617 : i32 to vector<16xi32>
    %rev3A_619 = tpu.iota {dimensions = array<i32: 0>} : vector<16xi32>
    %rev3A_620 = arith.subi %rev3A_618, %rev3A_619 : vector<16xi32>
    %rev3A_621 = tpu.dynamic_gather %sort3A_538[%rev3A_620] in [0] : vector<16xf32>, vector<16xi32> -> vector<16xf32>
    %rev3A_622 = arith.constant 15 : i32
    %rev3A_623 = vector.broadcast %rev3A_622 : i32 to vector<16xi32>
    %rev3A_624 = tpu.iota {dimensions = array<i32: 0>} : vector<16xi32>
    %rev3A_625 = arith.subi %rev3A_623, %rev3A_624 : vector<16xi32>
    %rev3A_626 = tpu.dynamic_gather %sort3A_532[%rev3A_625] in [0] : vector<16xf32>, vector<16xi32> -> vector<16xf32>
    %rev3A_627 = arith.constant 15 : i32
    %rev3A_628 = vector.broadcast %rev3A_627 : i32 to vector<16xi32>
    %rev3A_629 = tpu.iota {dimensions = array<i32: 0>} : vector<16xi32>
    %rev3A_630 = arith.subi %rev3A_628, %rev3A_629 : vector<16xi32>
    %rev3A_631 = tpu.dynamic_gather %sort3A_528[%rev3A_630] in [0] : vector<16xf32>, vector<16xi32> -> vector<16xf32>
    %min3A_632 = arith.minimumf %sort3A_494, %rev3A_616 : vector<16xf32>
    %min3A_633 = arith.minimumf %sort3A_498, %rev3A_621 : vector<16xf32>
    %min3A_634 = arith.minimumf %sort3A_504, %rev3A_626 : vector<16xf32>
    %min3A_635 = arith.minimumf %sort3A_508, %rev3A_631 : vector<16xf32>
    %max3A_636 = arith.maximumf %sort3A_494, %rev3A_616 : vector<16xf32>
    %max3A_637 = arith.maximumf %sort3A_498, %rev3A_621 : vector<16xf32>
    %max3A_638 = arith.maximumf %sort3A_504, %rev3A_626 : vector<16xf32>
    %max3A_639 = arith.maximumf %sort3A_508, %rev3A_631 : vector<16xf32>
    %min3A_640 = arith.minimumf %min3A_632, %min3A_634 : vector<16xf32>
    %max3A_641 = arith.maximumf %min3A_632, %min3A_634 : vector<16xf32>
    %min3A_642 = arith.minimumf %min3A_633, %min3A_635 : vector<16xf32>
    %max3A_643 = arith.maximumf %min3A_633, %min3A_635 : vector<16xf32>
    %min3A_644 = arith.minimumf %min3A_640, %min3A_642 : vector<16xf32>
    %max3A_645 = arith.maximumf %min3A_640, %min3A_642 : vector<16xf32>
    %min3A_646 = arith.minimumf %max3A_641, %max3A_643 : vector<16xf32>
    %max3A_647 = arith.maximumf %max3A_641, %max3A_643 : vector<16xf32>
    %sort3A_648 = arith.constant dense<true> : vector<16xi1>
    %sort3A_649, %sort3A_650, %sort3A_651 = tpu.sort %min3A_644, %min3A_644 masked %sort3A_648 : (vector<16xf32>, vector<16xf32>, vector<16xi1>) -> (vector<16xi1>, vector<16xf32>, vector<16xf32>)
    %sort3A_652 = arith.constant dense<true> : vector<16xi1>
    %sort3A_653, %sort3A_654, %sort3A_655 = tpu.sort %max3A_645, %max3A_645 masked %sort3A_652 : (vector<16xf32>, vector<16xf32>, vector<16xi1>) -> (vector<16xi1>, vector<16xf32>, vector<16xf32>)
    %sort3A_656 = arith.constant dense<true> : vector<16xi1>
    %sort3A_657, %sort3A_658, %sort3A_659 = tpu.sort %min3A_646, %min3A_646 masked %sort3A_656 : (vector<16xf32>, vector<16xf32>, vector<16xi1>) -> (vector<16xi1>, vector<16xf32>, vector<16xf32>)
    %sort3A_660 = arith.constant dense<true> : vector<16xi1>
    %sort3A_661, %sort3A_662, %sort3A_663 = tpu.sort %max3A_647, %max3A_647 masked %sort3A_660 : (vector<16xf32>, vector<16xf32>, vector<16xi1>) -> (vector<16xi1>, vector<16xf32>, vector<16xf32>)
    %min3A_664 = arith.minimumf %max3A_636, %max3A_638 : vector<16xf32>
    %max3A_665 = arith.maximumf %max3A_636, %max3A_638 : vector<16xf32>
    %min3A_666 = arith.minimumf %max3A_637, %max3A_639 : vector<16xf32>
    %max3A_667 = arith.maximumf %max3A_637, %max3A_639 : vector<16xf32>
    %min3A_668 = arith.minimumf %min3A_664, %min3A_666 : vector<16xf32>
    %max3A_669 = arith.maximumf %min3A_664, %min3A_666 : vector<16xf32>
    %min3A_670 = arith.minimumf %max3A_665, %max3A_667 : vector<16xf32>
    %max3A_671 = arith.maximumf %max3A_665, %max3A_667 : vector<16xf32>
    %sort3A_672 = arith.constant dense<true> : vector<16xi1>
    %sort3A_673, %sort3A_674, %sort3A_675 = tpu.sort %min3A_668, %min3A_668 masked %sort3A_672 : (vector<16xf32>, vector<16xf32>, vector<16xi1>) -> (vector<16xi1>, vector<16xf32>, vector<16xf32>)
    %sort3A_676 = arith.constant dense<true> : vector<16xi1>
    %sort3A_677, %sort3A_678, %sort3A_679 = tpu.sort %max3A_669, %max3A_669 masked %sort3A_676 : (vector<16xf32>, vector<16xf32>, vector<16xi1>) -> (vector<16xi1>, vector<16xf32>, vector<16xf32>)
    %sort3A_680 = arith.constant dense<true> : vector<16xi1>
    %sort3A_681, %sort3A_682, %sort3A_683 = tpu.sort %min3A_670, %min3A_670 masked %sort3A_680 : (vector<16xf32>, vector<16xf32>, vector<16xi1>) -> (vector<16xi1>, vector<16xf32>, vector<16xf32>)
    %sort3A_684 = arith.constant dense<true> : vector<16xi1>
    %sort3A_685, %sort3A_686, %sort3A_687 = tpu.sort %max3A_671, %max3A_671 masked %sort3A_684 : (vector<16xf32>, vector<16xf32>, vector<16xi1>) -> (vector<16xi1>, vector<16xf32>, vector<16xf32>)
    %rev3A_688 = arith.constant 15 : i32
    %rev3A_689 = vector.broadcast %rev3A_688 : i32 to vector<16xi32>
    %rev3A_690 = tpu.iota {dimensions = array<i32: 0>} : vector<16xi32>
    %rev3A_691 = arith.subi %rev3A_689, %rev3A_690 : vector<16xi32>
    %rev3A_692 = tpu.dynamic_gather %sort3A_610[%rev3A_691] in [0] : vector<16xf32>, vector<16xi32> -> vector<16xf32>
    %rev3A_693 = arith.constant 15 : i32
    %rev3A_694 = vector.broadcast %rev3A_693 : i32 to vector<16xi32>
    %rev3A_695 = tpu.iota {dimensions = array<i32: 0>} : vector<16xi32>
    %rev3A_696 = arith.subi %rev3A_694, %rev3A_695 : vector<16xi32>
    %rev3A_697 = tpu.dynamic_gather %sort3A_606[%rev3A_696] in [0] : vector<16xf32>, vector<16xi32> -> vector<16xf32>
    %rev3A_698 = arith.constant 15 : i32
    %rev3A_699 = vector.broadcast %rev3A_698 : i32 to vector<16xi32>
    %rev3A_700 = tpu.iota {dimensions = array<i32: 0>} : vector<16xi32>
    %rev3A_701 = arith.subi %rev3A_699, %rev3A_700 : vector<16xi32>
    %rev3A_702 = tpu.dynamic_gather %sort3A_600[%rev3A_701] in [0] : vector<16xf32>, vector<16xi32> -> vector<16xf32>
    %rev3A_703 = arith.constant 15 : i32
    %rev3A_704 = vector.broadcast %rev3A_703 : i32 to vector<16xi32>
    %rev3A_705 = tpu.iota {dimensions = array<i32: 0>} : vector<16xi32>
    %rev3A_706 = arith.subi %rev3A_704, %rev3A_705 : vector<16xi32>
    %rev3A_707 = tpu.dynamic_gather %sort3A_596[%rev3A_706] in [0] : vector<16xf32>, vector<16xi32> -> vector<16xf32>
    %min3A_708 = arith.minimumf %sort3A_562, %rev3A_692 : vector<16xf32>
    %min3A_709 = arith.minimumf %sort3A_566, %rev3A_697 : vector<16xf32>
    %min3A_710 = arith.minimumf %sort3A_572, %rev3A_702 : vector<16xf32>
    %min3A_711 = arith.minimumf %sort3A_576, %rev3A_707 : vector<16xf32>
    %max3A_712 = arith.maximumf %sort3A_562, %rev3A_692 : vector<16xf32>
    %max3A_713 = arith.maximumf %sort3A_566, %rev3A_697 : vector<16xf32>
    %max3A_714 = arith.maximumf %sort3A_572, %rev3A_702 : vector<16xf32>
    %max3A_715 = arith.maximumf %sort3A_576, %rev3A_707 : vector<16xf32>
    %min3A_716 = arith.minimumf %min3A_708, %min3A_710 : vector<16xf32>
    %max3A_717 = arith.maximumf %min3A_708, %min3A_710 : vector<16xf32>
    %min3A_718 = arith.minimumf %min3A_709, %min3A_711 : vector<16xf32>
    %max3A_719 = arith.maximumf %min3A_709, %min3A_711 : vector<16xf32>
    %min3A_720 = arith.minimumf %min3A_716, %min3A_718 : vector<16xf32>
    %max3A_721 = arith.maximumf %min3A_716, %min3A_718 : vector<16xf32>
    %min3A_722 = arith.minimumf %max3A_717, %max3A_719 : vector<16xf32>
    %max3A_723 = arith.maximumf %max3A_717, %max3A_719 : vector<16xf32>
    %sort3A_724 = arith.constant dense<true> : vector<16xi1>
    %sort3A_725, %sort3A_726, %sort3A_727 = tpu.sort %min3A_720, %min3A_720 masked %sort3A_724 : (vector<16xf32>, vector<16xf32>, vector<16xi1>) -> (vector<16xi1>, vector<16xf32>, vector<16xf32>)
    %sort3A_728 = arith.constant dense<true> : vector<16xi1>
    %sort3A_729, %sort3A_730, %sort3A_731 = tpu.sort %max3A_721, %max3A_721 masked %sort3A_728 : (vector<16xf32>, vector<16xf32>, vector<16xi1>) -> (vector<16xi1>, vector<16xf32>, vector<16xf32>)
    %sort3A_732 = arith.constant dense<true> : vector<16xi1>
    %sort3A_733, %sort3A_734, %sort3A_735 = tpu.sort %min3A_722, %min3A_722 masked %sort3A_732 : (vector<16xf32>, vector<16xf32>, vector<16xi1>) -> (vector<16xi1>, vector<16xf32>, vector<16xf32>)
    %sort3A_736 = arith.constant dense<true> : vector<16xi1>
    %sort3A_737, %sort3A_738, %sort3A_739 = tpu.sort %max3A_723, %max3A_723 masked %sort3A_736 : (vector<16xf32>, vector<16xf32>, vector<16xi1>) -> (vector<16xi1>, vector<16xf32>, vector<16xf32>)
    %min3A_740 = arith.minimumf %max3A_712, %max3A_714 : vector<16xf32>
    %max3A_741 = arith.maximumf %max3A_712, %max3A_714 : vector<16xf32>
    %min3A_742 = arith.minimumf %max3A_713, %max3A_715 : vector<16xf32>
    %max3A_743 = arith.maximumf %max3A_713, %max3A_715 : vector<16xf32>
    %min3A_744 = arith.minimumf %min3A_740, %min3A_742 : vector<16xf32>
    %max3A_745 = arith.maximumf %min3A_740, %min3A_742 : vector<16xf32>
    %min3A_746 = arith.minimumf %max3A_741, %max3A_743 : vector<16xf32>
    %max3A_747 = arith.maximumf %max3A_741, %max3A_743 : vector<16xf32>
    %sort3A_748 = arith.constant dense<true> : vector<16xi1>
    %sort3A_749, %sort3A_750, %sort3A_751 = tpu.sort %min3A_744, %min3A_744 masked %sort3A_748 : (vector<16xf32>, vector<16xf32>, vector<16xi1>) -> (vector<16xi1>, vector<16xf32>, vector<16xf32>)
    %sort3A_752 = arith.constant dense<true> : vector<16xi1>
    %sort3A_753, %sort3A_754, %sort3A_755 = tpu.sort %max3A_745, %max3A_745 masked %sort3A_752 : (vector<16xf32>, vector<16xf32>, vector<16xi1>) -> (vector<16xi1>, vector<16xf32>, vector<16xf32>)
    %sort3A_756 = arith.constant dense<true> : vector<16xi1>
    %sort3A_757, %sort3A_758, %sort3A_759 = tpu.sort %min3A_746, %min3A_746 masked %sort3A_756 : (vector<16xf32>, vector<16xf32>, vector<16xi1>) -> (vector<16xi1>, vector<16xf32>, vector<16xf32>)
    %sort3A_760 = arith.constant dense<true> : vector<16xi1>
    %sort3A_761, %sort3A_762, %sort3A_763 = tpu.sort %max3A_747, %max3A_747 masked %sort3A_760 : (vector<16xf32>, vector<16xf32>, vector<16xi1>) -> (vector<16xi1>, vector<16xf32>, vector<16xf32>)
    %rev3A_764 = arith.constant 15 : i32
    %rev3A_765 = vector.broadcast %rev3A_764 : i32 to vector<16xi32>
    %rev3A_766 = tpu.iota {dimensions = array<i32: 0>} : vector<16xi32>
    %rev3A_767 = arith.subi %rev3A_765, %rev3A_766 : vector<16xi32>
    %rev3A_768 = tpu.dynamic_gather %sort3A_762[%rev3A_767] in [0] : vector<16xf32>, vector<16xi32> -> vector<16xf32>
    %rev3A_769 = arith.constant 15 : i32
    %rev3A_770 = vector.broadcast %rev3A_769 : i32 to vector<16xi32>
    %rev3A_771 = tpu.iota {dimensions = array<i32: 0>} : vector<16xi32>
    %rev3A_772 = arith.subi %rev3A_770, %rev3A_771 : vector<16xi32>
    %rev3A_773 = tpu.dynamic_gather %sort3A_758[%rev3A_772] in [0] : vector<16xf32>, vector<16xi32> -> vector<16xf32>
    %rev3A_774 = arith.constant 15 : i32
    %rev3A_775 = vector.broadcast %rev3A_774 : i32 to vector<16xi32>
    %rev3A_776 = tpu.iota {dimensions = array<i32: 0>} : vector<16xi32>
    %rev3A_777 = arith.subi %rev3A_775, %rev3A_776 : vector<16xi32>
    %rev3A_778 = tpu.dynamic_gather %sort3A_754[%rev3A_777] in [0] : vector<16xf32>, vector<16xi32> -> vector<16xf32>
    %rev3A_779 = arith.constant 15 : i32
    %rev3A_780 = vector.broadcast %rev3A_779 : i32 to vector<16xi32>
    %rev3A_781 = tpu.iota {dimensions = array<i32: 0>} : vector<16xi32>
    %rev3A_782 = arith.subi %rev3A_780, %rev3A_781 : vector<16xi32>
    %rev3A_783 = tpu.dynamic_gather %sort3A_750[%rev3A_782] in [0] : vector<16xf32>, vector<16xi32> -> vector<16xf32>
    %rev3A_784 = arith.constant 15 : i32
    %rev3A_785 = vector.broadcast %rev3A_784 : i32 to vector<16xi32>
    %rev3A_786 = tpu.iota {dimensions = array<i32: 0>} : vector<16xi32>
    %rev3A_787 = arith.subi %rev3A_785, %rev3A_786 : vector<16xi32>
    %rev3A_788 = tpu.dynamic_gather %sort3A_738[%rev3A_787] in [0] : vector<16xf32>, vector<16xi32> -> vector<16xf32>
    %rev3A_789 = arith.constant 15 : i32
    %rev3A_790 = vector.broadcast %rev3A_789 : i32 to vector<16xi32>
    %rev3A_791 = tpu.iota {dimensions = array<i32: 0>} : vector<16xi32>
    %rev3A_792 = arith.subi %rev3A_790, %rev3A_791 : vector<16xi32>
    %rev3A_793 = tpu.dynamic_gather %sort3A_734[%rev3A_792] in [0] : vector<16xf32>, vector<16xi32> -> vector<16xf32>
    %rev3A_794 = arith.constant 15 : i32
    %rev3A_795 = vector.broadcast %rev3A_794 : i32 to vector<16xi32>
    %rev3A_796 = tpu.iota {dimensions = array<i32: 0>} : vector<16xi32>
    %rev3A_797 = arith.subi %rev3A_795, %rev3A_796 : vector<16xi32>
    %rev3A_798 = tpu.dynamic_gather %sort3A_730[%rev3A_797] in [0] : vector<16xf32>, vector<16xi32> -> vector<16xf32>
    %rev3A_799 = arith.constant 15 : i32
    %rev3A_800 = vector.broadcast %rev3A_799 : i32 to vector<16xi32>
    %rev3A_801 = tpu.iota {dimensions = array<i32: 0>} : vector<16xi32>
    %rev3A_802 = arith.subi %rev3A_800, %rev3A_801 : vector<16xi32>
    %rev3A_803 = tpu.dynamic_gather %sort3A_726[%rev3A_802] in [0] : vector<16xf32>, vector<16xi32> -> vector<16xf32>
    %min3A_804 = arith.minimumf %sort3A_650, %rev3A_768 : vector<16xf32>
    %min3A_805 = arith.minimumf %sort3A_654, %rev3A_773 : vector<16xf32>
    %min3A_806 = arith.minimumf %sort3A_658, %rev3A_778 : vector<16xf32>
    %min3A_807 = arith.minimumf %sort3A_662, %rev3A_783 : vector<16xf32>
    %min3A_808 = arith.minimumf %sort3A_674, %rev3A_788 : vector<16xf32>
    %min3A_809 = arith.minimumf %sort3A_678, %rev3A_793 : vector<16xf32>
    %min3A_810 = arith.minimumf %sort3A_682, %rev3A_798 : vector<16xf32>
    %min3A_811 = arith.minimumf %sort3A_686, %rev3A_803 : vector<16xf32>
    %max3A_812 = arith.maximumf %sort3A_650, %rev3A_768 : vector<16xf32>
    %max3A_813 = arith.maximumf %sort3A_654, %rev3A_773 : vector<16xf32>
    %max3A_814 = arith.maximumf %sort3A_658, %rev3A_778 : vector<16xf32>
    %max3A_815 = arith.maximumf %sort3A_662, %rev3A_783 : vector<16xf32>
    %max3A_816 = arith.maximumf %sort3A_674, %rev3A_788 : vector<16xf32>
    %max3A_817 = arith.maximumf %sort3A_678, %rev3A_793 : vector<16xf32>
    %max3A_818 = arith.maximumf %sort3A_682, %rev3A_798 : vector<16xf32>
    %max3A_819 = arith.maximumf %sort3A_686, %rev3A_803 : vector<16xf32>
    %min3A_820 = arith.minimumf %min3A_804, %min3A_808 : vector<16xf32>
    %max3A_821 = arith.maximumf %min3A_804, %min3A_808 : vector<16xf32>
    %min3A_822 = arith.minimumf %min3A_805, %min3A_809 : vector<16xf32>
    %max3A_823 = arith.maximumf %min3A_805, %min3A_809 : vector<16xf32>
    %min3A_824 = arith.minimumf %min3A_806, %min3A_810 : vector<16xf32>
    %max3A_825 = arith.maximumf %min3A_806, %min3A_810 : vector<16xf32>
    %min3A_826 = arith.minimumf %min3A_807, %min3A_811 : vector<16xf32>
    %max3A_827 = arith.maximumf %min3A_807, %min3A_811 : vector<16xf32>
    %min3A_828 = arith.minimumf %min3A_820, %min3A_824 : vector<16xf32>
    %max3A_829 = arith.maximumf %min3A_820, %min3A_824 : vector<16xf32>
    %min3A_830 = arith.minimumf %min3A_822, %min3A_826 : vector<16xf32>
    %max3A_831 = arith.maximumf %min3A_822, %min3A_826 : vector<16xf32>
    %min3A_832 = arith.minimumf %max3A_821, %max3A_825 : vector<16xf32>
    %max3A_833 = arith.maximumf %max3A_821, %max3A_825 : vector<16xf32>
    %min3A_834 = arith.minimumf %max3A_823, %max3A_827 : vector<16xf32>
    %max3A_835 = arith.maximumf %max3A_823, %max3A_827 : vector<16xf32>
    %min3A_836 = arith.minimumf %min3A_828, %min3A_830 : vector<16xf32>
    %max3A_837 = arith.maximumf %min3A_828, %min3A_830 : vector<16xf32>
    %min3A_838 = arith.minimumf %max3A_829, %max3A_831 : vector<16xf32>
    %max3A_839 = arith.maximumf %max3A_829, %max3A_831 : vector<16xf32>
    %min3A_840 = arith.minimumf %min3A_832, %min3A_834 : vector<16xf32>
    %max3A_841 = arith.maximumf %min3A_832, %min3A_834 : vector<16xf32>
    %min3A_842 = arith.minimumf %max3A_833, %max3A_835 : vector<16xf32>
    %max3A_843 = arith.maximumf %max3A_833, %max3A_835 : vector<16xf32>
    %sort3A_844 = arith.constant dense<true> : vector<16xi1>
    %sort3A_845, %sort3A_846, %sort3A_847 = tpu.sort %min3A_836, %min3A_836 masked %sort3A_844 : (vector<16xf32>, vector<16xf32>, vector<16xi1>) -> (vector<16xi1>, vector<16xf32>, vector<16xf32>)
    %sort3A_848 = arith.constant dense<true> : vector<16xi1>
    %sort3A_849, %sort3A_850, %sort3A_851 = tpu.sort %max3A_837, %max3A_837 masked %sort3A_848 : (vector<16xf32>, vector<16xf32>, vector<16xi1>) -> (vector<16xi1>, vector<16xf32>, vector<16xf32>)
    %sort3A_852 = arith.constant dense<true> : vector<16xi1>
    %sort3A_853, %sort3A_854, %sort3A_855 = tpu.sort %min3A_838, %min3A_838 masked %sort3A_852 : (vector<16xf32>, vector<16xf32>, vector<16xi1>) -> (vector<16xi1>, vector<16xf32>, vector<16xf32>)
    %sort3A_856 = arith.constant dense<true> : vector<16xi1>
    %sort3A_857, %sort3A_858, %sort3A_859 = tpu.sort %max3A_839, %max3A_839 masked %sort3A_856 : (vector<16xf32>, vector<16xf32>, vector<16xi1>) -> (vector<16xi1>, vector<16xf32>, vector<16xf32>)
    %sort3A_860 = arith.constant dense<true> : vector<16xi1>
    %sort3A_861, %sort3A_862, %sort3A_863 = tpu.sort %min3A_840, %min3A_840 masked %sort3A_860 : (vector<16xf32>, vector<16xf32>, vector<16xi1>) -> (vector<16xi1>, vector<16xf32>, vector<16xf32>)
    %sort3A_864 = arith.constant dense<true> : vector<16xi1>
    %sort3A_865, %sort3A_866, %sort3A_867 = tpu.sort %max3A_841, %max3A_841 masked %sort3A_864 : (vector<16xf32>, vector<16xf32>, vector<16xi1>) -> (vector<16xi1>, vector<16xf32>, vector<16xf32>)
    %sort3A_868 = arith.constant dense<true> : vector<16xi1>
    %sort3A_869, %sort3A_870, %sort3A_871 = tpu.sort %min3A_842, %min3A_842 masked %sort3A_868 : (vector<16xf32>, vector<16xf32>, vector<16xi1>) -> (vector<16xi1>, vector<16xf32>, vector<16xf32>)
    %sort3A_872 = arith.constant dense<true> : vector<16xi1>
    %sort3A_873, %sort3A_874, %sort3A_875 = tpu.sort %max3A_843, %max3A_843 masked %sort3A_872 : (vector<16xf32>, vector<16xf32>, vector<16xi1>) -> (vector<16xi1>, vector<16xf32>, vector<16xf32>)
    %min3A_876 = arith.minimumf %max3A_812, %max3A_816 : vector<16xf32>
    %max3A_877 = arith.maximumf %max3A_812, %max3A_816 : vector<16xf32>
    %min3A_878 = arith.minimumf %max3A_813, %max3A_817 : vector<16xf32>
    %max3A_879 = arith.maximumf %max3A_813, %max3A_817 : vector<16xf32>
    %min3A_880 = arith.minimumf %max3A_814, %max3A_818 : vector<16xf32>
    %max3A_881 = arith.maximumf %max3A_814, %max3A_818 : vector<16xf32>
    %min3A_882 = arith.minimumf %max3A_815, %max3A_819 : vector<16xf32>
    %max3A_883 = arith.maximumf %max3A_815, %max3A_819 : vector<16xf32>
    %min3A_884 = arith.minimumf %min3A_876, %min3A_880 : vector<16xf32>
    %max3A_885 = arith.maximumf %min3A_876, %min3A_880 : vector<16xf32>
    %min3A_886 = arith.minimumf %min3A_878, %min3A_882 : vector<16xf32>
    %max3A_887 = arith.maximumf %min3A_878, %min3A_882 : vector<16xf32>
    %min3A_888 = arith.minimumf %max3A_877, %max3A_881 : vector<16xf32>
    %max3A_889 = arith.maximumf %max3A_877, %max3A_881 : vector<16xf32>
    %min3A_890 = arith.minimumf %max3A_879, %max3A_883 : vector<16xf32>
    %max3A_891 = arith.maximumf %max3A_879, %max3A_883 : vector<16xf32>
    %min3A_892 = arith.minimumf %min3A_884, %min3A_886 : vector<16xf32>
    %max3A_893 = arith.maximumf %min3A_884, %min3A_886 : vector<16xf32>
    %min3A_894 = arith.minimumf %max3A_885, %max3A_887 : vector<16xf32>
    %max3A_895 = arith.maximumf %max3A_885, %max3A_887 : vector<16xf32>
    %min3A_896 = arith.minimumf %min3A_888, %min3A_890 : vector<16xf32>
    %max3A_897 = arith.maximumf %min3A_888, %min3A_890 : vector<16xf32>
    %min3A_898 = arith.minimumf %max3A_889, %max3A_891 : vector<16xf32>
    %max3A_899 = arith.maximumf %max3A_889, %max3A_891 : vector<16xf32>
    %sort3A_900 = arith.constant dense<true> : vector<16xi1>
    %sort3A_901, %sort3A_902, %sort3A_903 = tpu.sort %min3A_892, %min3A_892 masked %sort3A_900 : (vector<16xf32>, vector<16xf32>, vector<16xi1>) -> (vector<16xi1>, vector<16xf32>, vector<16xf32>)
    %sort3A_904 = arith.constant dense<true> : vector<16xi1>
    %sort3A_905, %sort3A_906, %sort3A_907 = tpu.sort %max3A_893, %max3A_893 masked %sort3A_904 : (vector<16xf32>, vector<16xf32>, vector<16xi1>) -> (vector<16xi1>, vector<16xf32>, vector<16xf32>)
    %sort3A_908 = arith.constant dense<true> : vector<16xi1>
    %sort3A_909, %sort3A_910, %sort3A_911 = tpu.sort %min3A_894, %min3A_894 masked %sort3A_908 : (vector<16xf32>, vector<16xf32>, vector<16xi1>) -> (vector<16xi1>, vector<16xf32>, vector<16xf32>)
    %sort3A_912 = arith.constant dense<true> : vector<16xi1>
    %sort3A_913, %sort3A_914, %sort3A_915 = tpu.sort %max3A_895, %max3A_895 masked %sort3A_912 : (vector<16xf32>, vector<16xf32>, vector<16xi1>) -> (vector<16xi1>, vector<16xf32>, vector<16xf32>)
    %sort3A_916 = arith.constant dense<true> : vector<16xi1>
    %sort3A_917, %sort3A_918, %sort3A_919 = tpu.sort %min3A_896, %min3A_896 masked %sort3A_916 : (vector<16xf32>, vector<16xf32>, vector<16xi1>) -> (vector<16xi1>, vector<16xf32>, vector<16xf32>)
    %sort3A_920 = arith.constant dense<true> : vector<16xi1>
    %sort3A_921, %sort3A_922, %sort3A_923 = tpu.sort %max3A_897, %max3A_897 masked %sort3A_920 : (vector<16xf32>, vector<16xf32>, vector<16xi1>) -> (vector<16xi1>, vector<16xf32>, vector<16xf32>)
    %sort3A_924 = arith.constant dense<true> : vector<16xi1>
    %sort3A_925, %sort3A_926, %sort3A_927 = tpu.sort %min3A_898, %min3A_898 masked %sort3A_924 : (vector<16xf32>, vector<16xf32>, vector<16xi1>) -> (vector<16xi1>, vector<16xf32>, vector<16xf32>)
    %sort3A_928 = arith.constant dense<true> : vector<16xi1>
    %sort3A_929, %sort3A_930, %sort3A_931 = tpu.sort %max3A_899, %max3A_899 masked %sort3A_928 : (vector<16xf32>, vector<16xf32>, vector<16xi1>) -> (vector<16xi1>, vector<16xf32>, vector<16xf32>)
    %swap3A = arith.constant 0 : index
    %swap3A_932 = tpu.vector_load %arg8[%swap3A] {strides = array<i32>} : memref<256xf32, #tpu.memory_space<vmem>>, vector<16xf32>,
    tpu.vector_store %arg8[%swap3A], %sort3A_846 {strides = array<i32>} : memref<256xf32, #tpu.memory_space<vmem>>, vector<16xf32>,
    %swap3A_933 = arith.constant 16 : index
    %swap3A_934 = tpu.vector_load %arg8[%swap3A_933] {strides = array<i32>} : memref<256xf32, #tpu.memory_space<vmem>>, vector<16xf32>,
    tpu.vector_store %arg8[%swap3A_933], %sort3A_850 {strides = array<i32>} : memref<256xf32, #tpu.memory_space<vmem>>, vector<16xf32>,
    %swap3A_935 = arith.constant 32 : index
    %swap3A_936 = tpu.vector_load %arg8[%swap3A_935] {strides = array<i32>} : memref<256xf32, #tpu.memory_space<vmem>>, vector<16xf32>,
    tpu.vector_store %arg8[%swap3A_935], %sort3A_854 {strides = array<i32>} : memref<256xf32, #tpu.memory_space<vmem>>, vector<16xf32>,
    %swap3A_937 = arith.constant 48 : index
    %swap3A_938 = tpu.vector_load %arg8[%swap3A_937] {strides = array<i32>} : memref<256xf32, #tpu.memory_space<vmem>>, vector<16xf32>,
    tpu.vector_store %arg8[%swap3A_937], %sort3A_858 {strides = array<i32>} : memref<256xf32, #tpu.memory_space<vmem>>, vector<16xf32>,
    %swap3A_939 = arith.constant 64 : index
    %swap3A_940 = tpu.vector_load %arg8[%swap3A_939] {strides = array<i32>} : memref<256xf32, #tpu.memory_space<vmem>>, vector<16xf32>,
    tpu.vector_store %arg8[%swap3A_939], %sort3A_862 {strides = array<i32>} : memref<256xf32, #tpu.memory_space<vmem>>, vector<16xf32>,
    %swap3A_941 = arith.constant 80 : index
    %swap3A_942 = tpu.vector_load %arg8[%swap3A_941] {strides = array<i32>} : memref<256xf32, #tpu.memory_space<vmem>>, vector<16xf32>,
    tpu.vector_store %arg8[%swap3A_941], %sort3A_866 {strides = array<i32>} : memref<256xf32, #tpu.memory_space<vmem>>, vector<16xf32>,
    %swap3A_943 = arith.constant 96 : index
    %swap3A_944 = tpu.vector_load %arg8[%swap3A_943] {strides = array<i32>} : memref<256xf32, #tpu.memory_space<vmem>>, vector<16xf32>,
    tpu.vector_store %arg8[%swap3A_943], %sort3A_870 {strides = array<i32>} : memref<256xf32, #tpu.memory_space<vmem>>, vector<16xf32>,
    %swap3A_945 = arith.constant 112 : index
    %swap3A_946 = tpu.vector_load %arg8[%swap3A_945] {strides = array<i32>} : memref<256xf32, #tpu.memory_space<vmem>>, vector<16xf32>,
    tpu.vector_store %arg8[%swap3A_945], %sort3A_874 {strides = array<i32>} : memref<256xf32, #tpu.memory_space<vmem>>, vector<16xf32>,
    %swap3A_947 = arith.constant 128 : index
    %swap3A_948 = tpu.vector_load %arg8[%swap3A_947] {strides = array<i32>} : memref<256xf32, #tpu.memory_space<vmem>>, vector<16xf32>,
    tpu.vector_store %arg8[%swap3A_947], %sort3A_902 {strides = array<i32>} : memref<256xf32, #tpu.memory_space<vmem>>, vector<16xf32>,
    %swap3A_949 = arith.constant 144 : index
    %swap3A_950 = tpu.vector_load %arg8[%swap3A_949] {strides = array<i32>} : memref<256xf32, #tpu.memory_space<vmem>>, vector<16xf32>,
    tpu.vector_store %arg8[%swap3A_949], %sort3A_906 {strides = array<i32>} : memref<256xf32, #tpu.memory_space<vmem>>, vector<16xf32>,
    %swap3A_951 = arith.constant 160 : index
    %swap3A_952 = tpu.vector_load %arg8[%swap3A_951] {strides = array<i32>} : memref<256xf32, #tpu.memory_space<vmem>>, vector<16xf32>,
    tpu.vector_store %arg8[%swap3A_951], %sort3A_910 {strides = array<i32>} : memref<256xf32, #tpu.memory_space<vmem>>, vector<16xf32>,
    %swap3A_953 = arith.constant 176 : index
    %swap3A_954 = tpu.vector_load %arg8[%swap3A_953] {strides = array<i32>} : memref<256xf32, #tpu.memory_space<vmem>>, vector<16xf32>,
    tpu.vector_store %arg8[%swap3A_953], %sort3A_914 {strides = array<i32>} : memref<256xf32, #tpu.memory_space<vmem>>, vector<16xf32>,
    %swap3A_955 = arith.constant 192 : index
    %swap3A_956 = tpu.vector_load %arg8[%swap3A_955] {strides = array<i32>} : memref<256xf32, #tpu.memory_space<vmem>>, vector<16xf32>,
    tpu.vector_store %arg8[%swap3A_955], %sort3A_918 {strides = array<i32>} : memref<256xf32, #tpu.memory_space<vmem>>, vector<16xf32>,
    %swap3A_957 = arith.constant 208 : index
    %swap3A_958 = tpu.vector_load %arg8[%swap3A_957] {strides = array<i32>} : memref<256xf32, #tpu.memory_space<vmem>>, vector<16xf32>,
    tpu.vector_store %arg8[%swap3A_957], %sort3A_922 {strides = array<i32>} : memref<256xf32, #tpu.memory_space<vmem>>, vector<16xf32>,
    %swap3A_959 = arith.constant 224 : index
    %swap3A_960 = tpu.vector_load %arg8[%swap3A_959] {strides = array<i32>} : memref<256xf32, #tpu.memory_space<vmem>>, vector<16xf32>,
    tpu.vector_store %arg8[%swap3A_959], %sort3A_926 {strides = array<i32>} : memref<256xf32, #tpu.memory_space<vmem>>, vector<16xf32>,
    %swap3A_961 = arith.constant 240 : index
    %swap3A_962 = tpu.vector_load %arg8[%swap3A_961] {strides = array<i32>} : memref<256xf32, #tpu.memory_space<vmem>>, vector<16xf32>,
    tpu.vector_store %arg8[%swap3A_961], %sort3A_930 {strides = array<i32>} : memref<256xf32, #tpu.memory_space<vmem>>, vector<16xf32>,
    %scan3A = arith.constant 0 : i32
    %scan3A_963 = arith.constant 0 : i32
    %scan3A_964 = arith.constant 17 : i32
    %scan3A_965 = arith.addi %scan3A_963, %scan3A_964 : i32
    %scan3A_966 = arith.constant 1 : i32
    %scan3A_967 = scf.for %scan3A_1017 = %scan3A_963 to %scan3A_965 step %scan3A_966 iter_args(%scan3A_1018 = %scan3A) -> (i32)  : i32 {
      %mul3A_1019 = arith.constant 16 : i32
      %mul3A_1020 = arith.muli %scan3A_1017, %mul3A_1019 : i32
      %add3A_1021 = arith.constant 0 : i32
      %add3A_1022 = arith.addi %add3A_1021, %mul3A_1020 : i32
      %swap3A_1023 = arith.index_cast %add3A_1022 : i32 to index
      %swap3A_1024 = tpu.vector_load %arg9[%swap3A_1023] {strides = array<i32>} : memref<4352xf32, #tpu.memory_space<vmem>>, vector<16xf32>,
      tpu.vector_store %arg9[%swap3A_1023], %broadcast_in_dim3A_31 {strides = array<i32>} : memref<4352xf32, #tpu.memory_space<vmem>>, vector<16xf32>,
      %mul3A_1025 = arith.constant 16 : i32
      %mul3A_1026 = arith.muli %scan3A_1017, %mul3A_1025 : i32
      %add3A_1027 = arith.constant 0 : i32
      %add3A_1028 = arith.addi %add3A_1027, %mul3A_1026 : i32
      %swap3A_1029 = arith.index_cast %add3A_1028 : i32 to index
      %swap3A_1030 = tpu.vector_load %arg10[%swap3A_1029] {strides = array<i32>} : memref<4352xf32, #tpu.memory_space<vmem>>, vector<16xf32>,
      tpu.vector_store %arg10[%swap3A_1029], %broadcast_in_dim3A_33 {strides = array<i32>} : memref<4352xf32, #tpu.memory_space<vmem>>, vector<16xf32>,
      %mul3A_1031 = arith.constant 16 : i32
      %mul3A_1032 = arith.muli %scan3A_1017, %mul3A_1031 : i32
      %add3A_1033 = arith.constant 0 : i32
      %add3A_1034 = arith.addi %add3A_1033, %mul3A_1032 : i32
      %swap3A_1035 = arith.index_cast %add3A_1034 : i32 to index
      %swap3A_1036 = tpu.vector_load %arg11[%swap3A_1035] {strides = array<i32>} : memref<4352xf32, #tpu.memory_space<vmem>>, vector<16xf32>,
      tpu.vector_store %arg11[%swap3A_1035], %broadcast_in_dim3A_31 {strides = array<i32>} : memref<4352xf32, #tpu.memory_space<vmem>>, vector<16xf32>,
      %mul3A_1037 = arith.constant 16 : i32
      %mul3A_1038 = arith.muli %scan3A_1017, %mul3A_1037 : i32
      %add3A_1039 = arith.constant 0 : i32
      %add3A_1040 = arith.addi %add3A_1039, %mul3A_1038 : i32
      %swap3A_1041 = arith.index_cast %add3A_1040 : i32 to index
      %swap3A_1042 = tpu.vector_load %arg12[%swap3A_1041] {strides = array<i32>} : memref<4352xf32, #tpu.memory_space<vmem>>, vector<16xf32>,
      tpu.vector_store %arg12[%swap3A_1041], %broadcast_in_dim3A_33 {strides = array<i32>} : memref<4352xf32, #tpu.memory_space<vmem>>, vector<16xf32>,
      %mul3A_1043 = arith.constant 16 : i32
      %mul3A_1044 = arith.muli %scan3A_1017, %mul3A_1043 : i32
      %add3A_1045 = arith.constant 272 : i32
      %add3A_1046 = arith.addi %add3A_1045, %mul3A_1044 : i32
      %swap3A_1047 = arith.index_cast %add3A_1046 : i32 to index
      %swap3A_1048 = tpu.vector_load %arg9[%swap3A_1047] {strides = array<i32>} : memref<4352xf32, #tpu.memory_space<vmem>>, vector<16xf32>,
      tpu.vector_store %arg9[%swap3A_1047], %broadcast_in_dim3A_31 {strides = array<i32>} : memref<4352xf32, #tpu.memory_space<vmem>>, vector<16xf32>,
      %mul3A_1049 = arith.constant 16 : i32
      %mul3A_1050 = arith.muli %scan3A_1017, %mul3A_1049 : i32
      %add3A_1051 = arith.constant 272 : i32
      %add3A_1052 = arith.addi %add3A_1051, %mul3A_1050 : i32
      %swap3A_1053 = arith.index_cast %add3A_1052 : i32 to index
      %swap3A_1054 = tpu.vector_load %arg10[%swap3A_1053] {strides = array<i32>} : memref<4352xf32, #tpu.memory_space<vmem>>, vector<16xf32>,
      tpu.vector_store %arg10[%swap3A_1053], %broadcast_in_dim3A_33 {strides = array<i32>} : memref<4352xf32, #tpu.memory_space<vmem>>, vector<16xf32>,
      %mul3A_1055 = arith.constant 16 : i32
      %mul3A_1056 = arith.muli %scan3A_1017, %mul3A_1055 : i32
      %add3A_1057 = arith.constant 272 : i32
      %add3A_1058 = arith.addi %add3A_1057, %mul3A_1056 : i32
      %swap3A_1059 = arith.index_cast %add3A_1058 : i32 to index
      %swap3A_1060 = tpu.vector_load %arg11[%swap3A_1059] {strides = array<i32>} : memref<4352xf32, #tpu.memory_space<vmem>>, vector<16xf32>,
      tpu.vector_store %arg11[%swap3A_1059], %broadcast_in_dim3A_31 {strides = array<i32>} : memref<4352xf32, #tpu.memory_space<vmem>>, vector<16xf32>,
      %mul3A_1061 = arith.constant 16 : i32
      %mul3A_1062 = arith.muli %scan3A_1017, %mul3A_1061 : i32
      %add3A_1063 = arith.constant 272 : i32
      %add3A_1064 = arith.addi %add3A_1063, %mul3A_1062 : i32
      %swap3A_1065 = arith.index_cast %add3A_1064 : i32 to index
      %swap3A_1066 = tpu.vector_load %arg12[%swap3A_1065] {strides = array<i32>} : memref<4352xf32, #tpu.memory_space<vmem>>, vector<16xf32>,
      tpu.vector_store %arg12[%swap3A_1065], %broadcast_in_dim3A_33 {strides = array<i32>} : memref<4352xf32, #tpu.memory_space<vmem>>, vector<16xf32>,
      %mul3A_1067 = arith.constant 16 : i32
      %mul3A_1068 = arith.muli %scan3A_1017, %mul3A_1067 : i32
      %add3A_1069 = arith.constant 544 : i32
      %add3A_1070 = arith.addi %add3A_1069, %mul3A_1068 : i32
      %swap3A_1071 = arith.index_cast %add3A_1070 : i32 to index
      %swap3A_1072 = tpu.vector_load %arg9[%swap3A_1071] {strides = array<i32>} : memref<4352xf32, #tpu.memory_space<vmem>>, vector<16xf32>,
      tpu.vector_store %arg9[%swap3A_1071], %broadcast_in_dim3A_31 {strides = array<i32>} : memref<4352xf32, #tpu.memory_space<vmem>>, vector<16xf32>,
      %mul3A_1073 = arith.constant 16 : i32
      %mul3A_1074 = arith.muli %scan3A_1017, %mul3A_1073 : i32
      %add3A_1075 = arith.constant 544 : i32
      %add3A_1076 = arith.addi %add3A_1075, %mul3A_1074 : i32
      %swap3A_1077 = arith.index_cast %add3A_1076 : i32 to index
      %swap3A_1078 = tpu.vector_load %arg10[%swap3A_1077] {strides = array<i32>} : memref<4352xf32, #tpu.memory_space<vmem>>, vector<16xf32>,
      tpu.vector_store %arg10[%swap3A_1077], %broadcast_in_dim3A_33 {strides = array<i32>} : memref<4352xf32, #tpu.memory_space<vmem>>, vector<16xf32>,
      %mul3A_1079 = arith.constant 16 : i32
      %mul3A_1080 = arith.muli %scan3A_1017, %mul3A_1079 : i32
      %add3A_1081 = arith.constant 544 : i32
      %add3A_1082 = arith.addi %add3A_1081, %mul3A_1080 : i32
      %swap3A_1083 = arith.index_cast %add3A_1082 : i32 to index
      %swap3A_1084 = tpu.vector_load %arg11[%swap3A_1083] {strides = array<i32>} : memref<4352xf32, #tpu.memory_space<vmem>>, vector<16xf32>,
      tpu.vector_store %arg11[%swap3A_1083], %broadcast_in_dim3A_31 {strides = array<i32>} : memref<4352xf32, #tpu.memory_space<vmem>>, vector<16xf32>,
      %mul3A_1085 = arith.constant 16 : i32
      %mul3A_1086 = arith.muli %scan3A_1017, %mul3A_1085 : i32
      %add3A_1087 = arith.constant 544 : i32
      %add3A_1088 = arith.addi %add3A_1087, %mul3A_1086 : i32
      %swap3A_1089 = arith.index_cast %add3A_1088 : i32 to index
      %swap3A_1090 = tpu.vector_load %arg12[%swap3A_1089] {strides = array<i32>} : memref<4352xf32, #tpu.memory_space<vmem>>, vector<16xf32>,
      tpu.vector_store %arg12[%swap3A_1089], %broadcast_in_dim3A_33 {strides = array<i32>} : memref<4352xf32, #tpu.memory_space<vmem>>, vector<16xf32>,
      %mul3A_1091 = arith.constant 16 : i32
      %mul3A_1092 = arith.muli %scan3A_1017, %mul3A_1091 : i32
      %add3A_1093 = arith.constant 816 : i32
      %add3A_1094 = arith.addi %add3A_1093, %mul3A_1092 : i32
      %swap3A_1095 = arith.index_cast %add3A_1094 : i32 to index
      %swap3A_1096 = tpu.vector_load %arg9[%swap3A_1095] {strides = array<i32>} : memref<4352xf32, #tpu.memory_space<vmem>>, vector<16xf32>,
      tpu.vector_store %arg9[%swap3A_1095], %broadcast_in_dim3A_31 {strides = array<i32>} : memref<4352xf32, #tpu.memory_space<vmem>>, vector<16xf32>,
      %mul3A_1097 = arith.constant 16 : i32
      %mul3A_1098 = arith.muli %scan3A_1017, %mul3A_1097 : i32
      %add3A_1099 = arith.constant 816 : i32
      %add3A_1100 = arith.addi %add3A_1099, %mul3A_1098 : i32
      %swap3A_1101 = arith.index_cast %add3A_1100 : i32 to index
      %swap3A_1102 = tpu.vector_load %arg10[%swap3A_1101] {strides = array<i32>} : memref<4352xf32, #tpu.memory_space<vmem>>, vector<16xf32>,
      tpu.vector_store %arg10[%swap3A_1101], %broadcast_in_dim3A_33 {strides = array<i32>} : memref<4352xf32, #tpu.memory_space<vmem>>, vector<16xf32>,
      %mul3A_1103 = arith.constant 16 : i32
      %mul3A_1104 = arith.muli %scan3A_1017, %mul3A_1103 : i32
      %add3A_1105 = arith.constant 816 : i32
      %add3A_1106 = arith.addi %add3A_1105, %mul3A_1104 : i32
      %swap3A_1107 = arith.index_cast %add3A_1106 : i32 to index
      %swap3A_1108 = tpu.vector_load %arg11[%swap3A_1107] {strides = array<i32>} : memref<4352xf32, #tpu.memory_space<vmem>>, vector<16xf32>,
      tpu.vector_store %arg11[%swap3A_1107], %broadcast_in_dim3A_31 {strides = array<i32>} : memref<4352xf32, #tpu.memory_space<vmem>>, vector<16xf32>,
      %mul3A_1109 = arith.constant 16 : i32
      %mul3A_1110 = arith.muli %scan3A_1017, %mul3A_1109 : i32
      %add3A_1111 = arith.constant 816 : i32
      %add3A_1112 = arith.addi %add3A_1111, %mul3A_1110 : i32
      %swap3A_1113 = arith.index_cast %add3A_1112 : i32 to index
      %swap3A_1114 = tpu.vector_load %arg12[%swap3A_1113] {strides = array<i32>} : memref<4352xf32, #tpu.memory_space<vmem>>, vector<16xf32>,
      tpu.vector_store %arg12[%swap3A_1113], %broadcast_in_dim3A_33 {strides = array<i32>} : memref<4352xf32, #tpu.memory_space<vmem>>, vector<16xf32>,
      %mul3A_1115 = arith.constant 16 : i32
      %mul3A_1116 = arith.muli %scan3A_1017, %mul3A_1115 : i32
      %add3A_1117 = arith.constant 1088 : i32
      %add3A_1118 = arith.addi %add3A_1117, %mul3A_1116 : i32
      %swap3A_1119 = arith.index_cast %add3A_1118 : i32 to index
      %swap3A_1120 = tpu.vector_load %arg9[%swap3A_1119] {strides = array<i32>} : memref<4352xf32, #tpu.memory_space<vmem>>, vector<16xf32>,
      tpu.vector_store %arg9[%swap3A_1119], %broadcast_in_dim3A_31 {strides = array<i32>} : memref<4352xf32, #tpu.memory_space<vmem>>, vector<16xf32>,
      %mul3A_1121 = arith.constant 16 : i32
      %mul3A_1122 = arith.muli %scan3A_1017, %mul3A_1121 : i32
      %add3A_1123 = arith.constant 1088 : i32
      %add3A_1124 = arith.addi %add3A_1123, %mul3A_1122 : i32
      %swap3A_1125 = arith.index_cast %add3A_1124 : i32 to index
      %swap3A_1126 = tpu.vector_load %arg10[%swap3A_1125] {strides = array<i32>} : memref<4352xf32, #tpu.memory_space<vmem>>, vector<16xf32>,
      tpu.vector_store %arg10[%swap3A_1125], %broadcast_in_dim3A_33 {strides = array<i32>} : memref<4352xf32, #tpu.memory_space<vmem>>, vector<16xf32>,
      %mul3A_1127 = arith.constant 16 : i32
      %mul3A_1128 = arith.muli %scan3A_1017, %mul3A_1127 : i32
      %add3A_1129 = arith.constant 1088 : i32
      %add3A_1130 = arith.addi %add3A_1129, %mul3A_1128 : i32
      %swap3A_1131 = arith.index_cast %add3A_1130 : i32 to index
      %swap3A_1132 = tpu.vector_load %arg11[%swap3A_1131] {strides = array<i32>} : memref<4352xf32, #tpu.memory_space<vmem>>, vector<16xf32>,
      tpu.vector_store %arg11[%swap3A_1131], %broadcast_in_dim3A_31 {strides = array<i32>} : memref<4352xf32, #tpu.memory_space<vmem>>, vector<16xf32>,
      %mul3A_1133 = arith.constant 16 : i32
      %mul3A_1134 = arith.muli %scan3A_1017, %mul3A_1133 : i32
      %add3A_1135 = arith.constant 1088 : i32
      %add3A_1136 = arith.addi %add3A_1135, %mul3A_1134 : i32
      %swap3A_1137 = arith.index_cast %add3A_1136 : i32 to index
      %swap3A_1138 = tpu.vector_load %arg12[%swap3A_1137] {strides = array<i32>} : memref<4352xf32, #tpu.memory_space<vmem>>, vector<16xf32>,
      tpu.vector_store %arg12[%swap3A_1137], %broadcast_in_dim3A_33 {strides = array<i32>} : memref<4352xf32, #tpu.memory_space<vmem>>, vector<16xf32>,
      %mul3A_1139 = arith.constant 16 : i32
      %mul3A_1140 = arith.muli %scan3A_1017, %mul3A_1139 : i32
      %add3A_1141 = arith.constant 1360 : i32
      %add3A_1142 = arith.addi %add3A_1141, %mul3A_1140 : i32
      %swap3A_1143 = arith.index_cast %add3A_1142 : i32 to index
      %swap3A_1144 = tpu.vector_load %arg9[%swap3A_1143] {strides = array<i32>} : memref<4352xf32, #tpu.memory_space<vmem>>, vector<16xf32>,
      tpu.vector_store %arg9[%swap3A_1143], %broadcast_in_dim3A_31 {strides = array<i32>} : memref<4352xf32, #tpu.memory_space<vmem>>, vector<16xf32>,
      %mul3A_1145 = arith.constant 16 : i32
      %mul3A_1146 = arith.muli %scan3A_1017, %mul3A_1145 : i32
      %add3A_1147 = arith.constant 1360 : i32
      %add3A_1148 = arith.addi %add3A_1147, %mul3A_1146 : i32
      %swap3A_1149 = arith.index_cast %add3A_1148 : i32 to index
      %swap3A_1150 = tpu.vector_load %arg10[%swap3A_1149] {strides = array<i32>} : memref<4352xf32, #tpu.memory_space<vmem>>, vector<16xf32>,
      tpu.vector_store %arg10[%swap3A_1149], %broadcast_in_dim3A_33 {strides = array<i32>} : memref<4352xf32, #tpu.memory_space<vmem>>, vector<16xf32>,
      %mul3A_1151 = arith.constant 16 : i32
      %mul3A_1152 = arith.muli %scan3A_1017, %mul3A_1151 : i32
      %add3A_1153 = arith.constant 1360 : i32
      %add3A_1154 = arith.addi %add3A_1153, %mul3A_1152 : i32
      %swap3A_1155 = arith.index_cast %add3A_1154 : i32 to index
      %swap3A_1156 = tpu.vector_load %arg11[%swap3A_1155] {strides = array<i32>} : memref<4352xf32, #tpu.memory_space<vmem>>, vector<16xf32>,
      tpu.vector_store %arg11[%swap3A_1155], %broadcast_in_dim3A_31 {strides = array<i32>} : memref<4352xf32, #tpu.memory_space<vmem>>, vector<16xf32>,
      %mul3A_1157 = arith.constant 16 : i32
      %mul3A_1158 = arith.muli %scan3A_1017, %mul3A_1157 : i32
      %add3A_1159 = arith.constant 1360 : i32
      %add3A_1160 = arith.addi %add3A_1159, %mul3A_1158 : i32
      %swap3A_1161 = arith.index_cast %add3A_1160 : i32 to index
      %swap3A_1162 = tpu.vector_load %arg12[%swap3A_1161] {strides = array<i32>} : memref<4352xf32, #tpu.memory_space<vmem>>, vector<16xf32>,
      tpu.vector_store %arg12[%swap3A_1161], %broadcast_in_dim3A_33 {strides = array<i32>} : memref<4352xf32, #tpu.memory_space<vmem>>, vector<16xf32>,
      %mul3A_1163 = arith.constant 16 : i32
      %mul3A_1164 = arith.muli %scan3A_1017, %mul3A_1163 : i32
      %add3A_1165 = arith.constant 1632 : i32
      %add3A_1166 = arith.addi %add3A_1165, %mul3A_1164 : i32
      %swap3A_1167 = arith.index_cast %add3A_1166 : i32 to index
      %swap3A_1168 = tpu.vector_load %arg9[%swap3A_1167] {strides = array<i32>} : memref<4352xf32, #tpu.memory_space<vmem>>, vector<16xf32>,
      tpu.vector_store %arg9[%swap3A_1167], %broadcast_in_dim3A_31 {strides = array<i32>} : memref<4352xf32, #tpu.memory_space<vmem>>, vector<16xf32>,
      %mul3A_1169 = arith.constant 16 : i32
      %mul3A_1170 = arith.muli %scan3A_1017, %mul3A_1169 : i32
      %add3A_1171 = arith.constant 1632 : i32
      %add3A_1172 = arith.addi %add3A_1171, %mul3A_1170 : i32
      %swap3A_1173 = arith.index_cast %add3A_1172 : i32 to index
      %swap3A_1174 = tpu.vector_load %arg10[%swap3A_1173] {strides = array<i32>} : memref<4352xf32, #tpu.memory_space<vmem>>, vector<16xf32>,
      tpu.vector_store %arg10[%swap3A_1173], %broadcast_in_dim3A_33 {strides = array<i32>} : memref<4352xf32, #tpu.memory_space<vmem>>, vector<16xf32>,
      %mul3A_1175 = arith.constant 16 : i32
      %mul3A_1176 = arith.muli %scan3A_1017, %mul3A_1175 : i32
      %add3A_1177 = arith.constant 1632 : i32
      %add3A_1178 = arith.addi %add3A_1177, %mul3A_1176 : i32
      %swap3A_1179 = arith.index_cast %add3A_1178 : i32 to index
      %swap3A_1180 = tpu.vector_load %arg11[%swap3A_1179] {strides = array<i32>} : memref<4352xf32, #tpu.memory_space<vmem>>, vector<16xf32>,
      tpu.vector_store %arg11[%swap3A_1179], %broadcast_in_dim3A_31 {strides = array<i32>} : memref<4352xf32, #tpu.memory_space<vmem>>, vector<16xf32>,
      %mul3A_1181 = arith.constant 16 : i32
      %mul3A_1182 = arith.muli %scan3A_1017, %mul3A_1181 : i32
      %add3A_1183 = arith.constant 1632 : i32
      %add3A_1184 = arith.addi %add3A_1183, %mul3A_1182 : i32
      %swap3A_1185 = arith.index_cast %add3A_1184 : i32 to index
      %swap3A_1186 = tpu.vector_load %arg12[%swap3A_1185] {strides = array<i32>} : memref<4352xf32, #tpu.memory_space<vmem>>, vector<16xf32>,
      tpu.vector_store %arg12[%swap3A_1185], %broadcast_in_dim3A_33 {strides = array<i32>} : memref<4352xf32, #tpu.memory_space<vmem>>, vector<16xf32>,
      %mul3A_1187 = arith.constant 16 : i32
      %mul3A_1188 = arith.muli %scan3A_1017, %mul3A_1187 : i32
      %add3A_1189 = arith.constant 1904 : i32
      %add3A_1190 = arith.addi %add3A_1189, %mul3A_1188 : i32
      %swap3A_1191 = arith.index_cast %add3A_1190 : i32 to index
      %swap3A_1192 = tpu.vector_load %arg9[%swap3A_1191] {strides = array<i32>} : memref<4352xf32, #tpu.memory_space<vmem>>, vector<16xf32>,
      tpu.vector_store %arg9[%swap3A_1191], %broadcast_in_dim3A_31 {strides = array<i32>} : memref<4352xf32, #tpu.memory_space<vmem>>, vector<16xf32>,
      %mul3A_1193 = arith.constant 16 : i32
      %mul3A_1194 = arith.muli %scan3A_1017, %mul3A_1193 : i32
      %add3A_1195 = arith.constant 1904 : i32
      %add3A_1196 = arith.addi %add3A_1195, %mul3A_1194 : i32
      %swap3A_1197 = arith.index_cast %add3A_1196 : i32 to index
      %swap3A_1198 = tpu.vector_load %arg10[%swap3A_1197] {strides = array<i32>} : memref<4352xf32, #tpu.memory_space<vmem>>, vector<16xf32>,
      tpu.vector_store %arg10[%swap3A_1197], %broadcast_in_dim3A_33 {strides = array<i32>} : memref<4352xf32, #tpu.memory_space<vmem>>, vector<16xf32>,
      %mul3A_1199 = arith.constant 16 : i32
      %mul3A_1200 = arith.muli %scan3A_1017, %mul3A_1199 : i32
      %add3A_1201 = arith.constant 1904 : i32
      %add3A_1202 = arith.addi %add3A_1201, %mul3A_1200 : i32
      %swap3A_1203 = arith.index_cast %add3A_1202 : i32 to index
      %swap3A_1204 = tpu.vector_load %arg11[%swap3A_1203] {strides = array<i32>} : memref<4352xf32, #tpu.memory_space<vmem>>, vector<16xf32>,
      tpu.vector_store %arg11[%swap3A_1203], %broadcast_in_dim3A_31 {strides = array<i32>} : memref<4352xf32, #tpu.memory_space<vmem>>, vector<16xf32>,
      %mul3A_1205 = arith.constant 16 : i32
      %mul3A_1206 = arith.muli %scan3A_1017, %mul3A_1205 : i32
      %add3A_1207 = arith.constant 1904 : i32
      %add3A_1208 = arith.addi %add3A_1207, %mul3A_1206 : i32
      %swap3A_1209 = arith.index_cast %add3A_1208 : i32 to index
      %swap3A_1210 = tpu.vector_load %arg12[%swap3A_1209] {strides = array<i32>} : memref<4352xf32, #tpu.memory_space<vmem>>, vector<16xf32>,
      tpu.vector_store %arg12[%swap3A_1209], %broadcast_in_dim3A_33 {strides = array<i32>} : memref<4352xf32, #tpu.memory_space<vmem>>, vector<16xf32>,
      %mul3A_1211 = arith.constant 16 : i32
      %mul3A_1212 = arith.muli %scan3A_1017, %mul3A_1211 : i32
      %add3A_1213 = arith.constant 2176 : i32
      %add3A_1214 = arith.addi %add3A_1213, %mul3A_1212 : i32
      %swap3A_1215 = arith.index_cast %add3A_1214 : i32 to index
      %swap3A_1216 = tpu.vector_load %arg9[%swap3A_1215] {strides = array<i32>} : memref<4352xf32, #tpu.memory_space<vmem>>, vector<16xf32>,
      tpu.vector_store %arg9[%swap3A_1215], %broadcast_in_dim3A_31 {strides = array<i32>} : memref<4352xf32, #tpu.memory_space<vmem>>, vector<16xf32>,
      %mul3A_1217 = arith.constant 16 : i32
      %mul3A_1218 = arith.muli %scan3A_1017, %mul3A_1217 : i32
      %add3A_1219 = arith.constant 2176 : i32
      %add3A_1220 = arith.addi %add3A_1219, %mul3A_1218 : i32
      %swap3A_1221 = arith.index_cast %add3A_1220 : i32 to index
      %swap3A_1222 = tpu.vector_load %arg10[%swap3A_1221] {strides = array<i32>} : memref<4352xf32, #tpu.memory_space<vmem>>, vector<16xf32>,
      tpu.vector_store %arg10[%swap3A_1221], %broadcast_in_dim3A_33 {strides = array<i32>} : memref<4352xf32, #tpu.memory_space<vmem>>, vector<16xf32>,
      %mul3A_1223 = arith.constant 16 : i32
      %mul3A_1224 = arith.muli %scan3A_1017, %mul3A_1223 : i32
      %add3A_1225 = arith.constant 2176 : i32
      %add3A_1226 = arith.addi %add3A_1225, %mul3A_1224 : i32
      %swap3A_1227 = arith.index_cast %add3A_1226 : i32 to index
      %swap3A_1228 = tpu.vector_load %arg11[%swap3A_1227] {strides = array<i32>} : memref<4352xf32, #tpu.memory_space<vmem>>, vector<16xf32>,
      tpu.vector_store %arg11[%swap3A_1227], %broadcast_in_dim3A_31 {strides = array<i32>} : memref<4352xf32, #tpu.memory_space<vmem>>, vector<16xf32>,
      %mul3A_1229 = arith.constant 16 : i32
      %mul3A_1230 = arith.muli %scan3A_1017, %mul3A_1229 : i32
      %add3A_1231 = arith.constant 2176 : i32
      %add3A_1232 = arith.addi %add3A_1231, %mul3A_1230 : i32
      %swap3A_1233 = arith.index_cast %add3A_1232 : i32 to index
      %swap3A_1234 = tpu.vector_load %arg12[%swap3A_1233] {strides = array<i32>} : memref<4352xf32, #tpu.memory_space<vmem>>, vector<16xf32>,
      tpu.vector_store %arg12[%swap3A_1233], %broadcast_in_dim3A_33 {strides = array<i32>} : memref<4352xf32, #tpu.memory_space<vmem>>, vector<16xf32>,
      %mul3A_1235 = arith.constant 16 : i32
      %mul3A_1236 = arith.muli %scan3A_1017, %mul3A_1235 : i32
      %add3A_1237 = arith.constant 2448 : i32
      %add3A_1238 = arith.addi %add3A_1237, %mul3A_1236 : i32
      %swap3A_1239 = arith.index_cast %add3A_1238 : i32 to index
      %swap3A_1240 = tpu.vector_load %arg9[%swap3A_1239] {strides = array<i32>} : memref<4352xf32, #tpu.memory_space<vmem>>, vector<16xf32>,
      tpu.vector_store %arg9[%swap3A_1239], %broadcast_in_dim3A_31 {strides = array<i32>} : memref<4352xf32, #tpu.memory_space<vmem>>, vector<16xf32>,
      %mul3A_1241 = arith.constant 16 : i32
      %mul3A_1242 = arith.muli %scan3A_1017, %mul3A_1241 : i32
      %add3A_1243 = arith.constant 2448 : i32
      %add3A_1244 = arith.addi %add3A_1243, %mul3A_1242 : i32
      %swap3A_1245 = arith.index_cast %add3A_1244 : i32 to index
      %swap3A_1246 = tpu.vector_load %arg10[%swap3A_1245] {strides = array<i32>} : memref<4352xf32, #tpu.memory_space<vmem>>, vector<16xf32>,
      tpu.vector_store %arg10[%swap3A_1245], %broadcast_in_dim3A_33 {strides = array<i32>} : memref<4352xf32, #tpu.memory_space<vmem>>, vector<16xf32>,
      %mul3A_1247 = arith.constant 16 : i32
      %mul3A_1248 = arith.muli %scan3A_1017, %mul3A_1247 : i32
      %add3A_1249 = arith.constant 2448 : i32
      %add3A_1250 = arith.addi %add3A_1249, %mul3A_1248 : i32
      %swap3A_1251 = arith.index_cast %add3A_1250 : i32 to index
      %swap3A_1252 = tpu.vector_load %arg11[%swap3A_1251] {strides = array<i32>} : memref<4352xf32, #tpu.memory_space<vmem>>, vector<16xf32>,
      tpu.vector_store %arg11[%swap3A_1251], %broadcast_in_dim3A_31 {strides = array<i32>} : memref<4352xf32, #tpu.memory_space<vmem>>, vector<16xf32>,
      %mul3A_1253 = arith.constant 16 : i32
      %mul3A_1254 = arith.muli %scan3A_1017, %mul3A_1253 : i32
      %add3A_1255 = arith.constant 2448 : i32
      %add3A_1256 = arith.addi %add3A_1255, %mul3A_1254 : i32
      %swap3A_1257 = arith.index_cast %add3A_1256 : i32 to index
      %swap3A_1258 = tpu.vector_load %arg12[%swap3A_1257] {strides = array<i32>} : memref<4352xf32, #tpu.memory_space<vmem>>, vector<16xf32>,
      tpu.vector_store %arg12[%swap3A_1257], %broadcast_in_dim3A_33 {strides = array<i32>} : memref<4352xf32, #tpu.memory_space<vmem>>, vector<16xf32>,
      %mul3A_1259 = arith.constant 16 : i32
      %mul3A_1260 = arith.muli %scan3A_1017, %mul3A_1259 : i32
      %add3A_1261 = arith.constant 2720 : i32
      %add3A_1262 = arith.addi %add3A_1261, %mul3A_1260 : i32
      %swap3A_1263 = arith.index_cast %add3A_1262 : i32 to index
      %swap3A_1264 = tpu.vector_load %arg9[%swap3A_1263] {strides = array<i32>} : memref<4352xf32, #tpu.memory_space<vmem>>, vector<16xf32>,
      tpu.vector_store %arg9[%swap3A_1263], %broadcast_in_dim3A_31 {strides = array<i32>} : memref<4352xf32, #tpu.memory_space<vmem>>, vector<16xf32>,
      %mul3A_1265 = arith.constant 16 : i32
      %mul3A_1266 = arith.muli %scan3A_1017, %mul3A_1265 : i32
      %add3A_1267 = arith.constant 2720 : i32
      %add3A_1268 = arith.addi %add3A_1267, %mul3A_1266 : i32
      %swap3A_1269 = arith.index_cast %add3A_1268 : i32 to index
      %swap3A_1270 = tpu.vector_load %arg10[%swap3A_1269] {strides = array<i32>} : memref<4352xf32, #tpu.memory_space<vmem>>, vector<16xf32>,
      tpu.vector_store %arg10[%swap3A_1269], %broadcast_in_dim3A_33 {strides = array<i32>} : memref<4352xf32, #tpu.memory_space<vmem>>, vector<16xf32>,
      %mul3A_1271 = arith.constant 16 : i32
      %mul3A_1272 = arith.muli %scan3A_1017, %mul3A_1271 : i32
      %add3A_1273 = arith.constant 2720 : i32
      %add3A_1274 = arith.addi %add3A_1273, %mul3A_1272 : i32
      %swap3A_1275 = arith.index_cast %add3A_1274 : i32 to index
      %swap3A_1276 = tpu.vector_load %arg11[%swap3A_1275] {strides = array<i32>} : memref<4352xf32, #tpu.memory_space<vmem>>, vector<16xf32>,
      tpu.vector_store %arg11[%swap3A_1275], %broadcast_in_dim3A_31 {strides = array<i32>} : memref<4352xf32, #tpu.memory_space<vmem>>, vector<16xf32>,
      %mul3A_1277 = arith.constant 16 : i32
      %mul3A_1278 = arith.muli %scan3A_1017, %mul3A_1277 : i32
      %add3A_1279 = arith.constant 2720 : i32
      %add3A_1280 = arith.addi %add3A_1279, %mul3A_1278 : i32
      %swap3A_1281 = arith.index_cast %add3A_1280 : i32 to index
      %swap3A_1282 = tpu.vector_load %arg12[%swap3A_1281] {strides = array<i32>} : memref<4352xf32, #tpu.memory_space<vmem>>, vector<16xf32>,
      tpu.vector_store %arg12[%swap3A_1281], %broadcast_in_dim3A_33 {strides = array<i32>} : memref<4352xf32, #tpu.memory_space<vmem>>, vector<16xf32>,
      %mul3A_1283 = arith.constant 16 : i32
      %mul3A_1284 = arith.muli %scan3A_1017, %mul3A_1283 : i32
      %add3A_1285 = arith.constant 2992 : i32
      %add3A_1286 = arith.addi %add3A_1285, %mul3A_1284 : i32
      %swap3A_1287 = arith.index_cast %add3A_1286 : i32 to index
      %swap3A_1288 = tpu.vector_load %arg9[%swap3A_1287] {strides = array<i32>} : memref<4352xf32, #tpu.memory_space<vmem>>, vector<16xf32>,
      tpu.vector_store %arg9[%swap3A_1287], %broadcast_in_dim3A_31 {strides = array<i32>} : memref<4352xf32, #tpu.memory_space<vmem>>, vector<16xf32>,
      %mul3A_1289 = arith.constant 16 : i32
      %mul3A_1290 = arith.muli %scan3A_1017, %mul3A_1289 : i32
      %add3A_1291 = arith.constant 2992 : i32
      %add3A_1292 = arith.addi %add3A_1291, %mul3A_1290 : i32
      %swap3A_1293 = arith.index_cast %add3A_1292 : i32 to index
      %swap3A_1294 = tpu.vector_load %arg10[%swap3A_1293] {strides = array<i32>} : memref<4352xf32, #tpu.memory_space<vmem>>, vector<16xf32>,
      tpu.vector_store %arg10[%swap3A_1293], %broadcast_in_dim3A_33 {strides = array<i32>} : memref<4352xf32, #tpu.memory_space<vmem>>, vector<16xf32>,
      %mul3A_1295 = arith.constant 16 : i32
      %mul3A_1296 = arith.muli %scan3A_1017, %mul3A_1295 : i32
      %add3A_1297 = arith.constant 2992 : i32
      %add3A_1298 = arith.addi %add3A_1297, %mul3A_1296 : i32
      %swap3A_1299 = arith.index_cast %add3A_1298 : i32 to index
      %swap3A_1300 = tpu.vector_load %arg11[%swap3A_1299] {strides = array<i32>} : memref<4352xf32, #tpu.memory_space<vmem>>, vector<16xf32>,
      tpu.vector_store %arg11[%swap3A_1299], %broadcast_in_dim3A_31 {strides = array<i32>} : memref<4352xf32, #tpu.memory_space<vmem>>, vector<16xf32>,
      %mul3A_1301 = arith.constant 16 : i32
      %mul3A_1302 = arith.muli %scan3A_1017, %mul3A_1301 : i32
      %add3A_1303 = arith.constant 2992 : i32
      %add3A_1304 = arith.addi %add3A_1303, %mul3A_1302 : i32
      %swap3A_1305 = arith.index_cast %add3A_1304 : i32 to index
      %swap3A_1306 = tpu.vector_load %arg12[%swap3A_1305] {strides = array<i32>} : memref<4352xf32, #tpu.memory_space<vmem>>, vector<16xf32>,
      tpu.vector_store %arg12[%swap3A_1305], %broadcast_in_dim3A_33 {strides = array<i32>} : memref<4352xf32, #tpu.memory_space<vmem>>, vector<16xf32>,
      %mul3A_1307 = arith.constant 16 : i32
      %mul3A_1308 = arith.muli %scan3A_1017, %mul3A_1307 : i32
      %add3A_1309 = arith.constant 3264 : i32
      %add3A_1310 = arith.addi %add3A_1309, %mul3A_1308 : i32
      %swap3A_1311 = arith.index_cast %add3A_1310 : i32 to index
      %swap3A_1312 = tpu.vector_load %arg9[%swap3A_1311] {strides = array<i32>} : memref<4352xf32, #tpu.memory_space<vmem>>, vector<16xf32>,
      tpu.vector_store %arg9[%swap3A_1311], %broadcast_in_dim3A_31 {strides = array<i32>} : memref<4352xf32, #tpu.memory_space<vmem>>, vector<16xf32>,
      %mul3A_1313 = arith.constant 16 : i32
      %mul3A_1314 = arith.muli %scan3A_1017, %mul3A_1313 : i32
      %add3A_1315 = arith.constant 3264 : i32
      %add3A_1316 = arith.addi %add3A_1315, %mul3A_1314 : i32
      %swap3A_1317 = arith.index_cast %add3A_1316 : i32 to index
      %swap3A_1318 = tpu.vector_load %arg10[%swap3A_1317] {strides = array<i32>} : memref<4352xf32, #tpu.memory_space<vmem>>, vector<16xf32>,
      tpu.vector_store %arg10[%swap3A_1317], %broadcast_in_dim3A_33 {strides = array<i32>} : memref<4352xf32, #tpu.memory_space<vmem>>, vector<16xf32>,
      %mul3A_1319 = arith.constant 16 : i32
      %mul3A_1320 = arith.muli %scan3A_1017, %mul3A_1319 : i32
      %add3A_1321 = arith.constant 3264 : i32
      %add3A_1322 = arith.addi %add3A_1321, %mul3A_1320 : i32
      %swap3A_1323 = arith.index_cast %add3A_1322 : i32 to index
      %swap3A_1324 = tpu.vector_load %arg11[%swap3A_1323] {strides = array<i32>} : memref<4352xf32, #tpu.memory_space<vmem>>, vector<16xf32>,
      tpu.vector_store %arg11[%swap3A_1323], %broadcast_in_dim3A_31 {strides = array<i32>} : memref<4352xf32, #tpu.memory_space<vmem>>, vector<16xf32>,
      %mul3A_1325 = arith.constant 16 : i32
      %mul3A_1326 = arith.muli %scan3A_1017, %mul3A_1325 : i32
      %add3A_1327 = arith.constant 3264 : i32
      %add3A_1328 = arith.addi %add3A_1327, %mul3A_1326 : i32
      %swap3A_1329 = arith.index_cast %add3A_1328 : i32 to index
      %swap3A_1330 = tpu.vector_load %arg12[%swap3A_1329] {strides = array<i32>} : memref<4352xf32, #tpu.memory_space<vmem>>, vector<16xf32>,
      tpu.vector_store %arg12[%swap3A_1329], %broadcast_in_dim3A_33 {strides = array<i32>} : memref<4352xf32, #tpu.memory_space<vmem>>, vector<16xf32>,
      %mul3A_1331 = arith.constant 16 : i32
      %mul3A_1332 = arith.muli %scan3A_1017, %mul3A_1331 : i32
      %add3A_1333 = arith.constant 3536 : i32
      %add3A_1334 = arith.addi %add3A_1333, %mul3A_1332 : i32
      %swap3A_1335 = arith.index_cast %add3A_1334 : i32 to index
      %swap3A_1336 = tpu.vector_load %arg9[%swap3A_1335] {strides = array<i32>} : memref<4352xf32, #tpu.memory_space<vmem>>, vector<16xf32>,
      tpu.vector_store %arg9[%swap3A_1335], %broadcast_in_dim3A_31 {strides = array<i32>} : memref<4352xf32, #tpu.memory_space<vmem>>, vector<16xf32>,
      %mul3A_1337 = arith.constant 16 : i32
      %mul3A_1338 = arith.muli %scan3A_1017, %mul3A_1337 : i32
      %add3A_1339 = arith.constant 3536 : i32
      %add3A_1340 = arith.addi %add3A_1339, %mul3A_1338 : i32
      %swap3A_1341 = arith.index_cast %add3A_1340 : i32 to index
      %swap3A_1342 = tpu.vector_load %arg10[%swap3A_1341] {strides = array<i32>} : memref<4352xf32, #tpu.memory_space<vmem>>, vector<16xf32>,
      tpu.vector_store %arg10[%swap3A_1341], %broadcast_in_dim3A_33 {strides = array<i32>} : memref<4352xf32, #tpu.memory_space<vmem>>, vector<16xf32>,
      %mul3A_1343 = arith.constant 16 : i32
      %mul3A_1344 = arith.muli %scan3A_1017, %mul3A_1343 : i32
      %add3A_1345 = arith.constant 3536 : i32
      %add3A_1346 = arith.addi %add3A_1345, %mul3A_1344 : i32
      %swap3A_1347 = arith.index_cast %add3A_1346 : i32 to index
      %swap3A_1348 = tpu.vector_load %arg11[%swap3A_1347] {strides = array<i32>} : memref<4352xf32, #tpu.memory_space<vmem>>, vector<16xf32>,
      tpu.vector_store %arg11[%swap3A_1347], %broadcast_in_dim3A_31 {strides = array<i32>} : memref<4352xf32, #tpu.memory_space<vmem>>, vector<16xf32>,
      %mul3A_1349 = arith.constant 16 : i32
      %mul3A_1350 = arith.muli %scan3A_1017, %mul3A_1349 : i32
      %add3A_1351 = arith.constant 3536 : i32
      %add3A_1352 = arith.addi %add3A_1351, %mul3A_1350 : i32
      %swap3A_1353 = arith.index_cast %add3A_1352 : i32 to index
      %swap3A_1354 = tpu.vector_load %arg12[%swap3A_1353] {strides = array<i32>} : memref<4352xf32, #tpu.memory_space<vmem>>, vector<16xf32>,
      tpu.vector_store %arg12[%swap3A_1353], %broadcast_in_dim3A_33 {strides = array<i32>} : memref<4352xf32, #tpu.memory_space<vmem>>, vector<16xf32>,
      %mul3A_1355 = arith.constant 16 : i32
      %mul3A_1356 = arith.muli %scan3A_1017, %mul3A_1355 : i32
      %add3A_1357 = arith.constant 3808 : i32
      %add3A_1358 = arith.addi %add3A_1357, %mul3A_1356 : i32
      %swap3A_1359 = arith.index_cast %add3A_1358 : i32 to index
      %swap3A_1360 = tpu.vector_load %arg9[%swap3A_1359] {strides = array<i32>} : memref<4352xf32, #tpu.memory_space<vmem>>, vector<16xf32>,
      tpu.vector_store %arg9[%swap3A_1359], %broadcast_in_dim3A_31 {strides = array<i32>} : memref<4352xf32, #tpu.memory_space<vmem>>, vector<16xf32>,
      %mul3A_1361 = arith.constant 16 : i32
      %mul3A_1362 = arith.muli %scan3A_1017, %mul3A_1361 : i32
      %add3A_1363 = arith.constant 3808 : i32
      %add3A_1364 = arith.addi %add3A_1363, %mul3A_1362 : i32
      %swap3A_1365 = arith.index_cast %add3A_1364 : i32 to index
      %swap3A_1366 = tpu.vector_load %arg10[%swap3A_1365] {strides = array<i32>} : memref<4352xf32, #tpu.memory_space<vmem>>, vector<16xf32>,
      tpu.vector_store %arg10[%swap3A_1365], %broadcast_in_dim3A_33 {strides = array<i32>} : memref<4352xf32, #tpu.memory_space<vmem>>, vector<16xf32>,
      %mul3A_1367 = arith.constant 16 : i32
      %mul3A_1368 = arith.muli %scan3A_1017, %mul3A_1367 : i32
      %add3A_1369 = arith.constant 3808 : i32
      %add3A_1370 = arith.addi %add3A_1369, %mul3A_1368 : i32
      %swap3A_1371 = arith.index_cast %add3A_1370 : i32 to index
      %swap3A_1372 = tpu.vector_load %arg11[%swap3A_1371] {strides = array<i32>} : memref<4352xf32, #tpu.memory_space<vmem>>, vector<16xf32>,
      tpu.vector_store %arg11[%swap3A_1371], %broadcast_in_dim3A_31 {strides = array<i32>} : memref<4352xf32, #tpu.memory_space<vmem>>, vector<16xf32>,
      %mul3A_1373 = arith.constant 16 : i32
      %mul3A_1374 = arith.muli %scan3A_1017, %mul3A_1373 : i32
      %add3A_1375 = arith.constant 3808 : i32
      %add3A_1376 = arith.addi %add3A_1375, %mul3A_1374 : i32
      %swap3A_1377 = arith.index_cast %add3A_1376 : i32 to index
      %swap3A_1378 = tpu.vector_load %arg12[%swap3A_1377] {strides = array<i32>} : memref<4352xf32, #tpu.memory_space<vmem>>, vector<16xf32>,
      tpu.vector_store %arg12[%swap3A_1377], %broadcast_in_dim3A_33 {strides = array<i32>} : memref<4352xf32, #tpu.memory_space<vmem>>, vector<16xf32>,
      %mul3A_1379 = arith.constant 16 : i32
      %mul3A_1380 = arith.muli %scan3A_1017, %mul3A_1379 : i32
      %add3A_1381 = arith.constant 4080 : i32
      %add3A_1382 = arith.addi %add3A_1381, %mul3A_1380 : i32
      %swap3A_1383 = arith.index_cast %add3A_1382 : i32 to index
      %swap3A_1384 = tpu.vector_load %arg9[%swap3A_1383] {strides = array<i32>} : memref<4352xf32, #tpu.memory_space<vmem>>, vector<16xf32>,
      tpu.vector_store %arg9[%swap3A_1383], %broadcast_in_dim3A_31 {strides = array<i32>} : memref<4352xf32, #tpu.memory_space<vmem>>, vector<16xf32>,
      %mul3A_1385 = arith.constant 16 : i32
      %mul3A_1386 = arith.muli %scan3A_1017, %mul3A_1385 : i32
      %add3A_1387 = arith.constant 4080 : i32
      %add3A_1388 = arith.addi %add3A_1387, %mul3A_1386 : i32
      %swap3A_1389 = arith.index_cast %add3A_1388 : i32 to index
      %swap3A_1390 = tpu.vector_load %arg10[%swap3A_1389] {strides = array<i32>} : memref<4352xf32, #tpu.memory_space<vmem>>, vector<16xf32>,
      tpu.vector_store %arg10[%swap3A_1389], %broadcast_in_dim3A_33 {strides = array<i32>} : memref<4352xf32, #tpu.memory_space<vmem>>, vector<16xf32>,
      %mul3A_1391 = arith.constant 16 : i32
      %mul3A_1392 = arith.muli %scan3A_1017, %mul3A_1391 : i32
      %add3A_1393 = arith.constant 4080 : i32
      %add3A_1394 = arith.addi %add3A_1393, %mul3A_1392 : i32
      %swap3A_1395 = arith.index_cast %add3A_1394 : i32 to index
      %swap3A_1396 = tpu.vector_load %arg11[%swap3A_1395] {strides = array<i32>} : memref<4352xf32, #tpu.memory_space<vmem>>, vector<16xf32>,
      tpu.vector_store %arg11[%swap3A_1395], %broadcast_in_dim3A_31 {strides = array<i32>} : memref<4352xf32, #tpu.memory_space<vmem>>, vector<16xf32>,
      %mul3A_1397 = arith.constant 16 : i32
      %mul3A_1398 = arith.muli %scan3A_1017, %mul3A_1397 : i32
      %add3A_1399 = arith.constant 4080 : i32
      %add3A_1400 = arith.addi %add3A_1399, %mul3A_1398 : i32
      %swap3A_1401 = arith.index_cast %add3A_1400 : i32 to index
      %swap3A_1402 = tpu.vector_load %arg12[%swap3A_1401] {strides = array<i32>} : memref<4352xf32, #tpu.memory_space<vmem>>, vector<16xf32>,
      tpu.vector_store %arg12[%swap3A_1401], %broadcast_in_dim3A_33 {strides = array<i32>} : memref<4352xf32, #tpu.memory_space<vmem>>, vector<16xf32>,
      %scan3A_1403 = arith.constant 0 : i32
      scf.yield %scan3A_1403 : i32
    }
    %scan3A_968 = arith.constant 17 : i32
    %broadcast_in_dim3A_969 = arith.constant 255 : i32
    %broadcast_in_dim3A_970 = vector.broadcast %broadcast_in_dim3A_969 : i32 to vector<16xi32>
    %gather3A_971 = tpu.vector_load_idx %arg8[%broadcast_in_dim3A_970] : memref<256xf32, #tpu.memory_space<vmem>>[vector<16xi32>], vector<16xf32>,
    %broadcast_in_dim3A_972 = arith.constant 0.000000e+00 : f32
    %broadcast_in_dim3A_973 = vector.broadcast %broadcast_in_dim3A_972 : f32 to vector<16xf32>
    %broadcast_in_dim3A_974 = arith.constant 0.000000e+00 : f32
    %broadcast_in_dim3A_975 = vector.broadcast %broadcast_in_dim3A_974 : f32 to vector<16xf32>
    %parallel_loop3A = arith.constant 0 : i32
    %parallel_loop3A_976 = arith.constant 300 : i32
    %parallel_loop3A_977 = arith.constant 1 : i32
    %parallel_loop3A_978:2 = scf.for %parallel_loop3A_1017 = %parallel_loop3A to %parallel_loop3A_976 step %parallel_loop3A_977 iter_args(%parallel_loop3A_1018 = %broadcast_in_dim3A_973, %parallel_loop3A_1019 = %broadcast_in_dim3A_975) -> (vector<16xf32>, vector<16xf32>)  : i32 {
      %parallel_loop3A_1020 = arith.constant 16 : i32
      %parallel_loop3A_1021 = arith.muli %parallel_loop3A_1017, %parallel_loop3A_1020 : i32
      %parallel_loop3A_1022 = arith.index_cast %parallel_loop3A_1021 : i32 to index
      %parallel_loop3A_1023 = tpu.vector_load %arg6[%parallel_loop3A_1022] {strides = array<i32>} : memref<4800xf32, #tpu.memory_space<vmem>>, vector<16xf32>,
      %parallel_loop3A_1024 = arith.constant 9.99999993E-9 : f32
      %parallel_loop3A_1025 = vector.broadcast %parallel_loop3A_1024 : f32 to vector<16xf32>
      %parallel_loop3A_1026 = arith.cmpf oge, %parallel_loop3A_1023, %parallel_loop3A_1025 : vector<16xf32>
      %parallel_loop3A_1027 = arith.cmpf ole, %gather3A_971, %parallel_loop3A_1023 : vector<16xf32>
      %parallel_loop3A_1028 = arith.constant 256 : i32
      %parallel_loop3A_1029 = arith.constant 0 : i32
      %parallel_loop3A_1030 = vector.broadcast %parallel_loop3A_1028 : i32 to vector<16xi32>
      %parallel_loop3A_1031 = vector.broadcast %parallel_loop3A_1029 : i32 to vector<16xi32>
      %parallel_loop3A_1032 = arith.select %parallel_loop3A_1027, %parallel_loop3A_1030, %parallel_loop3A_1031 : vector<16xi1>, vector<16xi32>
      %parallel_loop3A_1033 = arith.constant 128 : i32
      %parallel_loop3A_1034 = vector.broadcast %parallel_loop3A_1033 : i32 to vector<16xi32>
      %parallel_loop3A_1035 = arith.addi %parallel_loop3A_1032, %parallel_loop3A_1034 : vector<16xi32>
      %parallel_loop3A_1036 = arith.constant 1 : i32
      %parallel_loop3A_1037 = vector.broadcast %parallel_loop3A_1036 : i32 to vector<16xi32>
      %parallel_loop3A_1038 = arith.subi %parallel_loop3A_1035, %parallel_loop3A_1037 : vector<16xi32>
      %parallel_loop3A_1039 = arith.constant 255 : i32
      %parallel_loop3A_1040 = vector.broadcast %parallel_loop3A_1039 : i32 to vector<16xi32>
      %parallel_loop3A_1041 = arith.minsi %parallel_loop3A_1038, %parallel_loop3A_1040 : vector<16xi32>
      %parallel_loop3A_1042 = tpu.vector_load_idx %arg8[%parallel_loop3A_1041] : memref<256xf32, #tpu.memory_space<vmem>>[vector<16xi32>], vector<16xf32>,
      %parallel_loop3A_1043 = arith.constant 256 : i32
      %parallel_loop3A_1044 = vector.broadcast %parallel_loop3A_1043 : i32 to vector<16xi32>
      %parallel_loop3A_1045 = arith.cmpi sle, %parallel_loop3A_1035, %parallel_loop3A_1044 : vector<16xi32>
      %parallel_loop3A_1046 = arith.cmpf ole, %parallel_loop3A_1042, %parallel_loop3A_1023 : vector<16xf32>
      %parallel_loop3A_1047 = arith.andi %parallel_loop3A_1045, %parallel_loop3A_1046 : vector<16xi1>
      %parallel_loop3A_1048 = arith.select %parallel_loop3A_1047, %parallel_loop3A_1035, %parallel_loop3A_1032 : vector<16xi1>, vector<16xi32>
      %parallel_loop3A_1049 = arith.select %parallel_loop3A_1047, %parallel_loop3A_1042, %gather3A_971 : vector<16xi1>, vector<16xf32>
      %parallel_loop3A_1050 = arith.select %parallel_loop3A_1047, %gather3A_971, %parallel_loop3A_1042 : vector<16xi1>, vector<16xf32>
      %parallel_loop3A_1051 = arith.constant 64 : i32
      %parallel_loop3A_1052 = vector.broadcast %parallel_loop3A_1051 : i32 to vector<16xi32>
      %parallel_loop3A_1053 = arith.addi %parallel_loop3A_1048, %parallel_loop3A_1052 : vector<16xi32>
      %parallel_loop3A_1054 = arith.constant 1 : i32
      %parallel_loop3A_1055 = vector.broadcast %parallel_loop3A_1054 : i32 to vector<16xi32>
      %parallel_loop3A_1056 = arith.subi %parallel_loop3A_1053, %parallel_loop3A_1055 : vector<16xi32>
      %parallel_loop3A_1057 = arith.constant 255 : i32
      %parallel_loop3A_1058 = vector.broadcast %parallel_loop3A_1057 : i32 to vector<16xi32>
      %parallel_loop3A_1059 = arith.minsi %parallel_loop3A_1056, %parallel_loop3A_1058 : vector<16xi32>
      %parallel_loop3A_1060 = tpu.vector_load_idx %arg8[%parallel_loop3A_1059] : memref<256xf32, #tpu.memory_space<vmem>>[vector<16xi32>], vector<16xf32>,
      %parallel_loop3A_1061 = arith.constant 256 : i32
      %parallel_loop3A_1062 = vector.broadcast %parallel_loop3A_1061 : i32 to vector<16xi32>
      %parallel_loop3A_1063 = arith.cmpi sle, %parallel_loop3A_1053, %parallel_loop3A_1062 : vector<16xi32>
      %parallel_loop3A_1064 = arith.cmpf ole, %parallel_loop3A_1060, %parallel_loop3A_1023 : vector<16xf32>
      %parallel_loop3A_1065 = arith.andi %parallel_loop3A_1063, %parallel_loop3A_1064 : vector<16xi1>
      %parallel_loop3A_1066 = arith.select %parallel_loop3A_1065, %parallel_loop3A_1053, %parallel_loop3A_1048 : vector<16xi1>, vector<16xi32>
      %parallel_loop3A_1067 = arith.select %parallel_loop3A_1065, %parallel_loop3A_1060, %parallel_loop3A_1049 : vector<16xi1>, vector<16xf32>
      %parallel_loop3A_1068 = arith.select %parallel_loop3A_1065, %parallel_loop3A_1050, %parallel_loop3A_1060 : vector<16xi1>, vector<16xf32>
      %parallel_loop3A_1069 = arith.constant 32 : i32
      %parallel_loop3A_1070 = vector.broadcast %parallel_loop3A_1069 : i32 to vector<16xi32>
      %parallel_loop3A_1071 = arith.addi %parallel_loop3A_1066, %parallel_loop3A_1070 : vector<16xi32>
      %parallel_loop3A_1072 = arith.constant 1 : i32
      %parallel_loop3A_1073 = vector.broadcast %parallel_loop3A_1072 : i32 to vector<16xi32>
      %parallel_loop3A_1074 = arith.subi %parallel_loop3A_1071, %parallel_loop3A_1073 : vector<16xi32>
      %parallel_loop3A_1075 = arith.constant 255 : i32
      %parallel_loop3A_1076 = vector.broadcast %parallel_loop3A_1075 : i32 to vector<16xi32>
      %parallel_loop3A_1077 = arith.minsi %parallel_loop3A_1074, %parallel_loop3A_1076 : vector<16xi32>
      %parallel_loop3A_1078 = tpu.vector_load_idx %arg8[%parallel_loop3A_1077] : memref<256xf32, #tpu.memory_space<vmem>>[vector<16xi32>], vector<16xf32>,
      %parallel_loop3A_1079 = arith.constant 256 : i32
      %parallel_loop3A_1080 = vector.broadcast %parallel_loop3A_1079 : i32 to vector<16xi32>
      %parallel_loop3A_1081 = arith.cmpi sle, %parallel_loop3A_1071, %parallel_loop3A_1080 : vector<16xi32>
      %parallel_loop3A_1082 = arith.cmpf ole, %parallel_loop3A_1078, %parallel_loop3A_1023 : vector<16xf32>
      %parallel_loop3A_1083 = arith.andi %parallel_loop3A_1081, %parallel_loop3A_1082 : vector<16xi1>
      %parallel_loop3A_1084 = arith.select %parallel_loop3A_1083, %parallel_loop3A_1071, %parallel_loop3A_1066 : vector<16xi1>, vector<16xi32>
      %parallel_loop3A_1085 = arith.select %parallel_loop3A_1083, %parallel_loop3A_1078, %parallel_loop3A_1067 : vector<16xi1>, vector<16xf32>
      %parallel_loop3A_1086 = arith.select %parallel_loop3A_1083, %parallel_loop3A_1068, %parallel_loop3A_1078 : vector<16xi1>, vector<16xf32>
      %parallel_loop3A_1087 = arith.constant 16 : i32
      %parallel_loop3A_1088 = vector.broadcast %parallel_loop3A_1087 : i32 to vector<16xi32>
      %parallel_loop3A_1089 = arith.addi %parallel_loop3A_1084, %parallel_loop3A_1088 : vector<16xi32>
      %parallel_loop3A_1090 = arith.constant 1 : i32
      %parallel_loop3A_1091 = vector.broadcast %parallel_loop3A_1090 : i32 to vector<16xi32>
      %parallel_loop3A_1092 = arith.subi %parallel_loop3A_1089, %parallel_loop3A_1091 : vector<16xi32>
      %parallel_loop3A_1093 = arith.constant 255 : i32
      %parallel_loop3A_1094 = vector.broadcast %parallel_loop3A_1093 : i32 to vector<16xi32>
      %parallel_loop3A_1095 = arith.minsi %parallel_loop3A_1092, %parallel_loop3A_1094 : vector<16xi32>
      %parallel_loop3A_1096 = tpu.vector_load_idx %arg8[%parallel_loop3A_1095] : memref<256xf32, #tpu.memory_space<vmem>>[vector<16xi32>], vector<16xf32>,
      %parallel_loop3A_1097 = arith.constant 256 : i32
      %parallel_loop3A_1098 = vector.broadcast %parallel_loop3A_1097 : i32 to vector<16xi32>
      %parallel_loop3A_1099 = arith.cmpi sle, %parallel_loop3A_1089, %parallel_loop3A_1098 : vector<16xi32>
      %parallel_loop3A_1100 = arith.cmpf ole, %parallel_loop3A_1096, %parallel_loop3A_1023 : vector<16xf32>
      %parallel_loop3A_1101 = arith.andi %parallel_loop3A_1099, %parallel_loop3A_1100 : vector<16xi1>
      %parallel_loop3A_1102 = arith.select %parallel_loop3A_1101, %parallel_loop3A_1089, %parallel_loop3A_1084 : vector<16xi1>, vector<16xi32>
      %parallel_loop3A_1103 = arith.select %parallel_loop3A_1101, %parallel_loop3A_1096, %parallel_loop3A_1085 : vector<16xi1>, vector<16xf32>
      %parallel_loop3A_1104 = arith.select %parallel_loop3A_1101, %parallel_loop3A_1086, %parallel_loop3A_1096 : vector<16xi1>, vector<16xf32>
      %parallel_loop3A_1105 = arith.constant 8 : i32
      %parallel_loop3A_1106 = vector.broadcast %parallel_loop3A_1105 : i32 to vector<16xi32>
      %parallel_loop3A_1107 = arith.addi %parallel_loop3A_1102, %parallel_loop3A_1106 : vector<16xi32>
      %parallel_loop3A_1108 = arith.constant 1 : i32
      %parallel_loop3A_1109 = vector.broadcast %parallel_loop3A_1108 : i32 to vector<16xi32>
      %parallel_loop3A_1110 = arith.subi %parallel_loop3A_1107, %parallel_loop3A_1109 : vector<16xi32>
      %parallel_loop3A_1111 = arith.constant 255 : i32
      %parallel_loop3A_1112 = vector.broadcast %parallel_loop3A_1111 : i32 to vector<16xi32>
      %parallel_loop3A_1113 = arith.minsi %parallel_loop3A_1110, %parallel_loop3A_1112 : vector<16xi32>
      %parallel_loop3A_1114 = tpu.vector_load_idx %arg8[%parallel_loop3A_1113] : memref<256xf32, #tpu.memory_space<vmem>>[vector<16xi32>], vector<16xf32>,
      %parallel_loop3A_1115 = arith.constant 256 : i32
      %parallel_loop3A_1116 = vector.broadcast %parallel_loop3A_1115 : i32 to vector<16xi32>
      %parallel_loop3A_1117 = arith.cmpi sle, %parallel_loop3A_1107, %parallel_loop3A_1116 : vector<16xi32>
      %parallel_loop3A_1118 = arith.cmpf ole, %parallel_loop3A_1114, %parallel_loop3A_1023 : vector<16xf32>
      %parallel_loop3A_1119 = arith.andi %parallel_loop3A_1117, %parallel_loop3A_1118 : vector<16xi1>
      %parallel_loop3A_1120 = arith.select %parallel_loop3A_1119, %parallel_loop3A_1107, %parallel_loop3A_1102 : vector<16xi1>, vector<16xi32>
      %parallel_loop3A_1121 = arith.select %parallel_loop3A_1119, %parallel_loop3A_1114, %parallel_loop3A_1103 : vector<16xi1>, vector<16xf32>
      %parallel_loop3A_1122 = arith.select %parallel_loop3A_1119, %parallel_loop3A_1104, %parallel_loop3A_1114 : vector<16xi1>, vector<16xf32>
      %parallel_loop3A_1123 = arith.constant 4 : i32
      %parallel_loop3A_1124 = vector.broadcast %parallel_loop3A_1123 : i32 to vector<16xi32>
      %parallel_loop3A_1125 = arith.addi %parallel_loop3A_1120, %parallel_loop3A_1124 : vector<16xi32>
      %parallel_loop3A_1126 = arith.constant 1 : i32
      %parallel_loop3A_1127 = vector.broadcast %parallel_loop3A_1126 : i32 to vector<16xi32>
      %parallel_loop3A_1128 = arith.subi %parallel_loop3A_1125, %parallel_loop3A_1127 : vector<16xi32>
      %parallel_loop3A_1129 = arith.constant 255 : i32
      %parallel_loop3A_1130 = vector.broadcast %parallel_loop3A_1129 : i32 to vector<16xi32>
      %parallel_loop3A_1131 = arith.minsi %parallel_loop3A_1128, %parallel_loop3A_1130 : vector<16xi32>
      %parallel_loop3A_1132 = tpu.vector_load_idx %arg8[%parallel_loop3A_1131] : memref<256xf32, #tpu.memory_space<vmem>>[vector<16xi32>], vector<16xf32>,
      %parallel_loop3A_1133 = arith.constant 256 : i32
      %parallel_loop3A_1134 = vector.broadcast %parallel_loop3A_1133 : i32 to vector<16xi32>
      %parallel_loop3A_1135 = arith.cmpi sle, %parallel_loop3A_1125, %parallel_loop3A_1134 : vector<16xi32>
      %parallel_loop3A_1136 = arith.cmpf ole, %parallel_loop3A_1132, %parallel_loop3A_1023 : vector<16xf32>
      %parallel_loop3A_1137 = arith.andi %parallel_loop3A_1135, %parallel_loop3A_1136 : vector<16xi1>
      %parallel_loop3A_1138 = arith.select %parallel_loop3A_1137, %parallel_loop3A_1125, %parallel_loop3A_1120 : vector<16xi1>, vector<16xi32>
      %parallel_loop3A_1139 = arith.select %parallel_loop3A_1137, %parallel_loop3A_1132, %parallel_loop3A_1121 : vector<16xi1>, vector<16xf32>
      %parallel_loop3A_1140 = arith.select %parallel_loop3A_1137, %parallel_loop3A_1122, %parallel_loop3A_1132 : vector<16xi1>, vector<16xf32>
      %parallel_loop3A_1141 = arith.constant 2 : i32
      %parallel_loop3A_1142 = vector.broadcast %parallel_loop3A_1141 : i32 to vector<16xi32>
      %parallel_loop3A_1143 = arith.addi %parallel_loop3A_1138, %parallel_loop3A_1142 : vector<16xi32>
      %parallel_loop3A_1144 = arith.constant 1 : i32
      %parallel_loop3A_1145 = vector.broadcast %parallel_loop3A_1144 : i32 to vector<16xi32>
      %parallel_loop3A_1146 = arith.subi %parallel_loop3A_1143, %parallel_loop3A_1145 : vector<16xi32>
      %parallel_loop3A_1147 = arith.constant 255 : i32
      %parallel_loop3A_1148 = vector.broadcast %parallel_loop3A_1147 : i32 to vector<16xi32>
      %parallel_loop3A_1149 = arith.minsi %parallel_loop3A_1146, %parallel_loop3A_1148 : vector<16xi32>
      %parallel_loop3A_1150 = tpu.vector_load_idx %arg8[%parallel_loop3A_1149] : memref<256xf32, #tpu.memory_space<vmem>>[vector<16xi32>], vector<16xf32>,
      %parallel_loop3A_1151 = arith.constant 256 : i32
      %parallel_loop3A_1152 = vector.broadcast %parallel_loop3A_1151 : i32 to vector<16xi32>
      %parallel_loop3A_1153 = arith.cmpi sle, %parallel_loop3A_1143, %parallel_loop3A_1152 : vector<16xi32>
      %parallel_loop3A_1154 = arith.cmpf ole, %parallel_loop3A_1150, %parallel_loop3A_1023 : vector<16xf32>
      %parallel_loop3A_1155 = arith.andi %parallel_loop3A_1153, %parallel_loop3A_1154 : vector<16xi1>
      %parallel_loop3A_1156 = arith.select %parallel_loop3A_1155, %parallel_loop3A_1143, %parallel_loop3A_1138 : vector<16xi1>, vector<16xi32>
      %parallel_loop3A_1157 = arith.select %parallel_loop3A_1155, %parallel_loop3A_1150, %parallel_loop3A_1139 : vector<16xi1>, vector<16xf32>
      %parallel_loop3A_1158 = arith.select %parallel_loop3A_1155, %parallel_loop3A_1140, %parallel_loop3A_1150 : vector<16xi1>, vector<16xf32>
      %parallel_loop3A_1159 = arith.constant 1 : i32
      %parallel_loop3A_1160 = vector.broadcast %parallel_loop3A_1159 : i32 to vector<16xi32>
      %parallel_loop3A_1161 = arith.addi %parallel_loop3A_1156, %parallel_loop3A_1160 : vector<16xi32>
      %parallel_loop3A_1162 = arith.constant 1 : i32
      %parallel_loop3A_1163 = vector.broadcast %parallel_loop3A_1162 : i32 to vector<16xi32>
      %parallel_loop3A_1164 = arith.subi %parallel_loop3A_1161, %parallel_loop3A_1163 : vector<16xi32>
      %parallel_loop3A_1165 = arith.constant 255 : i32
      %parallel_loop3A_1166 = vector.broadcast %parallel_loop3A_1165 : i32 to vector<16xi32>
      %parallel_loop3A_1167 = arith.minsi %parallel_loop3A_1164, %parallel_loop3A_1166 : vector<16xi32>
      %parallel_loop3A_1168 = tpu.vector_load_idx %arg8[%parallel_loop3A_1167] : memref<256xf32, #tpu.memory_space<vmem>>[vector<16xi32>], vector<16xf32>,
      %parallel_loop3A_1169 = arith.constant 256 : i32
      %parallel_loop3A_1170 = vector.broadcast %parallel_loop3A_1169 : i32 to vector<16xi32>
      %parallel_loop3A_1171 = arith.cmpi sle, %parallel_loop3A_1161, %parallel_loop3A_1170 : vector<16xi32>
      %parallel_loop3A_1172 = arith.cmpf ole, %parallel_loop3A_1168, %parallel_loop3A_1023 : vector<16xf32>
      %parallel_loop3A_1173 = arith.andi %parallel_loop3A_1171, %parallel_loop3A_1172 : vector<16xi1>
      %parallel_loop3A_1174 = arith.select %parallel_loop3A_1173, %parallel_loop3A_1161, %parallel_loop3A_1156 : vector<16xi1>, vector<16xi32>
      %parallel_loop3A_1175 = arith.select %parallel_loop3A_1173, %parallel_loop3A_1168, %parallel_loop3A_1157 : vector<16xi1>, vector<16xf32>
      %parallel_loop3A_1176 = arith.select %parallel_loop3A_1173, %parallel_loop3A_1158, %parallel_loop3A_1168 : vector<16xi1>, vector<16xf32>
      %parallel_loop3A_1177 = arith.constant 16 : i32
      %parallel_loop3A_1178 = arith.muli %parallel_loop3A_1017, %parallel_loop3A_1177 : i32
      %parallel_loop3A_1179 = arith.index_cast %parallel_loop3A_1178 : i32 to index
      %parallel_loop3A_1180 = tpu.vector_load %arg7[%parallel_loop3A_1179] {strides = array<i32>} : memref<4800xi32, #tpu.memory_space<vmem>>, vector<16xi32>,
      tpu.vector_store %arg7[%parallel_loop3A_1179], %parallel_loop3A_1174 {strides = array<i32>} : memref<4800xi32, #tpu.memory_space<vmem>>, vector<16xi32>,
      %parallel_loop3A_1181 = arith.constant 1 : i32
      %parallel_loop3A_1182 = vector.broadcast %parallel_loop3A_1181 : i32 to vector<16xi32>
      %parallel_loop3A_1183 = arith.cmpi sge, %parallel_loop3A_1174, %parallel_loop3A_1182 : vector<16xi32>
      %parallel_loop3A_1184 = arith.subf %parallel_loop3A_1023, %parallel_loop3A_1175 : vector<16xf32>
      %parallel_loop3A_1185 = arith.subf %parallel_loop3A_1023, %parallel_loop3A_1175 : vector<16xf32>
      %parallel_loop3A_1186 = arith.mulf %parallel_loop3A_1184, %parallel_loop3A_1185 : vector<16xf32>
      %parallel_loop3A_1187 = arith.constant 1.000000e+10 : f32
      %parallel_loop3A_1188 = vector.broadcast %parallel_loop3A_1187 : f32 to vector<16xf32>
      %parallel_loop3A_1189 = arith.select %parallel_loop3A_1183, %parallel_loop3A_1186, %parallel_loop3A_1188 : vector<16xi1>, vector<16xf32>
      %parallel_loop3A_1190 = arith.constant 256 : i32
      %parallel_loop3A_1191 = vector.broadcast %parallel_loop3A_1190 : i32 to vector<16xi32>
      %parallel_loop3A_1192 = arith.cmpi slt, %parallel_loop3A_1174, %parallel_loop3A_1191 : vector<16xi32>
      %parallel_loop3A_1193 = arith.subf %parallel_loop3A_1176, %parallel_loop3A_1023 : vector<16xf32>
      %parallel_loop3A_1194 = arith.subf %parallel_loop3A_1176, %parallel_loop3A_1023 : vector<16xf32>
      %parallel_loop3A_1195 = arith.mulf %parallel_loop3A_1193, %parallel_loop3A_1194 : vector<16xf32>
      %parallel_loop3A_1196 = arith.constant 1.000000e+10 : f32
      %parallel_loop3A_1197 = vector.broadcast %parallel_loop3A_1196 : f32 to vector<16xf32>
      %parallel_loop3A_1198 = arith.select %parallel_loop3A_1192, %parallel_loop3A_1195, %parallel_loop3A_1197 : vector<16xi1>, vector<16xf32>
      %parallel_loop3A_1199 = arith.minimumf %parallel_loop3A_1189, %parallel_loop3A_1198 : vector<16xf32>
      %parallel_loop3A_1200 = arith.constant 0.000000e+00 : f32
      %parallel_loop3A_1201 = vector.broadcast %parallel_loop3A_1200 : f32 to vector<16xf32>
      %parallel_loop3A_1202 = arith.select %parallel_loop3A_1026, %parallel_loop3A_1199, %parallel_loop3A_1201 : vector<16xi1>, vector<16xf32>
      %parallel_loop3A_1203 = arith.addf %parallel_loop3A_1018, %parallel_loop3A_1202 : vector<16xf32>
      %parallel_loop3A_1204 = arith.constant 1.000000e+00 : f32
      %parallel_loop3A_1205 = arith.constant 0.000000e+00 : f32
      %parallel_loop3A_1206 = vector.broadcast %parallel_loop3A_1204 : f32 to vector<16xf32>
      %parallel_loop3A_1207 = vector.broadcast %parallel_loop3A_1205 : f32 to vector<16xf32>
      %parallel_loop3A_1208 = arith.select %parallel_loop3A_1026, %parallel_loop3A_1206, %parallel_loop3A_1207 : vector<16xi1>, vector<16xf32>
      %parallel_loop3A_1209 = arith.addf %parallel_loop3A_1019, %parallel_loop3A_1208 : vector<16xf32>
      scf.yield %parallel_loop3A_1203, %parallel_loop3A_1209 : vector<16xf32>, vector<16xf32>
    } {sc.loop_unroll_factor = 8 : i64, sc.parallel_access}
    %scan3A_979 = arith.constant 0 : i32
    %scan3A_980 = arith.constant 0 : i32
    %scan3A_981 = arith.constant 150 : i32
    %scan3A_982 = arith.addi %scan3A_980, %scan3A_981 : i32
    %scan3A_983 = arith.constant 1 : i32
    %scan3A_984 = scf.for %scan3A_1017 = %scan3A_980 to %scan3A_982 step %scan3A_983 iter_args(%scan3A_1018 = %scan3A_979) -> (i32)  : i32 {
      %mul3A_1019 = arith.constant 2 : i32
      %mul3A_1020 = arith.muli %scan3A_1017, %mul3A_1019 : i32
      %mul3A_1021 = arith.constant 16 : i32
      %mul3A_1022 = arith.muli %mul3A_1020, %mul3A_1021 : i32
      %get3A = arith.index_cast %mul3A_1022 : i32 to index
      %get3A_1023 = tpu.vector_load %arg6[%get3A] {strides = array<i32>} : memref<4800xf32, #tpu.memory_space<vmem>>, vector<16xf32>,
      %mul3A_1024 = arith.constant 16 : i32
      %mul3A_1025 = arith.muli %mul3A_1020, %mul3A_1024 : i32
      %get3A_1026 = arith.index_cast %mul3A_1025 : i32 to index
      %get3A_1027 = tpu.vector_load %arg7[%get3A_1026] {strides = array<i32>} : memref<4800xi32, #tpu.memory_space<vmem>>, vector<16xi32>,
      %ge3A = arith.constant 9.99999993E-9 : f32
      %ge3A_1028 = vector.broadcast %ge3A : f32 to vector<16xf32>
      %ge3A_1029 = arith.cmpf oge, %get3A_1023, %ge3A_1028 : vector<16xf32>
      %mul3A_1030 = arith.constant 272 : i32
      %mul3A_1031 = vector.broadcast %mul3A_1030 : i32 to vector<16xi32>
      %mul3A_1032 = arith.muli %iota3A, %mul3A_1031 : vector<16xi32>
      %add3A_1033 = arith.addi %mul3A_1032, %get3A_1027 : vector<16xi32>
      %select_n3A_1034 = arith.select %ge3A_1029, %get3A_1023, %broadcast_in_dim3A_31 : vector<16xi1>, vector<16xf32>
      %select_n3A_1035 = arith.select %ge3A_1029, %get3A_1023, %broadcast_in_dim3A_33 : vector<16xi1>, vector<16xf32>
      %gather3A_1036 = tpu.vector_load_idx %arg9[%add3A_1033] : memref<4352xf32, #tpu.memory_space<vmem>>[vector<16xi32>], vector<16xf32>,
      %max3A_1037 = arith.maximumf %gather3A_1036, %select_n3A_1034 : vector<16xf32>
      tpu.vector_store_idx %arg9[%add3A_1033], %max3A_1037 : memref<4352xf32, #tpu.memory_space<vmem>>[vector<16xi32>], vector<16xf32>,
      %gather3A_1038 = tpu.vector_load_idx %arg10[%add3A_1033] : memref<4352xf32, #tpu.memory_space<vmem>>[vector<16xi32>], vector<16xf32>,
      %min3A_1039 = arith.minimumf %gather3A_1038, %select_n3A_1035 : vector<16xf32>
      tpu.vector_store_idx %arg10[%add3A_1033], %min3A_1039 : memref<4352xf32, #tpu.memory_space<vmem>>[vector<16xi32>], vector<16xf32>,
      %mul3A_1040 = arith.constant 2 : i32
      %mul3A_1041 = arith.muli %scan3A_1017, %mul3A_1040 : i32
      %add3A_1042 = arith.constant 1 : i32
      %add3A_1043 = arith.addi %mul3A_1041, %add3A_1042 : i32
      %mul3A_1044 = arith.constant 16 : i32
      %mul3A_1045 = arith.muli %add3A_1043, %mul3A_1044 : i32
      %get3A_1046 = arith.index_cast %mul3A_1045 : i32 to index
      %get3A_1047 = tpu.vector_load %arg6[%get3A_1046] {strides = array<i32>} : memref<4800xf32, #tpu.memory_space<vmem>>, vector<16xf32>,
      %mul3A_1048 = arith.constant 16 : i32
      %mul3A_1049 = arith.muli %add3A_1043, %mul3A_1048 : i32
      %get3A_1050 = arith.index_cast %mul3A_1049 : i32 to index
      %get3A_1051 = tpu.vector_load %arg7[%get3A_1050] {strides = array<i32>} : memref<4800xi32, #tpu.memory_space<vmem>>, vector<16xi32>,
      %ge3A_1052 = arith.constant 9.99999993E-9 : f32
      %ge3A_1053 = vector.broadcast %ge3A_1052 : f32 to vector<16xf32>
      %ge3A_1054 = arith.cmpf oge, %get3A_1047, %ge3A_1053 : vector<16xf32>
      %mul3A_1055 = arith.constant 272 : i32
      %mul3A_1056 = vector.broadcast %mul3A_1055 : i32 to vector<16xi32>
      %mul3A_1057 = arith.muli %iota3A, %mul3A_1056 : vector<16xi32>
      %add3A_1058 = arith.addi %mul3A_1057, %get3A_1051 : vector<16xi32>
      %select_n3A_1059 = arith.select %ge3A_1054, %get3A_1047, %broadcast_in_dim3A_31 : vector<16xi1>, vector<16xf32>
      %select_n3A_1060 = arith.select %ge3A_1054, %get3A_1047, %broadcast_in_dim3A_33 : vector<16xi1>, vector<16xf32>
      %gather3A_1061 = tpu.vector_load_idx %arg11[%add3A_1058] : memref<4352xf32, #tpu.memory_space<vmem>>[vector<16xi32>], vector<16xf32>,
      %max3A_1062 = arith.maximumf %gather3A_1061, %select_n3A_1059 : vector<16xf32>
      tpu.vector_store_idx %arg11[%add3A_1058], %max3A_1062 : memref<4352xf32, #tpu.memory_space<vmem>>[vector<16xi32>], vector<16xf32>,
      %gather3A_1063 = tpu.vector_load_idx %arg12[%add3A_1058] : memref<4352xf32, #tpu.memory_space<vmem>>[vector<16xi32>], vector<16xf32>,
      %min3A_1064 = arith.minimumf %gather3A_1063, %select_n3A_1060 : vector<16xf32>
      tpu.vector_store_idx %arg12[%add3A_1058], %min3A_1064 : memref<4352xf32, #tpu.memory_space<vmem>>[vector<16xi32>], vector<16xf32>,
      %scan3A_1065 = arith.constant 0 : i32
      scf.yield %scan3A_1065 : i32
    }
    %scan3A_985 = arith.constant 150 : i32
    %scan3A_986 = arith.constant 0 : i32
    %scan3A_987 = arith.constant 0 : i32
    %scan3A_988 = arith.constant 17 : i32
    %scan3A_989 = arith.addi %scan3A_987, %scan3A_988 : i32
    %scan3A_990 = arith.constant 1 : i32
    %scan3A_991 = scf.for %scan3A_1017 = %scan3A_987 to %scan3A_989 step %scan3A_990 iter_args(%scan3A_1018 = %scan3A_986) -> (i32)  : i32 {
      %mul3A_1019 = arith.constant 16 : i32
      %mul3A_1020 = arith.muli %scan3A_1017, %mul3A_1019 : i32
      %add3A_1021 = arith.constant 0 : i32
      %add3A_1022 = arith.addi %add3A_1021, %mul3A_1020 : i32
      %get3A = arith.index_cast %add3A_1022 : i32 to index
      %get3A_1023 = tpu.vector_load %arg9[%get3A] {strides = array<i32>} : memref<4352xf32, #tpu.memory_space<vmem>>, vector<16xf32>,
      %max3A_1024 = arith.maximumf %broadcast_in_dim3A_31, %get3A_1023 : vector<16xf32>
      %mul3A_1025 = arith.constant 16 : i32
      %mul3A_1026 = arith.muli %scan3A_1017, %mul3A_1025 : i32
      %add3A_1027 = arith.constant 0 : i32
      %add3A_1028 = arith.addi %add3A_1027, %mul3A_1026 : i32
      %get3A_1029 = arith.index_cast %add3A_1028 : i32 to index
      %get3A_1030 = tpu.vector_load %arg10[%get3A_1029] {strides = array<i32>} : memref<4352xf32, #tpu.memory_space<vmem>>, vector<16xf32>,
      %min3A_1031 = arith.minimumf %broadcast_in_dim3A_33, %get3A_1030 : vector<16xf32>
      %mul3A_1032 = arith.constant 16 : i32
      %mul3A_1033 = arith.muli %scan3A_1017, %mul3A_1032 : i32
      %add3A_1034 = arith.constant 0 : i32
      %add3A_1035 = arith.addi %add3A_1034, %mul3A_1033 : i32
      %get3A_1036 = arith.index_cast %add3A_1035 : i32 to index
      %get3A_1037 = tpu.vector_load %arg11[%get3A_1036] {strides = array<i32>} : memref<4352xf32, #tpu.memory_space<vmem>>, vector<16xf32>,
      %max3A_1038 = arith.maximumf %max3A_1024, %get3A_1037 : vector<16xf32>
      %mul3A_1039 = arith.constant 16 : i32
      %mul3A_1040 = arith.muli %scan3A_1017, %mul3A_1039 : i32
      %add3A_1041 = arith.constant 0 : i32
      %add3A_1042 = arith.addi %add3A_1041, %mul3A_1040 : i32
      %get3A_1043 = arith.index_cast %add3A_1042 : i32 to index
      %get3A_1044 = tpu.vector_load %arg12[%get3A_1043] {strides = array<i32>} : memref<4352xf32, #tpu.memory_space<vmem>>, vector<16xf32>,
      %min3A_1045 = arith.minimumf %min3A_1031, %get3A_1044 : vector<16xf32>
      %mul3A_1046 = arith.constant 16 : i32
      %mul3A_1047 = arith.muli %scan3A_1017, %mul3A_1046 : i32
      %add3A_1048 = arith.constant 272 : i32
      %add3A_1049 = arith.addi %add3A_1048, %mul3A_1047 : i32
      %get3A_1050 = arith.index_cast %add3A_1049 : i32 to index
      %get3A_1051 = tpu.vector_load %arg9[%get3A_1050] {strides = array<i32>} : memref<4352xf32, #tpu.memory_space<vmem>>, vector<16xf32>,
      %max3A_1052 = arith.maximumf %max3A_1038, %get3A_1051 : vector<16xf32>
      %mul3A_1053 = arith.constant 16 : i32
      %mul3A_1054 = arith.muli %scan3A_1017, %mul3A_1053 : i32
      %add3A_1055 = arith.constant 272 : i32
      %add3A_1056 = arith.addi %add3A_1055, %mul3A_1054 : i32
      %get3A_1057 = arith.index_cast %add3A_1056 : i32 to index
      %get3A_1058 = tpu.vector_load %arg10[%get3A_1057] {strides = array<i32>} : memref<4352xf32, #tpu.memory_space<vmem>>, vector<16xf32>,
      %min3A_1059 = arith.minimumf %min3A_1045, %get3A_1058 : vector<16xf32>
      %mul3A_1060 = arith.constant 16 : i32
      %mul3A_1061 = arith.muli %scan3A_1017, %mul3A_1060 : i32
      %add3A_1062 = arith.constant 272 : i32
      %add3A_1063 = arith.addi %add3A_1062, %mul3A_1061 : i32
      %get3A_1064 = arith.index_cast %add3A_1063 : i32 to index
      %get3A_1065 = tpu.vector_load %arg11[%get3A_1064] {strides = array<i32>} : memref<4352xf32, #tpu.memory_space<vmem>>, vector<16xf32>,
      %max3A_1066 = arith.maximumf %max3A_1052, %get3A_1065 : vector<16xf32>
      %mul3A_1067 = arith.constant 16 : i32
      %mul3A_1068 = arith.muli %scan3A_1017, %mul3A_1067 : i32
      %add3A_1069 = arith.constant 272 : i32
      %add3A_1070 = arith.addi %add3A_1069, %mul3A_1068 : i32
      %get3A_1071 = arith.index_cast %add3A_1070 : i32 to index
      %get3A_1072 = tpu.vector_load %arg12[%get3A_1071] {strides = array<i32>} : memref<4352xf32, #tpu.memory_space<vmem>>, vector<16xf32>,
      %min3A_1073 = arith.minimumf %min3A_1059, %get3A_1072 : vector<16xf32>
      %mul3A_1074 = arith.constant 16 : i32
      %mul3A_1075 = arith.muli %scan3A_1017, %mul3A_1074 : i32
      %add3A_1076 = arith.constant 544 : i32
      %add3A_1077 = arith.addi %add3A_1076, %mul3A_1075 : i32
      %get3A_1078 = arith.index_cast %add3A_1077 : i32 to index
      %get3A_1079 = tpu.vector_load %arg9[%get3A_1078] {strides = array<i32>} : memref<4352xf32, #tpu.memory_space<vmem>>, vector<16xf32>,
      %max3A_1080 = arith.maximumf %max3A_1066, %get3A_1079 : vector<16xf32>
      %mul3A_1081 = arith.constant 16 : i32
      %mul3A_1082 = arith.muli %scan3A_1017, %mul3A_1081 : i32
      %add3A_1083 = arith.constant 544 : i32
      %add3A_1084 = arith.addi %add3A_1083, %mul3A_1082 : i32
      %get3A_1085 = arith.index_cast %add3A_1084 : i32 to index
      %get3A_1086 = tpu.vector_load %arg10[%get3A_1085] {strides = array<i32>} : memref<4352xf32, #tpu.memory_space<vmem>>, vector<16xf32>,
      %min3A_1087 = arith.minimumf %min3A_1073, %get3A_1086 : vector<16xf32>
      %mul3A_1088 = arith.constant 16 : i32
      %mul3A_1089 = arith.muli %scan3A_1017, %mul3A_1088 : i32
      %add3A_1090 = arith.constant 544 : i32
      %add3A_1091 = arith.addi %add3A_1090, %mul3A_1089 : i32
      %get3A_1092 = arith.index_cast %add3A_1091 : i32 to index
      %get3A_1093 = tpu.vector_load %arg11[%get3A_1092] {strides = array<i32>} : memref<4352xf32, #tpu.memory_space<vmem>>, vector<16xf32>,
      %max3A_1094 = arith.maximumf %max3A_1080, %get3A_1093 : vector<16xf32>
      %mul3A_1095 = arith.constant 16 : i32
      %mul3A_1096 = arith.muli %scan3A_1017, %mul3A_1095 : i32
      %add3A_1097 = arith.constant 544 : i32
      %add3A_1098 = arith.addi %add3A_1097, %mul3A_1096 : i32
      %get3A_1099 = arith.index_cast %add3A_1098 : i32 to index
      %get3A_1100 = tpu.vector_load %arg12[%get3A_1099] {strides = array<i32>} : memref<4352xf32, #tpu.memory_space<vmem>>, vector<16xf32>,
      %min3A_1101 = arith.minimumf %min3A_1087, %get3A_1100 : vector<16xf32>
      %mul3A_1102 = arith.constant 16 : i32
      %mul3A_1103 = arith.muli %scan3A_1017, %mul3A_1102 : i32
      %add3A_1104 = arith.constant 816 : i32
      %add3A_1105 = arith.addi %add3A_1104, %mul3A_1103 : i32
      %get3A_1106 = arith.index_cast %add3A_1105 : i32 to index
      %get3A_1107 = tpu.vector_load %arg9[%get3A_1106] {strides = array<i32>} : memref<4352xf32, #tpu.memory_space<vmem>>, vector<16xf32>,
      %max3A_1108 = arith.maximumf %max3A_1094, %get3A_1107 : vector<16xf32>
      %mul3A_1109 = arith.constant 16 : i32
      %mul3A_1110 = arith.muli %scan3A_1017, %mul3A_1109 : i32
      %add3A_1111 = arith.constant 816 : i32
      %add3A_1112 = arith.addi %add3A_1111, %mul3A_1110 : i32
      %get3A_1113 = arith.index_cast %add3A_1112 : i32 to index
      %get3A_1114 = tpu.vector_load %arg10[%get3A_1113] {strides = array<i32>} : memref<4352xf32, #tpu.memory_space<vmem>>, vector<16xf32>,
      %min3A_1115 = arith.minimumf %min3A_1101, %get3A_1114 : vector<16xf32>
      %mul3A_1116 = arith.constant 16 : i32
      %mul3A_1117 = arith.muli %scan3A_1017, %mul3A_1116 : i32
      %add3A_1118 = arith.constant 816 : i32
      %add3A_1119 = arith.addi %add3A_1118, %mul3A_1117 : i32
      %get3A_1120 = arith.index_cast %add3A_1119 : i32 to index
      %get3A_1121 = tpu.vector_load %arg11[%get3A_1120] {strides = array<i32>} : memref<4352xf32, #tpu.memory_space<vmem>>, vector<16xf32>,
      %max3A_1122 = arith.maximumf %max3A_1108, %get3A_1121 : vector<16xf32>
      %mul3A_1123 = arith.constant 16 : i32
      %mul3A_1124 = arith.muli %scan3A_1017, %mul3A_1123 : i32
      %add3A_1125 = arith.constant 816 : i32
      %add3A_1126 = arith.addi %add3A_1125, %mul3A_1124 : i32
      %get3A_1127 = arith.index_cast %add3A_1126 : i32 to index
      %get3A_1128 = tpu.vector_load %arg12[%get3A_1127] {strides = array<i32>} : memref<4352xf32, #tpu.memory_space<vmem>>, vector<16xf32>,
      %min3A_1129 = arith.minimumf %min3A_1115, %get3A_1128 : vector<16xf32>
      %mul3A_1130 = arith.constant 16 : i32
      %mul3A_1131 = arith.muli %scan3A_1017, %mul3A_1130 : i32
      %add3A_1132 = arith.constant 1088 : i32
      %add3A_1133 = arith.addi %add3A_1132, %mul3A_1131 : i32
      %get3A_1134 = arith.index_cast %add3A_1133 : i32 to index
      %get3A_1135 = tpu.vector_load %arg9[%get3A_1134] {strides = array<i32>} : memref<4352xf32, #tpu.memory_space<vmem>>, vector<16xf32>,
      %max3A_1136 = arith.maximumf %max3A_1122, %get3A_1135 : vector<16xf32>
      %mul3A_1137 = arith.constant 16 : i32
      %mul3A_1138 = arith.muli %scan3A_1017, %mul3A_1137 : i32
      %add3A_1139 = arith.constant 1088 : i32
      %add3A_1140 = arith.addi %add3A_1139, %mul3A_1138 : i32
      %get3A_1141 = arith.index_cast %add3A_1140 : i32 to index
      %get3A_1142 = tpu.vector_load %arg10[%get3A_1141] {strides = array<i32>} : memref<4352xf32, #tpu.memory_space<vmem>>, vector<16xf32>,
      %min3A_1143 = arith.minimumf %min3A_1129, %get3A_1142 : vector<16xf32>
      %mul3A_1144 = arith.constant 16 : i32
      %mul3A_1145 = arith.muli %scan3A_1017, %mul3A_1144 : i32
      %add3A_1146 = arith.constant 1088 : i32
      %add3A_1147 = arith.addi %add3A_1146, %mul3A_1145 : i32
      %get3A_1148 = arith.index_cast %add3A_1147 : i32 to index
      %get3A_1149 = tpu.vector_load %arg11[%get3A_1148] {strides = array<i32>} : memref<4352xf32, #tpu.memory_space<vmem>>, vector<16xf32>,
      %max3A_1150 = arith.maximumf %max3A_1136, %get3A_1149 : vector<16xf32>
      %mul3A_1151 = arith.constant 16 : i32
      %mul3A_1152 = arith.muli %scan3A_1017, %mul3A_1151 : i32
      %add3A_1153 = arith.constant 1088 : i32
      %add3A_1154 = arith.addi %add3A_1153, %mul3A_1152 : i32
      %get3A_1155 = arith.index_cast %add3A_1154 : i32 to index
      %get3A_1156 = tpu.vector_load %arg12[%get3A_1155] {strides = array<i32>} : memref<4352xf32, #tpu.memory_space<vmem>>, vector<16xf32>,
      %min3A_1157 = arith.minimumf %min3A_1143, %get3A_1156 : vector<16xf32>
      %mul3A_1158 = arith.constant 16 : i32
      %mul3A_1159 = arith.muli %scan3A_1017, %mul3A_1158 : i32
      %add3A_1160 = arith.constant 1360 : i32
      %add3A_1161 = arith.addi %add3A_1160, %mul3A_1159 : i32
      %get3A_1162 = arith.index_cast %add3A_1161 : i32 to index
      %get3A_1163 = tpu.vector_load %arg9[%get3A_1162] {strides = array<i32>} : memref<4352xf32, #tpu.memory_space<vmem>>, vector<16xf32>,
      %max3A_1164 = arith.maximumf %max3A_1150, %get3A_1163 : vector<16xf32>
      %mul3A_1165 = arith.constant 16 : i32
      %mul3A_1166 = arith.muli %scan3A_1017, %mul3A_1165 : i32
      %add3A_1167 = arith.constant 1360 : i32
      %add3A_1168 = arith.addi %add3A_1167, %mul3A_1166 : i32
      %get3A_1169 = arith.index_cast %add3A_1168 : i32 to index
      %get3A_1170 = tpu.vector_load %arg10[%get3A_1169] {strides = array<i32>} : memref<4352xf32, #tpu.memory_space<vmem>>, vector<16xf32>,
      %min3A_1171 = arith.minimumf %min3A_1157, %get3A_1170 : vector<16xf32>
      %mul3A_1172 = arith.constant 16 : i32
      %mul3A_1173 = arith.muli %scan3A_1017, %mul3A_1172 : i32
      %add3A_1174 = arith.constant 1360 : i32
      %add3A_1175 = arith.addi %add3A_1174, %mul3A_1173 : i32
      %get3A_1176 = arith.index_cast %add3A_1175 : i32 to index
      %get3A_1177 = tpu.vector_load %arg11[%get3A_1176] {strides = array<i32>} : memref<4352xf32, #tpu.memory_space<vmem>>, vector<16xf32>,
      %max3A_1178 = arith.maximumf %max3A_1164, %get3A_1177 : vector<16xf32>
      %mul3A_1179 = arith.constant 16 : i32
      %mul3A_1180 = arith.muli %scan3A_1017, %mul3A_1179 : i32
      %add3A_1181 = arith.constant 1360 : i32
      %add3A_1182 = arith.addi %add3A_1181, %mul3A_1180 : i32
      %get3A_1183 = arith.index_cast %add3A_1182 : i32 to index
      %get3A_1184 = tpu.vector_load %arg12[%get3A_1183] {strides = array<i32>} : memref<4352xf32, #tpu.memory_space<vmem>>, vector<16xf32>,
      %min3A_1185 = arith.minimumf %min3A_1171, %get3A_1184 : vector<16xf32>
      %mul3A_1186 = arith.constant 16 : i32
      %mul3A_1187 = arith.muli %scan3A_1017, %mul3A_1186 : i32
      %add3A_1188 = arith.constant 1632 : i32
      %add3A_1189 = arith.addi %add3A_1188, %mul3A_1187 : i32
      %get3A_1190 = arith.index_cast %add3A_1189 : i32 to index
      %get3A_1191 = tpu.vector_load %arg9[%get3A_1190] {strides = array<i32>} : memref<4352xf32, #tpu.memory_space<vmem>>, vector<16xf32>,
      %max3A_1192 = arith.maximumf %max3A_1178, %get3A_1191 : vector<16xf32>
      %mul3A_1193 = arith.constant 16 : i32
      %mul3A_1194 = arith.muli %scan3A_1017, %mul3A_1193 : i32
      %add3A_1195 = arith.constant 1632 : i32
      %add3A_1196 = arith.addi %add3A_1195, %mul3A_1194 : i32
      %get3A_1197 = arith.index_cast %add3A_1196 : i32 to index
      %get3A_1198 = tpu.vector_load %arg10[%get3A_1197] {strides = array<i32>} : memref<4352xf32, #tpu.memory_space<vmem>>, vector<16xf32>,
      %min3A_1199 = arith.minimumf %min3A_1185, %get3A_1198 : vector<16xf32>
      %mul3A_1200 = arith.constant 16 : i32
      %mul3A_1201 = arith.muli %scan3A_1017, %mul3A_1200 : i32
      %add3A_1202 = arith.constant 1632 : i32
      %add3A_1203 = arith.addi %add3A_1202, %mul3A_1201 : i32
      %get3A_1204 = arith.index_cast %add3A_1203 : i32 to index
      %get3A_1205 = tpu.vector_load %arg11[%get3A_1204] {strides = array<i32>} : memref<4352xf32, #tpu.memory_space<vmem>>, vector<16xf32>,
      %max3A_1206 = arith.maximumf %max3A_1192, %get3A_1205 : vector<16xf32>
      %mul3A_1207 = arith.constant 16 : i32
      %mul3A_1208 = arith.muli %scan3A_1017, %mul3A_1207 : i32
      %add3A_1209 = arith.constant 1632 : i32
      %add3A_1210 = arith.addi %add3A_1209, %mul3A_1208 : i32
      %get3A_1211 = arith.index_cast %add3A_1210 : i32 to index
      %get3A_1212 = tpu.vector_load %arg12[%get3A_1211] {strides = array<i32>} : memref<4352xf32, #tpu.memory_space<vmem>>, vector<16xf32>,
      %min3A_1213 = arith.minimumf %min3A_1199, %get3A_1212 : vector<16xf32>
      %mul3A_1214 = arith.constant 16 : i32
      %mul3A_1215 = arith.muli %scan3A_1017, %mul3A_1214 : i32
      %add3A_1216 = arith.constant 1904 : i32
      %add3A_1217 = arith.addi %add3A_1216, %mul3A_1215 : i32
      %get3A_1218 = arith.index_cast %add3A_1217 : i32 to index
      %get3A_1219 = tpu.vector_load %arg9[%get3A_1218] {strides = array<i32>} : memref<4352xf32, #tpu.memory_space<vmem>>, vector<16xf32>,
      %max3A_1220 = arith.maximumf %max3A_1206, %get3A_1219 : vector<16xf32>
      %mul3A_1221 = arith.constant 16 : i32
      %mul3A_1222 = arith.muli %scan3A_1017, %mul3A_1221 : i32
      %add3A_1223 = arith.constant 1904 : i32
      %add3A_1224 = arith.addi %add3A_1223, %mul3A_1222 : i32
      %get3A_1225 = arith.index_cast %add3A_1224 : i32 to index
      %get3A_1226 = tpu.vector_load %arg10[%get3A_1225] {strides = array<i32>} : memref<4352xf32, #tpu.memory_space<vmem>>, vector<16xf32>,
      %min3A_1227 = arith.minimumf %min3A_1213, %get3A_1226 : vector<16xf32>
      %mul3A_1228 = arith.constant 16 : i32
      %mul3A_1229 = arith.muli %scan3A_1017, %mul3A_1228 : i32
      %add3A_1230 = arith.constant 1904 : i32
      %add3A_1231 = arith.addi %add3A_1230, %mul3A_1229 : i32
      %get3A_1232 = arith.index_cast %add3A_1231 : i32 to index
      %get3A_1233 = tpu.vector_load %arg11[%get3A_1232] {strides = array<i32>} : memref<4352xf32, #tpu.memory_space<vmem>>, vector<16xf32>,
      %max3A_1234 = arith.maximumf %max3A_1220, %get3A_1233 : vector<16xf32>
      %mul3A_1235 = arith.constant 16 : i32
      %mul3A_1236 = arith.muli %scan3A_1017, %mul3A_1235 : i32
      %add3A_1237 = arith.constant 1904 : i32
      %add3A_1238 = arith.addi %add3A_1237, %mul3A_1236 : i32
      %get3A_1239 = arith.index_cast %add3A_1238 : i32 to index
      %get3A_1240 = tpu.vector_load %arg12[%get3A_1239] {strides = array<i32>} : memref<4352xf32, #tpu.memory_space<vmem>>, vector<16xf32>,
      %min3A_1241 = arith.minimumf %min3A_1227, %get3A_1240 : vector<16xf32>
      %mul3A_1242 = arith.constant 16 : i32
      %mul3A_1243 = arith.muli %scan3A_1017, %mul3A_1242 : i32
      %add3A_1244 = arith.constant 2176 : i32
      %add3A_1245 = arith.addi %add3A_1244, %mul3A_1243 : i32
      %get3A_1246 = arith.index_cast %add3A_1245 : i32 to index
      %get3A_1247 = tpu.vector_load %arg9[%get3A_1246] {strides = array<i32>} : memref<4352xf32, #tpu.memory_space<vmem>>, vector<16xf32>,
      %max3A_1248 = arith.maximumf %max3A_1234, %get3A_1247 : vector<16xf32>
      %mul3A_1249 = arith.constant 16 : i32
      %mul3A_1250 = arith.muli %scan3A_1017, %mul3A_1249 : i32
      %add3A_1251 = arith.constant 2176 : i32
      %add3A_1252 = arith.addi %add3A_1251, %mul3A_1250 : i32
      %get3A_1253 = arith.index_cast %add3A_1252 : i32 to index
      %get3A_1254 = tpu.vector_load %arg10[%get3A_1253] {strides = array<i32>} : memref<4352xf32, #tpu.memory_space<vmem>>, vector<16xf32>,
      %min3A_1255 = arith.minimumf %min3A_1241, %get3A_1254 : vector<16xf32>
      %mul3A_1256 = arith.constant 16 : i32
      %mul3A_1257 = arith.muli %scan3A_1017, %mul3A_1256 : i32
      %add3A_1258 = arith.constant 2176 : i32
      %add3A_1259 = arith.addi %add3A_1258, %mul3A_1257 : i32
      %get3A_1260 = arith.index_cast %add3A_1259 : i32 to index
      %get3A_1261 = tpu.vector_load %arg11[%get3A_1260] {strides = array<i32>} : memref<4352xf32, #tpu.memory_space<vmem>>, vector<16xf32>,
      %max3A_1262 = arith.maximumf %max3A_1248, %get3A_1261 : vector<16xf32>
      %mul3A_1263 = arith.constant 16 : i32
      %mul3A_1264 = arith.muli %scan3A_1017, %mul3A_1263 : i32
      %add3A_1265 = arith.constant 2176 : i32
      %add3A_1266 = arith.addi %add3A_1265, %mul3A_1264 : i32
      %get3A_1267 = arith.index_cast %add3A_1266 : i32 to index
      %get3A_1268 = tpu.vector_load %arg12[%get3A_1267] {strides = array<i32>} : memref<4352xf32, #tpu.memory_space<vmem>>, vector<16xf32>,
      %min3A_1269 = arith.minimumf %min3A_1255, %get3A_1268 : vector<16xf32>
      %mul3A_1270 = arith.constant 16 : i32
      %mul3A_1271 = arith.muli %scan3A_1017, %mul3A_1270 : i32
      %add3A_1272 = arith.constant 2448 : i32
      %add3A_1273 = arith.addi %add3A_1272, %mul3A_1271 : i32
      %get3A_1274 = arith.index_cast %add3A_1273 : i32 to index
      %get3A_1275 = tpu.vector_load %arg9[%get3A_1274] {strides = array<i32>} : memref<4352xf32, #tpu.memory_space<vmem>>, vector<16xf32>,
      %max3A_1276 = arith.maximumf %max3A_1262, %get3A_1275 : vector<16xf32>
      %mul3A_1277 = arith.constant 16 : i32
      %mul3A_1278 = arith.muli %scan3A_1017, %mul3A_1277 : i32
      %add3A_1279 = arith.constant 2448 : i32
      %add3A_1280 = arith.addi %add3A_1279, %mul3A_1278 : i32
      %get3A_1281 = arith.index_cast %add3A_1280 : i32 to index
      %get3A_1282 = tpu.vector_load %arg10[%get3A_1281] {strides = array<i32>} : memref<4352xf32, #tpu.memory_space<vmem>>, vector<16xf32>,
      %min3A_1283 = arith.minimumf %min3A_1269, %get3A_1282 : vector<16xf32>
      %mul3A_1284 = arith.constant 16 : i32
      %mul3A_1285 = arith.muli %scan3A_1017, %mul3A_1284 : i32
      %add3A_1286 = arith.constant 2448 : i32
      %add3A_1287 = arith.addi %add3A_1286, %mul3A_1285 : i32
      %get3A_1288 = arith.index_cast %add3A_1287 : i32 to index
      %get3A_1289 = tpu.vector_load %arg11[%get3A_1288] {strides = array<i32>} : memref<4352xf32, #tpu.memory_space<vmem>>, vector<16xf32>,
      %max3A_1290 = arith.maximumf %max3A_1276, %get3A_1289 : vector<16xf32>
      %mul3A_1291 = arith.constant 16 : i32
      %mul3A_1292 = arith.muli %scan3A_1017, %mul3A_1291 : i32
      %add3A_1293 = arith.constant 2448 : i32
      %add3A_1294 = arith.addi %add3A_1293, %mul3A_1292 : i32
      %get3A_1295 = arith.index_cast %add3A_1294 : i32 to index
      %get3A_1296 = tpu.vector_load %arg12[%get3A_1295] {strides = array<i32>} : memref<4352xf32, #tpu.memory_space<vmem>>, vector<16xf32>,
      %min3A_1297 = arith.minimumf %min3A_1283, %get3A_1296 : vector<16xf32>
      %mul3A_1298 = arith.constant 16 : i32
      %mul3A_1299 = arith.muli %scan3A_1017, %mul3A_1298 : i32
      %add3A_1300 = arith.constant 2720 : i32
      %add3A_1301 = arith.addi %add3A_1300, %mul3A_1299 : i32
      %get3A_1302 = arith.index_cast %add3A_1301 : i32 to index
      %get3A_1303 = tpu.vector_load %arg9[%get3A_1302] {strides = array<i32>} : memref<4352xf32, #tpu.memory_space<vmem>>, vector<16xf32>,
      %max3A_1304 = arith.maximumf %max3A_1290, %get3A_1303 : vector<16xf32>
      %mul3A_1305 = arith.constant 16 : i32
      %mul3A_1306 = arith.muli %scan3A_1017, %mul3A_1305 : i32
      %add3A_1307 = arith.constant 2720 : i32
      %add3A_1308 = arith.addi %add3A_1307, %mul3A_1306 : i32
      %get3A_1309 = arith.index_cast %add3A_1308 : i32 to index
      %get3A_1310 = tpu.vector_load %arg10[%get3A_1309] {strides = array<i32>} : memref<4352xf32, #tpu.memory_space<vmem>>, vector<16xf32>,
      %min3A_1311 = arith.minimumf %min3A_1297, %get3A_1310 : vector<16xf32>
      %mul3A_1312 = arith.constant 16 : i32
      %mul3A_1313 = arith.muli %scan3A_1017, %mul3A_1312 : i32
      %add3A_1314 = arith.constant 2720 : i32
      %add3A_1315 = arith.addi %add3A_1314, %mul3A_1313 : i32
      %get3A_1316 = arith.index_cast %add3A_1315 : i32 to index
      %get3A_1317 = tpu.vector_load %arg11[%get3A_1316] {strides = array<i32>} : memref<4352xf32, #tpu.memory_space<vmem>>, vector<16xf32>,
      %max3A_1318 = arith.maximumf %max3A_1304, %get3A_1317 : vector<16xf32>
      %mul3A_1319 = arith.constant 16 : i32
      %mul3A_1320 = arith.muli %scan3A_1017, %mul3A_1319 : i32
      %add3A_1321 = arith.constant 2720 : i32
      %add3A_1322 = arith.addi %add3A_1321, %mul3A_1320 : i32
      %get3A_1323 = arith.index_cast %add3A_1322 : i32 to index
      %get3A_1324 = tpu.vector_load %arg12[%get3A_1323] {strides = array<i32>} : memref<4352xf32, #tpu.memory_space<vmem>>, vector<16xf32>,
      %min3A_1325 = arith.minimumf %min3A_1311, %get3A_1324 : vector<16xf32>
      %mul3A_1326 = arith.constant 16 : i32
      %mul3A_1327 = arith.muli %scan3A_1017, %mul3A_1326 : i32
      %add3A_1328 = arith.constant 2992 : i32
      %add3A_1329 = arith.addi %add3A_1328, %mul3A_1327 : i32
      %get3A_1330 = arith.index_cast %add3A_1329 : i32 to index
      %get3A_1331 = tpu.vector_load %arg9[%get3A_1330] {strides = array<i32>} : memref<4352xf32, #tpu.memory_space<vmem>>, vector<16xf32>,
      %max3A_1332 = arith.maximumf %max3A_1318, %get3A_1331 : vector<16xf32>
      %mul3A_1333 = arith.constant 16 : i32
      %mul3A_1334 = arith.muli %scan3A_1017, %mul3A_1333 : i32
      %add3A_1335 = arith.constant 2992 : i32
      %add3A_1336 = arith.addi %add3A_1335, %mul3A_1334 : i32
      %get3A_1337 = arith.index_cast %add3A_1336 : i32 to index
      %get3A_1338 = tpu.vector_load %arg10[%get3A_1337] {strides = array<i32>} : memref<4352xf32, #tpu.memory_space<vmem>>, vector<16xf32>,
      %min3A_1339 = arith.minimumf %min3A_1325, %get3A_1338 : vector<16xf32>
      %mul3A_1340 = arith.constant 16 : i32
      %mul3A_1341 = arith.muli %scan3A_1017, %mul3A_1340 : i32
      %add3A_1342 = arith.constant 2992 : i32
      %add3A_1343 = arith.addi %add3A_1342, %mul3A_1341 : i32
      %get3A_1344 = arith.index_cast %add3A_1343 : i32 to index
      %get3A_1345 = tpu.vector_load %arg11[%get3A_1344] {strides = array<i32>} : memref<4352xf32, #tpu.memory_space<vmem>>, vector<16xf32>,
      %max3A_1346 = arith.maximumf %max3A_1332, %get3A_1345 : vector<16xf32>
      %mul3A_1347 = arith.constant 16 : i32
      %mul3A_1348 = arith.muli %scan3A_1017, %mul3A_1347 : i32
      %add3A_1349 = arith.constant 2992 : i32
      %add3A_1350 = arith.addi %add3A_1349, %mul3A_1348 : i32
      %get3A_1351 = arith.index_cast %add3A_1350 : i32 to index
      %get3A_1352 = tpu.vector_load %arg12[%get3A_1351] {strides = array<i32>} : memref<4352xf32, #tpu.memory_space<vmem>>, vector<16xf32>,
      %min3A_1353 = arith.minimumf %min3A_1339, %get3A_1352 : vector<16xf32>
      %mul3A_1354 = arith.constant 16 : i32
      %mul3A_1355 = arith.muli %scan3A_1017, %mul3A_1354 : i32
      %add3A_1356 = arith.constant 3264 : i32
      %add3A_1357 = arith.addi %add3A_1356, %mul3A_1355 : i32
      %get3A_1358 = arith.index_cast %add3A_1357 : i32 to index
      %get3A_1359 = tpu.vector_load %arg9[%get3A_1358] {strides = array<i32>} : memref<4352xf32, #tpu.memory_space<vmem>>, vector<16xf32>,
      %max3A_1360 = arith.maximumf %max3A_1346, %get3A_1359 : vector<16xf32>
      %mul3A_1361 = arith.constant 16 : i32
      %mul3A_1362 = arith.muli %scan3A_1017, %mul3A_1361 : i32
      %add3A_1363 = arith.constant 3264 : i32
      %add3A_1364 = arith.addi %add3A_1363, %mul3A_1362 : i32
      %get3A_1365 = arith.index_cast %add3A_1364 : i32 to index
      %get3A_1366 = tpu.vector_load %arg10[%get3A_1365] {strides = array<i32>} : memref<4352xf32, #tpu.memory_space<vmem>>, vector<16xf32>,
      %min3A_1367 = arith.minimumf %min3A_1353, %get3A_1366 : vector<16xf32>
      %mul3A_1368 = arith.constant 16 : i32
      %mul3A_1369 = arith.muli %scan3A_1017, %mul3A_1368 : i32
      %add3A_1370 = arith.constant 3264 : i32
      %add3A_1371 = arith.addi %add3A_1370, %mul3A_1369 : i32
      %get3A_1372 = arith.index_cast %add3A_1371 : i32 to index
      %get3A_1373 = tpu.vector_load %arg11[%get3A_1372] {strides = array<i32>} : memref<4352xf32, #tpu.memory_space<vmem>>, vector<16xf32>,
      %max3A_1374 = arith.maximumf %max3A_1360, %get3A_1373 : vector<16xf32>
      %mul3A_1375 = arith.constant 16 : i32
      %mul3A_1376 = arith.muli %scan3A_1017, %mul3A_1375 : i32
      %add3A_1377 = arith.constant 3264 : i32
      %add3A_1378 = arith.addi %add3A_1377, %mul3A_1376 : i32
      %get3A_1379 = arith.index_cast %add3A_1378 : i32 to index
      %get3A_1380 = tpu.vector_load %arg12[%get3A_1379] {strides = array<i32>} : memref<4352xf32, #tpu.memory_space<vmem>>, vector<16xf32>,
      %min3A_1381 = arith.minimumf %min3A_1367, %get3A_1380 : vector<16xf32>
      %mul3A_1382 = arith.constant 16 : i32
      %mul3A_1383 = arith.muli %scan3A_1017, %mul3A_1382 : i32
      %add3A_1384 = arith.constant 3536 : i32
      %add3A_1385 = arith.addi %add3A_1384, %mul3A_1383 : i32
      %get3A_1386 = arith.index_cast %add3A_1385 : i32 to index
      %get3A_1387 = tpu.vector_load %arg9[%get3A_1386] {strides = array<i32>} : memref<4352xf32, #tpu.memory_space<vmem>>, vector<16xf32>,
      %max3A_1388 = arith.maximumf %max3A_1374, %get3A_1387 : vector<16xf32>
      %mul3A_1389 = arith.constant 16 : i32
      %mul3A_1390 = arith.muli %scan3A_1017, %mul3A_1389 : i32
      %add3A_1391 = arith.constant 3536 : i32
      %add3A_1392 = arith.addi %add3A_1391, %mul3A_1390 : i32
      %get3A_1393 = arith.index_cast %add3A_1392 : i32 to index
      %get3A_1394 = tpu.vector_load %arg10[%get3A_1393] {strides = array<i32>} : memref<4352xf32, #tpu.memory_space<vmem>>, vector<16xf32>,
      %min3A_1395 = arith.minimumf %min3A_1381, %get3A_1394 : vector<16xf32>
      %mul3A_1396 = arith.constant 16 : i32
      %mul3A_1397 = arith.muli %scan3A_1017, %mul3A_1396 : i32
      %add3A_1398 = arith.constant 3536 : i32
      %add3A_1399 = arith.addi %add3A_1398, %mul3A_1397 : i32
      %get3A_1400 = arith.index_cast %add3A_1399 : i32 to index
      %get3A_1401 = tpu.vector_load %arg11[%get3A_1400] {strides = array<i32>} : memref<4352xf32, #tpu.memory_space<vmem>>, vector<16xf32>,
      %max3A_1402 = arith.maximumf %max3A_1388, %get3A_1401 : vector<16xf32>
      %mul3A_1403 = arith.constant 16 : i32
      %mul3A_1404 = arith.muli %scan3A_1017, %mul3A_1403 : i32
      %add3A_1405 = arith.constant 3536 : i32
      %add3A_1406 = arith.addi %add3A_1405, %mul3A_1404 : i32
      %get3A_1407 = arith.index_cast %add3A_1406 : i32 to index
      %get3A_1408 = tpu.vector_load %arg12[%get3A_1407] {strides = array<i32>} : memref<4352xf32, #tpu.memory_space<vmem>>, vector<16xf32>,
      %min3A_1409 = arith.minimumf %min3A_1395, %get3A_1408 : vector<16xf32>
      %mul3A_1410 = arith.constant 16 : i32
      %mul3A_1411 = arith.muli %scan3A_1017, %mul3A_1410 : i32
      %add3A_1412 = arith.constant 3808 : i32
      %add3A_1413 = arith.addi %add3A_1412, %mul3A_1411 : i32
      %get3A_1414 = arith.index_cast %add3A_1413 : i32 to index
      %get3A_1415 = tpu.vector_load %arg9[%get3A_1414] {strides = array<i32>} : memref<4352xf32, #tpu.memory_space<vmem>>, vector<16xf32>,
      %max3A_1416 = arith.maximumf %max3A_1402, %get3A_1415 : vector<16xf32>
      %mul3A_1417 = arith.constant 16 : i32
      %mul3A_1418 = arith.muli %scan3A_1017, %mul3A_1417 : i32
      %add3A_1419 = arith.constant 3808 : i32
      %add3A_1420 = arith.addi %add3A_1419, %mul3A_1418 : i32
      %get3A_1421 = arith.index_cast %add3A_1420 : i32 to index
      %get3A_1422 = tpu.vector_load %arg10[%get3A_1421] {strides = array<i32>} : memref<4352xf32, #tpu.memory_space<vmem>>, vector<16xf32>,
      %min3A_1423 = arith.minimumf %min3A_1409, %get3A_1422 : vector<16xf32>
      %mul3A_1424 = arith.constant 16 : i32
      %mul3A_1425 = arith.muli %scan3A_1017, %mul3A_1424 : i32
      %add3A_1426 = arith.constant 3808 : i32
      %add3A_1427 = arith.addi %add3A_1426, %mul3A_1425 : i32
      %get3A_1428 = arith.index_cast %add3A_1427 : i32 to index
      %get3A_1429 = tpu.vector_load %arg11[%get3A_1428] {strides = array<i32>} : memref<4352xf32, #tpu.memory_space<vmem>>, vector<16xf32>,
      %max3A_1430 = arith.maximumf %max3A_1416, %get3A_1429 : vector<16xf32>
      %mul3A_1431 = arith.constant 16 : i32
      %mul3A_1432 = arith.muli %scan3A_1017, %mul3A_1431 : i32
      %add3A_1433 = arith.constant 3808 : i32
      %add3A_1434 = arith.addi %add3A_1433, %mul3A_1432 : i32
      %get3A_1435 = arith.index_cast %add3A_1434 : i32 to index
      %get3A_1436 = tpu.vector_load %arg12[%get3A_1435] {strides = array<i32>} : memref<4352xf32, #tpu.memory_space<vmem>>, vector<16xf32>,
      %min3A_1437 = arith.minimumf %min3A_1423, %get3A_1436 : vector<16xf32>
      %mul3A_1438 = arith.constant 16 : i32
      %mul3A_1439 = arith.muli %scan3A_1017, %mul3A_1438 : i32
      %add3A_1440 = arith.constant 4080 : i32
      %add3A_1441 = arith.addi %add3A_1440, %mul3A_1439 : i32
      %get3A_1442 = arith.index_cast %add3A_1441 : i32 to index
      %get3A_1443 = tpu.vector_load %arg9[%get3A_1442] {strides = array<i32>} : memref<4352xf32, #tpu.memory_space<vmem>>, vector<16xf32>,
      %max3A_1444 = arith.maximumf %max3A_1430, %get3A_1443 : vector<16xf32>
      %mul3A_1445 = arith.constant 16 : i32
      %mul3A_1446 = arith.muli %scan3A_1017, %mul3A_1445 : i32
      %add3A_1447 = arith.constant 4080 : i32
      %add3A_1448 = arith.addi %add3A_1447, %mul3A_1446 : i32
      %get3A_1449 = arith.index_cast %add3A_1448 : i32 to index
      %get3A_1450 = tpu.vector_load %arg10[%get3A_1449] {strides = array<i32>} : memref<4352xf32, #tpu.memory_space<vmem>>, vector<16xf32>,
      %min3A_1451 = arith.minimumf %min3A_1437, %get3A_1450 : vector<16xf32>
      %mul3A_1452 = arith.constant 16 : i32
      %mul3A_1453 = arith.muli %scan3A_1017, %mul3A_1452 : i32
      %add3A_1454 = arith.constant 4080 : i32
      %add3A_1455 = arith.addi %add3A_1454, %mul3A_1453 : i32
      %get3A_1456 = arith.index_cast %add3A_1455 : i32 to index
      %get3A_1457 = tpu.vector_load %arg11[%get3A_1456] {strides = array<i32>} : memref<4352xf32, #tpu.memory_space<vmem>>, vector<16xf32>,
      %max3A_1458 = arith.maximumf %max3A_1444, %get3A_1457 : vector<16xf32>
      %mul3A_1459 = arith.constant 16 : i32
      %mul3A_1460 = arith.muli %scan3A_1017, %mul3A_1459 : i32
      %add3A_1461 = arith.constant 4080 : i32
      %add3A_1462 = arith.addi %add3A_1461, %mul3A_1460 : i32
      %get3A_1463 = arith.index_cast %add3A_1462 : i32 to index
      %get3A_1464 = tpu.vector_load %arg12[%get3A_1463] {strides = array<i32>} : memref<4352xf32, #tpu.memory_space<vmem>>, vector<16xf32>,
      %min3A_1465 = arith.minimumf %min3A_1451, %get3A_1464 : vector<16xf32>
      %mul3A_1466 = arith.constant 16 : i32
      %mul3A_1467 = arith.muli %scan3A_1017, %mul3A_1466 : i32
      %swap3A_1468 = arith.index_cast %mul3A_1467 : i32 to index
      %swap3A_1469 = tpu.vector_load %arg13[%swap3A_1468] {strides = array<i32>} : memref<768xf32, #tpu.memory_space<vmem>>, vector<16xf32>,
      tpu.vector_store %arg13[%swap3A_1468], %max3A_1458 {strides = array<i32>} : memref<768xf32, #tpu.memory_space<vmem>>, vector<16xf32>,
      %mul3A_1470 = arith.constant 16 : i32
      %mul3A_1471 = arith.muli %scan3A_1017, %mul3A_1470 : i32
      %add3A_1472 = arith.constant 384 : i32
      %add3A_1473 = arith.addi %add3A_1472, %mul3A_1471 : i32
      %swap3A_1474 = arith.index_cast %add3A_1473 : i32 to index
      %swap3A_1475 = tpu.vector_load %arg13[%swap3A_1474] {strides = array<i32>} : memref<768xf32, #tpu.memory_space<vmem>>, vector<16xf32>,
      tpu.vector_store %arg13[%swap3A_1474], %min3A_1465 {strides = array<i32>} : memref<768xf32, #tpu.memory_space<vmem>>, vector<16xf32>,
      %scan3A_1476 = arith.constant 0 : i32
      scf.yield %scan3A_1476 : i32
    }
    %scan3A_992 = arith.constant 17 : i32
    %mul3A_993 = arith.constant 384 : i32
    %mul3A_994 = arith.muli %arg1, %mul3A_993 : i32
    "tpu.region"() ({
      %run_scoped3A = tpu.sem_alloc : memref<!tpu.dma_semaphore, #tpu.memory_space<semaphore_mem>>
      %dma_start3A = arith.constant 0 : i32
      %dma_start3A_1017 = tpu.memref_slice %arg13[%dma_start3A] : memref<768xf32, #tpu.memory_space<vmem>> -> memref<384xf32, #tpu.memory_space<vmem>>
      %dma_start3A_1018 = tpu.memref_slice %arg19[%mul3A_994] : memref<6144xf32, #tpu.memory_space<vmem_shared>> -> memref<384xf32, #tpu.memory_space<vmem_shared>>
      %dma_start3A_1019 = tpu.memref_slice %arg19[%mul3A_994] : memref<6144xf32, #tpu.memory_space<vmem_shared>> -> memref<384xf32, #tpu.memory_space<vmem_shared>>
      %dma_start3A_1020 = arith.constant 0 : i32
      %dma_start3A_1021 = tpu.memref_slice %arg13[%dma_start3A_1020] : memref<768xf32, #tpu.memory_space<vmem>> -> memref<384xf32, #tpu.memory_space<vmem>>
      tpu.enqueue_dma source(%dma_start3A_1021 : memref<384xf32, #tpu.memory_space<vmem>>) target(%dma_start3A_1019 : memref<384xf32, #tpu.memory_space<vmem_shared>>) target_semaphore(%run_scoped3A : memref<!tpu.dma_semaphore, #tpu.memory_space<semaphore_mem>>)
      %dma_wait3A = arith.constant 0 : i32
      %dma_wait3A_1022 = tpu.memref_slice %arg13[%dma_wait3A] : memref<768xf32, #tpu.memory_space<vmem>> -> memref<384xf32, #tpu.memory_space<vmem>>
      %dma_wait3A_1023 = tpu.memref_slice %arg19[%mul3A_994] : memref<6144xf32, #tpu.memory_space<vmem_shared>> -> memref<384xf32, #tpu.memory_space<vmem_shared>>
      %dma_wait3A_1024 = tpu.memref_slice %arg19[%mul3A_994] : memref<6144xf32, #tpu.memory_space<vmem_shared>> -> memref<384xf32, #tpu.memory_space<vmem_shared>>
      %dma_wait3A_1025 = arith.constant 0 : i32
      %dma_wait3A_1026 = tpu.memref_slice %arg13[%dma_wait3A_1025] : memref<768xf32, #tpu.memory_space<vmem>> -> memref<384xf32, #tpu.memory_space<vmem>>
      tpu.wait_dma2 semaphore(%run_scoped3A : memref<!tpu.dma_semaphore, #tpu.memory_space<semaphore_mem>>) src(%dma_wait3A_1026 : memref<384xf32, #tpu.memory_space<vmem>>) dst(%dma_wait3A_1024 : memref<384xf32, #tpu.memory_space<vmem_shared>>)
      tpu.yield
    }) : () -> ()
    %mul3A_995 = arith.constant 384 : i32
    %mul3A_996 = arith.muli %arg1, %mul3A_995 : i32
    "tpu.region"() ({
      %run_scoped3A = tpu.sem_alloc : memref<!tpu.dma_semaphore, #tpu.memory_space<semaphore_mem>>
      %dma_start3A = arith.constant 384 : i32
      %dma_start3A_1017 = tpu.memref_slice %arg13[%dma_start3A] : memref<768xf32, #tpu.memory_space<vmem>> -> memref<384xf32, #tpu.memory_space<vmem>>
      %dma_start3A_1018 = tpu.memref_slice %arg20[%mul3A_996] : memref<6144xf32, #tpu.memory_space<vmem_shared>> -> memref<384xf32, #tpu.memory_space<vmem_shared>>
      %dma_start3A_1019 = tpu.memref_slice %arg20[%mul3A_996] : memref<6144xf32, #tpu.memory_space<vmem_shared>> -> memref<384xf32, #tpu.memory_space<vmem_shared>>
      %dma_start3A_1020 = arith.constant 384 : i32
      %dma_start3A_1021 = tpu.memref_slice %arg13[%dma_start3A_1020] : memref<768xf32, #tpu.memory_space<vmem>> -> memref<384xf32, #tpu.memory_space<vmem>>
      tpu.enqueue_dma source(%dma_start3A_1021 : memref<384xf32, #tpu.memory_space<vmem>>) target(%dma_start3A_1019 : memref<384xf32, #tpu.memory_space<vmem_shared>>) target_semaphore(%run_scoped3A : memref<!tpu.dma_semaphore, #tpu.memory_space<semaphore_mem>>)
      %dma_wait3A = arith.constant 384 : i32
      %dma_wait3A_1022 = tpu.memref_slice %arg13[%dma_wait3A] : memref<768xf32, #tpu.memory_space<vmem>> -> memref<384xf32, #tpu.memory_space<vmem>>
      %dma_wait3A_1023 = tpu.memref_slice %arg20[%mul3A_996] : memref<6144xf32, #tpu.memory_space<vmem_shared>> -> memref<384xf32, #tpu.memory_space<vmem_shared>>
      %dma_wait3A_1024 = tpu.memref_slice %arg20[%mul3A_996] : memref<6144xf32, #tpu.memory_space<vmem_shared>> -> memref<384xf32, #tpu.memory_space<vmem_shared>>
      %dma_wait3A_1025 = arith.constant 384 : i32
      %dma_wait3A_1026 = tpu.memref_slice %arg13[%dma_wait3A_1025] : memref<768xf32, #tpu.memory_space<vmem>> -> memref<384xf32, #tpu.memory_space<vmem>>
      tpu.wait_dma2 semaphore(%run_scoped3A : memref<!tpu.dma_semaphore, #tpu.memory_space<semaphore_mem>>) src(%dma_wait3A_1026 : memref<384xf32, #tpu.memory_space<vmem>>) dst(%dma_wait3A_1024 : memref<384xf32, #tpu.memory_space<vmem_shared>>)
      tpu.yield
    }) : () -> ()
    %lt3A_997 = arith.constant 8 : i32
    %lt3A_998 = vector.broadcast %lt3A_997 : i32 to vector<16xi32>
    %lt3A_999 = arith.cmpi slt, %iota3A, %lt3A_998 : vector<16xi32>
    %reduce_sum3A = arith.constant true
    %reduce_sum3A_1000 = vector.broadcast %reduce_sum3A : i1 to vector<16xi1>
    %reduce_sum3A_1001 = tpu.scan <sum>, %parallel_loop3A_978#0 masked %reduce_sum3A_1000 : vector<16xf32>, vector<16xi1> -> vector<16xf32>
    %reduce_sum3A_1002 = vector.extract %reduce_sum3A_1001[15] : f32 from vector<16xf32>
    %broadcast_in_dim3A_1003 = vector.broadcast %reduce_sum3A_1002 : f32 to vector<16xf32>
    %reduce_sum3A_1004 = arith.constant true
    %reduce_sum3A_1005 = vector.broadcast %reduce_sum3A_1004 : i1 to vector<16xi1>
    %reduce_sum3A_1006 = tpu.scan <sum>, %parallel_loop3A_978#1 masked %reduce_sum3A_1005 : vector<16xf32>, vector<16xi1> -> vector<16xf32>
    %reduce_sum3A_1007 = vector.extract %reduce_sum3A_1006[15] : f32 from vector<16xf32>
    %broadcast_in_dim3A_1008 = vector.broadcast %reduce_sum3A_1007 : f32 to vector<16xf32>
    %select_n3A_1009 = arith.select %lt3A_999, %broadcast_in_dim3A_1003, %broadcast_in_dim3A_1008 : vector<16xi1>, vector<16xf32>
    %swap3A_1010 = arith.constant 0 : index
    %swap3A_1011 = tpu.vector_load %arg17[%swap3A_1010] {strides = array<i32>} : memref<128xf32, #tpu.memory_space<vmem>>, vector<16xf32>,
    tpu.vector_store %arg17[%swap3A_1010], %select_n3A_1009 {strides = array<i32>} : memref<128xf32, #tpu.memory_space<vmem>>, vector<16xf32>,
    %mul3A_1012 = arith.constant 128 : i32
    %mul3A_1013 = arith.muli %arg1, %mul3A_1012 : i32
    "tpu.region"() ({
      %run_scoped3A = tpu.sem_alloc : memref<!tpu.dma_semaphore, #tpu.memory_space<semaphore_mem>>
      %dma_start3A = tpu.memref_slice %arg18[%mul3A_1013] : memref<2048xf32, #tpu.memory_space<vmem_shared>> -> memref<128xf32, #tpu.memory_space<vmem_shared>>
      %dma_start3A_1017 = tpu.memref_slice %arg18[%mul3A_1013] : memref<2048xf32, #tpu.memory_space<vmem_shared>> -> memref<128xf32, #tpu.memory_space<vmem_shared>>
      tpu.enqueue_dma source(%arg17 : memref<128xf32, #tpu.memory_space<vmem>>) target(%dma_start3A_1017 : memref<128xf32, #tpu.memory_space<vmem_shared>>) target_semaphore(%run_scoped3A : memref<!tpu.dma_semaphore, #tpu.memory_space<semaphore_mem>>)
      %dma_wait3A = tpu.memref_slice %arg18[%mul3A_1013] : memref<2048xf32, #tpu.memory_space<vmem_shared>> -> memref<128xf32, #tpu.memory_space<vmem_shared>>
      %dma_wait3A_1018 = tpu.memref_slice %arg18[%mul3A_1013] : memref<2048xf32, #tpu.memory_space<vmem_shared>> -> memref<128xf32, #tpu.memory_space<vmem_shared>>
      tpu.wait_dma2 semaphore(%run_scoped3A : memref<!tpu.dma_semaphore, #tpu.memory_space<semaphore_mem>>) src(%arg17 : memref<128xf32, #tpu.memory_space<vmem>>) dst(%dma_wait3A_1018 : memref<128xf32, #tpu.memory_space<vmem_shared>>)
      tpu.yield
    }) : () -> ()
    %barrier3A = arith.constant 0 : index
    tpu.barrier barrier_id(%barrier3A)
    %eq3A_1014 = arith.constant 0 : i32
    %eq3A_1015 = arith.cmpi eq, %select_n3A_30, %eq3A_1014 : i32
    %convert_element_type3A = arith.extui %eq3A_1015 : i1 to i32
    %cond3A = arith.constant 0 : i32
    %cond3A_1016 = arith.cmpi ne, %convert_element_type3A, %cond3A : i32
    scf.if %cond3A_1016 {
      %add3A_1017 = arith.constant 0 : i32
      %add3A_1018 = arith.addi %arg1, %add3A_1017 : i32
      %mul3A_1019 = arith.constant 384 : i32
      %mul3A_1020 = arith.muli %add3A_1018, %mul3A_1019 : i32
      "tpu.region"() ({
        %run_scoped3A = tpu.sem_alloc : memref<!tpu.dma_semaphore, #tpu.memory_space<semaphore_mem>>
        %dma_start3A = arith.constant 0 : i32
        %dma_start3A_1204 = tpu.memref_slice %arg14[%dma_start3A] : memref<3584xf32, #tpu.memory_space<vmem>> -> memref<384xf32, #tpu.memory_space<vmem>>
        %dma_start3A_1205 = tpu.memref_slice %arg19[%mul3A_1020] : memref<6144xf32, #tpu.memory_space<vmem_shared>> -> memref<384xf32, #tpu.memory_space<vmem_shared>>
        %dma_start3A_1206 = arith.constant 0 : i32
        %dma_start3A_1207 = tpu.memref_slice %arg14[%dma_start3A_1206] : memref<3584xf32, #tpu.memory_space<vmem>> -> memref<384xf32, #tpu.memory_space<vmem>>
        %dma_start3A_1208 = tpu.memref_slice %arg19[%mul3A_1020] : memref<6144xf32, #tpu.memory_space<vmem_shared>> -> memref<384xf32, #tpu.memory_space<vmem_shared>>
        tpu.enqueue_dma source(%dma_start3A_1208 : memref<384xf32, #tpu.memory_space<vmem_shared>>) target(%dma_start3A_1207 : memref<384xf32, #tpu.memory_space<vmem>>) target_semaphore(%run_scoped3A : memref<!tpu.dma_semaphore, #tpu.memory_space<semaphore_mem>>)
        %dma_wait3A = arith.constant 0 : i32
        %dma_wait3A_1209 = tpu.memref_slice %arg14[%dma_wait3A] : memref<3584xf32, #tpu.memory_space<vmem>> -> memref<384xf32, #tpu.memory_space<vmem>>
        %dma_wait3A_1210 = tpu.memref_slice %arg19[%mul3A_1020] : memref<6144xf32, #tpu.memory_space<vmem_shared>> -> memref<384xf32, #tpu.memory_space<vmem_shared>>
        %dma_wait3A_1211 = arith.constant 0 : i32
        %dma_wait3A_1212 = tpu.memref_slice %arg14[%dma_wait3A_1211] : memref<3584xf32, #tpu.memory_space<vmem>> -> memref<384xf32, #tpu.memory_space<vmem>>
        %dma_wait3A_1213 = tpu.memref_slice %arg19[%mul3A_1020] : memref<6144xf32, #tpu.memory_space<vmem_shared>> -> memref<384xf32, #tpu.memory_space<vmem_shared>>
        tpu.wait_dma2 semaphore(%run_scoped3A : memref<!tpu.dma_semaphore, #tpu.memory_space<semaphore_mem>>) src(%dma_wait3A_1213 : memref<384xf32, #tpu.memory_space<vmem_shared>>) dst(%dma_wait3A_1212 : memref<384xf32, #tpu.memory_space<vmem>>)
        tpu.yield
      }) : () -> ()
      %add3A_1021 = arith.constant 0 : i32
      %add3A_1022 = arith.addi %arg1, %add3A_1021 : i32
      %mul3A_1023 = arith.constant 384 : i32
      %mul3A_1024 = arith.muli %add3A_1022, %mul3A_1023 : i32
      "tpu.region"() ({
        %run_scoped3A = tpu.sem_alloc : memref<!tpu.dma_semaphore, #tpu.memory_space<semaphore_mem>>
        %dma_start3A = arith.constant 1536 : i32
        %dma_start3A_1204 = tpu.memref_slice %arg14[%dma_start3A] : memref<3584xf32, #tpu.memory_space<vmem>> -> memref<384xf32, #tpu.memory_space<vmem>>
        %dma_start3A_1205 = tpu.memref_slice %arg20[%mul3A_1024] : memref<6144xf32, #tpu.memory_space<vmem_shared>> -> memref<384xf32, #tpu.memory_space<vmem_shared>>
        %dma_start3A_1206 = arith.constant 1536 : i32
        %dma_start3A_1207 = tpu.memref_slice %arg14[%dma_start3A_1206] : memref<3584xf32, #tpu.memory_space<vmem>> -> memref<384xf32, #tpu.memory_space<vmem>>
        %dma_start3A_1208 = tpu.memref_slice %arg20[%mul3A_1024] : memref<6144xf32, #tpu.memory_space<vmem_shared>> -> memref<384xf32, #tpu.memory_space<vmem_shared>>
        tpu.enqueue_dma source(%dma_start3A_1208 : memref<384xf32, #tpu.memory_space<vmem_shared>>) target(%dma_start3A_1207 : memref<384xf32, #tpu.memory_space<vmem>>) target_semaphore(%run_scoped3A : memref<!tpu.dma_semaphore, #tpu.memory_space<semaphore_mem>>)
        %dma_wait3A = arith.constant 1536 : i32
        %dma_wait3A_1209 = tpu.memref_slice %arg14[%dma_wait3A] : memref<3584xf32, #tpu.memory_space<vmem>> -> memref<384xf32, #tpu.memory_space<vmem>>
        %dma_wait3A_1210 = tpu.memref_slice %arg20[%mul3A_1024] : memref<6144xf32, #tpu.memory_space<vmem_shared>> -> memref<384xf32, #tpu.memory_space<vmem_shared>>
        %dma_wait3A_1211 = arith.constant 1536 : i32
        %dma_wait3A_1212 = tpu.memref_slice %arg14[%dma_wait3A_1211] : memref<3584xf32, #tpu.memory_space<vmem>> -> memref<384xf32, #tpu.memory_space<vmem>>
        %dma_wait3A_1213 = tpu.memref_slice %arg20[%mul3A_1024] : memref<6144xf32, #tpu.memory_space<vmem_shared>> -> memref<384xf32, #tpu.memory_space<vmem_shared>>
        tpu.wait_dma2 semaphore(%run_scoped3A : memref<!tpu.dma_semaphore, #tpu.memory_space<semaphore_mem>>) src(%dma_wait3A_1213 : memref<384xf32, #tpu.memory_space<vmem_shared>>) dst(%dma_wait3A_1212 : memref<384xf32, #tpu.memory_space<vmem>>)
        tpu.yield
      }) : () -> ()
      %add3A_1025 = arith.constant 0 : i32
      %add3A_1026 = arith.addi %arg1, %add3A_1025 : i32
      %mul3A_1027 = arith.constant 128 : i32
      %mul3A_1028 = arith.muli %add3A_1026, %mul3A_1027 : i32
      "tpu.region"() ({
        %run_scoped3A = tpu.sem_alloc : memref<!tpu.dma_semaphore, #tpu.memory_space<semaphore_mem>>
        %dma_start3A = arith.constant 3072 : i32
        %dma_start3A_1204 = tpu.memref_slice %arg14[%dma_start3A] : memref<3584xf32, #tpu.memory_space<vmem>> -> memref<128xf32, #tpu.memory_space<vmem>>
        %dma_start3A_1205 = tpu.memref_slice %arg18[%mul3A_1028] : memref<2048xf32, #tpu.memory_space<vmem_shared>> -> memref<128xf32, #tpu.memory_space<vmem_shared>>
        %dma_start3A_1206 = arith.constant 3072 : i32
        %dma_start3A_1207 = tpu.memref_slice %arg14[%dma_start3A_1206] : memref<3584xf32, #tpu.memory_space<vmem>> -> memref<128xf32, #tpu.memory_space<vmem>>
        %dma_start3A_1208 = tpu.memref_slice %arg18[%mul3A_1028] : memref<2048xf32, #tpu.memory_space<vmem_shared>> -> memref<128xf32, #tpu.memory_space<vmem_shared>>
        tpu.enqueue_dma source(%dma_start3A_1208 : memref<128xf32, #tpu.memory_space<vmem_shared>>) target(%dma_start3A_1207 : memref<128xf32, #tpu.memory_space<vmem>>) target_semaphore(%run_scoped3A : memref<!tpu.dma_semaphore, #tpu.memory_space<semaphore_mem>>)
        %dma_wait3A = arith.constant 3072 : i32
        %dma_wait3A_1209 = tpu.memref_slice %arg14[%dma_wait3A] : memref<3584xf32, #tpu.memory_space<vmem>> -> memref<128xf32, #tpu.memory_space<vmem>>
        %dma_wait3A_1210 = tpu.memref_slice %arg18[%mul3A_1028] : memref<2048xf32, #tpu.memory_space<vmem_shared>> -> memref<128xf32, #tpu.memory_space<vmem_shared>>
        %dma_wait3A_1211 = arith.constant 3072 : i32
        %dma_wait3A_1212 = tpu.memref_slice %arg14[%dma_wait3A_1211] : memref<3584xf32, #tpu.memory_space<vmem>> -> memref<128xf32, #tpu.memory_space<vmem>>
        %dma_wait3A_1213 = tpu.memref_slice %arg18[%mul3A_1028] : memref<2048xf32, #tpu.memory_space<vmem_shared>> -> memref<128xf32, #tpu.memory_space<vmem_shared>>
        tpu.wait_dma2 semaphore(%run_scoped3A : memref<!tpu.dma_semaphore, #tpu.memory_space<semaphore_mem>>) src(%dma_wait3A_1213 : memref<128xf32, #tpu.memory_space<vmem_shared>>) dst(%dma_wait3A_1212 : memref<128xf32, #tpu.memory_space<vmem>>)
        tpu.yield
      }) : () -> ()
      %add3A_1029 = arith.constant 1 : i32
      %add3A_1030 = arith.addi %arg1, %add3A_1029 : i32
      %mul3A_1031 = arith.constant 384 : i32
      %mul3A_1032 = arith.muli %add3A_1030, %mul3A_1031 : i32
      "tpu.region"() ({
        %run_scoped3A = tpu.sem_alloc : memref<!tpu.dma_semaphore, #tpu.memory_space<semaphore_mem>>
        %dma_start3A = arith.constant 384 : i32
        %dma_start3A_1204 = tpu.memref_slice %arg14[%dma_start3A] : memref<3584xf32, #tpu.memory_space<vmem>> -> memref<384xf32, #tpu.memory_space<vmem>>
        %dma_start3A_1205 = tpu.memref_slice %arg19[%mul3A_1032] : memref<6144xf32, #tpu.memory_space<vmem_shared>> -> memref<384xf32, #tpu.memory_space<vmem_shared>>
        %dma_start3A_1206 = arith.constant 384 : i32
        %dma_start3A_1207 = tpu.memref_slice %arg14[%dma_start3A_1206] : memref<3584xf32, #tpu.memory_space<vmem>> -> memref<384xf32, #tpu.memory_space<vmem>>
        %dma_start3A_1208 = tpu.memref_slice %arg19[%mul3A_1032] : memref<6144xf32, #tpu.memory_space<vmem_shared>> -> memref<384xf32, #tpu.memory_space<vmem_shared>>
        tpu.enqueue_dma source(%dma_start3A_1208 : memref<384xf32, #tpu.memory_space<vmem_shared>>) target(%dma_start3A_1207 : memref<384xf32, #tpu.memory_space<vmem>>) target_semaphore(%run_scoped3A : memref<!tpu.dma_semaphore, #tpu.memory_space<semaphore_mem>>)
        %dma_wait3A = arith.constant 384 : i32
        %dma_wait3A_1209 = tpu.memref_slice %arg14[%dma_wait3A] : memref<3584xf32, #tpu.memory_space<vmem>> -> memref<384xf32, #tpu.memory_space<vmem>>
        %dma_wait3A_1210 = tpu.memref_slice %arg19[%mul3A_1032] : memref<6144xf32, #tpu.memory_space<vmem_shared>> -> memref<384xf32, #tpu.memory_space<vmem_shared>>
        %dma_wait3A_1211 = arith.constant 384 : i32
        %dma_wait3A_1212 = tpu.memref_slice %arg14[%dma_wait3A_1211] : memref<3584xf32, #tpu.memory_space<vmem>> -> memref<384xf32, #tpu.memory_space<vmem>>
        %dma_wait3A_1213 = tpu.memref_slice %arg19[%mul3A_1032] : memref<6144xf32, #tpu.memory_space<vmem_shared>> -> memref<384xf32, #tpu.memory_space<vmem_shared>>
        tpu.wait_dma2 semaphore(%run_scoped3A : memref<!tpu.dma_semaphore, #tpu.memory_space<semaphore_mem>>) src(%dma_wait3A_1213 : memref<384xf32, #tpu.memory_space<vmem_shared>>) dst(%dma_wait3A_1212 : memref<384xf32, #tpu.memory_space<vmem>>)
        tpu.yield
      }) : () -> ()
      %add3A_1033 = arith.constant 1 : i32
      %add3A_1034 = arith.addi %arg1, %add3A_1033 : i32
      %mul3A_1035 = arith.constant 384 : i32
      %mul3A_1036 = arith.muli %add3A_1034, %mul3A_1035 : i32
      "tpu.region"() ({
        %run_scoped3A = tpu.sem_alloc : memref<!tpu.dma_semaphore, #tpu.memory_space<semaphore_mem>>
        %dma_start3A = arith.constant 1920 : i32
        %dma_start3A_1204 = tpu.memref_slice %arg14[%dma_start3A] : memref<3584xf32, #tpu.memory_space<vmem>> -> memref<384xf32, #tpu.memory_space<vmem>>
        %dma_start3A_1205 = tpu.memref_slice %arg20[%mul3A_1036] : memref<6144xf32, #tpu.memory_space<vmem_shared>> -> memref<384xf32, #tpu.memory_space<vmem_shared>>
        %dma_start3A_1206 = arith.constant 1920 : i32
        %dma_start3A_1207 = tpu.memref_slice %arg14[%dma_start3A_1206] : memref<3584xf32, #tpu.memory_space<vmem>> -> memref<384xf32, #tpu.memory_space<vmem>>
        %dma_start3A_1208 = tpu.memref_slice %arg20[%mul3A_1036] : memref<6144xf32, #tpu.memory_space<vmem_shared>> -> memref<384xf32, #tpu.memory_space<vmem_shared>>
        tpu.enqueue_dma source(%dma_start3A_1208 : memref<384xf32, #tpu.memory_space<vmem_shared>>) target(%dma_start3A_1207 : memref<384xf32, #tpu.memory_space<vmem>>) target_semaphore(%run_scoped3A : memref<!tpu.dma_semaphore, #tpu.memory_space<semaphore_mem>>)
        %dma_wait3A = arith.constant 1920 : i32
        %dma_wait3A_1209 = tpu.memref_slice %arg14[%dma_wait3A] : memref<3584xf32, #tpu.memory_space<vmem>> -> memref<384xf32, #tpu.memory_space<vmem>>
        %dma_wait3A_1210 = tpu.memref_slice %arg20[%mul3A_1036] : memref<6144xf32, #tpu.memory_space<vmem_shared>> -> memref<384xf32, #tpu.memory_space<vmem_shared>>
        %dma_wait3A_1211 = arith.constant 1920 : i32
        %dma_wait3A_1212 = tpu.memref_slice %arg14[%dma_wait3A_1211] : memref<3584xf32, #tpu.memory_space<vmem>> -> memref<384xf32, #tpu.memory_space<vmem>>
        %dma_wait3A_1213 = tpu.memref_slice %arg20[%mul3A_1036] : memref<6144xf32, #tpu.memory_space<vmem_shared>> -> memref<384xf32, #tpu.memory_space<vmem_shared>>
        tpu.wait_dma2 semaphore(%run_scoped3A : memref<!tpu.dma_semaphore, #tpu.memory_space<semaphore_mem>>) src(%dma_wait3A_1213 : memref<384xf32, #tpu.memory_space<vmem_shared>>) dst(%dma_wait3A_1212 : memref<384xf32, #tpu.memory_space<vmem>>)
        tpu.yield
      }) : () -> ()
      %add3A_1037 = arith.constant 1 : i32
      %add3A_1038 = arith.addi %arg1, %add3A_1037 : i32
      %mul3A_1039 = arith.constant 128 : i32
      %mul3A_1040 = arith.muli %add3A_1038, %mul3A_1039 : i32
      "tpu.region"() ({
        %run_scoped3A = tpu.sem_alloc : memref<!tpu.dma_semaphore, #tpu.memory_space<semaphore_mem>>
        %dma_start3A = arith.constant 3200 : i32
        %dma_start3A_1204 = tpu.memref_slice %arg14[%dma_start3A] : memref<3584xf32, #tpu.memory_space<vmem>> -> memref<128xf32, #tpu.memory_space<vmem>>
        %dma_start3A_1205 = tpu.memref_slice %arg18[%mul3A_1040] : memref<2048xf32, #tpu.memory_space<vmem_shared>> -> memref<128xf32, #tpu.memory_space<vmem_shared>>
        %dma_start3A_1206 = arith.constant 3200 : i32
        %dma_start3A_1207 = tpu.memref_slice %arg14[%dma_start3A_1206] : memref<3584xf32, #tpu.memory_space<vmem>> -> memref<128xf32, #tpu.memory_space<vmem>>
        %dma_start3A_1208 = tpu.memref_slice %arg18[%mul3A_1040] : memref<2048xf32, #tpu.memory_space<vmem_shared>> -> memref<128xf32, #tpu.memory_space<vmem_shared>>
        tpu.enqueue_dma source(%dma_start3A_1208 : memref<128xf32, #tpu.memory_space<vmem_shared>>) target(%dma_start3A_1207 : memref<128xf32, #tpu.memory_space<vmem>>) target_semaphore(%run_scoped3A : memref<!tpu.dma_semaphore, #tpu.memory_space<semaphore_mem>>)
        %dma_wait3A = arith.constant 3200 : i32
        %dma_wait3A_1209 = tpu.memref_slice %arg14[%dma_wait3A] : memref<3584xf32, #tpu.memory_space<vmem>> -> memref<128xf32, #tpu.memory_space<vmem>>
        %dma_wait3A_1210 = tpu.memref_slice %arg18[%mul3A_1040] : memref<2048xf32, #tpu.memory_space<vmem_shared>> -> memref<128xf32, #tpu.memory_space<vmem_shared>>
        %dma_wait3A_1211 = arith.constant 3200 : i32
        %dma_wait3A_1212 = tpu.memref_slice %arg14[%dma_wait3A_1211] : memref<3584xf32, #tpu.memory_space<vmem>> -> memref<128xf32, #tpu.memory_space<vmem>>
        %dma_wait3A_1213 = tpu.memref_slice %arg18[%mul3A_1040] : memref<2048xf32, #tpu.memory_space<vmem_shared>> -> memref<128xf32, #tpu.memory_space<vmem_shared>>
        tpu.wait_dma2 semaphore(%run_scoped3A : memref<!tpu.dma_semaphore, #tpu.memory_space<semaphore_mem>>) src(%dma_wait3A_1213 : memref<128xf32, #tpu.memory_space<vmem_shared>>) dst(%dma_wait3A_1212 : memref<128xf32, #tpu.memory_space<vmem>>)
        tpu.yield
      }) : () -> ()
      %add3A_1041 = arith.constant 2 : i32
      %add3A_1042 = arith.addi %arg1, %add3A_1041 : i32
      %mul3A_1043 = arith.constant 384 : i32
      %mul3A_1044 = arith.muli %add3A_1042, %mul3A_1043 : i32
      "tpu.region"() ({
        %run_scoped3A = tpu.sem_alloc : memref<!tpu.dma_semaphore, #tpu.memory_space<semaphore_mem>>
        %dma_start3A = arith.constant 768 : i32
        %dma_start3A_1204 = tpu.memref_slice %arg14[%dma_start3A] : memref<3584xf32, #tpu.memory_space<vmem>> -> memref<384xf32, #tpu.memory_space<vmem>>
        %dma_start3A_1205 = tpu.memref_slice %arg19[%mul3A_1044] : memref<6144xf32, #tpu.memory_space<vmem_shared>> -> memref<384xf32, #tpu.memory_space<vmem_shared>>
        %dma_start3A_1206 = arith.constant 768 : i32
        %dma_start3A_1207 = tpu.memref_slice %arg14[%dma_start3A_1206] : memref<3584xf32, #tpu.memory_space<vmem>> -> memref<384xf32, #tpu.memory_space<vmem>>
        %dma_start3A_1208 = tpu.memref_slice %arg19[%mul3A_1044] : memref<6144xf32, #tpu.memory_space<vmem_shared>> -> memref<384xf32, #tpu.memory_space<vmem_shared>>
        tpu.enqueue_dma source(%dma_start3A_1208 : memref<384xf32, #tpu.memory_space<vmem_shared>>) target(%dma_start3A_1207 : memref<384xf32, #tpu.memory_space<vmem>>) target_semaphore(%run_scoped3A : memref<!tpu.dma_semaphore, #tpu.memory_space<semaphore_mem>>)
        %dma_wait3A = arith.constant 768 : i32
        %dma_wait3A_1209 = tpu.memref_slice %arg14[%dma_wait3A] : memref<3584xf32, #tpu.memory_space<vmem>> -> memref<384xf32, #tpu.memory_space<vmem>>
        %dma_wait3A_1210 = tpu.memref_slice %arg19[%mul3A_1044] : memref<6144xf32, #tpu.memory_space<vmem_shared>> -> memref<384xf32, #tpu.memory_space<vmem_shared>>
        %dma_wait3A_1211 = arith.constant 768 : i32
        %dma_wait3A_1212 = tpu.memref_slice %arg14[%dma_wait3A_1211] : memref<3584xf32, #tpu.memory_space<vmem>> -> memref<384xf32, #tpu.memory_space<vmem>>
        %dma_wait3A_1213 = tpu.memref_slice %arg19[%mul3A_1044] : memref<6144xf32, #tpu.memory_space<vmem_shared>> -> memref<384xf32, #tpu.memory_space<vmem_shared>>
        tpu.wait_dma2 semaphore(%run_scoped3A : memref<!tpu.dma_semaphore, #tpu.memory_space<semaphore_mem>>) src(%dma_wait3A_1213 : memref<384xf32, #tpu.memory_space<vmem_shared>>) dst(%dma_wait3A_1212 : memref<384xf32, #tpu.memory_space<vmem>>)
        tpu.yield
      }) : () -> ()
      %add3A_1045 = arith.constant 2 : i32
      %add3A_1046 = arith.addi %arg1, %add3A_1045 : i32
      %mul3A_1047 = arith.constant 384 : i32
      %mul3A_1048 = arith.muli %add3A_1046, %mul3A_1047 : i32
      "tpu.region"() ({
        %run_scoped3A = tpu.sem_alloc : memref<!tpu.dma_semaphore, #tpu.memory_space<semaphore_mem>>
        %dma_start3A = arith.constant 2304 : i32
        %dma_start3A_1204 = tpu.memref_slice %arg14[%dma_start3A] : memref<3584xf32, #tpu.memory_space<vmem>> -> memref<384xf32, #tpu.memory_space<vmem>>
        %dma_start3A_1205 = tpu.memref_slice %arg20[%mul3A_1048] : memref<6144xf32, #tpu.memory_space<vmem_shared>> -> memref<384xf32, #tpu.memory_space<vmem_shared>>
        %dma_start3A_1206 = arith.constant 2304 : i32
        %dma_start3A_1207 = tpu.memref_slice %arg14[%dma_start3A_1206] : memref<3584xf32, #tpu.memory_space<vmem>> -> memref<384xf32, #tpu.memory_space<vmem>>
        %dma_start3A_1208 = tpu.memref_slice %arg20[%mul3A_1048] : memref<6144xf32, #tpu.memory_space<vmem_shared>> -> memref<384xf32, #tpu.memory_space<vmem_shared>>
        tpu.enqueue_dma source(%dma_start3A_1208 : memref<384xf32, #tpu.memory_space<vmem_shared>>) target(%dma_start3A_1207 : memref<384xf32, #tpu.memory_space<vmem>>) target_semaphore(%run_scoped3A : memref<!tpu.dma_semaphore, #tpu.memory_space<semaphore_mem>>)
        %dma_wait3A = arith.constant 2304 : i32
        %dma_wait3A_1209 = tpu.memref_slice %arg14[%dma_wait3A] : memref<3584xf32, #tpu.memory_space<vmem>> -> memref<384xf32, #tpu.memory_space<vmem>>
        %dma_wait3A_1210 = tpu.memref_slice %arg20[%mul3A_1048] : memref<6144xf32, #tpu.memory_space<vmem_shared>> -> memref<384xf32, #tpu.memory_space<vmem_shared>>
        %dma_wait3A_1211 = arith.constant 2304 : i32
        %dma_wait3A_1212 = tpu.memref_slice %arg14[%dma_wait3A_1211] : memref<3584xf32, #tpu.memory_space<vmem>> -> memref<384xf32, #tpu.memory_space<vmem>>
        %dma_wait3A_1213 = tpu.memref_slice %arg20[%mul3A_1048] : memref<6144xf32, #tpu.memory_space<vmem_shared>> -> memref<384xf32, #tpu.memory_space<vmem_shared>>
        tpu.wait_dma2 semaphore(%run_scoped3A : memref<!tpu.dma_semaphore, #tpu.memory_space<semaphore_mem>>) src(%dma_wait3A_1213 : memref<384xf32, #tpu.memory_space<vmem_shared>>) dst(%dma_wait3A_1212 : memref<384xf32, #tpu.memory_space<vmem>>)
        tpu.yield
      }) : () -> ()
      %add3A_1049 = arith.constant 2 : i32
      %add3A_1050 = arith.addi %arg1, %add3A_1049 : i32
      %mul3A_1051 = arith.constant 128 : i32
      %mul3A_1052 = arith.muli %add3A_1050, %mul3A_1051 : i32
      "tpu.region"() ({
        %run_scoped3A = tpu.sem_alloc : memref<!tpu.dma_semaphore, #tpu.memory_space<semaphore_mem>>
        %dma_start3A = arith.constant 3328 : i32
        %dma_start3A_1204 = tpu.memref_slice %arg14[%dma_start3A] : memref<3584xf32, #tpu.memory_space<vmem>> -> memref<128xf32, #tpu.memory_space<vmem>>
        %dma_start3A_1205 = tpu.memref_slice %arg18[%mul3A_1052] : memref<2048xf32, #tpu.memory_space<vmem_shared>> -> memref<128xf32, #tpu.memory_space<vmem_shared>>
        %dma_start3A_1206 = arith.constant 3328 : i32
        %dma_start3A_1207 = tpu.memref_slice %arg14[%dma_start3A_1206] : memref<3584xf32, #tpu.memory_space<vmem>> -> memref<128xf32, #tpu.memory_space<vmem>>
        %dma_start3A_1208 = tpu.memref_slice %arg18[%mul3A_1052] : memref<2048xf32, #tpu.memory_space<vmem_shared>> -> memref<128xf32, #tpu.memory_space<vmem_shared>>
        tpu.enqueue_dma source(%dma_start3A_1208 : memref<128xf32, #tpu.memory_space<vmem_shared>>) target(%dma_start3A_1207 : memref<128xf32, #tpu.memory_space<vmem>>) target_semaphore(%run_scoped3A : memref<!tpu.dma_semaphore, #tpu.memory_space<semaphore_mem>>)
        %dma_wait3A = arith.constant 3328 : i32
        %dma_wait3A_1209 = tpu.memref_slice %arg14[%dma_wait3A] : memref<3584xf32, #tpu.memory_space<vmem>> -> memref<128xf32, #tpu.memory_space<vmem>>
        %dma_wait3A_1210 = tpu.memref_slice %arg18[%mul3A_1052] : memref<2048xf32, #tpu.memory_space<vmem_shared>> -> memref<128xf32, #tpu.memory_space<vmem_shared>>
        %dma_wait3A_1211 = arith.constant 3328 : i32
        %dma_wait3A_1212 = tpu.memref_slice %arg14[%dma_wait3A_1211] : memref<3584xf32, #tpu.memory_space<vmem>> -> memref<128xf32, #tpu.memory_space<vmem>>
        %dma_wait3A_1213 = tpu.memref_slice %arg18[%mul3A_1052] : memref<2048xf32, #tpu.memory_space<vmem_shared>> -> memref<128xf32, #tpu.memory_space<vmem_shared>>
        tpu.wait_dma2 semaphore(%run_scoped3A : memref<!tpu.dma_semaphore, #tpu.memory_space<semaphore_mem>>) src(%dma_wait3A_1213 : memref<128xf32, #tpu.memory_space<vmem_shared>>) dst(%dma_wait3A_1212 : memref<128xf32, #tpu.memory_space<vmem>>)
        tpu.yield
      }) : () -> ()
      %add3A_1053 = arith.constant 3 : i32
      %add3A_1054 = arith.addi %arg1, %add3A_1053 : i32
      %mul3A_1055 = arith.constant 384 : i32
      %mul3A_1056 = arith.muli %add3A_1054, %mul3A_1055 : i32
      "tpu.region"() ({
        %run_scoped3A = tpu.sem_alloc : memref<!tpu.dma_semaphore, #tpu.memory_space<semaphore_mem>>
        %dma_start3A = arith.constant 1152 : i32
        %dma_start3A_1204 = tpu.memref_slice %arg14[%dma_start3A] : memref<3584xf32, #tpu.memory_space<vmem>> -> memref<384xf32, #tpu.memory_space<vmem>>
        %dma_start3A_1205 = tpu.memref_slice %arg19[%mul3A_1056] : memref<6144xf32, #tpu.memory_space<vmem_shared>> -> memref<384xf32, #tpu.memory_space<vmem_shared>>
        %dma_start3A_1206 = arith.constant 1152 : i32
        %dma_start3A_1207 = tpu.memref_slice %arg14[%dma_start3A_1206] : memref<3584xf32, #tpu.memory_space<vmem>> -> memref<384xf32, #tpu.memory_space<vmem>>
        %dma_start3A_1208 = tpu.memref_slice %arg19[%mul3A_1056] : memref<6144xf32, #tpu.memory_space<vmem_shared>> -> memref<384xf32, #tpu.memory_space<vmem_shared>>
        tpu.enqueue_dma source(%dma_start3A_1208 : memref<384xf32, #tpu.memory_space<vmem_shared>>) target(%dma_start3A_1207 : memref<384xf32, #tpu.memory_space<vmem>>) target_semaphore(%run_scoped3A : memref<!tpu.dma_semaphore, #tpu.memory_space<semaphore_mem>>)
        %dma_wait3A = arith.constant 1152 : i32
        %dma_wait3A_1209 = tpu.memref_slice %arg14[%dma_wait3A] : memref<3584xf32, #tpu.memory_space<vmem>> -> memref<384xf32, #tpu.memory_space<vmem>>
        %dma_wait3A_1210 = tpu.memref_slice %arg19[%mul3A_1056] : memref<6144xf32, #tpu.memory_space<vmem_shared>> -> memref<384xf32, #tpu.memory_space<vmem_shared>>
        %dma_wait3A_1211 = arith.constant 1152 : i32
        %dma_wait3A_1212 = tpu.memref_slice %arg14[%dma_wait3A_1211] : memref<3584xf32, #tpu.memory_space<vmem>> -> memref<384xf32, #tpu.memory_space<vmem>>
        %dma_wait3A_1213 = tpu.memref_slice %arg19[%mul3A_1056] : memref<6144xf32, #tpu.memory_space<vmem_shared>> -> memref<384xf32, #tpu.memory_space<vmem_shared>>
        tpu.wait_dma2 semaphore(%run_scoped3A : memref<!tpu.dma_semaphore, #tpu.memory_space<semaphore_mem>>) src(%dma_wait3A_1213 : memref<384xf32, #tpu.memory_space<vmem_shared>>) dst(%dma_wait3A_1212 : memref<384xf32, #tpu.memory_space<vmem>>)
        tpu.yield
      }) : () -> ()
      %add3A_1057 = arith.constant 3 : i32
      %add3A_1058 = arith.addi %arg1, %add3A_1057 : i32
      %mul3A_1059 = arith.constant 384 : i32
      %mul3A_1060 = arith.muli %add3A_1058, %mul3A_1059 : i32
      "tpu.region"() ({
        %run_scoped3A = tpu.sem_alloc : memref<!tpu.dma_semaphore, #tpu.memory_space<semaphore_mem>>
        %dma_start3A = arith.constant 2688 : i32
        %dma_start3A_1204 = tpu.memref_slice %arg14[%dma_start3A] : memref<3584xf32, #tpu.memory_space<vmem>> -> memref<384xf32, #tpu.memory_space<vmem>>
        %dma_start3A_1205 = tpu.memref_slice %arg20[%mul3A_1060] : memref<6144xf32, #tpu.memory_space<vmem_shared>> -> memref<384xf32, #tpu.memory_space<vmem_shared>>
        %dma_start3A_1206 = arith.constant 2688 : i32
        %dma_start3A_1207 = tpu.memref_slice %arg14[%dma_start3A_1206] : memref<3584xf32, #tpu.memory_space<vmem>> -> memref<384xf32, #tpu.memory_space<vmem>>
        %dma_start3A_1208 = tpu.memref_slice %arg20[%mul3A_1060] : memref<6144xf32, #tpu.memory_space<vmem_shared>> -> memref<384xf32, #tpu.memory_space<vmem_shared>>
        tpu.enqueue_dma source(%dma_start3A_1208 : memref<384xf32, #tpu.memory_space<vmem_shared>>) target(%dma_start3A_1207 : memref<384xf32, #tpu.memory_space<vmem>>) target_semaphore(%run_scoped3A : memref<!tpu.dma_semaphore, #tpu.memory_space<semaphore_mem>>)
        %dma_wait3A = arith.constant 2688 : i32
        %dma_wait3A_1209 = tpu.memref_slice %arg14[%dma_wait3A] : memref<3584xf32, #tpu.memory_space<vmem>> -> memref<384xf32, #tpu.memory_space<vmem>>
        %dma_wait3A_1210 = tpu.memref_slice %arg20[%mul3A_1060] : memref<6144xf32, #tpu.memory_space<vmem_shared>> -> memref<384xf32, #tpu.memory_space<vmem_shared>>
        %dma_wait3A_1211 = arith.constant 2688 : i32
        %dma_wait3A_1212 = tpu.memref_slice %arg14[%dma_wait3A_1211] : memref<3584xf32, #tpu.memory_space<vmem>> -> memref<384xf32, #tpu.memory_space<vmem>>
        %dma_wait3A_1213 = tpu.memref_slice %arg20[%mul3A_1060] : memref<6144xf32, #tpu.memory_space<vmem_shared>> -> memref<384xf32, #tpu.memory_space<vmem_shared>>
        tpu.wait_dma2 semaphore(%run_scoped3A : memref<!tpu.dma_semaphore, #tpu.memory_space<semaphore_mem>>) src(%dma_wait3A_1213 : memref<384xf32, #tpu.memory_space<vmem_shared>>) dst(%dma_wait3A_1212 : memref<384xf32, #tpu.memory_space<vmem>>)
        tpu.yield
      }) : () -> ()
      %add3A_1061 = arith.constant 3 : i32
      %add3A_1062 = arith.addi %arg1, %add3A_1061 : i32
      %mul3A_1063 = arith.constant 128 : i32
      %mul3A_1064 = arith.muli %add3A_1062, %mul3A_1063 : i32
      "tpu.region"() ({
        %run_scoped3A = tpu.sem_alloc : memref<!tpu.dma_semaphore, #tpu.memory_space<semaphore_mem>>
        %dma_start3A = arith.constant 3456 : i32
        %dma_start3A_1204 = tpu.memref_slice %arg14[%dma_start3A] : memref<3584xf32, #tpu.memory_space<vmem>> -> memref<128xf32, #tpu.memory_space<vmem>>
        %dma_start3A_1205 = tpu.memref_slice %arg18[%mul3A_1064] : memref<2048xf32, #tpu.memory_space<vmem_shared>> -> memref<128xf32, #tpu.memory_space<vmem_shared>>
        %dma_start3A_1206 = arith.constant 3456 : i32
        %dma_start3A_1207 = tpu.memref_slice %arg14[%dma_start3A_1206] : memref<3584xf32, #tpu.memory_space<vmem>> -> memref<128xf32, #tpu.memory_space<vmem>>
        %dma_start3A_1208 = tpu.memref_slice %arg18[%mul3A_1064] : memref<2048xf32, #tpu.memory_space<vmem_shared>> -> memref<128xf32, #tpu.memory_space<vmem_shared>>
        tpu.enqueue_dma source(%dma_start3A_1208 : memref<128xf32, #tpu.memory_space<vmem_shared>>) target(%dma_start3A_1207 : memref<128xf32, #tpu.memory_space<vmem>>) target_semaphore(%run_scoped3A : memref<!tpu.dma_semaphore, #tpu.memory_space<semaphore_mem>>)
        %dma_wait3A = arith.constant 3456 : i32
        %dma_wait3A_1209 = tpu.memref_slice %arg14[%dma_wait3A] : memref<3584xf32, #tpu.memory_space<vmem>> -> memref<128xf32, #tpu.memory_space<vmem>>
        %dma_wait3A_1210 = tpu.memref_slice %arg18[%mul3A_1064] : memref<2048xf32, #tpu.memory_space<vmem_shared>> -> memref<128xf32, #tpu.memory_space<vmem_shared>>
        %dma_wait3A_1211 = arith.constant 3456 : i32
        %dma_wait3A_1212 = tpu.memref_slice %arg14[%dma_wait3A_1211] : memref<3584xf32, #tpu.memory_space<vmem>> -> memref<128xf32, #tpu.memory_space<vmem>>
        %dma_wait3A_1213 = tpu.memref_slice %arg18[%mul3A_1064] : memref<2048xf32, #tpu.memory_space<vmem_shared>> -> memref<128xf32, #tpu.memory_space<vmem_shared>>
        tpu.wait_dma2 semaphore(%run_scoped3A : memref<!tpu.dma_semaphore, #tpu.memory_space<semaphore_mem>>) src(%dma_wait3A_1213 : memref<128xf32, #tpu.memory_space<vmem_shared>>) dst(%dma_wait3A_1212 : memref<128xf32, #tpu.memory_space<vmem>>)
        tpu.yield
      }) : () -> ()
      %scan3A_1065 = arith.constant -1.000000e+10 : f32
      %scan3A_1066 = arith.constant 0 : i32
      %scan3A_1067 = arith.constant 17 : i32
      %scan3A_1068 = arith.addi %scan3A_1066, %scan3A_1067 : i32
      %scan3A_1069 = arith.constant 1 : i32
      %scan3A_1070 = scf.for %scan3A_1204 = %scan3A_1066 to %scan3A_1068 step %scan3A_1069 iter_args(%scan3A_1205 = %scan3A_1065) -> (f32)  : i32 {
        %mul3A_1206 = arith.constant 16 : i32
        %mul3A_1207 = arith.muli %scan3A_1204, %mul3A_1206 : i32
        %add3A_1208 = arith.constant 0 : i32
        %add3A_1209 = arith.addi %add3A_1208, %mul3A_1207 : i32
        %get3A_1210 = arith.index_cast %add3A_1209 : i32 to index
        %get3A_1211 = tpu.vector_load %arg14[%get3A_1210] {strides = array<i32>} : memref<3584xf32, #tpu.memory_space<vmem>>, vector<16xf32>,
        %max3A_1212 = arith.maximumf %broadcast_in_dim3A_31, %get3A_1211 : vector<16xf32>
        %mul3A_1213 = arith.constant 16 : i32
        %mul3A_1214 = arith.muli %scan3A_1204, %mul3A_1213 : i32
        %add3A_1215 = arith.constant 384 : i32
        %add3A_1216 = arith.addi %add3A_1215, %mul3A_1214 : i32
        %get3A_1217 = arith.index_cast %add3A_1216 : i32 to index
        %get3A_1218 = tpu.vector_load %arg14[%get3A_1217] {strides = array<i32>} : memref<3584xf32, #tpu.memory_space<vmem>>, vector<16xf32>,
        %max3A_1219 = arith.maximumf %max3A_1212, %get3A_1218 : vector<16xf32>
        %mul3A_1220 = arith.constant 16 : i32
        %mul3A_1221 = arith.muli %scan3A_1204, %mul3A_1220 : i32
        %add3A_1222 = arith.constant 768 : i32
        %add3A_1223 = arith.addi %add3A_1222, %mul3A_1221 : i32
        %get3A_1224 = arith.index_cast %add3A_1223 : i32 to index
        %get3A_1225 = tpu.vector_load %arg14[%get3A_1224] {strides = array<i32>} : memref<3584xf32, #tpu.memory_space<vmem>>, vector<16xf32>,
        %max3A_1226 = arith.maximumf %max3A_1219, %get3A_1225 : vector<16xf32>
        %mul3A_1227 = arith.constant 16 : i32
        %mul3A_1228 = arith.muli %scan3A_1204, %mul3A_1227 : i32
        %add3A_1229 = arith.constant 1152 : i32
        %add3A_1230 = arith.addi %add3A_1229, %mul3A_1228 : i32
        %get3A_1231 = arith.index_cast %add3A_1230 : i32 to index
        %get3A_1232 = tpu.vector_load %arg14[%get3A_1231] {strides = array<i32>} : memref<3584xf32, #tpu.memory_space<vmem>>, vector<16xf32>,
        %max3A_1233 = arith.maximumf %max3A_1226, %get3A_1232 : vector<16xf32>
        %broadcast_in_dim3A_1234 = arith.constant true
        %broadcast_in_dim3A_1235 = vector.broadcast %broadcast_in_dim3A_1234 : i1 to vector<16xi1>
        %masked_cummax3A = tpu.scan <max>, %max3A_1233 masked %broadcast_in_dim3A_1235 : vector<16xf32>, vector<16xi1> -> vector<16xf32>
        %broadcast_in_dim3A_1236 = vector.broadcast %scan3A_1205 : f32 to vector<16xf32>
        %max3A_1237 = arith.maximumf %masked_cummax3A, %broadcast_in_dim3A_1236 : vector<16xf32>
        %mul3A_1238 = arith.constant 16 : i32
        %mul3A_1239 = arith.muli %scan3A_1204, %mul3A_1238 : i32
        %swap3A_1240 = arith.index_cast %mul3A_1239 : i32 to index
        %swap3A_1241 = tpu.vector_load %arg15[%swap3A_1240] {strides = array<i32>} : memref<272xf32, #tpu.memory_space<vmem>>, vector<16xf32>,
        tpu.vector_store %arg15[%swap3A_1240], %max3A_1237 {strides = array<i32>} : memref<272xf32, #tpu.memory_space<vmem>>, vector<16xf32>,
        %reduce_max3A = arith.constant true
        %reduce_max3A_1242 = vector.broadcast %reduce_max3A : i1 to vector<16xi1>
        %reduce_max3A_1243 = tpu.scan <max>, %max3A_1237 masked %reduce_max3A_1242 : vector<16xf32>, vector<16xi1> -> vector<16xf32>
        %reduce_max3A_1244 = vector.extract %reduce_max3A_1243[15] : f32 from vector<16xf32>
        scf.yield %reduce_max3A_1244 : f32
      }
      %scan3A_1071 = arith.constant 17 : i32
      %scan3A_1072 = arith.constant 1.000000e+10 : f32
      %scan3A_1073 = arith.constant 0 : i32
      %scan3A_1074 = arith.constant 17 : i32
      %scan3A_1075 = arith.addi %scan3A_1073, %scan3A_1074 : i32
      %scan3A_1076 = arith.constant 1 : i32
      %scan3A_1077 = scf.for %scan3A_1204 = %scan3A_1073 to %scan3A_1075 step %scan3A_1076 iter_args(%scan3A_1205 = %scan3A_1072) -> (f32)  : i32 {
        %sub3A_1206 = arith.constant 16 : i32
        %sub3A_1207 = arith.subi %sub3A_1206, %scan3A_1204 : i32
        %mul3A_1208 = arith.constant 16 : i32
        %mul3A_1209 = arith.muli %sub3A_1207, %mul3A_1208 : i32
        %add3A_1210 = arith.constant 1536 : i32
        %add3A_1211 = arith.addi %add3A_1210, %mul3A_1209 : i32
        %get3A_1212 = arith.index_cast %add3A_1211 : i32 to index
        %get3A_1213 = tpu.vector_load %arg14[%get3A_1212] {strides = array<i32>} : memref<3584xf32, #tpu.memory_space<vmem>>, vector<16xf32>,
        %min3A_1214 = arith.minimumf %broadcast_in_dim3A_33, %get3A_1213 : vector<16xf32>
        %mul3A_1215 = arith.constant 16 : i32
        %mul3A_1216 = arith.muli %sub3A_1207, %mul3A_1215 : i32
        %add3A_1217 = arith.constant 1920 : i32
        %add3A_1218 = arith.addi %add3A_1217, %mul3A_1216 : i32
        %get3A_1219 = arith.index_cast %add3A_1218 : i32 to index
        %get3A_1220 = tpu.vector_load %arg14[%get3A_1219] {strides = array<i32>} : memref<3584xf32, #tpu.memory_space<vmem>>, vector<16xf32>,
        %min3A_1221 = arith.minimumf %min3A_1214, %get3A_1220 : vector<16xf32>
        %mul3A_1222 = arith.constant 16 : i32
        %mul3A_1223 = arith.muli %sub3A_1207, %mul3A_1222 : i32
        %add3A_1224 = arith.constant 2304 : i32
        %add3A_1225 = arith.addi %add3A_1224, %mul3A_1223 : i32
        %get3A_1226 = arith.index_cast %add3A_1225 : i32 to index
        %get3A_1227 = tpu.vector_load %arg14[%get3A_1226] {strides = array<i32>} : memref<3584xf32, #tpu.memory_space<vmem>>, vector<16xf32>,
        %min3A_1228 = arith.minimumf %min3A_1221, %get3A_1227 : vector<16xf32>
        %mul3A_1229 = arith.constant 16 : i32
        %mul3A_1230 = arith.muli %sub3A_1207, %mul3A_1229 : i32
        %add3A_1231 = arith.constant 2688 : i32
        %add3A_1232 = arith.addi %add3A_1231, %mul3A_1230 : i32
        %get3A_1233 = arith.index_cast %add3A_1232 : i32 to index
        %get3A_1234 = tpu.vector_load %arg14[%get3A_1233] {strides = array<i32>} : memref<3584xf32, #tpu.memory_space<vmem>>, vector<16xf32>,
        %min3A_1235 = arith.minimumf %min3A_1228, %get3A_1234 : vector<16xf32>
        %rev3A_1236 = arith.constant 15 : i32
        %rev3A_1237 = vector.broadcast %rev3A_1236 : i32 to vector<16xi32>
        %rev3A_1238 = tpu.iota {dimensions = array<i32: 0>} : vector<16xi32>
        %rev3A_1239 = arith.subi %rev3A_1237, %rev3A_1238 : vector<16xi32>
        %rev3A_1240 = tpu.dynamic_gather %min3A_1235[%rev3A_1239] in [0] : vector<16xf32>, vector<16xi32> -> vector<16xf32>
        %neg3A = arith.constant 0.000000e+00 : f32
        %neg3A_1241 = vector.broadcast %neg3A : f32 to vector<16xf32>
        %neg3A_1242 = arith.subf %neg3A_1241, %rev3A_1240 : vector<16xf32>
        %broadcast_in_dim3A_1243 = arith.constant true
        %broadcast_in_dim3A_1244 = vector.broadcast %broadcast_in_dim3A_1243 : i1 to vector<16xi1>
        %masked_cummax3A = tpu.scan <max>, %neg3A_1242 masked %broadcast_in_dim3A_1244 : vector<16xf32>, vector<16xi1> -> vector<16xf32>
        %neg3A_1245 = arith.constant 0.000000e+00 : f32
        %neg3A_1246 = vector.broadcast %neg3A_1245 : f32 to vector<16xf32>
        %neg3A_1247 = arith.subf %neg3A_1246, %masked_cummax3A : vector<16xf32>
        %rev3A_1248 = arith.constant 15 : i32
        %rev3A_1249 = vector.broadcast %rev3A_1248 : i32 to vector<16xi32>
        %rev3A_1250 = tpu.iota {dimensions = array<i32: 0>} : vector<16xi32>
        %rev3A_1251 = arith.subi %rev3A_1249, %rev3A_1250 : vector<16xi32>
        %rev3A_1252 = tpu.dynamic_gather %neg3A_1247[%rev3A_1251] in [0] : vector<16xf32>, vector<16xi32> -> vector<16xf32>
        %broadcast_in_dim3A_1253 = vector.broadcast %scan3A_1205 : f32 to vector<16xf32>
        %min3A_1254 = arith.minimumf %rev3A_1252, %broadcast_in_dim3A_1253 : vector<16xf32>
        %mul3A_1255 = arith.constant 16 : i32
        %mul3A_1256 = arith.muli %sub3A_1207, %mul3A_1255 : i32
        %swap3A_1257 = arith.index_cast %mul3A_1256 : i32 to index
        %swap3A_1258 = tpu.vector_load %arg16[%swap3A_1257] {strides = array<i32>} : memref<288xf32, #tpu.memory_space<vmem>>, vector<16xf32>,
        tpu.vector_store %arg16[%swap3A_1257], %min3A_1254 {strides = array<i32>} : memref<288xf32, #tpu.memory_space<vmem>>, vector<16xf32>,
        %reduce_min3A = arith.constant true
        %reduce_min3A_1259 = vector.broadcast %reduce_min3A : i1 to vector<16xi1>
        %reduce_min3A_1260 = tpu.scan <min>, %min3A_1254 masked %reduce_min3A_1259 : vector<16xf32>, vector<16xi1> -> vector<16xf32>
        %reduce_min3A_1261 = vector.extract %reduce_min3A_1260[15] : f32 from vector<16xf32>
        scf.yield %reduce_min3A_1261 : f32
      }
      %scan3A_1078 = arith.constant 17 : i32
      %scan3A_1079 = arith.constant 0.000000e+00 : f32
      %scan3A_1080 = arith.constant 0 : i32
      %scan3A_1081 = arith.constant 16 : i32
      %scan3A_1082 = arith.addi %scan3A_1080, %scan3A_1081 : i32
      %scan3A_1083 = arith.constant 1 : i32
      %scan3A_1084 = scf.for %scan3A_1204 = %scan3A_1080 to %scan3A_1082 step %scan3A_1083 iter_args(%scan3A_1205 = %scan3A_1079) -> (f32)  : i32 {
        %mul3A_1206 = arith.constant 16 : i32
        %mul3A_1207 = arith.muli %scan3A_1204, %mul3A_1206 : i32
        %get3A_1208 = arith.index_cast %mul3A_1207 : i32 to index
        %get3A_1209 = tpu.vector_load %arg8[%get3A_1208] {strides = array<i32>} : memref<256xf32, #tpu.memory_space<vmem>>, vector<16xf32>,
        %mul3A_1210 = arith.constant 16 : i32
        %mul3A_1211 = arith.muli %scan3A_1204, %mul3A_1210 : i32
        %get3A_1212 = arith.index_cast %mul3A_1211 : i32 to index
        %get3A_1213 = tpu.vector_load %arg15[%get3A_1212] {strides = array<i32>} : memref<272xf32, #tpu.memory_space<vmem>>, vector<16xf32>,
        %mul3A_1214 = arith.constant 16 : i32
        %mul3A_1215 = arith.muli %scan3A_1204, %mul3A_1214 : i32
        %add3A_1216 = arith.constant 1 : i32
        %add3A_1217 = arith.addi %mul3A_1215, %add3A_1216 : i32
        %add3A_1218 = vector.broadcast %add3A_1217 : i32 to vector<16xi32>
        %add3A_1219 = arith.addi %iota3A, %add3A_1218 : vector<16xi32>
        %gather3A_1220 = tpu.vector_load_idx %arg16[%add3A_1219] : memref<288xf32, #tpu.memory_space<vmem>>[vector<16xi32>], vector<16xf32>,
        %sub3A_1221 = arith.subf %get3A_1209, %get3A_1213 : vector<16xf32>
        %sub3A_1222 = arith.subf %get3A_1209, %get3A_1213 : vector<16xf32>
        %mul3A_1223 = arith.mulf %sub3A_1221, %sub3A_1222 : vector<16xf32>
        %sub3A_1224 = arith.subf %gather3A_1220, %get3A_1209 : vector<16xf32>
        %sub3A_1225 = arith.subf %gather3A_1220, %get3A_1209 : vector<16xf32>
        %mul3A_1226 = arith.mulf %sub3A_1224, %sub3A_1225 : vector<16xf32>
        %min3A_1227 = arith.minimumf %mul3A_1223, %mul3A_1226 : vector<16xf32>
        %min3A_1228 = arith.constant 1.000000e+10 : f32
        %min3A_1229 = vector.broadcast %min3A_1228 : f32 to vector<16xf32>
        %min3A_1230 = arith.minimumf %min3A_1227, %min3A_1229 : vector<16xf32>
        %reduce_sum3A_1231 = arith.constant true
        %reduce_sum3A_1232 = vector.broadcast %reduce_sum3A_1231 : i1 to vector<16xi1>
        %reduce_sum3A_1233 = tpu.scan <sum>, %min3A_1230 masked %reduce_sum3A_1232 : vector<16xf32>, vector<16xi1> -> vector<16xf32>
        %reduce_sum3A_1234 = vector.extract %reduce_sum3A_1233[15] : f32 from vector<16xf32>
        %add3A_1235 = arith.addf %scan3A_1205, %reduce_sum3A_1234 : f32
        scf.yield %add3A_1235 : f32
      }
      %scan3A_1085 = arith.constant 16 : i32
      %get3A = arith.constant 3072 : index
      %get3A_1086 = tpu.vector_load %arg14[%get3A] {strides = array<i32>} : memref<3584xf32, #tpu.memory_space<vmem>>, vector<16xf32>,
      %eq3A_1087 = arith.constant 0 : i32
      %eq3A_1088 = vector.broadcast %eq3A_1087 : i32 to vector<16xi32>
      %eq3A_1089 = arith.cmpi eq, %iota3A, %eq3A_1088 : vector<16xi32>
      %jit3A_1090 = arith.constant 0.000000e+00 : f32
      %broadcast_in_dim3A_1091 = vector.broadcast %jit3A_1090 : f32 to vector<16xf32>
      %select_n3A_1092 = arith.select %eq3A_1089, %get3A_1086, %broadcast_in_dim3A_1091 : vector<16xi1>, vector<16xf32>
      %reduce_sum3A_1093 = arith.constant true
      %reduce_sum3A_1094 = vector.broadcast %reduce_sum3A_1093 : i1 to vector<16xi1>
      %reduce_sum3A_1095 = tpu.scan <sum>, %select_n3A_1092 masked %reduce_sum3A_1094 : vector<16xf32>, vector<16xi1> -> vector<16xf32>
      %reduce_sum3A_1096 = vector.extract %reduce_sum3A_1095[15] : f32 from vector<16xf32>
      %add3A_1097 = arith.constant 0.000000e+00 : f32
      %add3A_1098 = arith.addf %add3A_1097, %reduce_sum3A_1096 : f32
      %eq3A_1099 = arith.constant 8 : i32
      %eq3A_1100 = vector.broadcast %eq3A_1099 : i32 to vector<16xi32>
      %eq3A_1101 = arith.cmpi eq, %iota3A, %eq3A_1100 : vector<16xi32>
      %jit3A_1102 = arith.constant 0.000000e+00 : f32
      %broadcast_in_dim3A_1103 = vector.broadcast %jit3A_1102 : f32 to vector<16xf32>
      %select_n3A_1104 = arith.select %eq3A_1101, %get3A_1086, %broadcast_in_dim3A_1103 : vector<16xi1>, vector<16xf32>
      %reduce_sum3A_1105 = arith.constant true
      %reduce_sum3A_1106 = vector.broadcast %reduce_sum3A_1105 : i1 to vector<16xi1>
      %reduce_sum3A_1107 = tpu.scan <sum>, %select_n3A_1104 masked %reduce_sum3A_1106 : vector<16xf32>, vector<16xi1> -> vector<16xf32>
      %reduce_sum3A_1108 = vector.extract %reduce_sum3A_1107[15] : f32 from vector<16xf32>
      %add3A_1109 = arith.constant 0.000000e+00 : f32
      %add3A_1110 = arith.addf %add3A_1109, %reduce_sum3A_1108 : f32
      %get3A_1111 = arith.constant 3200 : index
      %get3A_1112 = tpu.vector_load %arg14[%get3A_1111] {strides = array<i32>} : memref<3584xf32, #tpu.memory_space<vmem>>, vector<16xf32>,
      %eq3A_1113 = arith.constant 0 : i32
      %eq3A_1114 = vector.broadcast %eq3A_1113 : i32 to vector<16xi32>
      %eq3A_1115 = arith.cmpi eq, %iota3A, %eq3A_1114 : vector<16xi32>
      %jit3A_1116 = arith.constant 0.000000e+00 : f32
      %broadcast_in_dim3A_1117 = vector.broadcast %jit3A_1116 : f32 to vector<16xf32>
      %select_n3A_1118 = arith.select %eq3A_1115, %get3A_1112, %broadcast_in_dim3A_1117 : vector<16xi1>, vector<16xf32>
      %reduce_sum3A_1119 = arith.constant true
      %reduce_sum3A_1120 = vector.broadcast %reduce_sum3A_1119 : i1 to vector<16xi1>
      %reduce_sum3A_1121 = tpu.scan <sum>, %select_n3A_1118 masked %reduce_sum3A_1120 : vector<16xf32>, vector<16xi1> -> vector<16xf32>
      %reduce_sum3A_1122 = vector.extract %reduce_sum3A_1121[15] : f32 from vector<16xf32>
      %add3A_1123 = arith.addf %add3A_1098, %reduce_sum3A_1122 : f32
      %eq3A_1124 = arith.constant 8 : i32
      %eq3A_1125 = vector.broadcast %eq3A_1124 : i32 to vector<16xi32>
      %eq3A_1126 = arith.cmpi eq, %iota3A, %eq3A_1125 : vector<16xi32>
      %jit3A_1127 = arith.constant 0.000000e+00 : f32
      %broadcast_in_dim3A_1128 = vector.broadcast %jit3A_1127 : f32 to vector<16xf32>
      %select_n3A_1129 = arith.select %eq3A_1126, %get3A_1112, %broadcast_in_dim3A_1128 : vector<16xi1>, vector<16xf32>
      %reduce_sum3A_1130 = arith.constant true
      %reduce_sum3A_1131 = vector.broadcast %reduce_sum3A_1130 : i1 to vector<16xi1>
      %reduce_sum3A_1132 = tpu.scan <sum>, %select_n3A_1129 masked %reduce_sum3A_1131 : vector<16xf32>, vector<16xi1> -> vector<16xf32>
      %reduce_sum3A_1133 = vector.extract %reduce_sum3A_1132[15] : f32 from vector<16xf32>
      %add3A_1134 = arith.addf %add3A_1110, %reduce_sum3A_1133 : f32
      %get3A_1135 = arith.constant 3328 : index
      %get3A_1136 = tpu.vector_load %arg14[%get3A_1135] {strides = array<i32>} : memref<3584xf32, #tpu.memory_space<vmem>>, vector<16xf32>,
      %eq3A_1137 = arith.constant 0 : i32
      %eq3A_1138 = vector.broadcast %eq3A_1137 : i32 to vector<16xi32>
      %eq3A_1139 = arith.cmpi eq, %iota3A, %eq3A_1138 : vector<16xi32>
      %jit3A_1140 = arith.constant 0.000000e+00 : f32
      %broadcast_in_dim3A_1141 = vector.broadcast %jit3A_1140 : f32 to vector<16xf32>
      %select_n3A_1142 = arith.select %eq3A_1139, %get3A_1136, %broadcast_in_dim3A_1141 : vector<16xi1>, vector<16xf32>
      %reduce_sum3A_1143 = arith.constant true
      %reduce_sum3A_1144 = vector.broadcast %reduce_sum3A_1143 : i1 to vector<16xi1>
      %reduce_sum3A_1145 = tpu.scan <sum>, %select_n3A_1142 masked %reduce_sum3A_1144 : vector<16xf32>, vector<16xi1> -> vector<16xf32>
      %reduce_sum3A_1146 = vector.extract %reduce_sum3A_1145[15] : f32 from vector<16xf32>
      %add3A_1147 = arith.addf %add3A_1123, %reduce_sum3A_1146 : f32
      %eq3A_1148 = arith.constant 8 : i32
      %eq3A_1149 = vector.broadcast %eq3A_1148 : i32 to vector<16xi32>
      %eq3A_1150 = arith.cmpi eq, %iota3A, %eq3A_1149 : vector<16xi32>
      %jit3A_1151 = arith.constant 0.000000e+00 : f32
      %broadcast_in_dim3A_1152 = vector.broadcast %jit3A_1151 : f32 to vector<16xf32>
      %select_n3A_1153 = arith.select %eq3A_1150, %get3A_1136, %broadcast_in_dim3A_1152 : vector<16xi1>, vector<16xf32>
      %reduce_sum3A_1154 = arith.constant true
      %reduce_sum3A_1155 = vector.broadcast %reduce_sum3A_1154 : i1 to vector<16xi1>
      %reduce_sum3A_1156 = tpu.scan <sum>, %select_n3A_1153 masked %reduce_sum3A_1155 : vector<16xf32>, vector<16xi1> -> vector<16xf32>
      %reduce_sum3A_1157 = vector.extract %reduce_sum3A_1156[15] : f32 from vector<16xf32>
      %add3A_1158 = arith.addf %add3A_1134, %reduce_sum3A_1157 : f32
      %get3A_1159 = arith.constant 3456 : index
      %get3A_1160 = tpu.vector_load %arg14[%get3A_1159] {strides = array<i32>} : memref<3584xf32, #tpu.memory_space<vmem>>, vector<16xf32>,
      %eq3A_1161 = arith.constant 0 : i32
      %eq3A_1162 = vector.broadcast %eq3A_1161 : i32 to vector<16xi32>
      %eq3A_1163 = arith.cmpi eq, %iota3A, %eq3A_1162 : vector<16xi32>
      %jit3A_1164 = arith.constant 0.000000e+00 : f32
      %broadcast_in_dim3A_1165 = vector.broadcast %jit3A_1164 : f32 to vector<16xf32>
      %select_n3A_1166 = arith.select %eq3A_1163, %get3A_1160, %broadcast_in_dim3A_1165 : vector<16xi1>, vector<16xf32>
      %reduce_sum3A_1167 = arith.constant true
      %reduce_sum3A_1168 = vector.broadcast %reduce_sum3A_1167 : i1 to vector<16xi1>
      %reduce_sum3A_1169 = tpu.scan <sum>, %select_n3A_1166 masked %reduce_sum3A_1168 : vector<16xf32>, vector<16xi1> -> vector<16xf32>
      %reduce_sum3A_1170 = vector.extract %reduce_sum3A_1169[15] : f32 from vector<16xf32>
      %add3A_1171 = arith.addf %add3A_1147, %reduce_sum3A_1170 : f32
      %eq3A_1172 = arith.constant 8 : i32
      %eq3A_1173 = vector.broadcast %eq3A_1172 : i32 to vector<16xi32>
      %eq3A_1174 = arith.cmpi eq, %iota3A, %eq3A_1173 : vector<16xi32>
      %jit3A_1175 = arith.constant 0.000000e+00 : f32
      %broadcast_in_dim3A_1176 = vector.broadcast %jit3A_1175 : f32 to vector<16xf32>
      %select_n3A_1177 = arith.select %eq3A_1174, %get3A_1160, %broadcast_in_dim3A_1176 : vector<16xi1>, vector<16xf32>
      %reduce_sum3A_1178 = arith.constant true
      %reduce_sum3A_1179 = vector.broadcast %reduce_sum3A_1178 : i1 to vector<16xi1>
      %reduce_sum3A_1180 = tpu.scan <sum>, %select_n3A_1177 masked %reduce_sum3A_1179 : vector<16xf32>, vector<16xi1> -> vector<16xf32>
      %reduce_sum3A_1181 = vector.extract %reduce_sum3A_1180[15] : f32 from vector<16xf32>
      %add3A_1182 = arith.addf %add3A_1158, %reduce_sum3A_1181 : f32
      %eq3A_1183 = arith.constant 0 : i32
      %eq3A_1184 = vector.broadcast %eq3A_1183 : i32 to vector<16xi32>
      %eq3A_1185 = arith.cmpi eq, %iota3A, %eq3A_1184 : vector<16xi32>
      %broadcast_in_dim3A_1186 = vector.broadcast %scan3A_1084 : f32 to vector<16xf32>
      %jit3A_1187 = arith.constant 0.000000e+00 : f32
      %broadcast_in_dim3A_1188 = vector.broadcast %jit3A_1187 : f32 to vector<16xf32>
      %select_n3A_1189 = arith.select %eq3A_1185, %broadcast_in_dim3A_1186, %broadcast_in_dim3A_1188 : vector<16xi1>, vector<16xf32>
      %eq3A_1190 = arith.constant 1 : i32
      %eq3A_1191 = vector.broadcast %eq3A_1190 : i32 to vector<16xi32>
      %eq3A_1192 = arith.cmpi eq, %iota3A, %eq3A_1191 : vector<16xi32>
      %broadcast_in_dim3A_1193 = vector.broadcast %add3A_1171 : f32 to vector<16xf32>
      %select_n3A_1194 = arith.select %eq3A_1192, %broadcast_in_dim3A_1193, %select_n3A_1189 : vector<16xi1>, vector<16xf32>
      %eq3A_1195 = arith.constant 2 : i32
      %eq3A_1196 = vector.broadcast %eq3A_1195 : i32 to vector<16xi32>
      %eq3A_1197 = arith.cmpi eq, %iota3A, %eq3A_1196 : vector<16xi32>
      %broadcast_in_dim3A_1198 = vector.broadcast %add3A_1182 : f32 to vector<16xf32>
      %select_n3A_1199 = arith.select %eq3A_1197, %broadcast_in_dim3A_1198, %select_n3A_1194 : vector<16xi1>, vector<16xf32>
      %swap3A_1200 = arith.constant 0 : index
      %swap3A_1201 = tpu.vector_load %arg21[%swap3A_1200] {strides = array<i32>} : memref<16xf32, #tpu.memory_space<vmem>>, vector<16xf32>,
      tpu.vector_store %arg21[%swap3A_1200], %select_n3A_1199 {strides = array<i32>} : memref<16xf32, #tpu.memory_space<vmem>>, vector<16xf32>,
      %mul3A_1202 = arith.constant 16 : i32
      %mul3A_1203 = arith.muli %add3A, %mul3A_1202 : i32
      "tpu.region"() ({
        %run_scoped3A = tpu.sem_alloc : memref<!tpu.dma_semaphore, #tpu.memory_space<semaphore_mem>>
        %dma_start3A = tpu.memref_slice %arg4[%mul3A_1203] : memref<128xf32, #tpu.memory_space<hbm>> -> memref<16xf32, #tpu.memory_space<hbm>>
        %dma_start3A_1204 = tpu.memref_slice %arg4[%mul3A_1203] : memref<128xf32, #tpu.memory_space<hbm>> -> memref<16xf32, #tpu.memory_space<hbm>>
        tpu.enqueue_dma source(%arg21 : memref<16xf32, #tpu.memory_space<vmem>>) target(%dma_start3A_1204 : memref<16xf32, #tpu.memory_space<hbm>>) target_semaphore(%run_scoped3A : memref<!tpu.dma_semaphore, #tpu.memory_space<semaphore_mem>>)
        %dma_wait3A = tpu.memref_slice %arg4[%mul3A_1203] : memref<128xf32, #tpu.memory_space<hbm>> -> memref<16xf32, #tpu.memory_space<hbm>>
        %dma_wait3A_1205 = tpu.memref_slice %arg4[%mul3A_1203] : memref<128xf32, #tpu.memory_space<hbm>> -> memref<16xf32, #tpu.memory_space<hbm>>
        tpu.wait_dma2 semaphore(%run_scoped3A : memref<!tpu.dma_semaphore, #tpu.memory_space<semaphore_mem>>) src(%arg21 : memref<16xf32, #tpu.memory_space<vmem>>) dst(%dma_wait3A_1205 : memref<16xf32, #tpu.memory_space<hbm>>)
        tpu.yield
      }) : () -> ()
    } else {
    }
    return
  }
}

</mosaic_0001>

<sc_bundles>
// kernel: kernel.3.cloned.1.call-start
scs
__scs_entry_jumppad:
0x0: {  	(pc) =	sbr.rel $0x88, $3  }
0x1: {  	(tag) =	ssettag $0x0;
	lr =	simm.s32 $0x1  }
0x2: {  	[smem:$0x3F9F] =	sst lr;
	_ =	strace $0xD0000000  }
0x3: {  	_ = 	snop  }
0x4: {  	_ = 	snop  }
0x5: {  	_ = 	snop  }
0x6: {  	_ = 	snop  }
0x7: {  	_ = 	snop  }
__scs_overlays_trampoline_lowered:
0x8: {  	[smem:$0x3FAE] =	sst s0  }
0x9: {  	[smem:$0x3FAF] =	sst s1  }
0xa: {  	[smem:$0x3FB0] =	sst s2  }
0xb: {  	[smem:$0x3FB1] =	sst s3  }
0xc: {  	[smem:$0x3FB2] =	sst s4  }
0xd: {  	[smem:$0x3FB3] =	sst s5  }
0xe: {  	[smem:$0x3FB4] =	sst s6  }
0xf: {  	[smem:$0x3FB5] =	sst s7  }
0x10: {  	[smem:$0x3FB6] =	sst s8  }
0x11: {  	[smem:$0x3FB7] =	sst s9;
	s0 =	simm.s32 @!p0 $0x0  }
0x12: {  	s1 =	sld [smem:$0x3F9D];
	s0 =	simm.s32 @p0 $0x1  }
0x13: {  	[smem:$0x3FB8] =	sst s0;
	s0 =	simm.s32 @!p1 $0x0  }
0x14: {  	s2 =	sld [smem:$0x3F9C];
	s0 =	simm.s32 @p1 $0x1  }
0x15: {  	[smem:$0x3FB9] =	sst s0;
	s0 =	simm.s32 @!p2 $0x0  }
0x16: {  	s3 =	sld [smem:$0x3FDB];
	s0 =	simm.s32 @p2 $0x1  }
0x17: {  	s4 =	simm.s32 $0x1BF5;
	[smem:$0x3FBB] =	sst s0  }
0x18: {  	s0 =	sld [smem:$0x3F9E];
	_ =	swait.ge [sflag:s4], $0x0  }
0x19: {  	s7 =	sld [smem:$0x3F9F]  }
0x1a: {  	s8 =	sadd.s32 $0xFFFFE003, lr  }
0x1b: {  	s9 =	sadd.s32 $0xFFFFFEF7, lr;
	s5 =	simm.s32 $0xFFFFFFFF;
	p2 =	slt.u32 s8, $0xFFFFF086  }
0x1c: {  	p1 =	slt.u32 s9, $0xF7A;
	s5 =	simm.s32 @!p2 $0x0  }
0x1d: {  	s5 =	simm.s32 @p1 $0x1;
	p0 =	seq.s32 s7, s2  }
0x1e: {  	s7 =	smul.u32 @!p0 $0xF7A, s2;
	p2 =	seq.s32 @!p0 s5, $0x0  }
0x1f: {  	s9 =	smul.u32 $0xF7A, s1;
	s8 =	simm.s32 @!p0 $0x1BF5;
	p2 =	por !p2, p0  }
0x20: {  	[sflag:s8] =	ssyncset.s32 @!p0 $0xFFFFF086;
	s6 =	sadd.s32 @!p0 s3, s7;
	s7 =	simm.s32 @!p0 $0x108  }
0x21: {  	s3 =	sadd.s32 s3, s9;
	s6 =	sadd.s32 @!p0 $0x88, s6;
	s7 =	simm.s32 @p2 $0x1082  }
0x22: {  	[simem:s7], [sflag:s8] =	dma.local @!p0 [hbm:s6], $0xF7A  }
0x23: {  	s9 =	sor.u32 $0xD0000000, s2;
	s6 =	simm.s32 $0x108;
	_ =	swait.ge @!p0 [sflag:s8], $0x0  }
0x24: {  	s3 =	sadd.s32 $0x88, s3;
	s6 =	simm.s32 @!p1 $0x1082;
	[sflag:s4] =	ssyncset.s32 $0xFFFFF086  }
0x25: {  	[simem:s6], [sflag:s4] =	dma.local [hbm:s3], $0xF7A  }
0x26: {  	[smem:$0x3F9F] =	sst s1;
	(tag) =	ssettag s2;
	_ =	strace s9  }
0x27: {  	s1 =	sld [smem:$0x3FAF]  }
0x28: {  	s2 =	sld [smem:$0x3FB0]  }
0x29: {  	s4 =	sld [smem:$0x3FB2]  }
0x2a: {  	p0 =	seq.s32 s5, $0x0;
	s5 =	sld [smem:$0x3FB3]  }
0x2b: {  	s6 =	sld [smem:$0x3FB4]  }
0x2c: {  	s7 =	sld [smem:$0x3FB5]  }
0x2d: {  	s3 =	simm.s32 $0x108;
	s8 =	sld [smem:$0x3FB6]  }
0x2e: {  	s3 =	simm.s32 @!p0 $0x1082;
	s9 =	sld [smem:$0x3FB7]  }
0x2f: {  	lr =	sadd.s32 s0, s3;
	s0 =	sld [smem:$0x3FAE]  }
0x30: {  	s3 =	sld [smem:$0x3FB1]  }
0x31: {  	[smem:$0x3FBA] =	sst s10  }
0x32: {  	s10 =	sld [smem:$0x3FB8];
	_ =	sdelay $0x3  }
0x33: {  	p0 =	seq.s32 s10, $0x1;
	s10 =	sld [smem:$0x3FBA];
	_ =	sdelay $0x3  }
0x34: {  	[smem:$0x3FBA] =	sst s10  }
0x35: {  	s10 =	sld [smem:$0x3FB9];
	_ =	sdelay $0x3  }
0x36: {  	p1 =	seq.s32 s10, $0x1;
	s10 =	sld [smem:$0x3FBA];
	_ =	sdelay $0x3  }
0x37: {  	[smem:$0x3FBA] =	sst s10  }
0x38: {  	s10 =	sld [smem:$0x3FBB]  }
0x39: {  	_ = 	snop;
	(pc) =	sbr.ind lr, $3  }
0x3a: {  	_ = 	snop  }
0x3b: {  	_ = 	snop  }
0x3c: {  	p2 =	seq.s32 s10, $0x1;
	s10 =	sld [smem:$0x3FBA]  }
0x3d: {  	_ =	shalt  }
0x3e: {  	_ =	shalt  }
0x3f: {  	_ =	shalt  }
0x40: {  	_ =	shalt  }
0x41: {  	_ =	shalt  }
0x42: {  	_ =	shalt  }
0x43: {  	_ =	shalt  }
0x44: {  	_ =	shalt  }
0x45: {  	_ =	shalt  }
0x46: {  	_ =	shalt  }
0x47: {  	_ =	shalt  }
0x48: {  	_ =	shalt  }
0x49: {  	_ =	shalt  }
0x4a: {  	_ =	shalt  }
0x4b: {  	_ =	shalt  }
0x4c: {  	_ =	shalt  }
0x4d: {  	_ =	shalt  }
0x4e: {  	_ =	shalt  }
0x4f: {  	_ =	shalt  }
0x50: {  	_ =	shalt  }
0x51: {  	_ =	shalt  }
0x52: {  	_ =	shalt  }
0x53: {  	_ =	shalt  }
0x54: {  	_ =	shalt  }
0x55: {  	_ =	shalt  }
0x56: {  	_ =	shalt  }
0x57: {  	_ =	shalt  }
0x58: {  	_ =	shalt  }
0x59: {  	_ =	shalt  }
0x5a: {  	_ =	shalt  }
0x5b: {  	_ =	shalt  }
0x5c: {  	_ =	shalt  }
0x5d: {  	_ =	shalt  }
0x5e: {  	_ =	shalt  }
0x5f: {  	_ =	shalt  }
0x60: {  	_ =	shalt  }
0x61: {  	_ =	shalt  }
0x62: {  	_ =	shalt  }
0x63: {  	_ =	shalt  }
0x64: {  	_ =	shalt  }
0x65: {  	_ =	shalt  }
0x66: {  	_ =	shalt  }
0x67: {  	_ =	shalt  }
0x68: {  	_ =	shalt  }
0x69: {  	_ =	shalt  }
0x6a: {  	_ =	shalt  }
0x6b: {  	_ =	shalt  }
0x6c: {  	_ =	shalt  }
0x6d: {  	_ =	shalt  }
0x6e: {  	_ =	shalt  }
0x6f: {  	_ =	shalt  }
0x70: {  	_ =	shalt  }
0x71: {  	_ =	shalt  }
0x72: {  	_ =	shalt  }
0x73: {  	_ =	shalt  }
0x74: {  	_ =	shalt  }
0x75: {  	_ =	shalt  }
0x76: {  	_ =	shalt  }
0x77: {  	_ =	shalt  }
0x78: {  	_ =	shalt  }
0x79: {  	_ =	shalt  }
0x7a: {  	_ =	shalt  }
0x7b: {  	_ =	shalt  }
0x7c: {  	_ =	shalt  }
0x7d: {  	_ =	shalt  }
0x7e: {  	_ =	shalt  }
0x7f: {  	_ =	shalt  }
0x80: {  	_ =	shalt  }
0x81: {  	_ =	shalt  }
0x82: {  	_ =	shalt  }
0x83: {  	_ =	shalt  }
0x84: {  	_ =	shalt  }
0x85: {  	_ =	shalt  }
0x86: {  	_ =	shalt  }
0x87: {  	_ =	shalt  }
.Lfunc_end0:
.L_simem_size_0:
called_computation_lowered:
.L_overlay_start_0:
0x88: {  	s2 =	sld [smem:$0x3FD9]  }
0x89: {  	s3 =	sld [smem:$0x3FFE];
	_ =	sdelay $0x1  }
0x8a: {  	s1 =	srdreg.scid  }
0x8b: {  	s0 =	sand.u32 $0x1, s1  }
0x8c: {  	s17 =	sshll.u32 s0, $0xA;
	s2 =	sadd.s32 s3, s2  }
0x8d: {  	s2 =	sadd.s32 s2, s17  }
0x8e: {  	[smem:$0x3FC6] =	sst s2  }
0x8f: {  	_ = 	snop  }
0x90: {  	s2 =	sld [smem:$0x3FD0];
	(tm) =	ssettm $0x1  }
0x91: {  	s18 =	sld [smem:$0x3FFB];
	_ =	sdelay $0x3  }
0x92: {  	_ =	strace s18  }
0x93: {  	s3 =	sld [smem:$0x3FFC];
	_ =	sdelay $0x3  }
0x94: {  	_ =	strace s3  }
0x95: {  	s3 =	sld [smem:$0x3FFD];
	_ =	sdelay $0x3  }
0x96: {  	_ =	strace s3  }
0x97: {  	_ =	strace $0x8FFFFFFF  }
0x98: {  	s19 =	sld [smem:$0x3FDB];
	_ =	sdelay $0x1  }
0x99: {  	s4 =	simm.s32 $_scs_section_size  }
0x9a: {  	s5 =	simm.s32 $_size__tile_overlayer_lowered;
	s6 =	simm.s32 $_tile_overlayer_lowered  }
0x9b: {  	s22 =	simm.s32 $0x1BFF;
	s21 =	sshll.u32 s6, $0x1;
	s3 =	sadd.s32 s4, s19  }
0x9c: {  	s7 =	simm.s32 $0x0;
	s20 =	sshll.u32 s5, $0x1;
	s5 =	sadd.s32 s21, s3  }
0x9d: {  	[timem:s7], [sflag:s22] =	dma.local [hbm:s5], s20  }
0x9e: {  	_ =	swait.ge [sflag:s22], s20  }
0x9f: {  	s4 =	ssub.s32 $0x0, s20;
	[sflag:s22] =	ssyncset.done $0x0  }
0xa0: {  	[sflag:s22] =	ssyncadd.s32 s4;
	_ =	sdelay $0x1  }
0xa1: {  	s23 =	simm.s32 $0x1B8B  }
0xa2: {  	_ =	swait.ge [sflag:s23], $0x1  }
0xa3: {  	[sflag:s23] =	ssyncset.done $0x0  }
0xa4: {  	s25 =	simm.s32 $0x1B8E;
	s24 =	sld [smem:$0x3FFE];
	[sflag:s23] =	ssyncadd.s32 $0xFFFFFFFF  }
0xa5: {  	s26 =	simm.s32 $execute0_lowered;
	[smem:$0x3FD2] =	sst s25  }
0xa6: {  	s5 =	sshll.u32 s26, $0x1;
	_ =	strace $0x80000046;
	[dreg:$0x1] =	wrdreg $0xFFFFFFFF  }
0xa7: {  	s28 =	simm.s32 $_size_execute0_lowered;
	s3 =	sadd.s32 s3, s5;
	[dreg:$0x0] =	wrdreg $0x0  }
0xa8: {  	s5 =	sshll.u32 s28, $0x1;
	[dreg:$0x2] =	wrdreg s3  }
0xa9: {  	[dreg:$0x3] =	wrdreg s5  }
0xaa: {  	[dreg:$0x4] =	wrdreg $0xC0  }
0xab: {  	_ =	task [dreg:s7], $0x5FFFF  }
0xac: {  	[dreg:$0x1] =	wrdreg $0xFFFFFFFF  }
0xad: {  	[dreg:$0x0] =	wrdreg $0x60  }
0xae: {  	[dreg:$0x2] =	wrdreg s24  }
0xaf: {  	[dreg:$0x3] =	wrdreg s2  }
0xb0: {  	[dreg:$0x4] =	wrdreg $0x81800  }
0xb1: {  	[dreg:$0x5] =	wrdreg $0x83000  }
0xb2: {  	[dreg:$0x6] =	wrdreg $0x81000  }
0xb3: {  	[dreg:$0x7] =	wrdreg $0x9  }
0xb4: {  	_ =	task.clear_ibuf [dreg:s7], $0x8FFFF;
	_ =	strace $0x90000046  }
0xb5: {  	s29 =	simm.s32 $0x9;
	_ =	strace $0x80000048  }
0xb6: {  	_ =	swait.ge [sflag:s29], $0x1  }
0xb7: {  	[sflag:s29] =	ssyncadd.s32 $0xFFFFFFFF  }
0xb8: {  	_ =	strace $0x90000048  }
0xb9: {  	_ =	sfence  }
0xba: {  	s30 =	sld [smem:$0x0];
	_ =	sdelay $0x2  }
0xbb: {  	s31 =	sshll.u32 s1, $0xD;
	s1 =	sshrl.u32 s1, $0x2  }
0xbc: {  	s3 =	sand.u32 $0x4000, s31;
	s1 =	sadd.s32 s1, s30  }
0xbd: {  	s0 =	sor.u32 s3, s0;
	s1 =	sshll.u32 s1, $0x11  }
0xbe: {  	s0 =	sor.u32 s1, s0  }
0xbf: {  	s0 =	sadd.s32 $0x8F2B, s0  }
0xc0: {  	[sflag:s0] =	ssyncadd.remote.s32 $0x1  }
0xc1: {  	_ =	sfence.sel $0xFFFF  }
0xc2: {  	[dreg:$0x0] =	wrdreg $0xFFFFFFFF;
	(pc) =	sbr.abs _section_cstart, $3  }
0xc3: {  	[dreg:$0x1] =	wrdreg $0xFFFFFFFF  }
0xc4: {  	_ =	task.clear_ibuf [dreg:s7], $0x2FFFF;
	_ =	strace $0x9FFFFFFF  }
0xc5: {  	(tm) =	ssettm $0x7FFFFFFF  }
tec
execute0_lowered:
.L_overlay_start_1:
0x0: {  	(tag) =	ssettag $0x1  }
0x1: {  	s1 =	rddreg [dreg:$0x0];
	s0 =	srdreg.scid  }
0x2: {  	s7 =	rddreg [dreg:$0x1];
	s11 =	stileid.u32;
	s3 =	sand.u32 $0x1, s0  }
0x3: {  	s8 =	rddreg [dreg:$0x2];
	v0 =	vlaneseq.u32;
	s2 =	sshrl.u32 s11, $0x2;
	s0 =	sshll.u32 s3, $0x2  }
0x4: {  	s12 =	rddreg [dreg:$0x3];
	v62 =	vmul.u32 $0xFFFFFFFF, v0;
	s0 =	sor.u32 s2, s0;
	s2 =	simm.s32 $0x0  }
0x5: {  	[smem:$0x7FF] =	sst s2;
	v51 =	vadd.s32 s0, v0  }
0x6: {  	s16 =	rddreg [dreg:$0x4];
	v10 =	vadd.s32 $0xF, v62;
	s19 =	sadd.s32 $0x1, s0;
	_ =	strace $0x80000047;
	[tilespmem:$0x1FF10] =	vst v51  }
0x7: {  	s20 =	sor.u32 $0x10, s0;
	v1 =	vadd.s32 s19, v0;
	[tilespmem:$0x1FFF0] =	vst v10  }
0x8: {  	s21 =	sadd.s32 $0x11, s0;
	v34 =	vadd.s32 s20, v0;
	[tilespmem:$0x1FDF0] =	vst v1  }
0x9: {  	s18 =	sand.u32 $0x3, s11;
	s23 =	sor.u32 $0x40, s0;
	v35 =	vadd.s32 s21, v0;
	[tilespmem:$0x1FE00] =	vst v34  }
0xa: {  	s15 =	sor.u32 $0x2, s11;
	s5 =	smul.u32 $0x12C0, s18;
	s28 =	sadd.s32 $0x61, s0;
	v40 =	vadd.s32 s23, v0;
	[tilespmem:$0x1FE10] =	vst v35  }
0xb: {  	s14 =	sor.u32 $0x1, s11;
	s10 =	smul.u32 $0x180, s15;
	s29 =	sor.u32 $0x70, s0;
	v45 =	vadd.s32 s28, v0;
	[tilespmem:$0x1FE60] =	vst v40  }
0xc: {  	s9 =	smul.u32 $0x180, s14;
	p0 =	sne.s32 s18, $0x0;
	s18 =	sor.u32 $0x90, s0;
	v46 =	vadd.s32 s29, v0;
	[tilespmem:$0x1FEB0] =	vst v45  }
0xd: {  	s17 =	sor.u32 $0x3, s11;
	s30 =	sadd.s32 s10, s8;
	s31 =	sor.u32 $0xD0, s0;
	v50 =	vadd.s32 s18, v0;
	[tilespmem:$0x1FEC0] =	vst v46  }
0xe: {  	s26 =	sadd.s32 s9, s8;
	[dreg:$0x8] =	wrdreg s30;
	s30 =	sadd.s32 $0x31, s0;
	v59 =	vadd.s32 s31, v0;
	[tilespmem:$0x1FF00] =	vst v50  }
0xf: {  	s13 =	sshll.u32 s11, $0x7;
	[dreg:$0x6] =	wrdreg s26;
	s26 =	sadd.s32 $0x51, s0;
	v39 =	vadd.s32 s30, v0;
	[tilespmem:$0x1FF90] =	vst v59  }
0x10: {  	s22 =	smul.u32 $0x180, s17;
	s13 =	sadd.s32 s13, s16;
	s19 =	sor.u32 $0x60, s0;
	v43 =	vadd.s32 s26, v0;
	[tilespmem:$0x1FE50] =	vst v39  }
0x11: {  	s14 =	sshll.u32 s14, $0x7;
	s15 =	sshll.u32 s15, $0x7;
	s20 =	sadd.s32 $0x71, s0;
	v44 =	vadd.s32 s19, v0;
	[tilespmem:$0x1FE90] =	vst v43  }
0x12: {  	s17 =	sshll.u32 s17, $0x7;
	s14 =	sadd.s32 s14, s16;
	s21 =	sadd.s32 $0x81, s0;
	v47 =	vadd.s32 s20, v0;
	[tilespmem:$0x1FEA0] =	vst v44  }
0x13: {  	s15 =	sadd.s32 s15, s16;
	s16 =	sadd.s32 s17, s16;
	s23 =	sadd.s32 $0xA1, s0;
	v49 =	vadd.s32 s21, v0;
	[tilespmem:$0x1FED0] =	vst v47  }
0x14: {  	s4 =	smul.u32 $0x4B00, s0;
	s9 =	sadd.s32 s9, s12;
	s28 =	sadd.s32 $0xC1, s0;
	v54 =	vadd.s32 s23, v0;
	[tilespmem:$0x1FEF0] =	vst v49  }
0x15: {  	[dreg:$0x7] =	wrdreg s9;
	s9 =	sshll.u32 s0, $0x1;
	s29 =	sor.u32 $0xE0, s0;
	v58 =	vadd.s32 s28, v0;
	[tilespmem:$0x1FF40] =	vst v54  }
0x16: {  	s24 =	sshll.u32 s0, $0x5;
	s17 =	sadd.s32 s7, s9;
	s7 =	sadd.s32 $0x21, s0;
	v61 =	vadd.s32 s29, v0;
	[tilespmem:$0x1FF80] =	vst v58  }
0x17: {  	s4 =	sadd.s32 s5, s4;
	s5 =	sadd.s32 s24, s1;
	s24 =	sadd.s32 $0x41, s0;
	v37 =	vadd.s32 s7, v0;
	[tilespmem:$0x1FFB0] =	vst v61  }
0x18: {  	s9 =	sor.u32 $0x80, s0;
	v41 =	vadd.s32 s24, v0;
	[tilespmem:$0x1FE30] =	vst v37  }
0x19: {  	s30 =	sor.u32 $0xA0, s0;
	v48 =	vadd.s32 s9, v0;
	[tilespmem:$0x1FE70] =	vst v41  }
0x1a: {  	s25 =	smul.u32 $0x180, s11;
	s3 =	ssub.s32 $0x2, s3;
	s26 =	sor.u32 $0xC0, s0;
	v53 =	vadd.s32 s30, v0;
	[tilespmem:$0x1FEE0] =	vst v48  }
0x1b: {  	s6 =	sshrl.u32 s3, $0x1;
	s10 =	sadd.s32 s10, s12;
	s24 =	sor.u32 $0xB0, s0;
	v57 =	vadd.s32 s26, v0;
	[tilespmem:$0x1FF30] =	vst v53  }
0x1c: {  	s11 =	sadd.s32 s22, s8;
	s4 =	sshrl.u32 s4, $0x3;
	s9 =	sadd.s32 $0xE1, s0;
	v55 =	vadd.s32 s24, v0;
	[tilespmem:$0x1FF70] =	vst v57  }
0x1d: {  	s7 =	sor.u32 $0xF0, s0;
	s4 =	sadd.s32 s4, s1;
	s1 =	ssub.s32 s3, s6;
	v2 =	vadd.s32 s9, v0;
	[tilespmem:$0x1FF50] =	vst v55  }
0x1e: {  	s3 =	sadd.s32 $0x4E00, s5;
	s5 =	sadd.s32 s25, s8;
	s8 =	sor.u32 $0x20, s0;
	v63 =	vadd.s32 s7, v0;
	[tilespmem:$0x1FFC0] =	vst v2  }
0x1f: {  	s6 =	sadd.s32 s25, s12;
	s12 =	sadd.s32 s22, s12;
	s22 =	sor.u32 $0x30, s0;
	v36 =	vadd.s32 s8, v0;
	[tilespmem:$0x1FFD0] =	vst v63  }
0x20: {  	s31 =	simm.s32 $0x0;
	s25 =	sor.u32 $0x50, s0;
	v38 =	vadd.s32 s22, v0;
	[tilespmem:$0x1FE20] =	vst v36  }
0x21: {  	v30 =	vimm.f32 $-1.000000000e+10;
	s19 =	simm.s32 $0x1;
	s20 =	simm.s32 $0x180;
	s22 =	sadd.s32 $0x91, s0;
	v42 =	vadd.s32 s25, v0;
	[tilespmem:$0x1FE40] =	vst v38  }
.Ltmp0:
0x22: {  	s21 =	simm.s32 $0x2780;
	s25 =	sadd.s32 $0xB1, s0;
	[tilespmem:$0x1FE80] =	vst v42;
	v52 =	vadd.s32 s22, v0;
	(pc) =	sbr.rel .LBB2_1-.Ltmp0, $4  }
0x23: {  	s23 =	simm.s32 $0x3980;
	s28 =	simm.s32 $0x6E00;
	s8 =	sadd.s32 $0xD1, s0;
	v56 =	vadd.s32 s25, v0;
	[tilespmem:$0x1FF20] =	vst v52  }
0x24: {  	s29 =	simm.s32 $0x8080;
	s26 =	simm.s32 $0x6C80;
	s0 =	sadd.s32 $0xF1, s0;
	v60 =	vadd.s32 s8, v0;
	[tilespmem:$0x1FF60] =	vst v56  }
0x25: {  	v33 =	vimm.f32 $1.000000000e+10;
	s24 =	simm.s32 $0x4A80;
	s4 =	sadd.s32 $0x200, s4;
	s18 =	smax.u32 s1, $0x1;
	v0 =	vadd.s32 s0, v0;
	[tilespmem:$0x1FFA0] =	vst v60  }
0x26: {  	v27 =	vimm.f32 $0.0e+00;
	v34 =	vimm.s32 $0x0;
	s22 =	simm.s32 $0x2880;
	s25 =	simm.s32 $0x5B80;
	s0 =	simm.s32 $0x7F00;
	[tilespmem:$0x1FFE0] =	vst v0  }
.LBB2_17:
0x27: {  	v0 =	vld [tilespmem:s30+$0x0];
	_ =	sdelay $0x3  }
0x28: {  	v3 =	vmul.f32 v3, v3  }
0x29: {  	v4 =	vmul.f32 v4, v4;
	v38 =	vsub.f32 v2, v1;
	v0 =	vsub.f32 v1, v0  }
0x2a: {  	v39 =	vld [tilespmem:$0x7B80]  }
0x2b: {  	v3 =	vmin.f32 v3, v4;
	v1 =	vmul.f32 v38, v38;
	v0 =	vmul.f32 v0, v0  }
0x2c: {  	v40 =	vld [tilespmem:$0x7C00];
	v3 =	vmin.f32 v3, $1.000000000e+10  }
0x2d: {  	(xrf2) =	vadd.scan.msk.f32 $0xffff, v3;
	v0 =	vmin.f32 v0, v1  }
0x2e: {  	vm0 =	vmmov $0x1;
	v41 =	vld [tilespmem:$0x7C80];
	v0 =	vmin.f32 v0, $1.000000000e+10  }
0x2f: {  	vm1 =	vcmask $0x1F24;
	v42 =	vnsel vm0, $0x0, v39;
	(xrf2) =	vadd.scan.msk.f32 $0xffff, v0  }
0x30: {  	v44 =	vld [tilespmem:$0x7D00];
	v43 =	vsel vm1, $0x0, v39;
	(xrf2) =	vadd.scan.msk.f32 $0xffff, v42  }
0x31: {  	v45 =	vnsel vm0, $0x0, v40;
	(xrf2) =	vadd.scan.msk.f32 $0xffff, v43  }
0x32: {  	v46 =	vsel vm1, $0x0, v40;
	(xrf2) =	vadd.scan.msk.f32 $0xffff, v45  }
0x33: {  	v47, _, _ =	vpop (xrf2);
	v48 =	vnsel vm0, $0x0, v41;
	(xrf2) =	vadd.scan.msk.f32 $0xffff, v46  }
0x34: {  	(v2sf) =	vpush v47, $0xF;
	v49 =	vsel vm1, $0x0, v41;
	(xrf2) =	vadd.scan.msk.f32 $0xffff, v48  }
0x35: {  	v50, _, _ =	vpop (xrf2);
	v51 =	vnsel vm0, $0x0, v44;
	(xrf2) =	vadd.scan.msk.f32 $0xffff, v49  }
0x36: {  	(v2sf) =	vpush v50, $0xF;
	v52 =	vsel vm1, $0x0, v44;
	(xrf2) =	vadd.scan.msk.f32 $0xffff, v51  }
0x37: {  	v53, _, _ =	vpop (xrf2);
	(xrf2) =	vadd.scan.msk.f32 $0xffff, v52  }
0x38: {  	(v2sf) =	vpush v53, $0xF  }
0x39: {  	v54, _, _ =	vpop (xrf2)  }
0x3a: {  	v55, _, _ =	vpop (xrf2);
	(v2sf) =	vpush v54, $0xF  }
0x3b: {  	v56, _, _ =	vpop (xrf2);
	(v2sf) =	vpush v55, $0xF  }
0x3c: {  	v57, _, _ =	vpop (xrf2);
	(v2sf) =	vpush v56, $0xF  }
0x3d: {  	s7 =	spop (v2sf);
	v58, _, _ =	vpop (xrf2);
	(v2sf) =	vpush v57, $0xF  }
0x3e: {  	s1 =	sadd.f32 s7, s1;
	v59, _, _ =	vpop (xrf2);
	(v2sf) =	vpush v58, $0xF  }
0x3f: {  	s30 =	spop (v2sf);
	v60, _, _ =	vpop (xrf2);
	(v2sf) =	vpush v59, $0xF  }
0x40: {  	s1 =	sadd.f32 s30, s1;
	(v2sf) =	vpush v60, $0xF;
	v61, _, _ =	vpop (xrf2)  }
0x41: {  	s8 =	spop (v2sf);
	(v2sf) =	vpush v61, $0xF;
	v62, _, _ =	vpop (xrf2)  }
0x42: {  	s1 =	sadd.f32 s8, s1;
	(v2sf) =	vpush v62, $0xF  }
0x43: {  	s9 =	spop (v2sf)  }
0x44: {  	s1 =	sadd.f32 s9, s1  }
0x45: {  	s30 =	spop (v2sf)  }
0x46: {  	s1 =	sadd.f32 s30, s1  }
0x47: {  	s8 =	spop (v2sf)  }
0x48: {  	s1 =	sadd.f32 s8, s1  }
0x49: {  	s9 =	spop (v2sf)  }
0x4a: {  	s8 =	spop (v2sf);
	s1 =	sadd.f32 s9, s1  }
0x4b: {  	s30 =	spop (v2sf);
	s8 =	sadd.f32 $0.0e+00, s8  }
0x4c: {  	s9 =	spop (v2sf);
	s7 =	sadd.f32 $0.0e+00, s30  }
0x4d: {  	s8 =	sadd.f32 s9, s8;
	s30 =	spop (v2sf)  }
0x4e: {  	s7 =	sadd.f32 s30, s7;
	s30 =	spop (v2sf)  }
0x4f: {  	s8 =	sadd.f32 s30, s8;
	s30 =	spop (v2sf)  }
0x50: {  	s7 =	sadd.f32 s30, s7;
	s30 =	spop (v2sf)  }
0x51: {  	vm13 =	vcmask $0x300;
	v63 =	vmov s1;
	s8 =	sadd.f32 s30, s8;
	s30 =	spop (v2sf)  }
0x52: {  	vm14 =	vcmask $0x704;
	v0 =	vnsel vm13, $0x0, v63;
	s9 =	sadd.f32 s30, s7  }
0x53: {  	vm15 =	vcmask $0xB08;
	v0 =	vsel vm14, s8, v0  }
0x54: {  	v0 =	vsel vm15, s9, v0  }
0x55: {  	s30 =	simm.s32 $0x8480;
	[tilespmem:$0x8480] =	vst v0  }
0x56: {  	[hbm4b:s17+s2] =	stream.linear.scatter [tilespmem:s30], [sflag:$0x1], $0x10, $0x38;
	[tilespmem:$0x8500] =	vst v63  }
0x57: {  	_ =	swait.ge [sflag:s19], $0x10  }
0x58: {  	[sflag:s19] =	ssyncset.done $0x0  }
0x59: {  	[sflag:s19] =	ssyncadd.s32 $0xFFFFFFF0  }
.LBB2_18:
0x5a: {  	s31 =	sadd.s32 $0x1, s31  }
0x5b: {  	p1 =	sne.s32 s31, s18  }
.Ltmp1:
0x5c: {  	_ = 	snop;
	(pc) =	sbr.rel @!p1 .LBB2_19-.Ltmp1, $1  }
0x5d: {  	_ =	sdelay $0x3  }
.LBB2_1:
0x5e: {  	[tilespmem:s2], [sflag:$0x1] =	stream.linear.gather [hbm4b:s3+s2], $0x108, $0x38;
	[tilespmem:$0x8500] =	vst v63  }
0x5f: {  	_ =	swait.ge [sflag:s19], $0x108  }
0x60: {  	[sflag:s19] =	ssyncset.done $0x0  }
0x61: {  	[sflag:s19] =	ssyncadd.s32 $0xFFFFFEF8  }
0x62: {  	[tilespmem:s20], [sflag:$0x1] =	stream.linear.gather [hbm4b:s4+s2], $0x12C0, $0x38;
	[tilespmem:$0x8500] =	vst v63  }
0x63: {  	_ =	swait.ge [sflag:s19], $0x12C0  }
0x64: {  	v0 =	vld [tilespmem:$0x1FF10]  }
0x65: {  	v52 =	vld [tilespmem:$0x1FDF0]  }
0x66: {  	v53 =	vld [tilespmem:$0x1FE00]  }
0x67: {  	v54 =	vld [tilespmem:$0x1FE10]  }
0x68: {  	v55 =	vld [tilespmem:$0x1FE20]  }
0x69: {  	v56 =	vld [tilespmem:$0x1FE30]  }
0x6a: {  	v57 =	vld [tilespmem:$0x1FE40]  }
0x6b: {  	v58 =	vld [tilespmem:$0x1FE50]  }
0x6c: {  	v59 =	vld [tilespmem:$0x1FE60]  }
0x6d: {  	v60 =	vld [tilespmem:$0x1FE70]  }
0x6e: {  	v61 =	vld [tilespmem:$0x1FE80]  }
0x6f: {  	v62 =	vld [tilespmem:$0x1FE90]  }
0x70: {  	v63 =	vld [tilespmem:$0x1FEA0]  }
0x71: {  	v9 =	vld [tilespmem:$0x1FEB0]  }
0x72: {  	v11 =	vld [tilespmem:$0x1FEC0]  }
0x73: {  	v12 =	vld [tilespmem:$0x1FED0]  }
0x74: {  	v13 =	vld [tilespmem:$0x1FEE0]  }
0x75: {  	v14 =	vld [tilespmem:$0x1FEF0]  }
0x76: {  	v15 =	vld [tilespmem:$0x1FF00]  }
0x77: {  	v16 =	vld [tilespmem:$0x1FF20]  }
0x78: {  	v18 =	vld [tilespmem:$0x1FF30]  }
0x79: {  	v20 =	vld [tilespmem:$0x1FF40]  }
0x7a: {  	[sflag:s19] =	ssyncset.done $0x0;
	v22 =	vld [tilespmem:$0x1FF50]  }
0x7b: {  	v48 =	vld [tilespmem:$0x1FF60];
	[sflag:s19] =	ssyncadd.s32 $0xFFFFED40  }
0x7c: {  	v1 =	vld.idx.msk [tilespmem:v0+s2+$0x0], $0xffff  }
0x7d: {  	v2 =	vld.idx.msk [tilespmem:v52+s2+$0x0], $0xffff  }
0x7e: {  	v3 =	vld.idx.msk [tilespmem:v53+s2+$0x0], $0xffff  }
0x7f: {  	v4 =	vld.idx.msk [tilespmem:v54+s2+$0x0], $0xffff  }
0x80: {  	v5 =	vld.idx.msk [tilespmem:v55+s2+$0x0], $0xffff  }
0x81: {  	v6 =	vld.idx.msk [tilespmem:v56+s2+$0x0], $0xffff  }
0x82: {  	v7 =	vld.idx.msk [tilespmem:v57+s2+$0x0], $0xffff  }
0x83: {  	v8 =	vld.idx.msk [tilespmem:v58+s2+$0x0], $0xffff  }
0x84: {  	v36 =	vld.idx.msk [tilespmem:v59+s2+$0x0], $0xffff  }
0x85: {  	v39 =	vld.idx.msk [tilespmem:v60+s2+$0x0], $0xffff  }
0x86: {  	v40 =	vld.idx.msk [tilespmem:v61+s2+$0x0], $0xffff  }
0x87: {  	v41 =	vld.idx.msk [tilespmem:v62+s2+$0x0], $0xffff  }
0x88: {  	v42 =	vld.idx.msk [tilespmem:v63+s2+$0x0], $0xffff  }
0x89: {  	v43 =	vld.idx.msk [tilespmem:v9+s2+$0x0], $0xffff  }
0x8a: {  	v44 =	vld.idx.msk [tilespmem:v11+s2+$0x0], $0xffff  }
0x8b: {  	v45 =	vld.idx.msk [tilespmem:v12+s2+$0x0], $0xffff  }
0x8c: {  	v46 =	vld.idx.msk [tilespmem:v13+s2+$0x0], $0xffff  }
0x8d: {  	v47 =	vld.idx.msk [tilespmem:v14+s2+$0x0], $0xffff  }
0x8e: {  	v17 =	vld.idx.msk [tilespmem:v16+s2+$0x0], $0xffff  }
0x8f: {  	v19 =	vld.idx.msk [tilespmem:v18+s2+$0x0], $0xffff  }
0x90: {  	v21 =	vld.idx.msk [tilespmem:v20+s2+$0x0], $0xffff  }
0x91: {  	v23 =	vld.idx.msk [tilespmem:v22+s2+$0x0], $0xffff  }
0x92: {  	v49 =	vld.idx.msk [tilespmem:v48+s2+$0x0], $0xffff  }
0x93: {  	v52 =	vld [tilespmem:$0x1FF70]  }
0x94: {  	v56 =	vld [tilespmem:$0x1FF80]  }
0x95: {  	v59 =	vld [tilespmem:$0x1FF90]  }
0x96: {  	v62 =	vld [tilespmem:$0x1FFA0];
	v1 =	vadd.f32 v2, v1  }
0x97: {  	v11 =	vld [tilespmem:$0x1FFB0];
	v3 =	vadd.f32 v4, v3  }
0x98: {  	v14 =	vld [tilespmem:$0x1FFC0];
	v5 =	vadd.f32 v6, v5;
	v1 =	vmul.f32 $5.000000000e-01, v1  }
0x99: {  	v16 =	vld [tilespmem:$0x1FFD0];
	v7 =	vadd.f32 v8, v7;
	v3 =	vmul.f32 $5.000000000e-01, v3  }
0x9a: {  	v2 =	vld.idx.msk [tilespmem:v15+s2+$0x0], $0xffff;
	v36 =	vadd.f32 v39, v36;
	v5 =	vmul.f32 $5.000000000e-01, v5;
	(xrf1) =	vsort.ascd.msk.f32 $0xffff, v1, v1  }
0x9b: {  	v35 =	vadd.f32 v41, v40;
	v18 =	vadd.f32 v21, v19;
	v19 =	vld [tilespmem:$0x1FFE0];
	v32 =	vmul.f32 $5.000000000e-01, v7;
	(xrf1) =	vsort.ascd.msk.f32 $0xffff, v3, v3  }
0x9c: {  	v51 =	vadd.f32 v43, v42;
	v50 =	vmul.f32 $5.000000000e-01, v36;
	v53 =	vld.idx.msk [tilespmem:v52+s2+$0x0], $0xffff;
	(xrf1) =	vsort.ascd.msk.f32 $0xffff, v5, v5  }
0x9d: {  	v55 =	vadd.f32 v45, v44;
	v54 =	vmul.f32 $5.000000000e-01, v35;
	v57 =	vld.idx.msk [tilespmem:v56+s2+$0x0], $0xffff;
	(xrf1) =	vsort.ascd.msk.f32 $0xffff, v32, v32  }
0x9e: {  	v58 =	vmul.f32 $5.000000000e-01, v51;
	v60 =	vld.idx.msk [tilespmem:v59+s2+$0x0], $0xffff;
	(xrf1) =	vsort.ascd.msk.f32 $0xffff, v50, v50  }
0x9f: {  	v61 =	vmul.f32 $5.000000000e-01, v55;
	v63 =	vld.idx.msk [tilespmem:v62+s2+$0x0], $0xffff;
	(xrf1) =	vsort.ascd.msk.f32 $0xffff, v54, v54  }
0xa0: {  	v12 =	vld.idx.msk [tilespmem:v11+s2+$0x0], $0xffff;
	(xrf1) =	vsort.ascd.msk.f32 $0xffff, v58, v58  }
0xa1: {  	v13 =	vadd.f32 v47, v46;
	v15 =	vld.idx.msk [tilespmem:v14+s2+$0x0], $0xffff;
	(xrf1) =	vsort.ascd.msk.f32 $0xffff, v61, v61  }
0xa2: {  	v2 =	vadd.f32 v17, v2;
	v17 =	vld.idx.msk [tilespmem:v16+s2+$0x0], $0xffff  }
0xa3: {  	v1 =	vmul.f32 $5.000000000e-01, v13;
	v20 =	vld.idx.msk [tilespmem:v19+s2+$0x0], $0xffff  }
0xa4: {  	v21 =	vadd.f32 v49, v23;
	v2 =	vmul.f32 $5.000000000e-01, v2  }
0xa5: {  	v4 =	vmul.f32 $5.000000000e-01, v18;
	v22 =	vadd.f32 v57, v53;
	(xrf1) =	vsort.ascd.msk.f32 $0xffff, v1, v1  }
0xa6: {  	v23 =	vmul.f32 $5.000000000e-01, v21;
	v7 =	vadd.f32 v63, v60;
	(xrf1) =	vsort.ascd.msk.f32 $0xffff, v2, v2  }
0xa7: {  	v5 =	vadd.f32 v15, v12;
	v32 =	vmul.f32 $5.000000000e-01, v22;
	(xrf1) =	vsort.ascd.msk.f32 $0xffff, v4, v4  }
0xa8: {  	v35 =	vmul.f32 $5.000000000e-01, v7;
	v3 =	vadd.f32 v20, v17;
	v36, _, _ =	vpop (xrf1);
	(xrf1) =	vsort.ascd.msk.f32 $0xffff, v23, v23  }
0xa9: {  	v37 =	vmul.f32 $5.000000000e-01, v5;
	v38, _, _ =	vpop (xrf1);
	(xrf1) =	vsort.ascd.msk.f32 $0xffff, v32, v32  }
0xaa: {  	v39 =	vmul.f32 $5.000000000e-01, v3;
	v40, _, _ =	vpop (xrf1);
	(xrf1) =	vsort.ascd.msk.f32 $0xffff, v35, v35;
	v41 =	vperm.xlane v38, v10  }
0xab: {  	v42, _, _ =	vpop (xrf1);
	(xrf1) =	vsort.ascd.msk.f32 $0xffff, v37, v37  }
0xac: {  	v43, _, _ =	vpop (xrf1);
	(xrf1) =	vsort.ascd.msk.f32 $0xffff, v39, v39;
	v44 =	vmin.f32 v36, v41;
	v5 =	vperm.xlane v42, v10  }
0xad: {  	v4 =	vmax.f32 v36, v41;
	v45, _, _ =	vpop (xrf1);
	(xrf1) =	vsort.ascd.msk.f32 $0xffff, v44, v44  }
0xae: {  	v46, _, _ =	vpop (xrf1);
	(xrf1) =	vsort.ascd.msk.f32 $0xffff, v4, v4;
	v47 =	vmin.f32 v40, v5;
	v48 =	vperm.xlane v45, v10  }
0xaf: {  	v3 =	vmax.f32 v40, v5;
	v49, _, _ =	vpop (xrf1);
	(xrf1) =	vsort.ascd.msk.f32 $0xffff, v47, v47  }
0xb0: {  	(xrf1) =	vsort.ascd.msk.f32 $0xffff, v3, v3;
	v50 =	vmin.f32 v43, v48;
	v51 =	vperm.xlane v49, v10  }
0xb1: {  	v1 =	vmax.f32 v43, v48;
	(xrf1) =	vsort.ascd.msk.f32 $0xffff, v50, v50  }
0xb2: {  	(xrf1) =	vsort.ascd.msk.f32 $0xffff, v1, v1;
	v52 =	vmin.f32 v46, v51  }
0xb3: {  	v53, _, _ =	vpop (xrf1);
	v2 =	vmax.f32 v46, v51;
	(xrf1) =	vsort.ascd.msk.f32 $0xffff, v52, v52  }
0xb4: {  	v54, _, _ =	vpop (xrf1);
	(xrf1) =	vsort.ascd.msk.f32 $0xffff, v2, v2  }
0xb5: {  	v55, _, _ =	vpop (xrf1)  }
0xb6: {  	v1 =	vperm.xlane v54, v10;
	v56, _, _ =	vpop (xrf1)  }
0xb7: {  	v57, _, _ =	vpop (xrf1)  }
0xb8: {  	v59 =	vmin.f32 v53, v1;
	v4 =	vperm.xlane v56, v10;
	v58, _, _ =	vpop (xrf1)  }
0xb9: {  	v1 =	vmax.f32 v53, v1;
	(xrf1) =	vsort.ascd.msk.f32 $0xffff, v59, v59;
	v60, _, _ =	vpop (xrf1)  }
0xba: {  	(xrf1) =	vsort.ascd.msk.f32 $0xffff, v1, v1;
	v62 =	vmin.f32 v55, v4;
	v6 =	vperm.xlane v58, v10;
	v61, _, _ =	vpop (xrf1)  }
0xbb: {  	v2 =	vmax.f32 v55, v4;
	(xrf1) =	vsort.ascd.msk.f32 $0xffff, v62, v62;
	v63, _, _ =	vpop (xrf1)  }
0xbc: {  	(xrf1) =	vsort.ascd.msk.f32 $0xffff, v2, v2;
	v13 =	vmin.f32 v57, v6;
	v3 =	vperm.xlane v61, v10;
	v12, _, _ =	vpop (xrf1)  }
0xbd: {  	v5 =	vmax.f32 v57, v6;
	(xrf1) =	vsort.ascd.msk.f32 $0xffff, v13, v13;
	v14, _, _ =	vpop (xrf1)  }
0xbe: {  	(xrf1) =	vsort.ascd.msk.f32 $0xffff, v5, v5;
	v16 =	vmin.f32 v60, v3;
	v3 =	vmax.f32 v60, v3;
	v15, _, _ =	vpop (xrf1)  }
0xbf: {  	(xrf1) =	vsort.ascd.msk.f32 $0xffff, v16, v16;
	v4 =	vperm.xlane v14, v10;
	v17, _, _ =	vpop (xrf1);
	v2 =	vperm.xlane v15, v10  }
0xc0: {  	(xrf1) =	vsort.ascd.msk.f32 $0xffff, v3, v3;
	v18, _, _ =	vpop (xrf1)  }
0xc1: {  	v21 =	vmin.f32 v12, v4;
	v1 =	vmax.f32 v12, v4;
	v19, _, _ =	vpop (xrf1);
	v20 =	vmin.f32 v63, v2  }
0xc2: {  	v2 =	vmax.f32 v63, v2;
	v22, _, _ =	vpop (xrf1);
	v23 =	vmin.f32 v20, v21;
	v8 =	vmax.f32 v20, v21  }
0xc3: {  	v3 =	vperm.xlane v19, v10;
	(xrf1) =	vsort.ascd.msk.f32 $0xffff, v23, v23;
	v32 =	vperm.xlane v22, v10  }
0xc4: {  	v35 =	vmin.f32 v2, v1;
	v1 =	vmax.f32 v2, v1;
	(xrf1) =	vsort.ascd.msk.f32 $0xffff, v8, v8  }
0xc5: {  	v37 =	vmin.f32 v18, v3;
	(xrf1) =	vsort.ascd.msk.f32 $0xffff, v35, v35;
	v36 =	vmin.f32 v17, v32  }
0xc6: {  	(xrf1) =	vsort.ascd.msk.f32 $0xffff, v1, v1;
	v39 =	vmin.f32 v36, v37  }
0xc7: {  	v40, _, _ =	vpop (xrf1);
	v2 =	vmax.f32 v36, v37;
	(xrf1) =	vsort.ascd.msk.f32 $0xffff, v39, v39  }
0xc8: {  	v3 =	vmax.f32 v18, v3;
	v38 =	vmax.f32 v17, v32;
	v41, _, _ =	vpop (xrf1);
	(xrf1) =	vsort.ascd.msk.f32 $0xffff, v2, v2  }
0xc9: {  	v42 =	vmin.f32 v38, v3;
	v43, _, _ =	vpop (xrf1)  }
0xca: {  	v1 =	vmax.f32 v38, v3;
	(xrf1) =	vsort.ascd.msk.f32 $0xffff, v42, v42;
	v44, _, _ =	vpop (xrf1)  }
0xcb: {  	v46 =	vperm.xlane v43, v10;
	(xrf1) =	vsort.ascd.msk.f32 $0xffff, v1, v1;
	v45, _, _ =	vpop (xrf1);
	v2 =	vperm.xlane v44, v10  }
0xcc: {  	v47, _, _ =	vpop (xrf1)  }
0xcd: {  	v50 =	vmin.f32 v41, v46;
	v3 =	vmax.f32 v41, v46;
	v48, _, _ =	vpop (xrf1);
	v49 =	vmin.f32 v40, v2  }
0xce: {  	v2 =	vmax.f32 v40, v2;
	v51, _, _ =	vpop (xrf1);
	v52 =	vmin.f32 v49, v50;
	v8 =	vmax.f32 v49, v50  }
0xcf: {  	v54 =	vperm.xlane v48, v10;
	(xrf1) =	vsort.ascd.msk.f32 $0xffff, v52, v52;
	v53 =	vperm.xlane v51, v10  }
0xd0: {  	v55 =	vmin.f32 v2, v3;
	v2 =	vmax.f32 v2, v3;
	(xrf1) =	vsort.ascd.msk.f32 $0xffff, v8, v8  }
0xd1: {  	v58 =	vmin.f32 v47, v54;
	v57 =	vmin.f32 v45, v53;
	v56, _, _ =	vpop (xrf1);
	(xrf1) =	vsort.ascd.msk.f32 $0xffff, v55, v55  }
0xd2: {  	v5 =	vmax.f32 v47, v54;
	v60 =	vmin.f32 v57, v58;
	v59, _, _ =	vpop (xrf1);
	(xrf1) =	vsort.ascd.msk.f32 $0xffff, v2, v2  }
0xd3: {  	v1 =	vmax.f32 v45, v53;
	v62 =	vmax.f32 v57, v58;
	v61, _, _ =	vpop (xrf1);
	(xrf1) =	vsort.ascd.msk.f32 $0xffff, v60, v60  }
0xd4: {  	v9 =	vmin.f32 v1, v5;
	v63, _, _ =	vpop (xrf1);
	(xrf1) =	vsort.ascd.msk.f32 $0xffff, v62, v62  }
0xd5: {  	v1 =	vmax.f32 v1, v5;
	v11, _, _ =	vpop (xrf1);
	(xrf1) =	vsort.ascd.msk.f32 $0xffff, v9, v9  }
0xd6: {  	v12, _, _ =	vpop (xrf1);
	(xrf1) =	vsort.ascd.msk.f32 $0xffff, v1, v1;
	_ =	sdelay $0x1  }
0xd7: {  	v7 =	vperm.xlane v11, v10;
	v13, _, _ =	vpop (xrf1)  }
0xd8: {  	v5 =	vperm.xlane v12, v10;
	v14, _, _ =	vpop (xrf1);
	v1 =	vperm.xlane v13, v10  }
0xd9: {  	v18 =	vmin.f32 v63, v7;
	v2 =	vmax.f32 v63, v7;
	v6 =	vperm.xlane v14, v10  }
0xda: {  	v17 =	vmin.f32 v61, v5;
	v4 =	vmax.f32 v61, v5;
	v16 =	vmin.f32 v59, v1  }
0xdb: {  	v1 =	vmax.f32 v59, v1;
	v15 =	vmin.f32 v56, v6;
	v3 =	vmax.f32 v56, v6  }
0xdc: {  	v21 =	vmin.f32 v16, v18;
	v39 =	vmax.f32 v16, v18;
	v19, _, _ =	vpop (xrf1);
	v20 =	vmin.f32 v15, v17  }
0xdd: {  	v48 =	vmin.f32 v1, v2;
	v1 =	vmax.f32 v1, v2;
	v22, _, _ =	vpop (xrf1);
	v23 =	vmin.f32 v20, v21  }
0xde: {  	v8 =	vmax.f32 v15, v17;
	v6 =	vmax.f32 v20, v21;
	(xrf1) =	vsort.ascd.msk.f32 $0xffff, v23, v23;
	v32, _, _ =	vpop (xrf1)  }
0xdf: {  	v47 =	vmin.f32 v3, v4;
	v41 =	vmin.f32 v8, v39;
	(xrf1) =	vsort.ascd.msk.f32 $0xffff, v6, v6;
	v35, _, _ =	vpop (xrf1)  }
0xe0: {  	v3 =	vmax.f32 v3, v4;
	v45 =	vmax.f32 v8, v39;
	(xrf1) =	vsort.ascd.msk.f32 $0xffff, v41, v41;
	v43, _, _ =	vpop (xrf1)  }
0xe1: {  	v50 =	vmin.f32 v47, v48;
	v7 =	vmax.f32 v47, v48;
	(xrf1) =	vsort.ascd.msk.f32 $0xffff, v45, v45;
	v46, _, _ =	vpop (xrf1)  }
0xe2: {  	v52 =	vmin.f32 v3, v1;
	v1 =	vmax.f32 v3, v1;
	(xrf1) =	vsort.ascd.msk.f32 $0xffff, v50, v50;
	v49, _, _ =	vpop (xrf1)  }
0xe3: {  	v56 =	vperm.xlane v43, v10;
	(xrf1) =	vsort.ascd.msk.f32 $0xffff, v7, v7;
	v55 =	vperm.xlane v46, v10;
	v51, _, _ =	vpop (xrf1)  }
0xe4: {  	(xrf1) =	vsort.ascd.msk.f32 $0xffff, v52, v52;
	v54 =	vperm.xlane v49, v10;
	v53 =	vperm.xlane v51, v10  }
0xe5: {  	v60 =	vmin.f32 v35, v56;
	(xrf1) =	vsort.ascd.msk.f32 $0xffff, v1, v1  }
0xe6: {  	v59 =	vmin.f32 v32, v55;
	v58 =	vmin.f32 v22, v54;
	v57 =	vmin.f32 v19, v53  }
0xe7: {  	v4 =	vmax.f32 v32, v55;
	v62 =	vmin.f32 v58, v60;
	v61 =	vmin.f32 v57, v59  }
0xe8: {  	v1 =	vmax.f32 v35, v56;
	v6 =	vmax.f32 v58, v60;
	v63 =	vmin.f32 v61, v62  }
0xe9: {  	v5 =	vmax.f32 v57, v59;
	v0 =	vmax.f32 v61, v62;
	(xrf1) =	vsort.ascd.msk.f32 $0xffff, v63, v63  }
0xea: {  	v3 =	vmax.f32 v22, v54;
	v12 =	vmin.f32 v5, v6;
	(xrf1) =	vsort.ascd.msk.f32 $0xffff, v0, v0  }
0xeb: {  	v2 =	vmax.f32 v19, v53;
	v5 =	vmax.f32 v5, v6;
	(xrf1) =	vsort.ascd.msk.f32 $0xffff, v12, v12  }
0xec: {  	v14 =	vmin.f32 v3, v1;
	v13 =	vmin.f32 v2, v4;
	(xrf1) =	vsort.ascd.msk.f32 $0xffff, v5, v5  }
0xed: {  	v1 =	vmax.f32 v3, v1;
	v15 =	vmin.f32 v13, v14  }
0xee: {  	v2 =	vmax.f32 v2, v4;
	v16 =	vmax.f32 v13, v14;
	(xrf1) =	vsort.ascd.msk.f32 $0xffff, v15, v15  }
0xef: {  	v17 =	vmin.f32 v2, v1;
	v18, _, _ =	vpop (xrf1);
	(xrf1) =	vsort.ascd.msk.f32 $0xffff, v16, v16  }
0xf0: {  	v1 =	vmax.f32 v2, v1;
	v19, _, _ =	vpop (xrf1);
	(xrf1) =	vsort.ascd.msk.f32 $0xffff, v17, v17  }
0xf1: {  	v20, _, _ =	vpop (xrf1);
	(xrf1) =	vsort.ascd.msk.f32 $0xffff, v1, v1  }
0xf2: {  	v21, _, _ =	vpop (xrf1)  }
0xf3: {  	v22, _, _ =	vpop (xrf1)  }
0xf4: {  	v23, _, _ =	vpop (xrf1)  }
0xf5: {  	v32, _, _ =	vpop (xrf1)  }
0xf6: {  	v35, _, _ =	vpop (xrf1)  }
0xf7: {  	v50, _, _ =	vpop (xrf1)  }
0xf8: {  	v51, _, _ =	vpop (xrf1)  }
0xf9: {  	v36 =	vperm.xlane v50, v10;
	v52, _, _ =	vpop (xrf1)  }
0xfa: {  	v39 =	vperm.xlane v51, v10;
	v53, _, _ =	vpop (xrf1)  }
0xfb: {  	v40 =	vperm.xlane v52, v10;
	v8 =	vmax.f32 v35, v36;
	v41 =	vperm.xlane v53, v10  }
0xfc: {  	v54, _, _ =	vpop (xrf1);
	v52 =	vmin.f32 v32, v39;
	v53 =	vmin.f32 v35, v36;
	v7 =	vmax.f32 v32, v39  }
0xfd: {  	v55, _, _ =	vpop (xrf1);
	v42 =	vperm.xlane v54, v10;
	v51 =	vmin.f32 v23, v40;
	v6 =	vmax.f32 v23, v40  }
0xfe: {  	v56, _, _ =	vpop (xrf1);
	v43 =	vperm.xlane v55, v10;
	v50 =	vmin.f32 v22, v41;
	v5 =	vmax.f32 v22, v41  }
0xff: {  	v57, _, _ =	vpop (xrf1);
	v44 =	vperm.xlane v56, v10;
	v49 =	vmin.f32 v21, v42;
	v4 =	vmax.f32 v21, v42  }
0x100: {  	v45 =	vperm.xlane v57, v10;
	v48 =	vmin.f32 v20, v43;
	v1 =	vmax.f32 v20, v43  }
0x101: {  	v9 =	vmin.f32 v49, v53;
	v49 =	vmax.f32 v49, v53;
	v35 =	vmin.f32 v4, v8  }
0x102: {  	v4 =	vmax.f32 v4, v8;
	v59 =	vmin.f32 v19, v44;
	v2 =	vmax.f32 v19, v44  }
0x103: {  	v0 =	vmin.f32 v48, v52;
	v48 =	vmax.f32 v48, v52;
	v32 =	vmin.f32 v1, v7  }
0x104: {  	v1 =	vmax.f32 v1, v7;
	v58 =	vmin.f32 v18, v45;
	v3 =	vmax.f32 v18, v45  }
0x105: {  	v62 =	vmin.f32 v59, v51;
	v63 =	vmax.f32 v59, v51;
	v23 =	vmin.f32 v2, v6  }
0x106: {  	v2 =	vmax.f32 v2, v6;
	v60 =	vmin.f32 v58, v50;
	v61 =	vmax.f32 v58, v50  }
0x107: {  	v11 =	vmin.f32 v62, v9;
	v44 =	vmax.f32 v62, v9;
	v10 =	vmin.f32 v60, v0  }
0x108: {  	v16 =	vmin.f32 v63, v49;
	v18 =	vmax.f32 v63, v49;
	v12 =	vmin.f32 v10, v11  }
0x109: {  	v42 =	vmax.f32 v60, v0;
	v13 =	vmax.f32 v10, v11;
	(xrf1) =	vsort.ascd.msk.f32 $0xffff, v12, v12  }
0x10a: {  	v22 =	vmin.f32 v3, v5;
	v15 =	vmin.f32 v42, v44;
	(xrf1) =	vsort.ascd.msk.f32 $0xffff, v13, v13  }
0x10b: {  	v14 =	vmin.f32 v61, v48;
	v42 =	vmax.f32 v42, v44;
	(xrf1) =	vsort.ascd.msk.f32 $0xffff, v15, v15  }
0x10c: {  	v3 =	vmax.f32 v3, v5;
	v17 =	vmin.f32 v14, v16;
	(xrf1) =	vsort.ascd.msk.f32 $0xffff, v42, v42  }
0x10d: {  	v43 =	vmax.f32 v61, v48;
	v19 =	vmax.f32 v14, v16;
	(xrf1) =	vsort.ascd.msk.f32 $0xffff, v17, v17  }
0x10e: {  	v38 =	vmin.f32 v23, v35;
	v20 =	vmin.f32 v43, v18;
	(xrf1) =	vsort.ascd.msk.f32 $0xffff, v19, v19  }
0x10f: {  	v37 =	vmin.f32 v22, v32;
	v21 =	vmax.f32 v43, v18;
	(xrf1) =	vsort.ascd.msk.f32 $0xffff, v20, v20  }
0x110: {  	v5 =	vmax.f32 v23, v35;
	v42 =	vmin.f32 v37, v38;
	(xrf1) =	vsort.ascd.msk.f32 $0xffff, v21, v21  }
0x111: {  	v6 =	vmax.f32 v22, v32;
	v7 =	vmax.f32 v37, v38;
	(xrf1) =	vsort.ascd.msk.f32 $0xffff, v42, v42  }
0x112: {  	v43 =	vmin.f32 v3, v1;
	v36 =	vmin.f32 v6, v5;
	(xrf1) =	vsort.ascd.msk.f32 $0xffff, v7, v7  }
0x113: {  	v44 =	vmin.f32 v2, v4;
	v5 =	vmax.f32 v6, v5;
	(xrf1) =	vsort.ascd.msk.f32 $0xffff, v36, v36  }
0x114: {  	v1 =	vmax.f32 v3, v1;
	v45 =	vmin.f32 v43, v44;
	(xrf1) =	vsort.ascd.msk.f32 $0xffff, v5, v5  }
0x115: {  	v2 =	vmax.f32 v2, v4;
	v46 =	vmax.f32 v43, v44;
	(xrf1) =	vsort.ascd.msk.f32 $0xffff, v45, v45  }
0x116: {  	v47 =	vmin.f32 v1, v2;
	(xrf1) =	vsort.ascd.msk.f32 $0xffff, v46, v46  }
0x117: {  	v1 =	vmax.f32 v1, v2;
	v48, _, _ =	vpop (xrf1);
	(xrf1) =	vsort.ascd.msk.f32 $0xffff, v47, v47  }
0x118: {  	v49, _, _ =	vpop (xrf1);
	(xrf1) =	vsort.ascd.msk.f32 $0xffff, v1, v1;
	[tilespmem:$0x2780] =	vst v48  }
0x119: {  	v50, _, _ =	vpop (xrf1);
	[tilespmem:$0x2790] =	vst v49  }
0x11a: {  	v51, _, _ =	vpop (xrf1);
	[tilespmem:$0x27A0] =	vst v50  }
0x11b: {  	v52, _, _ =	vpop (xrf1);
	[tilespmem:$0x27B0] =	vst v51  }
0x11c: {  	v53, _, _ =	vpop (xrf1);
	[tilespmem:$0x27C0] =	vst v52  }
0x11d: {  	v54, _, _ =	vpop (xrf1);
	[tilespmem:$0x27D0] =	vst v53  }
0x11e: {  	v55, _, _ =	vpop (xrf1);
	[tilespmem:$0x27E0] =	vst v54  }
0x11f: {  	v56, _, _ =	vpop (xrf1);
	[tilespmem:$0x27F0] =	vst v55  }
0x120: {  	v57, _, _ =	vpop (xrf1);
	[tilespmem:$0x2800] =	vst v56  }
0x121: {  	v58, _, _ =	vpop (xrf1);
	[tilespmem:$0x2810] =	vst v57  }
0x122: {  	v59, _, _ =	vpop (xrf1);
	[tilespmem:$0x2820] =	vst v58  }
0x123: {  	v60, _, _ =	vpop (xrf1);
	[tilespmem:$0x2830] =	vst v59  }
0x124: {  	v61, _, _ =	vpop (xrf1);
	[tilespmem:$0x2840] =	vst v60  }
0x125: {  	v62, _, _ =	vpop (xrf1);
	[tilespmem:$0x2850] =	vst v61  }
0x126: {  	v63, _, _ =	vpop (xrf1);
	[tilespmem:$0x2860] =	vst v62  }
0x127: {  	s1 =	simm.s32 $0x0;
	[tilespmem:$0x2870] =	vst v63  }
0x128: {  	[tilespmem:s1+$0x62F0] =	vst v33  }
0x129: {  	[tilespmem:s1+$0x50E0] =	vst v30  }
0x12a: {  	[tilespmem:s1+$0x2880] =	vst v30  }
0x12b: {  	[tilespmem:s1+$0x3980] =	vst v33  }
0x12c: {  	[tilespmem:s1+$0x4A80] =	vst v30  }
0x12d: {  	[tilespmem:s1+$0x5B80] =	vst v33  }
0x12e: {  	[tilespmem:s1+$0x2990] =	vst v30  }
0x12f: {  	[tilespmem:s1+$0x3A90] =	vst v33  }
0x130: {  	[tilespmem:s1+$0x4B90] =	vst v30  }
0x131: {  	[tilespmem:s1+$0x5C90] =	vst v33  }
0x132: {  	[tilespmem:s1+$0x2AA0] =	vst v30  }
0x133: {  	[tilespmem:s1+$0x3BA0] =	vst v33  }
0x134: {  	[tilespmem:s1+$0x4CA0] =	vst v30  }
0x135: {  	[tilespmem:s1+$0x5DA0] =	vst v33  }
0x136: {  	[tilespmem:s1+$0x2BB0] =	vst v30  }
0x137: {  	[tilespmem:s1+$0x3CB0] =	vst v33  }
0x138: {  	[tilespmem:s1+$0x4DB0] =	vst v30  }
0x139: {  	[tilespmem:s1+$0x5EB0] =	vst v33  }
0x13a: {  	[tilespmem:s1+$0x2CC0] =	vst v30  }
0x13b: {  	[tilespmem:s1+$0x3DC0] =	vst v33  }
0x13c: {  	[tilespmem:s1+$0x4EC0] =	vst v30  }
0x13d: {  	[tilespmem:s1+$0x5FC0] =	vst v33  }
0x13e: {  	[tilespmem:s1+$0x2DD0] =	vst v30  }
0x13f: {  	[tilespmem:s1+$0x3ED0] =	vst v33  }
0x140: {  	[tilespmem:s1+$0x4FD0] =	vst v30  }
0x141: {  	[tilespmem:s1+$0x60D0] =	vst v33  }
0x142: {  	[tilespmem:s1+$0x2EE0] =	vst v30  }
0x143: {  	[tilespmem:s1+$0x3FE0] =	vst v33  }
0x144: {  	[tilespmem:s1+$0x61E0] =	vst v33  }
0x145: {  	[tilespmem:s1+$0x2FF0] =	vst v30  }
0x146: {  	[tilespmem:s1+$0x40F0] =	vst v33  }
0x147: {  	s7 =	sand.u32 $0x1F0, s2;
	[tilespmem:s1+$0x51F0] =	vst v30  }
0x148: {  	[tilespmem:s7+$0x3100] =	vst v30  }
0x149: {  	[tilespmem:s7+$0x4200] =	vst v33  }
0x14a: {  	[tilespmem:s7+$0x5300] =	vst v30  }
0x14b: {  	s8 =	simm.s32 $0x0;
	[tilespmem:s7+$0x6400] =	vst v33;
	s7 =	simm.s32 $0x40  }
.LBB2_2:
0x14c: {  	s30 =	sshra.s32 s7, $0x2;
	p1 =	sne.s32 s7, $0x400;
	[tilespmem:s1+$0x6B70] =	vst v33  }
0x14d: {  	[tilespmem:s30+$0x62F0] =	vst v33  }
0x14e: {  	[tilespmem:s30+$0x50E0] =	vst v30  }
0x14f: {  	[tilespmem:s1+$0x5850] =	vst v30  }
0x150: {  	[tilespmem:s1+$0x4750] =	vst v33  }
0x151: {  	[tilespmem:s1+$0x3650] =	vst v30  }
0x152: {  	[tilespmem:s1+$0x6840] =	vst v33  }
0x153: {  	[tilespmem:s1+$0x5740] =	vst v30  }
0x154: {  	[tilespmem:s1+$0x4640] =	vst v33  }
0x155: {  	[tilespmem:s1+$0x3540] =	vst v30  }
0x156: {  	[tilespmem:s1+$0x6730] =	vst v33  }
0x157: {  	[tilespmem:s1+$0x5630] =	vst v30  }
0x158: {  	[tilespmem:s1+$0x4530] =	vst v33  }
0x159: {  	[tilespmem:s1+$0x3430] =	vst v30  }
0x15a: {  	[tilespmem:s1+$0x6620] =	vst v33  }
0x15b: {  	[tilespmem:s1+$0x5520] =	vst v30  }
0x15c: {  	[tilespmem:s1+$0x4420] =	vst v33  }
0x15d: {  	[tilespmem:s1+$0x3320] =	vst v30  }
0x15e: {  	[tilespmem:s1+$0x6510] =	vst v33  }
0x15f: {  	[tilespmem:s1+$0x5410] =	vst v30  }
0x160: {  	[tilespmem:s1+$0x4310] =	vst v33  }
0x161: {  	[tilespmem:s1+$0x3210] =	vst v30  }
0x162: {  	[tilespmem:s30+$0x2880] =	vst v30  }
0x163: {  	[tilespmem:s30+$0x3980] =	vst v33  }
0x164: {  	[tilespmem:s30+$0x4A80] =	vst v30  }
0x165: {  	[tilespmem:s30+$0x5B80] =	vst v33  }
0x166: {  	[tilespmem:s30+$0x2990] =	vst v30  }
0x167: {  	[tilespmem:s30+$0x3A90] =	vst v33  }
0x168: {  	[tilespmem:s30+$0x4B90] =	vst v30  }
0x169: {  	[tilespmem:s30+$0x5C90] =	vst v33  }
0x16a: {  	[tilespmem:s30+$0x2AA0] =	vst v30  }
0x16b: {  	[tilespmem:s30+$0x3BA0] =	vst v33  }
0x16c: {  	[tilespmem:s30+$0x4CA0] =	vst v30  }
0x16d: {  	[tilespmem:s30+$0x5DA0] =	vst v33  }
0x16e: {  	[tilespmem:s30+$0x2BB0] =	vst v30  }
0x16f: {  	[tilespmem:s30+$0x3CB0] =	vst v33  }
0x170: {  	[tilespmem:s30+$0x4DB0] =	vst v30  }
0x171: {  	[tilespmem:s30+$0x5EB0] =	vst v33  }
0x172: {  	[tilespmem:s30+$0x2CC0] =	vst v30  }
0x173: {  	[tilespmem:s30+$0x3DC0] =	vst v33  }
0x174: {  	[tilespmem:s30+$0x4EC0] =	vst v30  }
0x175: {  	[tilespmem:s30+$0x5FC0] =	vst v33  }
0x176: {  	[tilespmem:s30+$0x2DD0] =	vst v30  }
0x177: {  	[tilespmem:s30+$0x3ED0] =	vst v33  }
0x178: {  	[tilespmem:s30+$0x4FD0] =	vst v30  }
0x179: {  	[tilespmem:s30+$0x60D0] =	vst v33  }
0x17a: {  	[tilespmem:s30+$0x2EE0] =	vst v30  }
0x17b: {  	[tilespmem:s30+$0x3FE0] =	vst v33  }
0x17c: {  	[tilespmem:s30+$0x61E0] =	vst v33  }
0x17d: {  	[tilespmem:s1+$0x5A70] =	vst v30  }
0x17e: {  	[tilespmem:s1+$0x4970] =	vst v33  }
0x17f: {  	[tilespmem:s1+$0x3870] =	vst v30  }
0x180: {  	[tilespmem:s1+$0x6A60] =	vst v33  }
0x181: {  	[tilespmem:s1+$0x5960] =	vst v30  }
0x182: {  	[tilespmem:s1+$0x4860] =	vst v33  }
0x183: {  	[tilespmem:s1+$0x3760] =	vst v30  }
0x184: {  	[tilespmem:s1+$0x6950] =	vst v33;
	s1 =	smov.u32 s30  }
0x185: {  	[tilespmem:s1+$0x2FF0] =	vst v30  }
0x186: {  	s8 =	sadd.s32 $0x10, s8;
	[tilespmem:s1+$0x40F0] =	vst v33  }
.Ltmp2:
0x187: {  	s9 =	sand.u32 $0x1F0, s8;
	[tilespmem:s1+$0x51F0] =	vst v30;
	(pc) =	sbr.rel @p1 .LBB2_2-.Ltmp2, $4  }
0x188: {  	[tilespmem:s9+$0x3100] =	vst v30  }
0x189: {  	[tilespmem:s9+$0x4200] =	vst v33  }
0x18a: {  	[tilespmem:s9+$0x5300] =	vst v30  }
0x18b: {  	s7 =	sadd.s32 $0x40, s7;
	[tilespmem:s9+$0x6400] =	vst v33  }
0x18c: {  	[tilespmem:s1+$0x6B70] =	vst v33  }
0x18d: {  	[tilespmem:s1+$0x5850] =	vst v30  }
0x18e: {  	[tilespmem:s1+$0x4750] =	vst v33  }
0x18f: {  	[tilespmem:s1+$0x3650] =	vst v30  }
0x190: {  	[tilespmem:s1+$0x6840] =	vst v33  }
0x191: {  	[tilespmem:s1+$0x5740] =	vst v30  }
0x192: {  	[tilespmem:s1+$0x4640] =	vst v33  }
0x193: {  	[tilespmem:s1+$0x3540] =	vst v30  }
0x194: {  	[tilespmem:s1+$0x6730] =	vst v33  }
0x195: {  	[tilespmem:s1+$0x5630] =	vst v30  }
0x196: {  	[tilespmem:s1+$0x4530] =	vst v33  }
0x197: {  	[tilespmem:s1+$0x3430] =	vst v30  }
0x198: {  	[tilespmem:s1+$0x6620] =	vst v33  }
0x199: {  	[tilespmem:s1+$0x5520] =	vst v30  }
0x19a: {  	[tilespmem:s1+$0x4420] =	vst v33  }
0x19b: {  	[tilespmem:s1+$0x3320] =	vst v30  }
0x19c: {  	[tilespmem:s1+$0x6510] =	vst v33  }
0x19d: {  	[tilespmem:s1+$0x5410] =	vst v30  }
0x19e: {  	[tilespmem:s1+$0x4310] =	vst v33  }
0x19f: {  	[tilespmem:s1+$0x3210] =	vst v30  }
0x1a0: {  	[tilespmem:s1+$0x5A70] =	vst v30  }
0x1a1: {  	[tilespmem:s1+$0x4970] =	vst v33  }
0x1a2: {  	[tilespmem:s1+$0x3870] =	vst v30  }
0x1a3: {  	[tilespmem:s1+$0x6A60] =	vst v33  }
0x1a4: {  	[tilespmem:s1+$0x5960] =	vst v30  }
0x1a5: {  	[tilespmem:s1+$0x4860] =	vst v33  }
0x1a6: {  	[tilespmem:s1+$0x3760] =	vst v30  }
0x1a7: {  	[tilespmem:s1+$0x6950] =	vst v33;
	s9 =	simm.s32 $0x1C0  }
0x1a8: {  	v0 =	vimm.s32 $0xFF;
	v51 =	vld [tilespmem:s9+$0x30]  }
0x1a9: {  	v50 =	vld [tilespmem:s9+$0x20]  }
0x1aa: {  	v49 =	vld [tilespmem:s9+$0x10]  }
0x1ab: {  	v48 =	vld [tilespmem:s9+$0x0]  }
0x1ac: {  	v47 =	vld [tilespmem:s9+$0xFFFFFFF0]  }
0x1ad: {  	v39 =	vld.idx.msk [tilespmem:v0+s21+$0x0], $0xffff  }
0x1ae: {  	v45 =	vld [tilespmem:s9+$0xFFFFFFE0]  }
0x1af: {  	v44 =	vld [tilespmem:s9+$0xFFFFFFD0]  }
0x1b0: {  	v46 =	vld [tilespmem:s9+$0xFFFFFFC0];
	_ =	sdelay $0x1  }
0x1b1: {  	v0 =	vimm.s32 $0x0;
	vm0 =	vle.f32 v39, v50;
	vm1 =	vle.f32 v39, v51  }
0x1b2: {  	vm2 =	vle.f32 v39, v47;
	vm3 =	vle.f32 v39, v48;
	vm4 =	vle.f32 v39, v49  }
0x1b3: {  	vm5 =	vle.f32 v39, v44;
	vm6 =	vle.f32 v39, v45;
	v1 =	vsel vm1, $0x100, v34  }
0x1b4: {  	vm1 =	vle.f32 v39, v46;
	v2 =	vsel vm0, $0x100, v34;
	v3 =	vor.u32 $0x7F, v1  }
0x1b5: {  	v4 =	vsel vm4, $0x100, v34;
	v5 =	vor.u32 $0x7F, v2;
	v3 =	vmin.u32 v3, $0xFF  }
0x1b6: {  	v6 =	vsel vm3, $0x100, v34;
	v7 =	vor.u32 $0x7F, v4;
	v5 =	vmin.u32 v5, $0xFF  }
0x1b7: {  	v8 =	vsel vm2, $0x100, v34;
	v36 =	vor.u32 $0x7F, v6;
	v7 =	vmin.u32 v7, $0xFF  }
0x1b8: {  	v40 =	vsel vm6, $0x100, v34;
	v41 =	vor.u32 $0x7F, v8;
	v36 =	vmin.u32 v36, $0xFF  }
0x1b9: {  	v42 =	vor.u32 $0x7F, v40;
	v43 =	vsel vm1, $0x100, v34;
	v41 =	vmin.u32 v41, $0xFF  }
0x1ba: {  	v52 =	vsel vm5, $0x100, v34;
	v42 =	vmin.u32 v42, $0xFF;
	v53 =	vor.u32 $0x7F, v43;
	v3 =	vld.idx.msk [tilespmem:v3+s21+$0x0], $0xffff  }
0x1bb: {  	vm14 =	vge.f32 v49, $9.999999930e-09;
	v54 =	vor.u32 $0x7F, v52;
	v53 =	vmin.u32 v53, $0xFF;
	v5 =	vld.idx.msk [tilespmem:v5+s21+$0x0], $0xffff  }
0x1bc: {  	v0 =	vsel vm14, $0xFFFFFFFF, v0;
	v55 =	vor.u32 $0x80, v4;
	v54 =	vmin.u32 v54, $0xFF;
	v7 =	vld.idx.msk [tilespmem:v7+s21+$0x0], $0xffff  }
0x1bd: {  	v56 =	vor.u32 $0x80, v2;
	v57 =	vor.u32 $0x80, v1;
	v58 =	vor.u32 $0x80, v40;
	v36 =	vld.idx.msk [tilespmem:v36+s21+$0x0], $0xffff  }
0x1be: {  	v59 =	vor.u32 $0x80, v8;
	v60 =	vor.u32 $0x80, v6;
	v62 =	vor.u32 $0x80, v52;
	v41 =	vld.idx.msk [tilespmem:v41+s21+$0x0], $0xffff  }
0x1bf: {  	v61 =	vor.u32 $0x80, v43;
	vm0 =	vlt.u32 v57, $0x101;
	vm2 =	vlt.u32 v60, $0x101;
	v42 =	vld.idx.msk [tilespmem:v42+s21+$0x0], $0xffff  }
0x1c0: {  	vm1 =	vlt.u32 v55, $0x101;
	vm3 =	vlt.u32 v56, $0x101;
	vm6 =	vlt.u32 v62, $0x101;
	v53 =	vld.idx.msk [tilespmem:v53+s21+$0x0], $0xffff  }
0x1c1: {  	vm4 =	vlt.u32 v58, $0x101;
	vm5 =	vlt.u32 v59, $0x101;
	vm7 =	vlt.u32 v61, $0x101;
	v54 =	vld.idx.msk [tilespmem:v54+s21+$0x0], $0xffff  }
0x1c2: {  	vm8 =	vle.f32 v5, v50;
	vm9 =	vle.f32 v3, v51;
	vm10 =	vle.f32 v7, v49  }
0x1c3: {  	vm1 =	vmand vm10, vm1;
	vm10 =	vle.f32 v41, v47;
	vm8 =	vmand vm8, vm3  }
0x1c4: {  	vm3 =	vle.f32 v36, v48;
	vm9 =	vmand vm9, vm0;
	vm0 =	vle.f32 v42, v45  }
0x1c5: {  	vm11 =	vle.f32 v53, v46;
	vm0 =	vmand vm0, vm4;
	vm4 =	vmand vm10, vm5  }
0x1c6: {  	vm10 =	vle.f32 v54, v44;
	vm5 =	vmand vm3, vm2;
	vm2 =	vmand vm11, vm7  }
0x1c7: {  	v63 =	vsel vm9, v3, v39;
	v9 =	vsel vm8, v5, v39;
	v1 =	vsel vm9, v57, v1  }
0x1c8: {  	v3 =	vsel vm9, v39, v3;
	v2 =	vsel vm8, v56, v2;
	v5 =	vsel vm8, v39, v5  }
0x1c9: {  	v4 =	vsel vm1, v55, v4;
	v10 =	vsel vm1, v7, v39;
	v7 =	vsel vm1, v39, v7  }
0x1ca: {  	vm3 =	vmand vm10, vm6;
	v20 =	vor.u32 $0x3F, v1;
	v21 =	vor.u32 $0x3F, v2  }
0x1cb: {  	v6 =	vsel vm5, v60, v6;
	v22 =	vor.u32 $0x3F, v4;
	v8 =	vsel vm4, v59, v8  }
0x1cc: {  	v40 =	vsel vm0, v58, v40;
	v43 =	vsel vm2, v61, v43;
	v11 =	vsel vm5, v36, v39  }
0x1cd: {  	v12 =	vsel vm4, v41, v39;
	v41 =	vsel vm4, v39, v41;
	v56 =	vmin.u32 v20, $0xFF  }
0x1ce: {  	v36 =	vsel vm5, v39, v36;
	v14 =	vsel vm0, v42, v39;
	v55 =	vmin.u32 v21, $0xFF  }
0x1cf: {  	v42 =	vsel vm0, v39, v42;
	v23 =	vor.u32 $0x3F, v6;
	v57 =	vmin.u32 v22, $0xFF  }
0x1d0: {  	v15 =	vsel vm2, v53, v39;
	v32 =	vor.u32 $0x3F, v8;
	v59 =	vmin.u32 v23, $0xFF  }
0x1d1: {  	v53 =	vsel vm2, v39, v53;
	v35 =	vor.u32 $0x3F, v40;
	v58 =	vmin.u32 v32, $0xFF  }
0x1d2: {  	v52 =	vsel vm3, v62, v52;
	v38 =	vor.u32 $0x3F, v43;
	v60 =	vmin.u32 v35, $0xFF;
	v56 =	vld.idx.msk [tilespmem:v56+s21+$0x0], $0xffff  }
0x1d3: {  	v16 =	vor.u32 $0x40, v4;
	v37 =	vor.u32 $0x3F, v52;
	v62 =	vmin.u32 v38, $0xFF;
	v55 =	vld.idx.msk [tilespmem:v55+s21+$0x0], $0xffff  }
0x1d4: {  	v17 =	vor.u32 $0x40, v2;
	v18 =	vor.u32 $0x40, v1;
	v61 =	vmin.u32 v37, $0xFF;
	v57 =	vld.idx.msk [tilespmem:v57+s21+$0x0], $0xffff  }
0x1d5: {  	v13 =	vsel vm3, v54, v39;
	v54 =	vsel vm3, v39, v54;
	v19 =	vor.u32 $0x40, v40;
	v59 =	vld.idx.msk [tilespmem:v59+s21+$0x0], $0xffff  }
0x1d6: {  	v20 =	vor.u32 $0x40, v8;
	v21 =	vor.u32 $0x40, v6;
	v22 =	vor.u32 $0x40, v43;
	v58 =	vld.idx.msk [tilespmem:v58+s21+$0x0], $0xffff  }
0x1d7: {  	vm0 =	vlt.u32 v18, $0x101;
	vm1 =	vlt.u32 v16, $0x101;
	vm3 =	vlt.u32 v17, $0x101;
	v60 =	vld.idx.msk [tilespmem:v60+s21+$0x0], $0xffff  }
0x1d8: {  	v23 =	vor.u32 $0x40, v52;
	vm2 =	vlt.u32 v21, $0x101;
	vm4 =	vlt.u32 v19, $0x101;
	v62 =	vld.idx.msk [tilespmem:v62+s21+$0x0], $0xffff  }
0x1d9: {  	vm5 =	vlt.u32 v20, $0x101;
	vm7 =	vlt.u32 v22, $0x101;
	vm6 =	vlt.u32 v23, $0x101;
	v61 =	vld.idx.msk [tilespmem:v61+s21+$0x0], $0xffff  }
0x1da: {  	vm8 =	vle.f32 v55, v50;
	vm9 =	vle.f32 v56, v51;
	vm10 =	vle.f32 v57, v49  }
0x1db: {  	vm1 =	vmand vm10, vm1;
	vm10 =	vle.f32 v58, v47;
	vm8 =	vmand vm8, vm3  }
0x1dc: {  	vm3 =	vle.f32 v59, v48;
	vm9 =	vmand vm9, vm0;
	vm0 =	vle.f32 v60, v45  }
0x1dd: {  	vm11 =	vle.f32 v62, v46;
	vm0 =	vmand vm0, vm4;
	vm4 =	vmand vm10, vm5  }
0x1de: {  	vm10 =	vle.f32 v61, v44;
	vm5 =	vmand vm3, vm2;
	vm2 =	vmand vm11, vm7  }
0x1df: {  	v63 =	vsel vm9, v56, v63;
	v9 =	vsel vm8, v55, v9;
	v1 =	vsel vm9, v18, v1  }
0x1e0: {  	v3 =	vsel vm9, v3, v56;
	v2 =	vsel vm8, v17, v2;
	v5 =	vsel vm8, v5, v55  }
0x1e1: {  	v4 =	vsel vm1, v16, v4;
	v10 =	vsel vm1, v57, v10;
	v7 =	vsel vm1, v7, v57  }
0x1e2: {  	vm3 =	vmand vm10, vm6;
	v55 =	vor.u32 $0x1F, v1;
	v56 =	vor.u32 $0x1F, v2  }
0x1e3: {  	v6 =	vsel vm5, v21, v6;
	v32 =	vor.u32 $0x1F, v4;
	v8 =	vsel vm4, v20, v8  }
0x1e4: {  	v19 =	vsel vm0, v19, v40;
	v22 =	vsel vm2, v22, v43;
	v11 =	vsel vm5, v59, v11  }
0x1e5: {  	v12 =	vsel vm4, v58, v12;
	v41 =	vsel vm4, v41, v58;
	v17 =	vmin.u32 v55, $0xFF  }
0x1e6: {  	v36 =	vsel vm5, v36, v59;
	v14 =	vsel vm0, v60, v14;
	v16 =	vmin.u32 v56, $0xFF  }
0x1e7: {  	v42 =	vsel vm0, v42, v60;
	v35 =	vor.u32 $0x1F, v6;
	v18 =	vmin.u32 v32, $0xFF  }
0x1e8: {  	v15 =	vsel vm2, v62, v15;
	v37 =	vor.u32 $0x1F, v8;
	v20 =	vmin.u32 v35, $0xFF  }
0x1e9: {  	v53 =	vsel vm2, v53, v62;
	v40 =	vor.u32 $0x1F, v19;
	v21 =	vmin.u32 v37, $0xFF  }
0x1ea: {  	v23 =	vsel vm3, v23, v52;
	v56 =	vor.u32 $0x1F, v22;
	v40 =	vmin.u32 v40, $0xFF;
	v17 =	vld.idx.msk [tilespmem:v17+s21+$0x0], $0xffff  }
0x1eb: {  	v57 =	vor.u32 $0x20, v1;
	v38 =	vor.u32 $0x1F, v23;
	v52 =	vmin.u32 v56, $0xFF;
	v16 =	vld.idx.msk [tilespmem:v16+s21+$0x0], $0xffff  }
0x1ec: {  	v13 =	vsel vm3, v61, v13;
	v54 =	vsel vm3, v54, v61;
	v43 =	vmin.u32 v38, $0xFF;
	v18 =	vld.idx.msk [tilespmem:v18+s21+$0x0], $0xffff  }
0x1ed: {  	v55 =	vor.u32 $0x20, v4;
	v58 =	vor.u32 $0x20, v19;
	v32 =	vor.u32 $0x20, v8;
	v20 =	vld.idx.msk [tilespmem:v20+s21+$0x0], $0xffff  }
0x1ee: {  	vm0 =	vlt.u32 v57, $0x101;
	v56 =	vor.u32 $0x20, v2;
	v35 =	vor.u32 $0x20, v6;
	v21 =	vld.idx.msk [tilespmem:v21+s21+$0x0], $0xffff  }
0x1ef: {  	v37 =	vor.u32 $0x20, v22;
	vm1 =	vlt.u32 v55, $0x101;
	vm4 =	vlt.u32 v58, $0x101;
	v40 =	vld.idx.msk [tilespmem:v40+s21+$0x0], $0xffff  }
0x1f0: {  	vm5 =	vlt.u32 v32, $0x101;
	v38 =	vor.u32 $0x20, v23;
	vm2 =	vlt.u32 v35, $0x101;
	v52 =	vld.idx.msk [tilespmem:v52+s21+$0x0], $0xffff  }
0x1f1: {  	vm3 =	vlt.u32 v56, $0x101;
	vm7 =	vlt.u32 v37, $0x101;
	vm6 =	vlt.u32 v38, $0x101;
	v43 =	vld.idx.msk [tilespmem:v43+s21+$0x0], $0xffff  }
0x1f2: {  	vm8 =	vle.f32 v16, v50;
	vm9 =	vle.f32 v17, v51;
	vm10 =	vle.f32 v18, v49  }
0x1f3: {  	vm1 =	vmand vm10, vm1;
	vm10 =	vle.f32 v21, v47;
	vm8 =	vmand vm8, vm3  }
0x1f4: {  	vm3 =	vle.f32 v20, v48;
	vm9 =	vmand vm9, vm0;
	vm0 =	vle.f32 v40, v45  }
0x1f5: {  	vm11 =	vle.f32 v52, v46;
	vm0 =	vmand vm0, vm4;
	vm4 =	vmand vm10, vm5  }
0x1f6: {  	vm10 =	vle.f32 v43, v44;
	vm5 =	vmand vm3, vm2;
	vm2 =	vmand vm11, vm7  }
0x1f7: {  	v63 =	vsel vm9, v17, v63;
	v9 =	vsel vm8, v16, v9;
	v1 =	vsel vm9, v57, v1  }
0x1f8: {  	v3 =	vsel vm9, v3, v17;
	v2 =	vsel vm8, v56, v2;
	v5 =	vsel vm8, v5, v16  }
0x1f9: {  	v4 =	vsel vm1, v55, v4;
	v10 =	vsel vm1, v18, v10;
	v7 =	vsel vm1, v7, v18  }
0x1fa: {  	vm3 =	vmand vm10, vm6;
	v56 =	vmin.u32 v1, $0xF0;
	v57 =	vmin.u32 v2, $0xF0  }
0x1fb: {  	v6 =	vsel vm5, v35, v6;
	v55 =	vmin.u32 v4, $0xF0;
	v8 =	vsel vm4, v32, v8  }
0x1fc: {  	v19 =	vsel vm0, v58, v19;
	v22 =	vsel vm2, v37, v22;
	v11 =	vsel vm5, v20, v11  }
0x1fd: {  	v12 =	vsel vm4, v21, v12;
	v18 =	vsel vm4, v41, v21;
	v16 =	vadd.s32 $0xF, v56  }
0x1fe: {  	v20 =	vsel vm5, v36, v20;
	v14 =	vsel vm0, v40, v14;
	v17 =	vadd.s32 $0xF, v57  }
0x1ff: {  	v21 =	vsel vm0, v42, v40;
	v32 =	vmin.u32 v6, $0xF0;
	v55 =	vadd.s32 $0xF, v55  }
0x200: {  	v15 =	vsel vm2, v52, v15;
	v35 =	vmin.u32 v8, $0xF0;
	v56 =	vadd.s32 $0xF, v32  }
0x201: {  	v40 =	vsel vm2, v53, v52;
	v58 =	vmin.u32 v19, $0xF0;
	v57 =	vadd.s32 $0xF, v35  }
0x202: {  	v23 =	vsel vm3, v38, v23;
	v38 =	vmin.u32 v22, $0xF0;
	v58 =	vadd.s32 $0xF, v58;
	v16 =	vld.idx.msk [tilespmem:v16+s21+$0x0], $0xffff  }
0x203: {  	v42 =	vadd.s32 $0x10, v2;
	v37 =	vmin.u32 v23, $0xF0;
	v60 =	vadd.s32 $0xF, v38;
	v17 =	vld.idx.msk [tilespmem:v17+s21+$0x0], $0xffff  }
0x204: {  	v52 =	vadd.s32 $0x10, v1;
	vm0 =	vlt.u32 v1, $0xF1;
	v59 =	vadd.s32 $0xF, v37;
	v36 =	vld.idx.msk [tilespmem:v55+s21+$0x0], $0xffff  }
0x205: {  	vm1 =	vlt.u32 v4, $0xF1;
	v13 =	vsel vm3, v43, v13;
	v41 =	vsel vm3, v54, v43;
	v43 =	vld.idx.msk [tilespmem:v56+s21+$0x0], $0xffff  }
0x206: {  	vm2 =	vlt.u32 v2, $0xF1;
	vm3 =	vlt.u32 v6, $0xF1;
	vm4 =	vlt.u32 v19, $0xF1;
	v54 =	vld.idx.msk [tilespmem:v57+s21+$0x0], $0xffff  }
0x207: {  	vm5 =	vlt.u32 v8, $0xF1;
	v61 =	vadd.s32 $0x10, v22;
	vm7 =	vlt.u32 v22, $0xF1;
	v56 =	vld.idx.msk [tilespmem:v58+s21+$0x0], $0xffff  }
0x208: {  	v32 =	vadd.s32 $0x10, v4;
	v35 =	vadd.s32 $0x10, v8;
	v38 =	vadd.s32 $0x10, v19;
	v60 =	vld.idx.msk [tilespmem:v60+s21+$0x0], $0xffff  }
0x209: {  	v62 =	vadd.s32 $0x10, v23;
	vm6 =	vlt.u32 v23, $0xF1;
	v37 =	vadd.s32 $0x10, v6;
	v59 =	vld.idx.msk [tilespmem:v59+s21+$0x0], $0xffff  }
0x20a: {  	vm8 =	vle.f32 v17, v50;
	vm9 =	vle.f32 v16, v51;
	vm10 =	vle.f32 v36, v49  }
0x20b: {  	vm1 =	vmand vm10, vm1;
	vm10 =	vle.f32 v54, v47;
	vm8 =	vmand vm8, vm2  }
0x20c: {  	vm2 =	vle.f32 v43, v48;
	vm9 =	vmand vm9, vm0;
	vm0 =	vle.f32 v56, v45  }
0x20d: {  	vm11 =	vle.f32 v60, v46;
	vm0 =	vmand vm0, vm4;
	vm4 =	vmand vm10, vm5  }
0x20e: {  	vm10 =	vle.f32 v59, v44;
	vm5 =	vmand vm2, vm3;
	vm2 =	vmand vm11, vm7  }
0x20f: {  	v63 =	vsel vm9, v16, v63;
	v9 =	vsel vm8, v17, v9;
	v1 =	vsel vm9, v52, v1  }
0x210: {  	v3 =	vsel vm9, v3, v16;
	v2 =	vsel vm8, v42, v2;
	v5 =	vsel vm8, v5, v17  }
0x211: {  	v4 =	vsel vm1, v32, v4;
	v10 =	vsel vm1, v36, v10;
	v7 =	vsel vm1, v7, v36  }
0x212: {  	vm3 =	vmand vm10, vm6;
	v52 =	vmin.u32 v1, $0xF8;
	v53 =	vmin.u32 v2, $0xF8  }
0x213: {  	v6 =	vsel vm5, v37, v6;
	v32 =	vmin.u32 v4, $0xF8;
	v8 =	vsel vm4, v35, v8  }
0x214: {  	v19 =	vsel vm0, v38, v19;
	v22 =	vsel vm2, v61, v22;
	v11 =	vsel vm5, v43, v11  }
0x215: {  	v12 =	vsel vm4, v54, v12;
	v18 =	vsel vm4, v18, v54;
	v16 =	vadd.s32 $0x7, v52  }
0x216: {  	v20 =	vsel vm5, v20, v43;
	v14 =	vsel vm0, v56, v14;
	v17 =	vadd.s32 $0x7, v53  }
0x217: {  	v21 =	vsel vm0, v21, v56;
	v35 =	vmin.u32 v6, $0xF8;
	v42 =	vadd.s32 $0x7, v32  }
0x218: {  	v15 =	vsel vm2, v60, v15;
	v37 =	vmin.u32 v8, $0xF8;
	v52 =	vadd.s32 $0x7, v35  }
0x219: {  	vm0 =	vlt.u32 v1, $0xF9;
	v38 =	vmin.u32 v19, $0xF8;
	v53 =	vadd.s32 $0x7, v37  }
0x21a: {  	v23 =	vsel vm3, v62, v23;
	v62 =	vmin.u32 v22, $0xF8;
	v55 =	vadd.s32 $0x7, v38;
	v16 =	vld.idx.msk [tilespmem:v16+s21+$0x0], $0xffff  }
0x21b: {  	vm1 =	vlt.u32 v4, $0xF9;
	v61 =	vmin.u32 v23, $0xF8;
	v58 =	vadd.s32 $0x7, v62;
	v17 =	vld.idx.msk [tilespmem:v17+s21+$0x0], $0xffff  }
0x21c: {  	v13 =	vsel vm3, v59, v13;
	v43 =	vsel vm3, v41, v59;
	v57 =	vadd.s32 $0x7, v61;
	v36 =	vld.idx.msk [tilespmem:v42+s21+$0x0], $0xffff  }
0x21d: {  	v32 =	vadd.s32 $0x8, v4;
	vm3 =	vlt.u32 v6, $0xF9;
	vm4 =	vlt.u32 v19, $0xF9;
	v41 =	vld.idx.msk [tilespmem:v52+s21+$0x0], $0xffff  }
0x21e: {  	vm5 =	vlt.u32 v8, $0xF9;
	vm7 =	vlt.u32 v22, $0xF9;
	v35 =	vadd.s32 $0x8, v8;
	v53 =	vld.idx.msk [tilespmem:v53+s21+$0x0], $0xffff  }
0x21f: {  	v37 =	vadd.s32 $0x8, v6;
	v38 =	vadd.s32 $0x8, v19;
	v62 =	vadd.s32 $0x8, v23;
	v55 =	vld.idx.msk [tilespmem:v55+s21+$0x0], $0xffff  }
0x220: {  	vm6 =	vlt.u32 v23, $0xF9;
	v61 =	vadd.s32 $0x8, v22;
	v42 =	vsel vm2, v40, v60;
	v58 =	vld.idx.msk [tilespmem:v58+s21+$0x0], $0xffff  }
0x221: {  	v40 =	vadd.s32 $0x8, v2;
	vm2 =	vlt.u32 v2, $0xF9;
	v52 =	vadd.s32 $0x8, v1;
	v57 =	vld.idx.msk [tilespmem:v57+s21+$0x0], $0xffff  }
0x222: {  	vm8 =	vle.f32 v17, v50;
	vm9 =	vle.f32 v16, v51;
	vm10 =	vle.f32 v36, v49  }
0x223: {  	vm1 =	vmand vm10, vm1;
	vm10 =	vle.f32 v53, v47;
	vm8 =	vmand vm8, vm2  }
0x224: {  	vm2 =	vle.f32 v41, v48;
	vm9 =	vmand vm9, vm0;
	vm0 =	vle.f32 v55, v45  }
0x225: {  	vm11 =	vle.f32 v58, v46;
	vm0 =	vmand vm0, vm4;
	vm4 =	vmand vm10, vm5  }
0x226: {  	vm10 =	vle.f32 v57, v44;
	vm5 =	vmand vm2, vm3;
	vm2 =	vmand vm11, vm7  }
0x227: {  	v63 =	vsel vm9, v16, v63;
	v9 =	vsel vm8, v17, v9;
	v52 =	vsel vm9, v52, v1  }
0x228: {  	v3 =	vsel vm9, v3, v16;
	v2 =	vsel vm8, v40, v2;
	v5 =	vsel vm8, v5, v17  }
0x229: {  	v4 =	vsel vm1, v32, v4;
	v10 =	vsel vm1, v36, v10;
	v7 =	vsel vm1, v7, v36  }
0x22a: {  	vm3 =	vmand vm10, vm6;
	v1 =	vmin.u32 v52, $0xFC;
	v40 =	vmin.u32 v2, $0xFC  }
0x22b: {  	v6 =	vsel vm5, v37, v6;
	v54 =	vmin.u32 v4, $0xFC;
	v8 =	vsel vm4, v35, v8  }
0x22c: {  	v19 =	vsel vm0, v38, v19;
	v22 =	vsel vm2, v61, v22;
	v11 =	vsel vm5, v41, v11  }
0x22d: {  	v12 =	vsel vm4, v53, v12;
	v18 =	vsel vm4, v18, v53;
	v1 =	vadd.s32 $0x3, v1  }
0x22e: {  	v20 =	vsel vm5, v20, v41;
	v14 =	vsel vm0, v55, v14;
	v16 =	vadd.s32 $0x3, v40  }
0x22f: {  	v21 =	vsel vm0, v21, v55;
	v59 =	vmin.u32 v6, $0xFC;
	v17 =	vadd.s32 $0x3, v54  }
0x230: {  	v41 =	vsel vm2, v42, v58;
	v32 =	vmin.u32 v8, $0xFC;
	v35 =	vadd.s32 $0x3, v59  }
0x231: {  	vm0 =	vlt.u32 v52, $0xFD;
	v37 =	vmin.u32 v19, $0xFC;
	v54 =	vadd.s32 $0x3, v32  }
0x232: {  	v23 =	vsel vm3, v62, v23;
	v60 =	vadd.s32 $0x3, v37;
	v32 =	vmin.u32 v22, $0xFC;
	v36 =	vld.idx.msk [tilespmem:v1+s21+$0x0], $0xffff  }
0x233: {  	vm1 =	vlt.u32 v4, $0xFD;
	v38 =	vmin.u32 v23, $0xFC;
	v61 =	vadd.s32 $0x3, v32;
	v16 =	vld.idx.msk [tilespmem:v16+s21+$0x0], $0xffff  }
0x234: {  	v13 =	vsel vm3, v57, v13;
	v40 =	vsel vm2, v58, v15;
	v59 =	vadd.s32 $0x3, v38;
	v15 =	vld.idx.msk [tilespmem:v17+s21+$0x0], $0xffff  }
0x235: {  	v55 =	vadd.s32 $0x4, v8;
	vm4 =	vlt.u32 v6, $0xFD;
	vm5 =	vlt.u32 v19, $0xFD;
	v42 =	vld.idx.msk [tilespmem:v35+s21+$0x0], $0xffff  }
0x236: {  	vm8 =	vlt.u32 v8, $0xFD;
	vm10 =	vlt.u32 v22, $0xFD;
	v37 =	vadd.s32 $0x4, v4;
	v54 =	vld.idx.msk [tilespmem:v54+s21+$0x0], $0xffff  }
0x237: {  	v62 =	vadd.s32 $0x4, v23;
	vm9 =	vlt.u32 v23, $0xFD;
	v38 =	vadd.s32 $0x4, v6;
	v56 =	vld.idx.msk [tilespmem:v60+s21+$0x0], $0xffff  }
0x238: {  	v32 =	vadd.s32 $0x4, v19;
	v1 =	vsel vm3, v43, v57;
	v17 =	vadd.s32 $0x4, v2;
	v60 =	vld.idx.msk [tilespmem:v61+s21+$0x0], $0xffff  }
0x239: {  	vm3 =	vlt.u32 v2, $0xFD;
	v35 =	vadd.s32 $0x4, v52;
	v61 =	vadd.s32 $0x4, v22;
	v59 =	vld.idx.msk [tilespmem:v59+s21+$0x0], $0xffff  }
0x23a: {  	vm6 =	vle.f32 v16, v50;
	vm7 =	vle.f32 v36, v51;
	vm2 =	vle.f32 v15, v49  }
0x23b: {  	vm2 =	vmand vm2, vm1;
	vm1 =	vle.f32 v54, v47;
	vm6 =	vmand vm6, vm3  }
0x23c: {  	vm11 =	vle.f32 v42, v48;
	vm7 =	vmand vm7, vm0;
	vm0 =	vle.f32 v56, v45  }
0x23d: {  	vm0 =	vmand vm0, vm5;
	vm12 =	vle.f32 v60, v46;
	vm3 =	vmand vm1, vm8  }
0x23e: {  	vm8 =	vle.f32 v59, v44;
	vm5 =	vmand vm11, vm4;
	v63 =	vsel vm7, v36, v63  }
0x23f: {  	v43 =	vsel vm7, v35, v52;
	v9 =	vsel vm6, v16, v9;
	v2 =	vsel vm6, v17, v2  }
0x240: {  	v4 =	vsel vm2, v37, v4;
	v3 =	vsel vm7, v3, v36;
	v5 =	vsel vm6, v5, v16  }
0x241: {  	v10 =	vsel vm2, v15, v10;
	v7 =	vsel vm2, v7, v15;
	vm1 =	vmand vm12, vm10  }
0x242: {  	vm4 =	vmand vm8, vm9;
	v35 =	vmin.u32 v43, $0xFE;
	v37 =	vmin.u32 v2, $0xFE  }
0x243: {  	v6 =	vsel vm5, v38, v6;
	v53 =	vmin.u32 v4, $0xFE;
	v8 =	vsel vm3, v55, v8  }
0x244: {  	v19 =	vsel vm0, v32, v19;
	v11 =	vsel vm5, v42, v11;
	v12 =	vsel vm3, v54, v12  }
0x245: {  	v18 =	vsel vm3, v18, v54;
	v20 =	vsel vm5, v20, v42;
	v17 =	vadd.s32 $0x1, v35  }
0x246: {  	v14 =	vsel vm0, v56, v14;
	v21 =	vsel vm0, v21, v56;
	v52 =	vadd.s32 $0x1, v37  }
0x247: {  	vm0 =	vlt.u32 v43, $0xFF;
	v38 =	vmin.u32 v6, $0xFE;
	v53 =	vadd.s32 $0x1, v53  }
0x248: {  	vm2 =	vlt.u32 v4, $0xFF;
	v32 =	vmin.u32 v8, $0xFE;
	v55 =	vadd.s32 $0x1, v38  }
0x249: {  	v23 =	vsel vm4, v62, v23;
	v58 =	vmin.u32 v19, $0xFE;
	v57 =	vadd.s32 $0x1, v32  }
0x24a: {  	vm3 =	vlt.u32 v2, $0xFF;
	v35 =	vmin.u32 v23, $0xFE;
	v58 =	vadd.s32 $0x1, v58;
	v17 =	vld.idx.msk [tilespmem:v17+s21+$0x0], $0xffff  }
0x24b: {  	v22 =	vsel vm1, v61, v22;
	vm6 =	vlt.u32 v6, $0xFF;
	v61 =	vadd.s32 $0x1, v35;
	v62 =	vld.idx.msk [tilespmem:v52+s21+$0x0], $0xffff  }
0x24c: {  	vm7 =	vlt.u32 v19, $0xFF;
	vm10 =	vlt.u32 v8, $0xFF;
	v32 =	vmin.u32 v22, $0xFE;
	v36 =	vld.idx.msk [tilespmem:v53+s21+$0x0], $0xffff  }
0x24d: {  	v13 =	vsel vm4, v59, v13;
	v37 =	vadd.s32 $0x2, v8;
	v35 =	vadd.s32 $0x1, v32;
	v15 =	vld.idx.msk [tilespmem:v55+s21+$0x0], $0xffff  }
0x24e: {  	v24 =	vadd.s32 $0x2, v19;
	v1 =	vsel vm4, v1, v59;
	v40 =	vsel vm1, v60, v40;
	v42 =	vld.idx.msk [tilespmem:v57+s21+$0x0], $0xffff  }
0x24f: {  	v41 =	vsel vm1, v41, v60;
	vm11 =	vlt.u32 v23, $0xFF;
	v38 =	vadd.s32 $0x2, v6;
	v53 =	vld.idx.msk [tilespmem:v58+s21+$0x0], $0xffff  }
0x250: {  	v25 =	vadd.s32 $0x2, v22;
	v26 =	vadd.s32 $0x2, v23;
	v32 =	vadd.s32 $0x2, v43;
	v54 =	vld.idx.msk [tilespmem:v61+s21+$0x0], $0xffff  }
0x251: {  	v52 =	vimm.f32 $0.0e+00;
	v55 =	vadd.s32 $0x2, v2;
	vm5 =	vle.f32 v17, v51  }
0x252: {  	v16 =	vld.idx.msk [tilespmem:v35+s21+$0x0], $0xffff;
	v35 =	vadd.s32 $0x2, v4;
	vm9 =	vle.f32 v62, v50;
	vm8 =	vmand vm5, vm0  }
0x253: {  	vm0 =	vle.f32 v36, v49;
	vm5 =	vmand vm9, vm3;
	vm3 =	vle.f32 v15, v48  }
0x254: {  	vm9 =	vmand vm0, vm2;
	vm0 =	vle.f32 v42, v47;
	vm6 =	vmand vm3, vm6  }
0x255: {  	vm2 =	vle.f32 v53, v45;
	vm3 =	vle.f32 v54, v44;
	v56 =	vsel vm8, v32, v43  }
0x256: {  	v2 =	vsel vm5, v55, v2;
	v9 =	vsel vm5, v62, v9;
	v3 =	vsel vm8, v3, v17  }
0x257: {  	v5 =	vsel vm5, v5, v62;
	vm0 =	vmand vm0, vm10;
	vm7 =	vmand vm2, vm7  }
0x258: {  	vm10 =	vlt.u32 v22, $0xFF;
	vm2 =	vmand vm3, vm11;
	vm3 =	vle.f32 v16, v46  }
0x259: {  	v43 =	vmin.u32 v56, $0xFF;
	v4 =	vsel vm9, v35, v4;
	v55 =	vmin.u32 v2, $0xFF  }
0x25a: {  	v6 =	vsel vm6, v38, v6;
	v35 =	vsel vm8, v17, v63;
	v10 =	vsel vm9, v36, v10  }
0x25b: {  	v7 =	vsel vm9, v7, v36;
	v11 =	vsel vm6, v15, v11;
	v15 =	vsel vm6, v20, v15  }
0x25c: {  	vm1 =	vlt.u32 v56, $0x100;
	vm11 =	vge.f32 v48, $9.999999930e-09;
	v58 =	vmin.u32 v6, $0xFF  }
0x25d: {  	vm3 =	vmand vm3, vm10;
	v57 =	vmin.u32 v4, $0xFF;
	v23 =	vsel vm2, v26, v23  }
0x25e: {  	v8 =	vsel vm0, v37, v8;
	v22 =	vsel vm3, v25, v22;
	v25 =	vmin.u32 v23, $0xFF  }
0x25f: {  	v19 =	vsel vm7, v24, v19;
	v12 =	vsel vm0, v42, v12;
	v14 =	vsel vm7, v53, v14;
	v43 =	vld.idx.msk [tilespmem:v43+s21+$0x0], $0xffff  }
0x260: {  	v21 =	vsel vm7, v21, v53;
	v18 =	vsel vm0, v18, v42;
	v26 =	vmin.u32 v19, $0xFF;
	v61 =	vld.idx.msk [tilespmem:v55+s21+$0x0], $0xffff  }
0x261: {  	v13 =	vsel vm2, v54, v13;
	v1 =	vsel vm2, v1, v54;
	v24 =	vmin.u32 v8, $0xFF;
	v63 =	vld.idx.msk [tilespmem:v58+s21+$0x0], $0xffff  }
0x262: {  	vm0 =	vlt.u32 v2, $0x100;
	vm4 =	vlt.u32 v4, $0x100;
	v42 =	vsel vm11, $0x3F800000, v27;
	v62 =	vld.idx.msk [tilespmem:v57+s21+$0x0], $0xffff  }
0x263: {  	v53 =	vsel vm3, v16, v40;
	v16 =	vsel vm3, v41, v16;
	vm2 =	vlt.u32 v8, $0x100;
	v25 =	vld.idx.msk [tilespmem:v25+s21+$0x0], $0xffff  }
0x264: {  	vm3 =	vlt.u32 v6, $0x100;
	vm6 =	vlt.u32 v23, $0x100;
	v32 =	vmin.u32 v22, $0xFF  }
0x265: {  	vm8 =	vlt.u32 v19, $0x100;
	v41 =	vsel vm14, $0x3F800000, v27;
	v26 =	vld.idx.msk [tilespmem:v26+s21+$0x0], $0xffff;
	vm7 =	vle.f32 v43, v51  }
0x266: {  	vm5 =	vlt.u32 v22, $0x100;
	v24 =	vld.idx.msk [tilespmem:v24+s21+$0x0], $0xffff;
	vm9 =	vle.f32 v63, v48;
	vm1 =	vmand vm7, vm1  }
0x267: {  	vm7 =	vle.f32 v62, v49;
	vm9 =	vmand vm9, vm3;
	vm3 =	vle.f32 v61, v50  }
0x268: {  	vm10 =	vmand vm7, vm4;
	vm4 =	vle.f32 v25, v44;
	v55 =	vsel vm1, $0x1, v34  }
0x269: {  	v54 =	vld.idx.msk [tilespmem:v32+s21+$0x0], $0xffff;
	v32 =	vsel vm1, v43, v35;
	v3 =	vsel vm1, v3, v43;
	vm1 =	vge.f32 v44, $9.999999930e-09  }
0x26a: {  	vm0 =	vmand vm3, vm0;
	vm3 =	vle.f32 v26, v45;
	vm4 =	vmand vm4, vm6  }
0x26b: {  	vm6 =	vle.f32 v24, v47;
	v17 =	vsel vm10, $0x1, v34;
	v10 =	vsel vm10, v62, v10  }
0x26c: {  	v7 =	vsel vm10, v7, v62;
	v35 =	vsel vm9, $0x1, v34;
	v11 =	vsel vm9, v63, v11  }
0x26d: {  	v15 =	vsel vm9, v15, v63;
	v59 =	vsel vm1, $0x3F800000, v27;
	v32 =	vsub.f32 v51, v32  }
0x26e: {  	v3 =	vsub.f32 v3, v51;
	vm12 =	vmand vm3, vm8;
	vm3 =	vle.f32 v54, v46  }
0x26f: {  	vm13 =	vmand vm6, vm2;
	vm6 =	vge.f32 v51, $9.999999930e-09;
	v58 =	vsel vm0, $0x1, v34  }
0x270: {  	v9 =	vsel vm0, v61, v9;
	v5 =	vsel vm0, v5, v61;
	vm2 =	vge.f32 v47, $9.999999930e-09  }
0x271: {  	vm0 =	vge.f32 v46, $9.999999930e-09;
	v37 =	vsel vm4, $0x1, v34;
	v13 =	vsel vm4, v25, v13  }
0x272: {  	v1 =	vsel vm4, v1, v25;
	v25 =	vadd.s32 v55, v56;
	v4 =	vadd.s32 v17, v4  }
0x273: {  	v10 =	vsub.f32 v49, v10;
	v35 =	vadd.s32 v35, v6;
	v6 =	vsub.f32 v48, v11  }
0x274: {  	v11 =	vsub.f32 v7, v49;
	v49 =	vsub.f32 v15, v48;
	vm8 =	vmand vm3, vm5  }
0x275: {  	vm5 =	vge.f32 v50, $9.999999930e-09;
	vm3 =	vge.f32 v45, $9.999999930e-09;
	v20 =	vsel vm13, $0x1, v34  }
0x276: {  	v12 =	vsel vm13, v24, v12;
	v18 =	vsel vm13, v18, v24;
	v24 =	vsel vm12, $0x1, v34  }
0x277: {  	v14 =	vsel vm12, v26, v14;
	v21 =	vsel vm12, v21, v26;
	v43 =	vsel vm2, $0x3F800000, v27  }
0x278: {  	v26 =	vsel vm0, $0x3F800000, v27;
	v2 =	vadd.s32 v58, v2;
	v9 =	vsub.f32 v50, v9  }
0x279: {  	v5 =	vsub.f32 v5, v50;
	v51 =	vadd.s32 v37, v23;
	v13 =	vsub.f32 v44, v13  }
0x27a: {  	v1 =	vsub.f32 v1, v44;
	vm13 =	veq.s32 v25, $0x0;
	vm12 =	vlt.u32 v25, $0x100  }
0x27b: {  	vm7 =	vmmov vm5;
	v40 =	vsel vm5, $0x3F800000, v27;
	v60 =	vsel vm3, $0x3F800000, v27  }
0x27c: {  	v38 =	vsel vm8, $0x1, v34;
	v53 =	vsel vm8, v54, v53;
	v16 =	vsel vm8, v16, v54  }
0x27d: {  	v7 =	vadd.s32 v20, v8;
	v8 =	vsub.f32 v47, v12;
	v14 =	vsub.f32 v45, v14  }
0x27e: {  	v50 =	vadd.s32 v24, v19;
	v18 =	vsub.f32 v18, v47;
	v21 =	vsub.f32 v21, v45  }
0x27f: {  	s1 =	simm.s32 $0x14C0;
	[tilespmem:$0x1FDE0] =	vst v0;
	vm4 =	veq.s32 v51, $0x0;
	vm14 =	veq.s32 v2, $0x0;
	vm15 =	vlt.u32 v2, $0x100  }
0x280: {  	[tilespmem:s1+$0x20] =	vst v2;
	v2 =	vmul.f32 v6, v6;
	v12 =	vmul.f32 v49, v49;
	v55 =	vsub.f32 v46, v53  }
0x281: {  	v62 =	vadd.f32 v26, v52;
	v16 =	vsub.f32 v16, v46;
	v13 =	vmul.f32 v13, v13  }
0x282: {  	v22 =	vadd.s32 v38, v22;
	v1 =	vmul.f32 v1, v1;
	v20 =	vmul.f32 v55, v55  }
0x283: {  	v46 =	vmul.f32 v32, v32;
	vm8 =	veq.s32 v22, $0x0;
	v16 =	vmul.f32 v16, v16  }
0x284: {  	v18 =	vmul.f32 v18, v18;
	v20 =	vsel vm8, $0x501502F9, v20;
	vm8 =	vlt.u32 v22, $0x100  }
0x285: {  	v63 =	vadd.f32 v59, v62;
	v16 =	vnsel vm8, $0x501502F9, v16;
	vm8 =	vlt.u32 v51, $0x100  }
0x286: {  	v13 =	vsel vm4, $0x501502F9, v13;
	vm4 =	vlt.u32 v7, $0x100;
	v1 =	vnsel vm8, $0x501502F9, v1  }
0x287: {  	v56 =	vmul.f32 v14, v14;
	v58 =	vnsel vm4, $0x501502F9, v18;
	v1 =	vmin.f32 v13, v1  }
0x288: {  	v44 =	vadd.f32 v60, v63;
	v16 =	vmin.f32 v20, v16;
	v57 =	vnsel vm1, $0x0, v1  }
0x289: {  	vm1 =	veq.s32 v50, $0x0;
	v1 =	vmul.f32 v8, v8;
	v8 =	vmul.f32 v21, v21  }
0x28a: {  	v16 =	vnsel vm0, $0x0, v16;
	v13 =	vsel vm1, $0x501502F9, v56;
	vm1 =	vlt.u32 v50, $0x100  }
0x28b: {  	[tilespmem:s1+$0x30] =	vst v25;
	vm0 =	veq.s32 v7, $0x0;
	v61 =	vadd.f32 v16, v52;
	v8 =	vnsel vm1, $0x501502F9, v8  }
0x28c: {  	[tilespmem:s1+$0x10] =	vst v4;
	v1 =	vsel vm0, $0x501502F9, v1;
	vm1 =	veq.s32 v4, $0x0;
	vm0 =	veq.s32 v35, $0x0  }
0x28d: {  	[tilespmem:s1+$0x0] =	vst v35;
	v8 =	vmin.f32 v13, v8;
	v1 =	vmin.f32 v1, v58;
	v36 =	vsel vm0, $0x501502F9, v2  }
0x28e: {  	[tilespmem:s1+$0xFFFFFFD0] =	vst v51;
	vm0 =	vlt.u32 v35, $0x100;
	v2 =	vmul.f32 v9, v9;
	v9 =	vadd.f32 v57, v61  }
0x28f: {  	[tilespmem:s1+$0xFFFFFFF0] =	vst v7;
	v8 =	vnsel vm3, $0x0, v8;
	v6 =	vnsel vm2, $0x0, v1;
	v1 =	vmul.f32 v3, v3  }
0x290: {  	[tilespmem:s1+$0xFFFFFFE0] =	vst v50;
	v7 =	vnsel vm0, $0x501502F9, v12;
	vm2 =	vlt.u32 v4, $0x100;
	v4 =	vmul.f32 v10, v10  }
0x291: {  	s30 =	simm.s32 $0x0;
	s7 =	simm.s32 $0x240;
	[tilespmem:s1+$0xFFFFFFC0] =	vst v22;
	v3 =	vmul.f32 v5, v5;
	v5 =	vmul.f32 v11, v11;
	v8 =	vadd.f32 v8, v9  }
.LBB2_4:
0x292: {  	v52 =	vld [tilespmem:s7+$0x30]  }
0x293: {  	v51 =	vld [tilespmem:s7+$0x20]  }
0x294: {  	v6 =	vadd.f32 v6, v8;
	v7 =	vmin.f32 v36, v7;
	v5 =	vnsel vm2, $0x501502F9, v5;
	v50 =	vld [tilespmem:s7+$0x10]  }
0x295: {  	v0 =	vld [tilespmem:$0x1FDE0];
	v8 =	vadd.f32 v43, v44;
	v7 =	vnsel vm11, $0x0, v7;
	v4 =	vsel vm1, $0x501502F9, v4  }
0x296: {  	v49 =	vld [tilespmem:s7+$0x0];
	v2 =	vsel vm14, $0x501502F9, v2;
	v3 =	vnsel vm15, $0x501502F9, v3;
	v1 =	vnsel vm12, $0x501502F9, v1  }
0x297: {  	v48 =	vld [tilespmem:s7+$0xFFFFFFF0];
	v6 =	vadd.f32 v7, v6;
	v2 =	vmin.f32 v2, v3;
	v3 =	vsel vm13, $0x501502F9, v46  }
0x298: {  	v47 =	vld [tilespmem:s7+$0xFFFFFFE0];
	v4 =	vmin.f32 v4, v5;
	v7 =	vadd.f32 v42, v8;
	v1 =	vmin.f32 v3, v1  }
0x299: {  	v2 =	vnsel vm7, $0x0, v2;
	v3 =	vsel vm6, $0x3F800000, v27;
	v1 =	vnsel vm6, $0x0, v1  }
0x29a: {  	vm0 =	vnez.u8 v0;
	v5 =	vadd.f32 v41, v7;
	v0 =	vimm.s32 $0x0  }
0x29b: {  	v46 =	vld [tilespmem:s7+$0xFFFFFFD0];
	vm5 =	vge.f32 v51, $9.999999930e-09;
	vm6 =	vge.f32 v50, $9.999999930e-09;
	vm1 =	vle.f32 v39, v52  }
0x29c: {  	vm2 =	vle.f32 v39, v48;
	vm3 =	vle.f32 v39, v49;
	vm4 =	vle.f32 v39, v50  }
0x29d: {  	vm8 =	vle.f32 v39, v47;
	v4 =	vnsel vm0, $0x0, v4;
	vm0 =	vge.f32 v52, $9.999999930e-09  }
0x29e: {  	v8 =	vsel vm2, $0x100, v34;
	v10 =	vsel vm8, $0x100, v34;
	v41 =	vsel vm6, $0x3F800000, v27  }
0x29f: {  	v4 =	vadd.f32 v4, v6;
	v0 =	vsel vm0, $0xFFFFFFFF, v0;
	vm0 =	vle.f32 v39, v51  }
0x2a0: {  	vm7 =	vle.f32 v39, v46;
	v6 =	vsel vm3, $0x100, v34;
	v11 =	vor.u32 $0x7F, v8  }
0x2a1: {  	v13 =	vor.u32 $0x7F, v10;
	vm3 =	vge.f32 v49, $9.999999930e-09;
	vm2 =	vge.f32 v46, $9.999999930e-09  }
0x2a2: {  	v20 =	vor.u32 $0x80, v10;
	v21 =	vor.u32 $0x80, v8;
	[tilespmem:$0x1FDA0] =	vst v0;
	v0 =	vimm.s32 $0x0  }
0x2a3: {  	v9 =	vor.u32 $0x7F, v6;
	v12 =	vsel vm7, $0x100, v34;
	v11 =	vmin.u32 v11, $0xFF  }
0x2a4: {  	v13 =	vmin.u32 v13, $0xFF;
	v42 =	vsel vm3, $0x3F800000, v27;
	v55 =	vsel vm2, $0x3F800000, v27  }
0x2a5: {  	v53 =	vld [tilespmem:s7+$0xFFFFFFC0];
	v22 =	vor.u32 $0x80, v6;
	vm8 =	vlt.u32 v20, $0x101;
	vm10 =	vlt.u32 v21, $0x101  }
0x2a6: {  	v2 =	vadd.f32 v2, v4;
	v4 =	vadd.f32 v40, v5;
	v0 =	vsel vm5, $0xFFFFFFFF, v0  }
0x2a7: {  	v9 =	vmin.u32 v9, $0xFF;
	v15 =	vor.u32 $0x7F, v12;
	v40 =	vsel vm5, $0x3F800000, v27  }
0x2a8: {  	v24 =	vor.u32 $0x80, v12;
	[tilespmem:$0x1FD90] =	vst v0;
	v0 =	vimm.s32 $0x0;
	v15 =	vmin.u32 v15, $0xFF  }
0x2a9: {  	vm9 =	vlt.u32 v24, $0x101;
	v44 =	vadd.f32 v1, v2;
	v45 =	vadd.f32 v3, v4  }
0x2aa: {  	v0 =	vsel vm6, $0xFFFFFFFF, v0;
	v1 =	vsel vm1, $0x100, v34;
	vm1 =	vle.f32 v39, v53  }
0x2ab: {  	v2 =	vsel vm0, $0x100, v34;
	v4 =	vsel vm4, $0x100, v34;
	v3 =	vor.u32 $0x7F, v1  }
0x2ac: {  	vm0 =	vge.f32 v48, $9.999999930e-09;
	v5 =	vor.u32 $0x7F, v2;
	v3 =	vmin.u32 v3, $0xFF  }
0x2ad: {  	v7 =	vor.u32 $0x7F, v4;
	v14 =	vsel vm1, $0x100, v34;
	v5 =	vmin.u32 v5, $0xFF;
	v11 =	vld.idx.msk [tilespmem:v11+s21+$0x0], $0xffff  }
0x2ae: {  	[tilespmem:$0x1FDE0] =	vst v0;
	v0 =	vimm.s32 $0x0;
	v7 =	vmin.u32 v7, $0xFF;
	v16 =	vor.u32 $0x7F, v14;
	v13 =	vld.idx.msk [tilespmem:v13+s21+$0x0], $0xffff  }
0x2af: {  	vm4 =	vge.f32 v53, $9.999999930e-09;
	v0 =	vsel vm3, $0xFFFFFFFF, v0;
	v16 =	vmin.u32 v16, $0xFF;
	v9 =	vld.idx.msk [tilespmem:v9+s21+$0x0], $0xffff  }
0x2b0: {  	vm1 =	vge.f32 v47, $9.999999930e-09;
	v43 =	vsel vm0, $0x3F800000, v27;
	[tilespmem:$0x1FD70] =	vst v0;
	v0 =	vimm.s32 $0x0;
	v15 =	vld.idx.msk [tilespmem:v15+s21+$0x0], $0xffff  }
0x2b1: {  	v56 =	vsel vm4, $0x3F800000, v27;
	v17 =	vor.u32 $0x80, v4;
	v0 =	vsel vm1, $0xFFFFFFFF, v0;
	v3 =	vld.idx.msk [tilespmem:v3+s21+$0x0], $0xffff  }
0x2b2: {  	v18 =	vor.u32 $0x80, v2;
	v19 =	vor.u32 $0x80, v1;
	[tilespmem:$0x1FDC0] =	vst v0;
	v0 =	vimm.s32 $0x0;
	v5 =	vld.idx.msk [tilespmem:v5+s21+$0x0], $0xffff  }
0x2b3: {  	v54 =	vsel vm1, $0x3F800000, v27;
	v23 =	vor.u32 $0x80, v14;
	v0 =	vsel vm0, $0xFFFFFFFF, v0;
	v7 =	vld.idx.msk [tilespmem:v7+s21+$0x0], $0xffff  }
0x2b4: {  	vm12 =	vlt.u32 v23, $0x101;
	vm1 =	vlt.u32 v22, $0x101;
	[tilespmem:$0x1FDD0] =	vst v0;
	v0 =	vimm.s32 $0x0;
	v16 =	vld.idx.msk [tilespmem:v16+s21+$0x0], $0xffff  }
0x2b5: {  	vm0 =	vlt.u32 v19, $0x101;
	vm15 =	vle.f32 v11, v48;
	v0 =	vsel vm4, $0xFFFFFFFF, v0  }
0x2b6: {  	vm7 =	vle.f32 v13, v47;
	vm4 =	vlt.u32 v18, $0x101;
	[tilespmem:$0x1FD80] =	vst v0;
	v0 =	vimm.s32 $0x0  }
0x2b7: {  	vm11 =	vle.f32 v9, v49;
	vm6 =	vle.f32 v15, v46;
	v0 =	vsel vm2, $0xFFFFFFFF, v0  }
0x2b8: {  	vm2 =	vlt.u32 v17, $0x101;
	[tilespmem:$0x1FDB0] =	vst v0;
	v0 =	vimm.s32 $0x0;
	vm13 =	vle.f32 v5, v51  }
0x2b9: {  	vm14 =	vle.f32 v3, v52;
	vm3 =	vle.f32 v7, v50;
	vm5 =	vle.f32 v16, v53  }
0x2ba: {  	vm3 =	vmand vm3, vm2;
	vm13 =	vmand vm13, vm4;
	vm14 =	vmand vm14, vm0  }
0x2bb: {  	vm2 =	vmand vm7, vm8;
	vm4 =	vmand vm15, vm10;
	vm8 =	vmand vm11, vm1  }
0x2bc: {  	vm1 =	vmand vm6, vm9;
	vm0 =	vmand vm5, vm12;
	v25 =	vsel vm14, v3, v39  }
0x2bd: {  	v26 =	vsel vm13, v5, v39;
	v1 =	vsel vm14, v19, v1;
	v3 =	vsel vm14, v39, v3  }
0x2be: {  	v2 =	vsel vm13, v18, v2;
	v5 =	vsel vm13, v39, v5;
	v4 =	vsel vm3, v17, v4  }
0x2bf: {  	v6 =	vsel vm8, v22, v6;
	v8 =	vsel vm4, v21, v8;
	v10 =	vsel vm2, v20, v10  }
0x2c0: {  	v12 =	vsel vm1, v24, v12;
	v57 =	vsel vm8, v9, v39;
	v61 =	vor.u32 $0x3F, v1  }
0x2c1: {  	v58 =	vsel vm4, v11, v39;
	v62 =	vor.u32 $0x3F, v2;
	v18 =	vmin.u32 v61, $0xFF  }
0x2c2: {  	v11 =	vsel vm4, v39, v11;
	v63 =	vor.u32 $0x3F, v4;
	v17 =	vmin.u32 v62, $0xFF  }
0x2c3: {  	v9 =	vsel vm8, v39, v9;
	v32 =	vor.u32 $0x3F, v6;
	v19 =	vmin.u32 v63, $0xFF  }
0x2c4: {  	v59 =	vsel vm1, v15, v39;
	v34 =	vor.u32 $0x3F, v8;
	v21 =	vmin.u32 v32, $0xFF  }
0x2c5: {  	v60 =	vsel vm2, v13, v39;
	v35 =	vor.u32 $0x3F, v10;
	v20 =	vmin.u32 v34, $0xFF  }
0x2c6: {  	v14 =	vsel vm0, v23, v14;
	v36 =	vor.u32 $0x3F, v12;
	v22 =	vmin.u32 v35, $0xFF;
	v18 =	vld.idx.msk [tilespmem:v18+s21+$0x0], $0xffff  }
0x2c7: {  	v13 =	vsel vm2, v39, v13;
	v24 =	vor.u32 $0x3F, v14;
	v23 =	vmin.u32 v36, $0xFF;
	v17 =	vld.idx.msk [tilespmem:v17+s21+$0x0], $0xffff  }
0x2c8: {  	v15 =	vsel vm1, v39, v15;
	v27 =	vor.u32 $0x40, v1;
	v24 =	vmin.u32 v24, $0xFF;
	v19 =	vld.idx.msk [tilespmem:v19+s21+$0x0], $0xffff  }
0x2c9: {  	v28 =	vor.u32 $0x40, v10;
	v29 =	vor.u32 $0x40, v8;
	v31 =	vor.u32 $0x40, v6;
	v21 =	vld.idx.msk [tilespmem:v21+s21+$0x0], $0xffff  }
0x2ca: {  	v36 =	vsel vm3, v7, v39;
	v7 =	vsel vm3, v39, v7;
	v61 =	vsel vm0, v16, v39;
	v20 =	vld.idx.msk [tilespmem:v20+s21+$0x0], $0xffff  }
0x2cb: {  	v16 =	vsel vm0, v39, v16;
	v62 =	vor.u32 $0x40, v4;
	vm0 =	vlt.u32 v31, $0x101;
	v22 =	vld.idx.msk [tilespmem:v22+s21+$0x0], $0xffff  }
0x2cc: {  	v63 =	vor.u32 $0x40, v2;
	v32 =	vor.u32 $0x40, v14;
	v0 =	vsel vm0, $0xFFFFFFFF, v0;
	v23 =	vld.idx.msk [tilespmem:v23+s21+$0x0], $0xffff  }
0x2cd: {  	v34 =	vor.u32 $0x40, v12;
	vm1 =	vlt.u32 v27, $0x101;
	vm6 =	vlt.u32 v28, $0x101;
	[tilespmem:$0x1FD10] =	vst v0;
	v24 =	vld.idx.msk [tilespmem:v24+s21+$0x0], $0xffff  }
0x2ce: {  	vm7 =	vlt.u32 v29, $0x101;
	vm2 =	vlt.u32 v62, $0x101;
	vm4 =	vlt.u32 v63, $0x101;
	v0 =	vld [tilespmem:$0x1FD10]  }
0x2cf: {  	vm5 =	vlt.u32 v34, $0x101;
	vm9 =	vlt.u32 v32, $0x101;
	vm8 =	vle.f32 v17, v51  }
0x2d0: {  	vm10 =	vle.f32 v18, v52;
	vm11 =	vle.f32 v20, v48;
	vm12 =	vle.f32 v21, v49  }
0x2d1: {  	vm3 =	vle.f32 v19, v50;
	vm14 =	vle.f32 v23, v46;
	vm15 =	vle.f32 v22, v47  }
0x2d2: {  	vm13 =	vle.f32 v24, v53;
	vm3 =	vmand vm3, vm2;
	vm0 =	vmand vm8, vm4  }
0x2d3: {  	vm10 =	vmand vm10, vm1;
	vm2 =	vmand vm15, vm6;
	vm1 =	vnez.u8 v0  }
0x2d4: {  	vm4 =	vmand vm11, vm7;
	v0 =	vimm.s32 $0x0;
	vm8 =	vmand vm12, vm1  }
0x2d5: {  	vm6 =	vmand vm13, vm9;
	vm1 =	vmand vm14, vm5;
	v25 =	vsel vm10, v18, v25  }
0x2d6: {  	v26 =	vsel vm0, v17, v26;
	v1 =	vsel vm10, v27, v1;
	v3 =	vsel vm10, v3, v18  }
0x2d7: {  	v2 =	vsel vm0, v63, v2;
	v5 =	vsel vm0, v5, v17;
	v4 =	vsel vm3, v62, v4  }
0x2d8: {  	v8 =	vsel vm4, v29, v8;
	v10 =	vsel vm2, v28, v10;
	v36 =	vsel vm3, v19, v36  }
0x2d9: {  	v7 =	vsel vm3, v7, v19;
	v11 =	vsel vm4, v11, v20;
	v37 =	vor.u32 $0x1F, v1  }
0x2da: {  	v13 =	vsel vm2, v13, v22;
	v38 =	vor.u32 $0x1F, v2;
	v17 =	vmin.u32 v37, $0xFF  }
0x2db: {  	v6 =	vsel vm8, v31, v6;
	v27 =	vor.u32 $0x1F, v4;
	v18 =	vmin.u32 v38, $0xFF  }
0x2dc: {  	v28 =	vor.u32 $0x1F, v8;
	v31 =	vor.u32 $0x1F, v10;
	v27 =	vmin.u32 v27, $0xFF  }
0x2dd: {  	v12 =	vsel vm1, v34, v12;
	v29 =	vor.u32 $0x1F, v6;
	v31 =	vmin.u32 v31, $0xFF  }
0x2de: {  	v14 =	vsel vm6, v32, v14;
	v57 =	vsel vm8, v21, v57;
	v29 =	vmin.u32 v29, $0xFF  }
0x2df: {  	v9 =	vsel vm8, v9, v21;
	v28 =	vmin.u32 v28, $0xFF;
	v63 =	vor.u32 $0x1F, v14;
	v17 =	vld.idx.msk [tilespmem:v17+s21+$0x0], $0xffff  }
0x2e0: {  	v21 =	vsel vm1, v23, v59;
	v62 =	vor.u32 $0x1F, v12;
	v34 =	vmin.u32 v63, $0xFF;
	v18 =	vld.idx.msk [tilespmem:v18+s21+$0x0], $0xffff  }
0x2e1: {  	v16 =	vsel vm6, v16, v24;
	v15 =	vsel vm1, v15, v23;
	v32 =	vmin.u32 v62, $0xFF;
	v19 =	vld.idx.msk [tilespmem:v27+s21+$0x0], $0xffff  }
0x2e2: {  	v59 =	vor.u32 $0x20, v10;
	v35 =	vor.u32 $0x20, v8;
	v38 =	vor.u32 $0x20, v1;
	v23 =	vld.idx.msk [tilespmem:v31+s21+$0x0], $0xffff  }
0x2e3: {  	v37 =	vor.u32 $0x20, v6;
	vm7 =	vlt.u32 v35, $0x101;
	v27 =	vsel vm4, v20, v58;
	v20 =	vld.idx.msk [tilespmem:v29+s21+$0x0], $0xffff  }
0x2e4: {  	v62 =	vor.u32 $0x20, v14;
	vm0 =	vlt.u32 v37, $0x101;
	v29 =	vsel vm2, v22, v60;
	v22 =	vld.idx.msk [tilespmem:v28+s21+$0x0], $0xffff  }
0x2e5: {  	v63 =	vor.u32 $0x20, v12;
	vm1 =	vlt.u32 v38, $0x101;
	v0 =	vsel vm0, $0xFFFFFFFF, v0;
	v34 =	vld.idx.msk [tilespmem:v34+s21+$0x0], $0xffff  }
0x2e6: {  	vm5 =	vlt.u32 v63, $0x101;
	[tilespmem:$0x1FD20] =	vst v0;
	v31 =	vor.u32 $0x20, v4;
	v28 =	vsel vm6, v24, v61;
	v24 =	vld.idx.msk [tilespmem:v32+s21+$0x0], $0xffff  }
0x2e7: {  	vm9 =	vlt.u32 v62, $0x101;
	v0 =	vld [tilespmem:$0x1FD20];
	v32 =	vor.u32 $0x20, v2;
	vm2 =	vlt.u32 v31, $0x101  }
0x2e8: {  	vm6 =	vlt.u32 v59, $0x101;
	vm4 =	vlt.u32 v32, $0x101;
	vm8 =	vle.f32 v18, v51  }
0x2e9: {  	vm10 =	vle.f32 v17, v52;
	vm3 =	vle.f32 v19, v50;
	vm15 =	vle.f32 v23, v47  }
0x2ea: {  	vm11 =	vle.f32 v22, v48;
	vm12 =	vle.f32 v20, v49;
	vm13 =	vle.f32 v34, v53  }
0x2eb: {  	vm14 =	vle.f32 v24, v46;
	vm3 =	vmand vm3, vm2;
	vm0 =	vmand vm8, vm4  }
0x2ec: {  	vm10 =	vmand vm10, vm1;
	vm2 =	vmand vm15, vm6;
	vm1 =	vnez.u8 v0  }
0x2ed: {  	v0 =	vimm.s32 $0x0;
	vm4 =	vmand vm11, vm7;
	vm8 =	vmand vm12, vm1  }
0x2ee: {  	vm6 =	vmand vm13, vm9;
	vm1 =	vmand vm14, vm5;
	v25 =	vsel vm10, v17, v25  }
0x2ef: {  	v26 =	vsel vm0, v18, v26;
	v1 =	vsel vm10, v38, v1;
	v3 =	vsel vm10, v3, v17  }
0x2f0: {  	v2 =	vsel vm0, v32, v2;
	v5 =	vsel vm0, v5, v18;
	v4 =	vsel vm3, v31, v4  }
0x2f1: {  	v10 =	vsel vm2, v59, v10;
	v36 =	vsel vm3, v19, v36;
	v7 =	vsel vm3, v7, v19  }
0x2f2: {  	v13 =	vsel vm2, v13, v23;
	v38 =	vmin.u32 v1, $0xF0;
	v58 =	vmin.u32 v2, $0xF0  }
0x2f3: {  	v6 =	vsel vm8, v37, v6;
	v31 =	vmin.u32 v4, $0xF0;
	v17 =	vadd.s32 $0xF, v38  }
0x2f4: {  	v8 =	vsel vm4, v35, v8;
	v12 =	vsel vm1, v63, v12;
	v18 =	vadd.s32 $0xF, v58  }
0x2f5: {  	v59 =	vmin.u32 v10, $0xF0;
	v14 =	vsel vm6, v62, v14;
	v31 =	vadd.s32 $0xF, v31  }
0x2f6: {  	v57 =	vsel vm8, v20, v57;
	v61 =	vmin.u32 v6, $0xF0;
	v59 =	vadd.s32 $0xF, v59  }
0x2f7: {  	v27 =	vsel vm4, v22, v27;
	v37 =	vmin.u32 v8, $0xF0;
	v32 =	vadd.s32 $0xF, v61  }
0x2f8: {  	v11 =	vsel vm4, v11, v22;
	v35 =	vmin.u32 v14, $0xF0;
	v58 =	vadd.s32 $0xF, v37;
	v17 =	vld.idx.msk [tilespmem:v17+s21+$0x0], $0xffff  }
0x2f9: {  	v9 =	vsel vm8, v9, v20;
	v38 =	vmin.u32 v12, $0xF0;
	v61 =	vadd.s32 $0xF, v35;
	v18 =	vld.idx.msk [tilespmem:v18+s21+$0x0], $0xffff  }
0x2fa: {  	v21 =	vsel vm1, v24, v21;
	v22 =	vsel vm2, v23, v29;
	v60 =	vadd.s32 $0xF, v38;
	v19 =	vld.idx.msk [tilespmem:v31+s21+$0x0], $0xffff  }
0x2fb: {  	v28 =	vsel vm6, v34, v28;
	v16 =	vsel vm6, v16, v34;
	v15 =	vsel vm1, v15, v24;
	v24 =	vld.idx.msk [tilespmem:v59+s21+$0x0], $0xffff  }
0x2fc: {  	vm0 =	vlt.u32 v1, $0xF1;
	vm1 =	vlt.u32 v4, $0xF1;
	vm2 =	vlt.u32 v2, $0xF1;
	v20 =	vld.idx.msk [tilespmem:v32+s21+$0x0], $0xffff  }
0x2fd: {  	vm4 =	vlt.u32 v10, $0xF1;
	v0 =	vsel vm0, $0xFFFFFFFF, v0;
	vm5 =	vlt.u32 v6, $0xF1;
	v23 =	vld.idx.msk [tilespmem:v58+s21+$0x0], $0xffff  }
0x2fe: {  	vm6 =	vlt.u32 v8, $0xF1;
	v62 =	vadd.s32 $0x10, v14;
	v63 =	vadd.s32 $0x10, v12;
	v34 =	vld.idx.msk [tilespmem:v61+s21+$0x0], $0xffff  }
0x2ff: {  	vm7 =	vlt.u32 v12, $0xF1;
	vm9 =	vlt.u32 v14, $0xF1;
	v38 =	vadd.s32 $0x10, v1;
	[tilespmem:$0x1FD30] =	vst v0;
	v29 =	vld.idx.msk [tilespmem:v60+s21+$0x0], $0xffff  }
0x300: {  	v35 =	vadd.s32 $0x10, v6;
	v37 =	vadd.s32 $0x10, v10;
	v0 =	vld [tilespmem:$0x1FD30];
	v31 =	vadd.s32 $0x10, v2  }
0x301: {  	v59 =	vadd.s32 $0x10, v8;
	v58 =	vadd.s32 $0x10, v4;
	vm8 =	vle.f32 v18, v51  }
0x302: {  	vm10 =	vle.f32 v17, v52;
	vm3 =	vle.f32 v19, v50;
	vm15 =	vle.f32 v24, v47  }
0x303: {  	vm11 =	vle.f32 v23, v48;
	vm12 =	vle.f32 v20, v49;
	vm13 =	vle.f32 v34, v53  }
0x304: {  	vm14 =	vle.f32 v29, v46;
	vm3 =	vmand vm3, vm1;
	vm0 =	vmand vm8, vm2  }
0x305: {  	vm1 =	vnez.u8 v0;
	vm2 =	vmand vm15, vm4;
	v0 =	vimm.s32 $0x0  }
0x306: {  	vm10 =	vmand vm10, vm1;
	vm4 =	vmand vm11, vm6;
	vm8 =	vmand vm12, vm5  }
0x307: {  	vm5 =	vmand vm13, vm9;
	vm1 =	vmand vm14, vm7;
	v26 =	vsel vm0, v18, v26  }
0x308: {  	v2 =	vsel vm0, v31, v2;
	v5 =	vsel vm0, v5, v18;
	v4 =	vsel vm3, v58, v4  }
0x309: {  	v10 =	vsel vm2, v37, v10;
	v36 =	vsel vm3, v19, v36;
	v7 =	vsel vm3, v7, v19  }
0x30a: {  	v22 =	vsel vm2, v24, v22;
	v13 =	vsel vm2, v13, v24;
	v25 =	vsel vm10, v17, v25  }
0x30b: {  	v1 =	vsel vm10, v38, v1;
	v3 =	vsel vm10, v3, v17;
	v58 =	vmin.u32 v2, $0xF8  }
0x30c: {  	v6 =	vsel vm8, v35, v6;
	v31 =	vmin.u32 v4, $0xF8;
	v18 =	vadd.s32 $0x7, v58  }
0x30d: {  	v8 =	vsel vm4, v59, v8;
	v37 =	vmin.u32 v10, $0xF8;
	v31 =	vadd.s32 $0x7, v31  }
0x30e: {  	v12 =	vsel vm1, v63, v12;
	v38 =	vmin.u32 v1, $0xF8;
	v59 =	vadd.s32 $0x7, v37  }
0x30f: {  	v14 =	vsel vm5, v62, v14;
	v60 =	vmin.u32 v6, $0xF8;
	v17 =	vadd.s32 $0x7, v38  }
0x310: {  	v57 =	vsel vm8, v20, v57;
	v61 =	vmin.u32 v8, $0xF8;
	v32 =	vadd.s32 $0x7, v60  }
0x311: {  	v27 =	vsel vm4, v23, v27;
	v35 =	vmin.u32 v14, $0xF8;
	v58 =	vadd.s32 $0x7, v61;
	v18 =	vld.idx.msk [tilespmem:v18+s21+$0x0], $0xffff  }
0x312: {  	v11 =	vsel vm4, v11, v23;
	v9 =	vsel vm8, v9, v20;
	v61 =	vadd.s32 $0x7, v35;
	v19 =	vld.idx.msk [tilespmem:v31+s21+$0x0], $0xffff  }
0x313: {  	v21 =	vsel vm1, v29, v21;
	v24 =	vsel vm5, v34, v28;
	v38 =	vmin.u32 v12, $0xF8;
	v28 =	vld.idx.msk [tilespmem:v59+s21+$0x0], $0xffff  }
0x314: {  	v16 =	vsel vm5, v16, v34;
	v15 =	vsel vm1, v15, v29;
	v60 =	vadd.s32 $0x7, v38;
	v17 =	vld.idx.msk [tilespmem:v17+s21+$0x0], $0xffff  }
0x315: {  	vm1 =	vlt.u32 v4, $0xF9;
	vm2 =	vlt.u32 v2, $0xF9;
	vm0 =	vlt.u32 v1, $0xF9;
	v20 =	vld.idx.msk [tilespmem:v32+s21+$0x0], $0xffff  }
0x316: {  	vm4 =	vlt.u32 v10, $0xF9;
	v37 =	vadd.s32 $0x8, v6;
	v0 =	vsel vm0, $0xFFFFFFFF, v0;
	v23 =	vld.idx.msk [tilespmem:v58+s21+$0x0], $0xffff  }
0x317: {  	vm5 =	vlt.u32 v6, $0xF9;
	vm6 =	vlt.u32 v8, $0xF9;
	v62 =	vadd.s32 $0x8, v14;
	[tilespmem:$0x1FD40] =	vst v0;
	v34 =	vld.idx.msk [tilespmem:v61+s21+$0x0], $0xffff  }
0x318: {  	v63 =	vadd.s32 $0x8, v12;
	vm7 =	vlt.u32 v12, $0xF9;
	vm9 =	vlt.u32 v14, $0xF9;
	v0 =	vld [tilespmem:$0x1FD40]  }
0x319: {  	v35 =	vadd.s32 $0x8, v8;
	v38 =	vadd.s32 $0x8, v10;
	v31 =	vadd.s32 $0x8, v2;
	v29 =	vld.idx.msk [tilespmem:v60+s21+$0x0], $0xffff  }
0x31a: {  	v32 =	vadd.s32 $0x8, v1;
	v58 =	vadd.s32 $0x8, v4;
	vm8 =	vle.f32 v18, v51  }
0x31b: {  	vm3 =	vle.f32 v19, v50;
	vm15 =	vle.f32 v28, v47;
	vm10 =	vle.f32 v17, v52  }
0x31c: {  	vm11 =	vle.f32 v23, v48;
	vm12 =	vle.f32 v20, v49;
	vm13 =	vle.f32 v34, v53  }
0x31d: {  	vm3 =	vmand vm3, vm1;
	vm0 =	vmand vm8, vm2;
	vm1 =	vnez.u8 v0  }
0x31e: {  	vm2 =	vmand vm15, vm4;
	vm14 =	vle.f32 v29, v46;
	vm10 =	vmand vm10, vm1  }
0x31f: {  	vm4 =	vmand vm11, vm6;
	vm8 =	vmand vm12, vm5;
	vm5 =	vmand vm13, vm9  }
0x320: {  	v26 =	vsel vm0, v18, v26;
	v5 =	vsel vm0, v5, v18;
	v18 =	vsel vm3, v58, v4  }
0x321: {  	v10 =	vsel vm2, v38, v10;
	v36 =	vsel vm3, v19, v36;
	v7 =	vsel vm3, v7, v19  }
0x322: {  	v22 =	vsel vm2, v28, v22;
	v13 =	vsel vm2, v13, v28;
	vm1 =	vmand vm14, vm7  }
0x323: {  	v25 =	vsel vm10, v17, v25;
	v1 =	vsel vm10, v32, v1;
	v3 =	vsel vm10, v3, v17  }
0x324: {  	v17 =	vsel vm0, v31, v2;
	v6 =	vsel vm8, v37, v6;
	v31 =	vmin.u32 v18, $0xFC  }
0x325: {  	v8 =	vsel vm4, v35, v8;
	v37 =	vmin.u32 v10, $0xFC;
	v31 =	vadd.s32 $0x3, v31  }
0x326: {  	v14 =	vsel vm5, v62, v14;
	v2 =	vmin.u32 v1, $0xFC;
	v35 =	vadd.s32 $0x3, v37  }
0x327: {  	v27 =	vsel vm4, v23, v27;
	v4 =	vmin.u32 v17, $0xFC;
	v2 =	vadd.s32 $0x3, v2  }
0x328: {  	v11 =	vsel vm4, v11, v23;
	v60 =	vmin.u32 v6, $0xFC;
	v4 =	vadd.s32 $0x3, v4  }
0x329: {  	v61 =	vmin.u32 v8, $0xFC;
	v12 =	vsel vm1, v63, v12;
	v32 =	vadd.s32 $0x3, v60  }
0x32a: {  	v9 =	vsel vm8, v9, v20;
	v58 =	vadd.s32 $0x3, v61;
	v38 =	vmin.u32 v12, $0xFC;
	v19 =	vld.idx.msk [tilespmem:v31+s21+$0x0], $0xffff  }
0x32b: {  	v28 =	vadd.s32 $0x4, v18;
	v59 =	vsel vm1, v15, v29;
	v60 =	vadd.s32 $0x3, v38;
	v15 =	vld.idx.msk [tilespmem:v35+s21+$0x0], $0xffff  }
0x32c: {  	v63 =	vsel vm8, v20, v57;
	v21 =	vsel vm1, v29, v21;
	v57 =	vsel vm5, v34, v24;
	v62 =	vld.idx.msk [tilespmem:v2+s21+$0x0], $0xffff  }
0x32d: {  	v24 =	vadd.s32 $0x4, v1;
	vm0 =	vlt.u32 v1, $0xFD;
	vm1 =	vlt.u32 v18, $0xFD;
	v4 =	vld.idx.msk [tilespmem:v4+s21+$0x0], $0xffff  }
0x32e: {  	vm3 =	vlt.u32 v17, $0xFD;
	v29 =	vadd.s32 $0x4, v8;
	vm4 =	vlt.u32 v6, $0xFD;
	v20 =	vld.idx.msk [tilespmem:v32+s21+$0x0], $0xffff  }
0x32f: {  	v37 =	vadd.s32 $0x4, v10;
	vm6 =	vlt.u32 v8, $0xFD;
	vm8 =	vlt.u32 v14, $0xFD;
	v23 =	vld.idx.msk [tilespmem:v58+s21+$0x0], $0xffff  }
0x330: {  	v0 =	vadd.s32 $0x4, v12;
	vm7 =	vlt.u32 v12, $0xFD;
	v38 =	vadd.s32 $0x4, v14;
	v61 =	vld.idx.msk [tilespmem:v60+s21+$0x0], $0xffff  }
0x331: {  	v31 =	vadd.s32 $0x4, v6;
	v2 =	vmin.u32 v14, $0xFC;
	v58 =	vsel vm5, v16, v34  }
0x332: {  	v16 =	vadd.s32 $0x4, v17;
	vm5 =	vlt.u32 v10, $0xFD;
	v2 =	vadd.s32 $0x3, v2  }
0x333: {  	vm2 =	vle.f32 v19, v50;
	vm15 =	vle.f32 v15, v47;
	vm9 =	vle.f32 v4, v51  }
0x334: {  	vm10 =	vle.f32 v62, v52;
	vm11 =	vle.f32 v23, v48;
	vm12 =	vle.f32 v20, v49  }
0x335: {  	vm2 =	vmand vm2, vm1;
	vm14 =	vle.f32 v61, v46;
	vm9 =	vmand vm9, vm3  }
0x336: {  	vm10 =	vmand vm10, vm0;
	vm0 =	vmand vm15, vm5;
	vm3 =	vmand vm11, vm6  }
0x337: {  	v60 =	vld.idx.msk [tilespmem:v2+s21+$0x0], $0xffff;
	vm4 =	vmand vm12, vm4;
	v2 =	vimm.s32 $0x0;
	v32 =	vsel vm2, v19, v36  }
0x338: {  	v7 =	vsel vm2, v7, v19;
	vm5 =	vmand vm14, vm7;
	v1 =	vsel vm10, v24, v1  }
0x339: {  	v24 =	vsel vm10, v3, v62;
	v3 =	vsel vm9, v16, v17;
	v16 =	vsel vm2, v28, v18  }
0x33a: {  	v6 =	vsel vm4, v31, v6;
	v8 =	vsel vm3, v29, v8;
	v10 =	vsel vm0, v37, v10  }
0x33b: {  	v29 =	vimm.s32 $0x0;
	v34 =	vsel vm4, v20, v63;
	v17 =	vmin.u32 v3, $0xFE  }
0x33c: {  	v18 =	vmin.u32 v16, $0xFE;
	v28 =	vmin.u32 v8, $0xFE;
	v29 =	vsel vm5, $0xFFFFFFFF, v29  }
0x33d: {  	v0 =	vsel vm5, v0, v12;
	v17 =	vadd.s32 $0x1, v17;
	vm13 =	vle.f32 v60, v53  }
0x33e: {  	v37 =	vmin.u32 v10, $0xFE;
	v18 =	vadd.s32 $0x1, v18;
	vm1 =	vmand vm13, vm8  }
0x33f: {  	[tilespmem:$0x1FD50] =	vst v29;
	v28 =	vadd.s32 $0x1, v28;
	v29 =	vmin.u32 v0, $0xFE;
	v2 =	vsel vm1, $0xFFFFFFFF, v2  }
0x340: {  	v12 =	vadd.s32 $0x1, v37;
	v29 =	vadd.s32 $0x1, v29;
	[tilespmem:$0x1FD60] =	vst v2;
	v2 =	vsel vm10, v62, v25  }
0x341: {  	v25 =	vsel vm9, v4, v26;
	v4 =	vsel vm9, v5, v4;
	v5 =	vmin.u32 v1, $0xFE  }
0x342: {  	v19 =	vsel vm3, v23, v27;
	v26 =	vmin.u32 v6, $0xFE;
	v17 =	vld.idx.msk [tilespmem:v17+s21+$0x0], $0xffff;
	v5 =	vadd.s32 $0x1, v5  }
0x343: {  	v11 =	vsel vm3, v11, v23;
	v9 =	vsel vm4, v9, v20;
	v18 =	vld.idx.msk [tilespmem:v18+s21+$0x0], $0xffff;
	v26 =	vadd.s32 $0x1, v26  }
0x344: {  	v22 =	vsel vm0, v15, v22;
	v13 =	vsel vm0, v13, v15;
	v23 =	vadd.s32 $0x2, v3;
	v15 =	vld.idx.msk [tilespmem:v28+s21+$0x0], $0xffff  }
0x345: {  	vm0 =	vlt.u32 v1, $0xFF;
	vm3 =	vlt.u32 v3, $0xFF;
	v36 =	vadd.s32 $0x2, v8;
	v12 =	vld.idx.msk [tilespmem:v12+s21+$0x0], $0xffff  }
0x346: {  	vm2 =	vlt.u32 v6, $0xFF;
	v63 =	vadd.s32 $0x2, v10;
	vm6 =	vlt.u32 v8, $0xFF;
	v27 =	vld.idx.msk [tilespmem:v29+s21+$0x0], $0xffff  }
0x347: {  	vm8 =	vlt.u32 v16, $0xFF;
	v14 =	vsel vm1, v38, v14;
	v38 =	vadd.s32 $0x2, v0;
	v31 =	vld.idx.msk [tilespmem:v5+s21+$0x0], $0xffff  }
0x348: {  	v28 =	vadd.s32 $0x2, v16;
	v62 =	vadd.s32 $0x2, v6;
	v5 =	vmin.u32 v14, $0xFE;
	v20 =	vld.idx.msk [tilespmem:v26+s21+$0x0], $0xffff  }
0x349: {  	vm9 =	vlt.u32 v10, $0xFF;
	vm10 =	vlt.u32 v0, $0xFF;
	v5 =	vadd.s32 $0x1, v5  }
0x34a: {  	vm7 =	vle.f32 v17, v51;
	vm11 =	vle.f32 v15, v48;
	vm13 =	vle.f32 v18, v50  }
0x34b: {  	vm1 =	vle.f32 v12, v47;
	v26 =	vadd.s32 $0x2, v1;
	vm15 =	vle.f32 v27, v46  }
0x34c: {  	vm13 =	vmand vm13, vm8;
	vm8 =	vmand vm15, vm10;
	vm4 =	vle.f32 v31, v52  }
0x34d: {  	vm14 =	vle.f32 v20, v49;
	vm4 =	vmand vm4, vm0;
	vm0 =	vmand vm7, vm3  }
0x34e: {  	v29 =	vld.idx.msk [tilespmem:v5+s21+$0x0], $0xffff;
	vm3 =	vmand vm14, vm2;
	v5 =	vsel vm13, v28, v16;
	vm2 =	vmand vm11, vm6  }
0x34f: {  	vm14 =	vmand vm1, vm9;
	v26 =	vsel vm4, v26, v1;
	v23 =	vsel vm0, v23, v3  }
0x350: {  	v3 =	vsel vm3, v62, v6;
	v6 =	vmin.u32 v5, $0xFF;
	v1 =	vsel vm2, v36, v8  }
0x351: {  	v36 =	vsel vm14, v63, v10;
	v63 =	vsel vm8, v38, v0;
	v38 =	vld [tilespmem:$0x1FD50];
	v37 =	vmin.u32 v26, $0xFF  }
0x352: {  	v21 =	vsel vm5, v61, v21;
	v35 =	vadd.s32 $0x2, v14  }
0x353: {  	vm12 =	vlt.u32 v14, $0xFF;
	v7 =	vsel vm13, v7, v18;
	v10 =	vmin.u32 v1, $0xFF  }
0x354: {  	v21 =	vsel vm8, v27, v21;
	v25 =	vsel vm0, v17, v25;
	v0 =	vmin.u32 v36, $0xFF  }
0x355: {  	v2 =	vsel vm4, v31, v2;
	v8 =	vmin.u32 v3, $0xFF;
	vm5 =	vle.f32 v29, v53;
	v6 =	vld.idx.msk [tilespmem:v6+s21+$0x0], $0xffff  }
0x356: {  	v24 =	vsel vm4, v24, v31;
	vm9 =	vmand vm5, vm12;
	vm1 =	vnez.u8 v38;
	v28 =	vld.idx.msk [tilespmem:v37+s21+$0x0], $0xffff  }
0x357: {  	v31 =	vsel vm13, v18, v32;
	v62 =	vsel vm9, v35, v14;
	v14 =	vsel vm1, v59, v61;
	v61 =	vld [tilespmem:$0x1FD60]  }
0x358: {  	v4 =	vsel vm0, v4, v17;
	v17 =	vsel vm2, v15, v19;
	v9 =	vsel vm3, v9, v20;
	v10 =	vld.idx.msk [tilespmem:v10+s21+$0x0], $0xffff  }
0x359: {  	v11 =	vsel vm2, v11, v15;
	vm4 =	vlt.u32 v5, $0x100;
	v16 =	vmin.u32 v23, $0xFF;
	v0 =	vld.idx.msk [tilespmem:v0+s21+$0x0], $0xffff  }
0x35a: {  	vm0 =	vlt.u32 v23, $0x100;
	vm2 =	vlt.u32 v1, $0x100;
	vm6 =	vlt.u32 v63, $0x100;
	v8 =	vld.idx.msk [tilespmem:v8+s21+$0x0], $0xffff  }
0x35b: {  	vm7 =	vlt.u32 v36, $0x100;
	v35 =	vmin.u32 v63, $0xFF;
	v59 =	vsel vm3, v20, v34  }
0x35c: {  	v34 =	vimm.s32 $0x0;
	vm3 =	vlt.u32 v3, $0x100;
	v14 =	vsel vm8, v14, v27  }
0x35d: {  	vm5 =	vlt.u32 v62, $0x100;
	vm8 =	vle.f32 v6, v50;
	vm1 =	vnez.u8 v61  }
0x35e: {  	v16 =	vld.idx.msk [tilespmem:v16+s21+$0x0], $0xffff;
	vm10 =	vle.f32 v28, v52;
	vm11 =	vle.f32 v0, v47;
	vm12 =	vle.f32 v10, v48  }
0x35f: {  	vm13 =	vle.f32 v8, v49;
	vm4 =	vmand vm8, vm4;
	v37 =	vsel vm1, v60, v57  }
0x360: {  	v38 =	vsel vm1, v58, v60;
	v57 =	vmin.u32 v62, $0xFF;
	v60 =	vsel vm14, v12, v22  }
0x361: {  	v12 =	vsel vm14, v13, v12;
	vm1 =	vlt.u32 v26, $0x100;
	vm3 =	vmand vm13, vm3  }
0x362: {  	vm2 =	vmand vm12, vm2;
	v31 =	vsel vm4, v6, v31;
	v6 =	vsel vm4, v7, v6  }
0x363: {  	v61 =	vsel vm9, v29, v37;
	v38 =	vsel vm9, v38, v29;
	vm9 =	vle.f32 v16, v51  }
0x364: {  	vm1 =	vmand vm10, vm1;
	v58 =	vsel vm2, $0x1, v34;
	v18 =	vsel vm3, v8, v59  }
0x365: {  	v8 =	vsel vm3, v9, v8;
	v17 =	vsel vm2, v10, v17;
	v10 =	vsel vm2, v11, v10  }
0x366: {  	v19 =	vld.idx.msk [tilespmem:v35+s21+$0x0], $0xffff;
	v6 =	vsub.f32 v6, v50;
	vm8 =	vmand vm9, vm0;
	v29 =	vsel vm1, $0x1, v34  }
0x367: {  	v2 =	vsel vm1, v28, v2;
	v24 =	vsel vm1, v24, v28;
	v28 =	vsel vm3, $0x1, v34  }
0x368: {  	v18 =	vsub.f32 v49, v18;
	v1 =	vadd.s32 v58, v1;
	v8 =	vsub.f32 v8, v49  }
0x369: {  	v10 =	vsub.f32 v10, v48;
	v27 =	vsel vm8, $0x1, v34;
	v25 =	vsel vm8, v16, v25  }
0x36a: {  	v4 =	vsel vm8, v4, v16;
	v2 =	vsub.f32 v52, v2;
	v3 =	vadd.s32 v28, v3  }
0x36b: {  	vm8 =	vlt.u32 v1, $0x100;
	vm15 =	vle.f32 v19, v46;
	v35 =	vadd.s32 v27, v23  }
0x36c: {  	v27 =	vimm.f32 $0.0e+00;
	vm3 =	veq.s32 v3, $0x0;
	v10 =	vmul.f32 v10, v10  }
0x36d: {  	v37 =	vld.idx.msk [tilespmem:v57+s21+$0x0], $0xffff;
	vm0 =	vmand vm15, vm6;
	vm6 =	vmand vm11, vm7;
	v57 =	vsel vm4, $0x1, v34  }
0x36e: {  	vm4 =	veq.s32 v1, $0x0;
	v7 =	vsel vm6, $0x1, v34;
	v9 =	vsel vm0, $0x1, v34  }
0x36f: {  	v20 =	vsel vm6, v0, v60;
	v0 =	vsel vm6, v12, v0;
	v14 =	vsel vm0, v14, v19  }
0x370: {  	v60 =	vsel vm0, v19, v21;
	v5 =	vadd.s32 v57, v5;
	v14 =	vsub.f32 v14, v46  }
0x371: {  	v9 =	vadd.s32 v9, v63;
	v13 =	vsub.f32 v46, v60;
	v0 =	vsub.f32 v0, v47  }
0x372: {  	s1 =	sadd.s32 $0x80, s1;
	vm1 =	veq.s32 v5, $0x0;
	vm2 =	vlt.u32 v5, $0x100;
	v57 =	vmul.f32 v14, v14  }
0x373: {  	[tilespmem:s1+$0x10] =	vst v5;
	v5 =	vmul.f32 v6, v6;
	vm6 =	vlt.u32 v9, $0x100;
	vm14 =	vle.f32 v37, v53  }
0x374: {  	v0 =	vmul.f32 v0, v0;
	vm5 =	vmand vm14, vm5;
	v60 =	vnsel vm6, $0x501502F9, v57  }
0x375: {  	v11 =	vsel vm5, $0x1, v34;
	v59 =	vsel vm5, v37, v61;
	v15 =	vsel vm5, v38, v37  }
0x376: {  	v61 =	vadd.s32 v29, v26;
	v37 =	vsub.f32 v51, v25;
	v38 =	vsub.f32 v24, v52  }
0x377: {  	v25 =	vsub.f32 v4, v51;
	v4 =	vadd.s32 v7, v36;
	v7 =	vsub.f32 v47, v20  }
0x378: {  	[tilespmem:s1+$0xFFFFFFD0] =	vst v9;
	vm5 =	veq.s32 v9, $0x0;
	v9 =	vmul.f32 v8, v8;
	v11 =	vadd.s32 v11, v62  }
0x379: {  	v58 =	vld [tilespmem:$0x1FD80];
	v12 =	vsub.f32 v53, v59;
	v15 =	vsub.f32 v15, v53;
	vm9 =	veq.s32 v4, $0x0  }
0x37a: {  	vm10 =	vlt.u32 v4, $0x100;
	vm7 =	veq.s32 v11, $0x0;
	v7 =	vmul.f32 v7, v7  }
0x37b: {  	v63 =	vld [tilespmem:$0x1FDB0];
	vm11 =	vlt.u32 v11, $0x100;
	v8 =	vmul.f32 v12, v12;
	v52 =	vmul.f32 v15, v15  }
0x37c: {  	[tilespmem:s1+$0xFFFFFFC0] =	vst v11;
	v11 =	vmul.f32 v13, v13;
	v0 =	vnsel vm10, $0x501502F9, v0;
	v7 =	vsel vm9, $0x501502F9, v7  }
0x37d: {  	v8 =	vsel vm7, $0x501502F9, v8;
	v12 =	vnsel vm11, $0x501502F9, v52;
	v0 =	vmin.f32 v7, v0;
	v7 =	vld [tilespmem:$0x1FDC0]  }
0x37e: {  	v24 =	vsub.f32 v50, v31;
	vm7 =	vnez.u8 v58;
	v8 =	vmin.f32 v8, v12  }
0x37f: {  	v50 =	vsub.f32 v48, v17;
	v11 =	vsel vm5, $0x501502F9, v11;
	v8 =	vnsel vm7, $0x0, v8  }
0x380: {  	vm5 =	vnez.u8 v63;
	v11 =	vmin.f32 v11, v60;
	v8 =	vadd.f32 v8, v44  }
0x381: {  	vm13 =	veq.s32 v61, $0x0;
	v53 =	vld [tilespmem:$0x1FD70];
	v6 =	vmul.f32 v50, v50;
	v11 =	vnsel vm5, $0x0, v11  }
0x382: {  	vm12 =	vlt.u32 v61, $0x100;
	v59 =	vld [tilespmem:$0x1FD90];
	v8 =	vadd.f32 v11, v8;
	vm9 =	vnez.u8 v7  }
0x383: {  	[tilespmem:s1+$0x30] =	vst v61;
	v61 =	vld [tilespmem:$0x1FDA0];
	v6 =	vsel vm4, $0x501502F9, v6;
	v7 =	vnsel vm8, $0x501502F9, v10;
	v0 =	vnsel vm9, $0x0, v0  }
0x384: {  	s30 =	sadd.s32 $0x8, s30;
	vm15 =	vlt.u32 v35, $0x100;
	v8 =	vadd.f32 v0, v8;
	v0 =	vmin.f32 v6, v7;
	v6 =	vld [tilespmem:$0x1FDD0]  }
0x385: {  	p1 =	slt.u32 s30, $0x120;
	[tilespmem:s1+$0xFFFFFFF0] =	vst v1;
	vm0 =	vlt.u32 v3, $0x100;
	v46 =	vmul.f32 v2, v2;
	v51 =	vmul.f32 v18, v18  }
.Ltmp3:
0x386: {  	[tilespmem:s1+$0x0] =	vst v3;
	v62 =	vadd.f32 v56, v45;
	v2 =	vmul.f32 v37, v37;
	v1 =	vmul.f32 v38, v38;
	(pc) =	sbr.rel @p1 .LBB2_4-.Ltmp3, $4  }
0x387: {  	vm14 =	veq.s32 v35, $0x0;
	[tilespmem:s1+$0xFFFFFFE0] =	vst v4;
	v4 =	vmul.f32 v24, v24;
	v3 =	vmul.f32 v25, v25  }
0x388: {  	v36 =	vsel vm3, $0x501502F9, v51;
	vm11 =	vnez.u8 v53;
	v11 =	vadd.f32 v55, v62  }
0x389: {  	vm6 =	vnez.u8 v61;
	vm7 =	vnez.u8 v59;
	vm4 =	vnez.u8 v6  }
0x38a: {  	s7 =	sadd.s32 $0x80, s7;
	[tilespmem:s1+$0x20] =	vst v35;
	v44 =	vadd.f32 v54, v11;
	v7 =	vnsel vm0, $0x501502F9, v9;
	v6 =	vnsel vm4, $0x0, v0  }
0x38b: {  	v59 =	vld [tilespmem:$0x1FDE0];
	_ =	sdelay $0x1  }
0x38c: {  	v0 =	vadd.f32 v6, v8;
	v7 =	vmin.f32 v36, v7  }
0x38d: {  	v4 =	vsel vm1, $0x501502F9, v4;
	v5 =	vnsel vm2, $0x501502F9, v5;
	v58 =	vadd.f32 v43, v44  }
0x38e: {  	v7 =	vnsel vm11, $0x0, v7;
	v4 =	vmin.f32 v4, v5  }
0x38f: {  	v0 =	vadd.f32 v7, v0;
	v6 =	vadd.f32 v42, v58;
	vm0 =	vnez.u8 v59  }
0x390: {  	v2 =	vsel vm14, $0x501502F9, v2;
	v3 =	vnsel vm15, $0x501502F9, v3;
	v4 =	vnsel vm0, $0x0, v4  }
0x391: {  	v2 =	vmin.f32 v2, v3;
	v60 =	vadd.f32 v41, v6;
	v0 =	vadd.f32 v4, v0  }
0x392: {  	v61 =	vsel vm13, $0x501502F9, v46;
	v1 =	vnsel vm12, $0x501502F9, v1;
	v2 =	vnsel vm7, $0x0, v2  }
0x393: {  	v1 =	vmin.f32 v61, v1;
	v62 =	vadd.f32 v40, v60;
	v0 =	vadd.f32 v2, v0  }
0x394: {  	v63 =	vsel vm6, $0x3F800000, v27;
	v1 =	vnsel vm6, $0x0, v1  }
0x395: {  	s1 =	simm.s32 $0x0;
	s7 =	simm.s32 $0x0;
	v13 =	vlaneseq.u32;
	v40 =	vadd.f32 v63, v62;
	v41 =	vadd.f32 v1, v0  }
.LBB2_6:
0x396: {  	s8 =	sshra.s32 s7, $0x2  }
0x397: {  	v0 =	vld [tilespmem:s8+$0x1400];
	_ =	sdelay $0x4  }
0x398: {  	vm0 =	vle.f32 v39, v0  }
0x399: {  	v1 =	vsel vm0, $0x100, v34  }
0x39a: {  	v2 =	vor.u32 $0x7F, v1  }
0x39b: {  	v2 =	vmin.u32 v2, $0xFF;
	_ =	sdelay $0x4  }
0x39c: {  	v2 =	vld.idx.msk [tilespmem:v2+s21+$0x0], $0xffff;
	_ =	sdelay $0x3  }
0x39d: {  	v3 =	vor.u32 $0x80, v1  }
0x39e: {  	vm12 =	vlt.u32 v3, $0x101;
	vm1 =	vle.f32 v2, v0  }
0x39f: {  	vm0 =	vmand vm1, vm12  }
0x3a0: {  	v1 =	vsel vm0, v3, v1  }
0x3a1: {  	v3 =	vor.u32 $0x3F, v1  }
0x3a2: {  	v3 =	vmin.u32 v3, $0xFF;
	_ =	sdelay $0x4  }
0x3a3: {  	v3 =	vld.idx.msk [tilespmem:v3+s21+$0x0], $0xffff;
	_ =	sdelay $0x3  }
0x3a4: {  	v4 =	vor.u32 $0x40, v1  }
0x3a5: {  	vm13 =	vlt.u32 v4, $0x101;
	vm2 =	vle.f32 v3, v0  }
0x3a6: {  	vm1 =	vmand vm2, vm13  }
0x3a7: {  	v1 =	vsel vm1, v4, v1  }
0x3a8: {  	v4 =	vor.u32 $0x1F, v1  }
0x3a9: {  	v4 =	vmin.u32 v4, $0xFF;
	_ =	sdelay $0x4  }
0x3aa: {  	v4 =	vld.idx.msk [tilespmem:v4+s21+$0x0], $0xffff;
	_ =	sdelay $0x3  }
0x3ab: {  	v5 =	vor.u32 $0x20, v1  }
0x3ac: {  	vm14 =	vlt.u32 v5, $0x101;
	vm3 =	vle.f32 v4, v0  }
0x3ad: {  	vm2 =	vmand vm3, vm14  }
0x3ae: {  	v1 =	vsel vm2, v5, v1  }
0x3af: {  	v5 =	vmin.u32 v1, $0xF0  }
0x3b0: {  	v5 =	vadd.s32 $0xF, v5;
	_ =	sdelay $0x4  }
0x3b1: {  	v5 =	vld.idx.msk [tilespmem:v5+s21+$0x0], $0xffff;
	_ =	sdelay $0x4  }
0x3b2: {  	vm15 =	vlt.u32 v1, $0xF1;
	vm4 =	vle.f32 v5, v0  }
0x3b3: {  	v6 =	vadd.s32 $0x10, v1;
	vm3 =	vmand vm4, vm15  }
0x3b4: {  	v1 =	vsel vm3, v6, v1  }
0x3b5: {  	v6 =	vmin.u32 v1, $0xF8  }
0x3b6: {  	v6 =	vadd.s32 $0x7, v6;
	_ =	sdelay $0x4  }
0x3b7: {  	v6 =	vld.idx.msk [tilespmem:v6+s21+$0x0], $0xffff;
	_ =	sdelay $0x4  }
0x3b8: {  	vm8 =	vlt.u32 v1, $0xF9;
	vm5 =	vle.f32 v6, v0  }
0x3b9: {  	v7 =	vadd.s32 $0x8, v1;
	vm4 =	vmand vm5, vm8  }
0x3ba: {  	v1 =	vsel vm4, v7, v1  }
0x3bb: {  	v7 =	vmin.u32 v1, $0xFC  }
0x3bc: {  	v7 =	vadd.s32 $0x3, v7;
	_ =	sdelay $0x4  }
0x3bd: {  	v7 =	vld.idx.msk [tilespmem:v7+s21+$0x0], $0xffff;
	_ =	sdelay $0x4  }
0x3be: {  	vm9 =	vlt.u32 v1, $0xFD;
	vm6 =	vle.f32 v7, v0  }
0x3bf: {  	v8 =	vadd.s32 $0x4, v1;
	vm5 =	vmand vm6, vm9  }
0x3c0: {  	v1 =	vsel vm5, v8, v1  }
0x3c1: {  	v8 =	vmin.u32 v1, $0xFE  }
0x3c2: {  	v8 =	vadd.s32 $0x1, v8;
	_ =	sdelay $0x4  }
0x3c3: {  	v8 =	vld.idx.msk [tilespmem:v8+s21+$0x0], $0xffff;
	_ =	sdelay $0x4  }
0x3c4: {  	vm10 =	vlt.u32 v1, $0xFF;
	vm7 =	vle.f32 v8, v0  }
0x3c5: {  	v9 =	vadd.s32 $0x2, v1;
	vm6 =	vmand vm7, vm10  }
0x3c6: {  	v1 =	vsel vm6, v9, v1  }
0x3c7: {  	v9 =	vmin.u32 v1, $0xFF;
	_ =	sdelay $0x3  }
0x3c8: {  	v10 =	vsel vm0, v2, v39  }
0x3c9: {  	v2 =	vsel vm0, v39, v2;
	v10 =	vsel vm1, v3, v10;
	v9 =	vld.idx.msk [tilespmem:v9+s21+$0x0], $0xffff  }
0x3ca: {  	v2 =	vsel vm1, v2, v3;
	v60 =	vsel vm2, v4, v10  }
0x3cb: {  	v2 =	vsel vm2, v2, v4;
	v3 =	vsel vm3, v5, v60  }
0x3cc: {  	v2 =	vsel vm3, v2, v5;
	v3 =	vsel vm4, v6, v3  }
0x3cd: {  	v2 =	vsel vm4, v2, v6;
	v3 =	vsel vm5, v7, v3  }
0x3ce: {  	v2 =	vsel vm5, v2, v7;
	vm11 =	vlt.u32 v1, $0x100;
	vm12 =	vle.f32 v9, v0  }
0x3cf: {  	v3 =	vsel vm6, v8, v3;
	v2 =	vsel vm6, v2, v8;
	vm0 =	vmand vm12, vm11  }
0x3d0: {  	v3 =	vsel vm0, v9, v3;
	v2 =	vsel vm0, v2, v9  }
0x3d1: {  	v3 =	vsub.f32 v0, v3;
	v2 =	vsub.f32 v2, v0  }
0x3d2: {  	v61 =	vsel vm0, $0x1, v34  }
0x3d3: {  	p1 =	sne.s32 s7, $0xC0;
	v1 =	vadd.s32 v61, v1;
	v3 =	vmul.f32 v3, v3;
	v2 =	vmul.f32 v2, v2  }
.Ltmp4:
0x3d4: {  	vm13 =	veq.s32 v1, $0x0;
	vm14 =	vlt.u32 v1, $0x100;
	(pc) =	sbr.rel @p1 .LBB2_6-.Ltmp4, $4  }
0x3d5: {  	v3 =	vsel vm13, $0x501502F9, v3;
	v2 =	vnsel vm14, $0x501502F9, v2  }
0x3d6: {  	vm15 =	vge.f32 v0, $9.999999930e-09;
	v62 =	vmin.f32 v3, v2  }
0x3d7: {  	v63 =	vsel vm15, $0x3F800000, v27;
	v0 =	vnsel vm15, $0x0, v62  }
0x3d8: {  	s7 =	sadd.s32 $0x40, s7;
	v40 =	vadd.f32 v63, v40;
	[tilespmem:s8+$0x2700] =	vst v1;
	v41 =	vadd.f32 v0, v41  }
.LBB2_7:
0x3d9: {  	s7 =	sshra.s32 s1, $0x2  }
0x3da: {  	v0 =	vld [tilespmem:s7+$0x1480];
	_ =	sdelay $0x2  }
0x3db: {  	v1 =	vmul.u32 $0x110, v13;
	_ =	sdelay $0x1  }
0x3dc: {  	v0 =	vadd.s32 v1, v0;
	_ =	sdelay $0x2  }
0x3dd: {  	v2 =	vld [tilespmem:s7+$0x180];
	_ =	sdelay $0x1  }
0x3de: {  	v3 =	vld.idx.msk [tilespmem:v0+s22+$0x0], $0xffff;
	_ =	sdelay $0x2  }
0x3df: {  	vm0 =	vge.f32 v2, $9.999999930e-09  }
0x3e0: {  	v4 =	vnsel vm0, $0xD01502F9, v2  }
0x3e1: {  	v3 =	vmax.f32 v3, v4  }
0x3e2: {  	[tilespmem:v0+s22+$0x0] =	vst.idx.msk $0xffff, v3  }
0x3e3: {  	v3 =	vld.idx.msk [tilespmem:v0+s23+$0x0], $0xffff;
	_ =	sdelay $0x3  }
0x3e4: {  	v2 =	vnsel vm0, $0x501502F9, v2  }
0x3e5: {  	v2 =	vmin.f32 v3, v2  }
0x3e6: {  	[tilespmem:v0+s23+$0x0] =	vst.idx.msk $0xffff, v2  }
0x3e7: {  	v0 =	vld [tilespmem:s7+$0x1490];
	_ =	sdelay $0x4  }
0x3e8: {  	v0 =	vadd.s32 v1, v0;
	_ =	sdelay $0x2  }
0x3e9: {  	v62 =	vld [tilespmem:s7+$0x190];
	_ =	sdelay $0x1  }
0x3ea: {  	v2 =	vld.idx.msk [tilespmem:v0+s24+$0x0], $0xffff;
	_ =	sdelay $0x2  }
0x3eb: {  	vm15 =	vge.f32 v62, $9.999999930e-09  }
0x3ec: {  	v63 =	vnsel vm15, $0xD01502F9, v62  }
0x3ed: {  	v2 =	vmax.f32 v2, v63  }
0x3ee: {  	[tilespmem:v0+s24+$0x0] =	vst.idx.msk $0xffff, v2  }
0x3ef: {  	v2 =	vld.idx.msk [tilespmem:v0+s25+$0x0], $0xffff  }
0x3f0: {  	p1 =	sne.s32 s1, $0x4A80  }
.Ltmp5:
0x3f1: {  	_ = 	snop;
	(pc) =	sbr.rel @p1 .LBB2_7-.Ltmp5, $4  }
0x3f2: {  	_ = 	snop  }
0x3f3: {  	v1 =	vnsel vm15, $0x501502F9, v62  }
0x3f4: {  	v1 =	vmin.f32 v2, v1  }
0x3f5: {  	s1 =	sadd.s32 $0x80, s1;
	[tilespmem:v0+s25+$0x0] =	vst.idx.msk $0xffff, v1  }
0x3f6: {  	s1 =	simm.s32 $0x0  }
0x3f7: {  	v39 =	vld [tilespmem:s1+$0x4970]  }
0x3f8: {  	v42 =	vld [tilespmem:s1+$0x6A60]  }
0x3f9: {  	v43 =	vld [tilespmem:s1+$0x4860]  }
0x3fa: {  	v44 =	vld [tilespmem:s1+$0x6950]  }
0x3fb: {  	v45 =	vld [tilespmem:s1+$0x4750]  }
0x3fc: {  	v46 =	vld [tilespmem:s1+$0x6840]  }
0x3fd: {  	v47 =	vld [tilespmem:s1+$0x4640]  }
0x3fe: {  	v48 =	vld [tilespmem:s1+$0x6730]  }
0x3ff: {  	v49 =	vld [tilespmem:s1+$0x4530]  }
0x400: {  	v50 =	vld [tilespmem:s1+$0x6620]  }
0x401: {  	v51 =	vld [tilespmem:s1+$0x4420]  }
0x402: {  	v52 =	vld [tilespmem:s1+$0x6510]  }
0x403: {  	v53 =	vld [tilespmem:s1+$0x4310]  }
0x404: {  	v56 =	vld [tilespmem:s1+$0x62F0]  }
0x405: {  	v57 =	vld [tilespmem:s1+$0x40F0]  }
0x406: {  	v58 =	vld [tilespmem:s1+$0x61E0]  }
0x407: {  	v59 =	vld [tilespmem:s1+$0x3FE0]  }
0x408: {  	v60 =	vld [tilespmem:s1+$0x60D0]  }
0x409: {  	v1 =	vld [tilespmem:s1+$0x3ED0]  }
0x40a: {  	v2 =	vld [tilespmem:s1+$0x5FC0]  }
0x40b: {  	v3 =	vld [tilespmem:s1+$0x3DC0]  }
0x40c: {  	v4 =	vld [tilespmem:s1+$0x5EB0]  }
0x40d: {  	v5 =	vld [tilespmem:s1+$0x3CB0]  }
0x40e: {  	v36 =	vld [tilespmem:s1+$0x5DA0]  }
0x40f: {  	v61 =	vld [tilespmem:s1+$0x3BA0]  }
0x410: {  	v62 =	vld [tilespmem:s1+$0x5C90]  }
0x411: {  	v63 =	vld [tilespmem:s1+$0x3A90]  }
0x412: {  	v6 =	vld [tilespmem:s1+$0x5B80]  }
0x413: {  	s30 =	simm.s32 $0x0;
	v7 =	vld [tilespmem:s1+$0x3980]  }
0x414: {  	s7 =	sand.u32 $0x1F0, s30;
	v8 =	vld [tilespmem:s1+$0x2880]  }
0x415: {  	v54 =	vld [tilespmem:s7+$0x5300]  }
0x416: {  	s8 =	simm.s32 $0x40;
	v55 =	vld [tilespmem:s7+$0x3100]  }
.LBB2_9:
0x417: {  	p1 =	sne.s32 s8, $0x400;
	v0 =	vld [tilespmem:s1+$0x4A80]  }
0x418: {  	v9 =	vld [tilespmem:s1+$0x2990]  }
0x419: {  	v10 =	vld [tilespmem:s1+$0x4B90]  }
0x41a: {  	v11 =	vld [tilespmem:s1+$0x2AA0]  }
0x41b: {  	v8 =	vmax.f32 v8, $-1.000000000e+10;
	v12 =	vld [tilespmem:s1+$0x4CA0]  }
0x41c: {  	v7 =	vmin.f32 v7, $1.000000000e+10;
	v0 =	vmax.f32 v8, v0;
	v8 =	vld [tilespmem:s1+$0x2BB0]  }
0x41d: {  	v6 =	vmin.f32 v7, v6;
	v0 =	vmax.f32 v0, v9;
	v7 =	vld [tilespmem:s1+$0x4DB0]  }
0x41e: {  	v6 =	vmin.f32 v6, v63;
	v0 =	vmax.f32 v0, v10;
	v9 =	vld [tilespmem:s1+$0x2CC0]  }
0x41f: {  	v6 =	vmin.f32 v6, v62;
	v0 =	vmax.f32 v0, v11;
	v10 =	vld [tilespmem:s1+$0x4EC0]  }
0x420: {  	v6 =	vmin.f32 v6, v61;
	v0 =	vmax.f32 v0, v12;
	v11 =	vld [tilespmem:s1+$0x2DD0]  }
0x421: {  	v6 =	vmin.f32 v6, v36;
	v0 =	vmax.f32 v0, v8;
	v8 =	vld [tilespmem:s1+$0x4FD0]  }
0x422: {  	v5 =	vmin.f32 v6, v5;
	v0 =	vmax.f32 v0, v7;
	v6 =	vld [tilespmem:s1+$0x2EE0]  }
0x423: {  	v4 =	vmin.f32 v5, v4;
	v0 =	vmax.f32 v0, v9;
	v5 =	vld [tilespmem:s1+$0x50E0]  }
0x424: {  	v3 =	vmin.f32 v4, v3;
	v0 =	vmax.f32 v0, v10;
	v4 =	vld [tilespmem:s1+$0x2FF0]  }
0x425: {  	v2 =	vmin.f32 v3, v2;
	v0 =	vmax.f32 v0, v11;
	v3 =	vld [tilespmem:s1+$0x51F0]  }
0x426: {  	v1 =	vmin.f32 v2, v1;
	v0 =	vmax.f32 v0, v8;
	v2 =	vld [tilespmem:s1+$0x3210]  }
0x427: {  	v1 =	vmin.f32 v1, v60;
	v0 =	vmax.f32 v0, v6;
	v6 =	vld [tilespmem:s7+$0x4200]  }
0x428: {  	v1 =	vmin.f32 v1, v59;
	v0 =	vmax.f32 v0, v5;
	v5 =	vld [tilespmem:s7+$0x6400]  }
0x429: {  	v1 =	vmin.f32 v1, v58;
	v0 =	vmax.f32 v0, v4;
	v4 =	vld [tilespmem:s1+$0x5410]  }
0x42a: {  	v1 =	vmin.f32 v1, v57;
	v0 =	vmax.f32 v0, v3;
	v3 =	vld [tilespmem:s1+$0x3320]  }
0x42b: {  	v1 =	vmin.f32 v1, v56;
	v0 =	vmax.f32 v0, v55;
	v7 =	vld [tilespmem:s1+$0x5520]  }
0x42c: {  	v1 =	vmin.f32 v1, v6;
	v0 =	vmax.f32 v0, v54;
	v6 =	vld [tilespmem:s1+$0x3430]  }
0x42d: {  	v1 =	vmin.f32 v1, v5;
	v0 =	vmax.f32 v0, v2;
	v2 =	vld [tilespmem:s1+$0x5630]  }
0x42e: {  	v1 =	vmin.f32 v1, v53;
	v0 =	vmax.f32 v0, v4;
	v4 =	vld [tilespmem:s1+$0x3540]  }
0x42f: {  	v1 =	vmin.f32 v1, v52;
	v0 =	vmax.f32 v0, v3;
	v3 =	vld [tilespmem:s1+$0x5740]  }
0x430: {  	v1 =	vmin.f32 v1, v51;
	v0 =	vmax.f32 v0, v7;
	v5 =	vld [tilespmem:s1+$0x3650]  }
0x431: {  	v1 =	vmin.f32 v1, v50;
	v0 =	vmax.f32 v0, v6;
	v6 =	vld [tilespmem:s1+$0x5850]  }
0x432: {  	v1 =	vmin.f32 v1, v49;
	v0 =	vmax.f32 v0, v2;
	v2 =	vld [tilespmem:s1+$0x3760]  }
0x433: {  	v1 =	vmin.f32 v1, v48;
	v0 =	vmax.f32 v0, v4;
	v4 =	vld [tilespmem:s1+$0x5960]  }
0x434: {  	v1 =	vmin.f32 v1, v47;
	v0 =	vmax.f32 v0, v3;
	v3 =	vld [tilespmem:s1+$0x3870]  }
0x435: {  	v1 =	vmin.f32 v1, v46;
	v0 =	vmax.f32 v0, v5;
	v5 =	vld [tilespmem:s1+$0x5A70]  }
0x436: {  	v1 =	vmin.f32 v1, v45;
	v0 =	vmax.f32 v0, v6;
	v6 =	vld [tilespmem:s1+$0x6B70]  }
0x437: {  	v1 =	vmin.f32 v1, v44;
	v0 =	vmax.f32 v0, v2  }
0x438: {  	v1 =	vmin.f32 v1, v43;
	v0 =	vmax.f32 v0, v4  }
0x439: {  	v1 =	vmin.f32 v1, v42;
	v0 =	vmax.f32 v0, v3  }
0x43a: {  	v1 =	vmin.f32 v1, v39;
	v0 =	vmax.f32 v0, v5  }
0x43b: {  	v1 =	vmin.f32 v1, v6;
	[tilespmem:s1+$0x6C80] =	vst v0  }
0x43c: {  	s1 =	sshra.s32 s8, $0x2;
	[tilespmem:s7+$0x6E00] =	vst v1  }
0x43d: {  	v39 =	vld [tilespmem:s1+$0x4970]  }
0x43e: {  	v42 =	vld [tilespmem:s1+$0x6A60]  }
0x43f: {  	v43 =	vld [tilespmem:s1+$0x4860]  }
0x440: {  	v44 =	vld [tilespmem:s1+$0x6950]  }
0x441: {  	v45 =	vld [tilespmem:s1+$0x4750]  }
0x442: {  	v46 =	vld [tilespmem:s1+$0x6840]  }
0x443: {  	v47 =	vld [tilespmem:s1+$0x4640]  }
0x444: {  	v48 =	vld [tilespmem:s1+$0x6730]  }
0x445: {  	v49 =	vld [tilespmem:s1+$0x4530]  }
0x446: {  	v50 =	vld [tilespmem:s1+$0x6620]  }
0x447: {  	v51 =	vld [tilespmem:s1+$0x4420]  }
0x448: {  	s30 =	sadd.s32 $0x10, s30;
	v52 =	vld [tilespmem:s1+$0x6510]  }
0x449: {  	s7 =	sand.u32 $0x1F0, s30;
	v53 =	vld [tilespmem:s1+$0x4310]  }
0x44a: {  	v54 =	vld [tilespmem:s7+$0x5300]  }
0x44b: {  	v55 =	vld [tilespmem:s7+$0x3100]  }
0x44c: {  	v56 =	vld [tilespmem:s1+$0x62F0]  }
0x44d: {  	v57 =	vld [tilespmem:s1+$0x40F0]  }
0x44e: {  	v58 =	vld [tilespmem:s1+$0x61E0]  }
0x44f: {  	v59 =	vld [tilespmem:s1+$0x3FE0]  }
0x450: {  	v60 =	vld [tilespmem:s1+$0x60D0]  }
0x451: {  	v1 =	vld [tilespmem:s1+$0x3ED0]  }
0x452: {  	v2 =	vld [tilespmem:s1+$0x5FC0]  }
0x453: {  	v3 =	vld [tilespmem:s1+$0x3DC0]  }
0x454: {  	v4 =	vld [tilespmem:s1+$0x5EB0]  }
0x455: {  	v5 =	vld [tilespmem:s1+$0x3CB0]  }
0x456: {  	v36 =	vld [tilespmem:s1+$0x5DA0]  }
0x457: {  	v61 =	vld [tilespmem:s1+$0x3BA0]  }
.Ltmp6:
0x458: {  	v62 =	vld [tilespmem:s1+$0x5C90];
	(pc) =	sbr.rel @p1 .LBB2_9-.Ltmp6, $4  }
0x459: {  	v63 =	vld [tilespmem:s1+$0x3A90]  }
0x45a: {  	v6 =	vld [tilespmem:s1+$0x5B80]  }
0x45b: {  	v7 =	vld [tilespmem:s1+$0x3980]  }
0x45c: {  	s8 =	sadd.s32 $0x40, s8;
	v8 =	vld [tilespmem:s1+$0x2880]  }
0x45d: {  	v0 =	vld [tilespmem:s1+$0x4A80]  }
0x45e: {  	v9 =	vld [tilespmem:s1+$0x2990]  }
0x45f: {  	v10 =	vld [tilespmem:s1+$0x4B90]  }
0x460: {  	v11 =	vld [tilespmem:s1+$0x2AA0]  }
0x461: {  	v12 =	vld [tilespmem:s1+$0x4CA0];
	v8 =	vmax.f32 v8, $-1.000000000e+10  }
0x462: {  	v7 =	vmin.f32 v7, $1.000000000e+10;
	v0 =	vmax.f32 v8, v0;
	v8 =	vld [tilespmem:s1+$0x2BB0]  }
0x463: {  	v16 =	vld [tilespmem:s1+$0x4DB0];
	v6 =	vmin.f32 v7, v6;
	v0 =	vmax.f32 v0, v9  }
0x464: {  	v6 =	vmin.f32 v6, v63;
	v9 =	vld [tilespmem:s1+$0x2CC0];
	v0 =	vmax.f32 v0, v10  }
0x465: {  	v6 =	vmin.f32 v6, v62;
	v10 =	vld [tilespmem:s1+$0x4EC0];
	v0 =	vmax.f32 v0, v11  }
0x466: {  	v6 =	vmin.f32 v6, v61;
	v11 =	vld [tilespmem:s1+$0x2DD0];
	v0 =	vmax.f32 v0, v12  }
0x467: {  	v6 =	vmin.f32 v6, v36;
	v0 =	vmax.f32 v0, v8;
	v8 =	vld [tilespmem:s1+$0x4FD0]  }
0x468: {  	v17 =	vld [tilespmem:s1+$0x2EE0];
	v5 =	vmin.f32 v6, v5;
	v0 =	vmax.f32 v0, v16  }
0x469: {  	v18 =	vld [tilespmem:s1+$0x50E0];
	v4 =	vmin.f32 v5, v4;
	v0 =	vmax.f32 v0, v9  }
0x46a: {  	v19 =	vld [tilespmem:s1+$0x2FF0];
	v3 =	vmin.f32 v4, v3;
	v0 =	vmax.f32 v0, v10  }
0x46b: {  	v20 =	vld [tilespmem:s1+$0x51F0];
	v2 =	vmin.f32 v3, v2;
	v0 =	vmax.f32 v0, v11  }
0x46c: {  	v21 =	vld [tilespmem:s1+$0x3210];
	v1 =	vmin.f32 v2, v1;
	v0 =	vmax.f32 v0, v8  }
0x46d: {  	v22 =	vld [tilespmem:s7+$0x4200];
	v1 =	vmin.f32 v1, v60;
	v0 =	vmax.f32 v0, v17  }
0x46e: {  	v23 =	vld [tilespmem:s7+$0x6400];
	v1 =	vmin.f32 v1, v59;
	v0 =	vmax.f32 v0, v18  }
0x46f: {  	v32 =	vld [tilespmem:s1+$0x5410];
	v1 =	vmin.f32 v1, v58;
	v0 =	vmax.f32 v0, v19  }
0x470: {  	v35 =	vld [tilespmem:s1+$0x3320];
	v1 =	vmin.f32 v1, v57;
	v0 =	vmax.f32 v0, v20  }
0x471: {  	v36 =	vld [tilespmem:s1+$0x5520];
	v1 =	vmin.f32 v1, v56;
	v0 =	vmax.f32 v0, v55  }
0x472: {  	v37 =	vld [tilespmem:s1+$0x3430];
	v1 =	vmin.f32 v1, v22;
	v0 =	vmax.f32 v0, v54  }
0x473: {  	v38 =	vld [tilespmem:s1+$0x5630];
	v1 =	vmin.f32 v1, v23;
	v0 =	vmax.f32 v0, v21  }
0x474: {  	v1 =	vmin.f32 v1, v53;
	v53 =	vld [tilespmem:s1+$0x3540];
	v0 =	vmax.f32 v0, v32  }
0x475: {  	v54 =	vld [tilespmem:s1+$0x5740];
	v1 =	vmin.f32 v1, v52;
	v0 =	vmax.f32 v0, v35  }
0x476: {  	v55 =	vld [tilespmem:s1+$0x3650];
	v1 =	vmin.f32 v1, v51;
	v0 =	vmax.f32 v0, v36  }
0x477: {  	v56 =	vld [tilespmem:s1+$0x5850];
	v1 =	vmin.f32 v1, v50;
	v0 =	vmax.f32 v0, v37  }
0x478: {  	v57 =	vld [tilespmem:s1+$0x3760];
	v1 =	vmin.f32 v1, v49;
	v0 =	vmax.f32 v0, v38  }
0x479: {  	v58 =	vld [tilespmem:s1+$0x5960];
	v1 =	vmin.f32 v1, v48;
	v0 =	vmax.f32 v0, v53  }
0x47a: {  	v59 =	vld [tilespmem:s1+$0x3870];
	v1 =	vmin.f32 v1, v47;
	v0 =	vmax.f32 v0, v54  }
0x47b: {  	v60 =	vld [tilespmem:s1+$0x5A70];
	v1 =	vmin.f32 v1, v46;
	v0 =	vmax.f32 v0, v55  }
0x47c: {  	v61 =	vld [tilespmem:s1+$0x6B70];
	v1 =	vmin.f32 v1, v45;
	v0 =	vmax.f32 v0, v56  }
0x47d: {  	v1 =	vmin.f32 v1, v44;
	v0 =	vmax.f32 v0, v57  }
0x47e: {  	v1 =	vmin.f32 v1, v43;
	v0 =	vmax.f32 v0, v58  }
0x47f: {  	v1 =	vmin.f32 v1, v42;
	v0 =	vmax.f32 v0, v59  }
0x480: {  	v1 =	vmin.f32 v1, v39;
	v0 =	vmax.f32 v0, v60  }
0x481: {  	v1 =	vmin.f32 v1, v61;
	[tilespmem:s1+$0x6C80] =	vst v0  }
0x482: {  	[tilespmem:s7+$0x6E00] =	vst v1  }
0x483: {  	[spmem:s5] =	stream.linear.scatter [tilespmem:s26], [sflag:$0x1], $0x180, $0x38;
	[tilespmem:$0x8500] =	vst v63  }
0x484: {  	_ =	swait.ge [sflag:s19], $0x180  }
0x485: {  	[sflag:s19] =	ssyncset.done $0x0  }
0x486: {  	[sflag:s19] =	ssyncadd.s32 $0xFFFFFE80  }
0x487: {  	[spmem:s6] =	stream.linear.scatter [tilespmem:s28], [sflag:$0x1], $0x180, $0x38;
	[tilespmem:$0x8500] =	vst v63  }
0x488: {  	_ =	swait.ge [sflag:s19], $0x180  }
0x489: {  	(xrf2) =	vadd.scan.msk.f32 $0xffff, v41  }
0x48a: {  	(xrf2) =	vadd.scan.msk.f32 $0xffff, v40;
	_ =	sdelay $0x8  }
0x48b: {  	v62, _, _ =	vpop (xrf2)  }
0x48c: {  	v63, _, _ =	vpop (xrf2)  }
0x48d: {  	v0 =	vbroadcast v62, $0xF;
	v1 =	vbroadcast v63, $0xF  }
0x48e: {  	vm0 =	vmmov $0xff;
	[sflag:s19] =	ssyncset.done $0x0  }
0x48f: {  	[sflag:s19] =	ssyncadd.s32 $0xFFFFFE80;
	v0 =	vsel vm0, v0, v1  }
0x490: {  	[tilespmem:$0x8080] =	vst v0  }
0x491: {  	[spmem:s13] =	stream.linear.scatter [tilespmem:s29], [sflag:$0x1], $0x80, $0x38;
	[tilespmem:$0x8500] =	vst v63  }
.Ltmp7:
0x492: {  	_ =	swait.ge [sflag:s19], $0x80;
	(pc) =	sbr.rel @p0 .LBB2_18-.Ltmp7, $4  }
0x493: {  	[sflag:s19] =	ssyncset.done $0x0  }
0x494: {  	[sflag:s19] =	ssyncadd.s32 $0xFFFFFF80  }
0x495: {  	[bflag:$0x0] =	sbarrier.arrive $0xFFFF  }
0x496: {  	v10 =	vld [tilespmem:$0x1FFF0]  }
0x497: {  	s1 =	simm.s32 $0x6F80  }
0x498: {  	[tilespmem:s1], [sflag:$0x1] =	stream.linear.gather [spmem:s5], $0x180, $0x38;
	[tilespmem:$0x8500] =	vst v63  }
0x499: {  	_ =	swait.ge [sflag:s19], $0x180  }
0x49a: {  	[sflag:s19] =	ssyncset.done $0x0  }
0x49b: {  	s7 =	simm.s32 $0x7580;
	[sflag:s19] =	ssyncadd.s32 $0xFFFFFE80  }
0x49c: {  	[tilespmem:s7], [sflag:$0x1] =	stream.linear.gather [spmem:s6], $0x180, $0x38;
	[tilespmem:$0x8500] =	vst v63  }
0x49d: {  	_ =	swait.ge [sflag:s19], $0x180  }
0x49e: {  	[sflag:s19] =	ssyncset.done $0x0  }
0x49f: {  	s8 =	simm.s32 $0x7B80;
	[sflag:s19] =	ssyncadd.s32 $0xFFFFFE80  }
0x4a0: {  	[tilespmem:s8], [sflag:$0x1] =	stream.linear.gather [spmem:s13], $0x80, $0x38;
	[tilespmem:$0x8500] =	vst v63  }
0x4a1: {  	_ =	swait.ge [sflag:s19], $0x80  }
0x4a2: {  	[sflag:s19] =	ssyncset.done $0x0  }
0x4a3: {  	s8 =	simm.s32 $0x7100;
	s9 =	rddreg [dreg:$0x6];
	[sflag:s19] =	ssyncadd.s32 $0xFFFFFF80  }
0x4a4: {  	[tilespmem:s8], [sflag:$0x1] =	stream.linear.gather [spmem:s9], $0x180, $0x38;
	[tilespmem:$0x8500] =	vst v63  }
0x4a5: {  	_ =	swait.ge [sflag:s19], $0x180  }
0x4a6: {  	[sflag:s19] =	ssyncset.done $0x0  }
0x4a7: {  	s9 =	simm.s32 $0x7700;
	s8 =	rddreg [dreg:$0x7];
	[sflag:s19] =	ssyncadd.s32 $0xFFFFFE80  }
0x4a8: {  	[tilespmem:s9], [sflag:$0x1] =	stream.linear.gather [spmem:s8], $0x180, $0x38;
	[tilespmem:$0x8500] =	vst v63  }
0x4a9: {  	_ =	swait.ge [sflag:s19], $0x180  }
0x4aa: {  	[sflag:s19] =	ssyncset.done $0x0  }
0x4ab: {  	s9 =	simm.s32 $0x7C00;
	[sflag:s19] =	ssyncadd.s32 $0xFFFFFE80  }
0x4ac: {  	[tilespmem:s9], [sflag:$0x1] =	stream.linear.gather [spmem:s14], $0x80, $0x38;
	[tilespmem:$0x8500] =	vst v63  }
0x4ad: {  	_ =	swait.ge [sflag:s19], $0x80  }
0x4ae: {  	[sflag:s19] =	ssyncset.done $0x0  }
0x4af: {  	s9 =	simm.s32 $0x7280;
	s8 =	rddreg [dreg:$0x8];
	[sflag:s19] =	ssyncadd.s32 $0xFFFFFF80  }
0x4b0: {  	[tilespmem:s9], [sflag:$0x1] =	stream.linear.gather [spmem:s8], $0x180, $0x38;
	[tilespmem:$0x8500] =	vst v63  }
0x4b1: {  	_ =	swait.ge [sflag:s19], $0x180  }
0x4b2: {  	[sflag:s19] =	ssyncset.done $0x0  }
0x4b3: {  	s9 =	simm.s32 $0x7880;
	[sflag:s19] =	ssyncadd.s32 $0xFFFFFE80  }
0x4b4: {  	[tilespmem:s9], [sflag:$0x1] =	stream.linear.gather [spmem:s10], $0x180, $0x38;
	[tilespmem:$0x8500] =	vst v63  }
0x4b5: {  	_ =	swait.ge [sflag:s19], $0x180  }
0x4b6: {  	[sflag:s19] =	ssyncset.done $0x0  }
0x4b7: {  	s8 =	simm.s32 $0x7C80;
	[sflag:s19] =	ssyncadd.s32 $0xFFFFFE80  }
0x4b8: {  	[tilespmem:s8], [sflag:$0x1] =	stream.linear.gather [spmem:s15], $0x80, $0x38;
	[tilespmem:$0x8500] =	vst v63  }
0x4b9: {  	_ =	swait.ge [sflag:s19], $0x80  }
0x4ba: {  	[sflag:s19] =	ssyncset.done $0x0  }
0x4bb: {  	s9 =	simm.s32 $0x7400;
	[sflag:s19] =	ssyncadd.s32 $0xFFFFFF80  }
0x4bc: {  	[tilespmem:s9], [sflag:$0x1] =	stream.linear.gather [spmem:s11], $0x180, $0x38;
	[tilespmem:$0x8500] =	vst v63  }
0x4bd: {  	_ =	swait.ge [sflag:s19], $0x180  }
0x4be: {  	[sflag:s19] =	ssyncset.done $0x0  }
0x4bf: {  	s8 =	simm.s32 $0x7A00;
	[sflag:s19] =	ssyncadd.s32 $0xFFFFFE80  }
0x4c0: {  	[tilespmem:s8], [sflag:$0x1] =	stream.linear.gather [spmem:s12], $0x180, $0x38;
	[tilespmem:$0x8500] =	vst v63  }
0x4c1: {  	_ =	swait.ge [sflag:s19], $0x180  }
0x4c2: {  	[sflag:s19] =	ssyncset.done $0x0  }
0x4c3: {  	s9 =	simm.s32 $0x7D00;
	[sflag:s19] =	ssyncadd.s32 $0xFFFFFE80  }
0x4c4: {  	[tilespmem:s9], [sflag:$0x1] =	stream.linear.gather [spmem:s16], $0x80, $0x38;
	[tilespmem:$0x8500] =	vst v63  }
0x4c5: {  	_ =	swait.ge [sflag:s19], $0x80  }
0x4c6: {  	[sflag:s19] =	ssyncset.done $0x0  }
0x4c7: {  	s8 =	simm.s32 $0x0;
	[sflag:s19] =	ssyncadd.s32 $0xFFFFFF80  }
0x4c8: {  	s7 =	sand.u32 $0x1F0, s8;
	v0 =	vld [tilespmem:s1+$0x0]  }
0x4c9: {  	v1 =	vld [tilespmem:s7+$0x7100]  }
0x4ca: {  	v2 =	vld [tilespmem:s7+$0x7280]  }
0x4cb: {  	v3 =	vld [tilespmem:s7+$0x7400];
	_ =	sdelay $0x1  }
0x4cc: {  	v0 =	vmax.f32 v0, $-1.000000000e+10  }
0x4cd: {  	v0 =	vmax.f32 v0, v1  }
0x4ce: {  	v0 =	vmax.f32 v0, v2  }
0x4cf: {  	v0 =	vmax.f32 v0, v3  }
0x4d0: {  	(xrf0) =	vmax.scan.msk.f32 $0xffff, v0;
	_ =	sdelay $0x5  }
0x4d1: {  	s9 =	simm.f32 $-1.000000000e+10;
	v0, _, _ =	vpop (xrf0)  }
0x4d2: {  	s7 =	simm.s32 $0x7D80;
	v0 =	vmax.f32 v0, s9  }
0x4d3: {  	s30 =	simm.s32 $0x20;
	s8 =	simm.s32 $0x10;
	[tilespmem:s7+$0x0] =	vst v0;
	(xrf0) =	vmax.scan.msk.f32 $0xffff, v0  }
.LBB2_12:
0x4d4: {  	p1 =	sne.s32 s30, $0x100;
	_ =	sdelay $0x4  }
0x4d5: {  	s1 =	sadd.s32 $0x10, s1;
	v0, _, _ =	vpop (xrf0)  }
0x4d6: {  	s9 =	sand.u32 $0x1F0, s8;
	s8 =	smov.u32 s30;
	v1 =	vld [tilespmem:s1+$0x0];
	(v2sf) =	vpush v0, $0xF  }
0x4d7: {  	v0 =	vld [tilespmem:s9+$0x7100]  }
0x4d8: {  	v2 =	vld [tilespmem:s9+$0x7280]  }
0x4d9: {  	v3 =	vld [tilespmem:s9+$0x7400];
	_ =	sdelay $0x1  }
0x4da: {  	v1 =	vmax.f32 v1, $-1.000000000e+10  }
0x4db: {  	v0 =	vmax.f32 v1, v0  }
0x4dc: {  	v0 =	vmax.f32 v0, v2  }
0x4dd: {  	v0 =	vmax.f32 v0, v3  }
0x4de: {  	(xrf0) =	vmax.scan.msk.f32 $0xffff, v0;
	_ =	sdelay $0x3  }
.Ltmp8:
0x4df: {  	(pc) =	sbr.rel @p1 .LBB2_12-.Ltmp8, $4  }
0x4e0: {  	_ = 	snop  }
0x4e1: {  	v0, _, _ =	vpop (xrf0);
	s9 =	spop (v2sf)  }
0x4e2: {  	s7 =	sadd.s32 $0x10, s7;
	v0 =	vmax.f32 v0, s9  }
0x4e3: {  	s30 =	sadd.s32 $0x10, s30;
	[tilespmem:s7+$0x0] =	vst v0;
	(xrf0) =	vmax.scan.msk.f32 $0xffff, v0  }
0x4e4: {  	_ =	sdelay $0x4  }
0x4e5: {  	s1 =	sadd.s32 $0x10, s1;
	v0, _, _ =	vpop (xrf0)  }
0x4e6: {  	s8 =	sand.u32 $0x1F0, s8;
	v1 =	vld [tilespmem:s1+$0x0];
	(v2sf) =	vpush v0, $0xF  }
0x4e7: {  	v0 =	vld [tilespmem:s8+$0x7100]  }
0x4e8: {  	v2 =	vld [tilespmem:s8+$0x7280]  }
0x4e9: {  	v3 =	vld [tilespmem:s8+$0x7400];
	_ =	sdelay $0x1  }
0x4ea: {  	v1 =	vmax.f32 v1, $-1.000000000e+10  }
0x4eb: {  	v0 =	vmax.f32 v1, v0  }
0x4ec: {  	v0 =	vmax.f32 v0, v2  }
0x4ed: {  	v0 =	vmax.f32 v0, v3  }
0x4ee: {  	(xrf0) =	vmax.scan.msk.f32 $0xffff, v0;
	_ =	sdelay $0x5  }
0x4ef: {  	v0, _, _ =	vpop (xrf0);
	s9 =	spop (v2sf)  }
0x4f0: {  	s8 =	sadd.s32 $0x10, s7;
	v0 =	vmax.f32 v0, s9  }
0x4f1: {  	s1 =	simm.s32 $0x0;
	[tilespmem:s8+$0x0] =	vst v0  }
0x4f2: {  	(xrf0) =	vmax.scan.msk.f32 $0xffff, v0;
	v0 =	vld [tilespmem:s1+$0x7680]  }
0x4f3: {  	v1 =	vld [tilespmem:s1+$0x7800]  }
0x4f4: {  	v2 =	vld [tilespmem:s1+$0x7980]  }
0x4f5: {  	v3 =	vld [tilespmem:s1+$0x7B00];
	_ =	sdelay $0x1  }
0x4f6: {  	v0 =	vmin.f32 v0, $1.000000000e+10  }
0x4f7: {  	v0 =	vmin.f32 v0, v1  }
0x4f8: {  	v4, _, _ =	vpop (xrf0);
	v0 =	vmin.f32 v0, v2  }
0x4f9: {  	(v2sf) =	vpush v4, $0xF;
	v0 =	vmin.f32 v0, v3  }
0x4fa: {  	v0 =	vperm.xlane v0, v10;
	_ =	sdelay $0x1  }
0x4fb: {  	v0 =	vsub.f32 $0.0e+00, v0;
	_ =	sdelay $0x1  }
0x4fc: {  	(xrf0) =	vmax.scan.msk.f32 $0xffff, v0;
	_ =	sdelay $0x5  }
0x4fd: {  	v0, _, _ =	vpop (xrf0)  }
0x4fe: {  	v0 =	vsub.f32 $0.0e+00, v0;
	_ =	sdelay $0x1  }
0x4ff: {  	s30 =	simm.f32 $1.000000000e+10;
	v1 =	vperm.xlane v0, v10  }
0x500: {  	s7 =	simm.s32 $0xFFFFFF80;
	s8 =	simm.s32 $0xFFFFFFF0;
	s9 =	spop (v2sf)  }
.LBB2_14:
0x501: {  	p1 =	sne.s32 s7, $0xFFFFFC00;
	v0 =	vld [tilespmem:s8+$0x7680];
	v1 =	vmin.f32 v1, s30  }
0x502: {  	v2 =	vld [tilespmem:s8+$0x7800];
	[tilespmem:s1+$0x8000] =	vst v1;
	(xrf0) =	vmin.scan.msk.f32 $0xffff, v1;
	s1 =	smov.u32 s8  }
0x503: {  	v1 =	vld [tilespmem:s1+$0x7980]  }
0x504: {  	v3 =	vld [tilespmem:s1+$0x7B00];
	_ =	sdelay $0x1  }
0x505: {  	v0 =	vmin.f32 v0, $1.000000000e+10  }
0x506: {  	v0 =	vmin.f32 v0, v2  }
0x507: {  	v0 =	vmin.f32 v0, v1;
	v1, _, _ =	vpop (xrf0)  }
0x508: {  	v0 =	vmin.f32 v0, v3;
	(v2sf) =	vpush v1, $0xF  }
0x509: {  	v0 =	vperm.xlane v0, v10;
	_ =	sdelay $0x1  }
0x50a: {  	v0 =	vsub.f32 $0.0e+00, v0;
	_ =	sdelay $0x1  }
0x50b: {  	(xrf0) =	vmax.scan.msk.f32 $0xffff, v0;
	_ =	sdelay $0x5  }
.Ltmp9:
0x50c: {  	v0, _, _ =	vpop (xrf0);
	(pc) =	sbr.rel @p1 .LBB2_14-.Ltmp9, $3  }
0x50d: {  	v0 =	vsub.f32 $0.0e+00, v0;
	_ =	sdelay $0x1  }
0x50e: {  	v1 =	vperm.xlane v0, v10  }
0x50f: {  	s8 =	sshra.s32 s7, $0x2;
	s7 =	sadd.s32 $0xFFFFFFC0, s7;
	s30 =	spop (v2sf)  }
0x510: {  	v0 =	vld [tilespmem:s8+$0x7680];
	v1 =	vmin.f32 v1, s30  }
0x511: {  	v2 =	vld [tilespmem:s8+$0x7800];
	[tilespmem:s1+$0x8000] =	vst v1;
	(xrf0) =	vmin.scan.msk.f32 $0xffff, v1  }
0x512: {  	v1 =	vld [tilespmem:s8+$0x7980]  }
0x513: {  	v3 =	vld [tilespmem:s8+$0x7B00];
	_ =	sdelay $0x1  }
0x514: {  	v0 =	vmin.f32 v0, $1.000000000e+10  }
0x515: {  	v0 =	vmin.f32 v0, v2  }
0x516: {  	v0 =	vmin.f32 v0, v1;
	v1, _, _ =	vpop (xrf0)  }
0x517: {  	v0 =	vmin.f32 v0, v3;
	(v2sf) =	vpush v1, $0xF  }
0x518: {  	v0 =	vperm.xlane v0, v10;
	_ =	sdelay $0x1  }
0x519: {  	v0 =	vsub.f32 $0.0e+00, v0;
	_ =	sdelay $0x1  }
0x51a: {  	(xrf0) =	vmax.scan.msk.f32 $0xffff, v0;
	_ =	sdelay $0x5  }
0x51b: {  	v0, _, _ =	vpop (xrf0)  }
0x51c: {  	v0 =	vsub.f32 $0.0e+00, v0  }
0x51d: {  	s9 =	simm.s32 $0x1  }
0x51e: {  	v1 =	vadd.s32 s9, v13;
	v0 =	vperm.xlane v0, v10  }
0x51f: {  	s7 =	spop (v2sf)  }
0x520: {  	v0 =	vmin.f32 v0, s7  }
0x521: {  	s7 =	simm.s32 $0x2780;
	[tilespmem:s8+$0x8000] =	vst v0  }
0x522: {  	v3 =	vld [tilespmem:s7+$0x0]  }
0x523: {  	s9 =	simm.s32 $0x11;
	s7 =	simm.s32 $0x7D80;
	v1 =	vld.idx.msk [tilespmem:v1+s0+$0x0], $0xffff  }
0x524: {  	v2 =	vadd.s32 s9, v13;
	v4 =	vld [tilespmem:s7+$0x0];
	_ =	sdelay $0x2  }
0x525: {  	s9 =	simm.s32 $0x2790;
	s8 =	simm.s32 $0x21  }
0x526: {  	v5 =	vadd.s32 s8, v13;
	v6 =	vld [tilespmem:s9+$0x0]  }
0x527: {  	(xrf0) =	vmin.scan.msk.f32 $0xffff, v0;
	v0 =	vld.idx.msk [tilespmem:v2+s0+$0x0], $0xffff;
	s8 =	simm.s32 $0x27A0;
	v1 =	vsub.f32 v1, v3;
	v4 =	vsub.f32 v3, v4  }
0x528: {  	s9 =	simm.s32 $0x7DA0;
	v7 =	vld [tilespmem:s8+$0x0]  }
0x529: {  	s7 =	simm.s32 $0x7D90;
	v8 =	vld [tilespmem:s9+$0x0];
	v1 =	vmul.f32 v1, v1;
	v4 =	vmul.f32 v4, v4  }
0x52a: {  	v2 =	vld [tilespmem:s7+$0x0]  }
0x52b: {  	v5 =	vld.idx.msk [tilespmem:v5+s0+$0x0], $0xffff;
	v1 =	vmin.f32 v4, v1  }
0x52c: {  	v1 =	vmin.f32 v1, $1.000000000e+10  }
0x52d: {  	s7 =	simm.s32 $0x31;
	(xrf2) =	vadd.scan.msk.f32 $0xffff, v1  }
0x52e: {  	v3 =	vadd.s32 s7, v13  }
0x52f: {  	v0 =	vsub.f32 v0, v6;
	v2 =	vsub.f32 v6, v2  }
0x530: {  	v6 =	vsub.f32 v7, v8;
	v5 =	vsub.f32 v5, v7  }
0x531: {  	s9 =	simm.s32 $0x27B0;
	v9, _, _ =	vpop (xrf0);
	v0 =	vmul.f32 v0, v0;
	v2 =	vmul.f32 v2, v2  }
0x532: {  	s8 =	simm.s32 $0x41;
	(v2sf) =	vpush v9, $0xF;
	v6 =	vmul.f32 v6, v6;
	v4 =	vld [tilespmem:s9+$0x0];
	v5 =	vmul.f32 v5, v5  }
0x533: {  	v7 =	vadd.s32 s8, v13;
	s8 =	simm.s32 $0x7DB0;
	v0 =	vmin.f32 v2, v0;
	v2 =	vld.idx.msk [tilespmem:v3+s0+$0x0], $0xffff  }
0x534: {  	v0 =	vmin.f32 v0, $1.000000000e+10;
	v1 =	vld [tilespmem:s8+$0x0];
	v3 =	vmin.f32 v6, v5  }
0x535: {  	(xrf2) =	vadd.scan.msk.f32 $0xffff, v0;
	v3 =	vmin.f32 v3, $1.000000000e+10  }
0x536: {  	(xrf2) =	vadd.scan.msk.f32 $0xffff, v3  }
0x537: {  	s9 =	simm.s32 $0x27C0;
	v8, _, _ =	vpop (xrf2)  }
0x538: {  	s8 =	simm.s32 $0x7DC0;
	v0 =	vld [tilespmem:s9+$0x0];
	(v2sf) =	vpush v8, $0xF  }
0x539: {  	s7 =	simm.s32 $0x51;
	v6 =	vld [tilespmem:s8+$0x0];
	v2 =	vsub.f32 v2, v4;
	v1 =	vsub.f32 v4, v1  }
0x53a: {  	v5 =	vld.idx.msk [tilespmem:v7+s0+$0x0], $0xffff;
	v3 =	vadd.s32 s7, v13  }
0x53b: {  	v2 =	vmul.f32 v2, v2;
	v1 =	vmul.f32 v1, v1;
	_ =	sdelay $0x1  }
0x53c: {  	s9 =	simm.s32 $0x27D0;
	v1 =	vmin.f32 v1, v2  }
0x53d: {  	v4 =	vld [tilespmem:s9+$0x0];
	v1 =	vmin.f32 v1, $1.000000000e+10  }
0x53e: {  	s8 =	simm.s32 $0x7DD0;
	s7 =	simm.s32 $0x61;
	v7 =	vld.idx.msk [tilespmem:v3+s0+$0x0], $0xffff;
	v3 =	vsub.f32 v0, v6;
	v0 =	vsub.f32 v5, v0;
	v2, _, _ =	vpop (xrf2);
	(xrf2) =	vadd.scan.msk.f32 $0xffff, v1  }
0x53f: {  	v5 =	vadd.s32 s7, v13;
	v6 =	vld [tilespmem:s8+$0x0];
	(v2sf) =	vpush v2, $0xF;
	v2, _, _ =	vpop (xrf2)  }
0x540: {  	s9 =	spop (v2sf);
	v3 =	vmul.f32 v3, v3;
	v0 =	vmul.f32 v0, v0;
	(v2sf) =	vpush v2, $0xF;
	_ =	sdelay $0x1  }
0x541: {  	s7 =	simm.s32 $0x27E0;
	v0 =	vmin.f32 v3, v0  }
0x542: {  	v1 =	vld [tilespmem:s7+$0x0];
	v0 =	vmin.f32 v0, $1.000000000e+10  }
0x543: {  	s30 =	simm.s32 $0x7DE0;
	s1 =	simm.f32 $0.0e+00;
	s8 =	simm.s32 $0x71;
	v3 =	vsub.f32 v4, v6;
	v4 =	vsub.f32 v7, v4;
	v2 =	vld.idx.msk [tilespmem:v5+s0+$0x0], $0xffff;
	(xrf2) =	vadd.scan.msk.f32 $0xffff, v0  }
.LBB2_16:
0x544: {  	v0 =	vadd.s32 s8, v13;
	p1 =	sne.s32 s8, $0xF1;
	s8 =	sadd.s32 $0x10, s8;
	v5 =	vld [tilespmem:s30+$0x0]  }
.Ltmp10:
0x545: {  	v3 =	vmul.f32 v3, v3;
	v7 =	vmul.f32 v4, v4;
	s9 =	spop (v2sf);
	(pc) =	sbr.rel @p1 .LBB2_16-.Ltmp10, $4  }
0x546: {  	s1 =	sadd.f32 s9, s1  }
0x547: {  	s7 =	sadd.s32 $0x10, s7;
	v6 =	vmov v1;
	v3 =	vmin.f32 v3, v7;
	v4, _, _ =	vpop (xrf2)  }
0x548: {  	v7 =	vmin.f32 v3, $1.000000000e+10;
	v1 =	vld [tilespmem:s7+$0x0];
	(v2sf) =	vpush v4, $0xF  }
0x549: {  	s30 =	sadd.s32 $0x10, s30;
	v4 =	vsub.f32 v2, v6;
	v3 =	vsub.f32 v6, v5;
	v2 =	vld.idx.msk [tilespmem:v0+s0+$0x0], $0xffff;
	(xrf2) =	vadd.scan.msk.f32 $0xffff, v7  }
.Ltmp11:
0x54a: {  	_ = 	snop;
	(pc) =	sbr.rel .LBB2_17-.Ltmp11, $1  }
0x54b: {  	_ =	sdelay $0x3  }
.LBB2_19:
0x54c: {  	_ =	sfence.sel $0x180000  }
0x54d: {  	[bflag:$0x0] =	sbarrier.arrive $0xFFFF  }
0x54e: {  	_ =	strace $0x90000047  }
0x54f: {  	s0 =	stileid.u32;
	[bflag:$0x2] =	sbarrier.arrive $0xFFFF  }
0x550: {  	p0 =	sne.s32 s0, $0x0;
	s0 =	rddreg [dreg:$0x5]  }
0x551: {  	s0 =	sadd.s32 @!p0 $0x100000, s0  }
0x552: {  	[sflag:s0] =	ssyncadd.tile.s32 @!p0 $0x1;
	_ =	shalt  }
.Lfunc_end2:
_tile_overlayer_lowered:
.L_overlay_start_2:
0x553: {  	(tag) =	ssettag $0x2  }
0x554: {  	s0 =	rddreg [dreg:$0x0];
	s2 =	stileid.u32  }
0x555: {  	s1 =	rddreg [dreg:$0x1];
	p0 =	sne.s32 s2, $0x0  }
0x556: {  	s3 =	rddreg [dreg:$0x2];
	[bflag:$0x3] =	sbarrier.arrive $0xFFFF;
	s2 =	simm.s32 @!p0 $0x1C01  }
0x557: {  	[timem:s3], [sflag:s2] =	dma.local @!p0 [hbm:s0], s1  }
0x558: {  	s0 =	simm.s32 @!p0 $0x1  }
0x559: {  	_ =	swait.ge @!p0 [sflag:s0], s1  }
0x55a: {  	s1 =	ssub.s32 @!p0 $0x0, s1;
	[sflag:s0] =	ssyncset.done @!p0 $0x0  }
0x55b: {  	[sflag:s0] =	ssyncadd.s32 @!p0 s1  }
0x55c: {  	[bflag:$0x3] =	sbarrier.arrive $0xFFFF  }
0x55d: {  	_ =	shalt  }

</sc_bundles>
